<compile_context>
chip_gen: v7x
topology: tpu7x:2x2x1
jax: 0.10.2.dev20260603
libtpu: 0.0.44.dev20260713+nightly
codegen_flags: <defaults>
</compile_context>

<pallas_src>
import jax
import jax.numpy as jnp
from jax import lax
from jax.experimental import pallas as pl
from jax.experimental.pallas import tpu as pltpu
from jax.experimental.pallas import tpu_sc as plsc

N_NODES = 50000
N_EDGES = 800000
NC, NS, L = 2, 16, 16
NW = NC * NS
D = 16
H = 64
EPR = 128 // D

_SC_PARAMS = pltpu.CompilerParams(use_tc_tiling_on_sc=False,
                                  needs_layout_passes=False)

G = 128
N_CHUNKS = (2 * N_EDGES) // G
KDEPTH = 8
N_GROUPS = -(-N_CHUNKS // (NW * KDEPTH))
FROWS = 2 * N_EDGES * D // 128


def _gather_body(table_hbm, idx_hbm, out_hbm, idx_v, rows_v, isem, gsem):
    c = lax.axis_index("c")
    s = lax.axis_index("s")
    w = s * NC + c

    def group(jg, _):
        base = w + NW * KDEPTH * jg
        for b in range(KDEPTH):
            chunk = base + NW * b
            @pl.when(chunk < N_CHUNKS)
            def _():
                pltpu.async_copy(idx_hbm.at[pl.ds(chunk * G, G)], idx_v.at[b], isem)
        for b in range(KDEPTH):
            chunk = base + NW * b
            @pl.when(chunk < N_CHUNKS)
            def _():
                pltpu.make_async_copy(idx_hbm.at[pl.ds(chunk * G, G)], idx_v.at[b], isem).wait()
                pltpu.async_copy(table_hbm.at[idx_v.at[b]], rows_v.at[b], gsem)
        for b in range(KDEPTH):
            chunk = base + NW * b
            @pl.when(chunk < N_CHUNKS)
            def _():
                pltpu.make_async_copy(table_hbm.at[idx_v.at[b]], rows_v.at[b], gsem).wait()
                pltpu.sync_copy(rows_v.at[b], out_hbm.at[chunk])
        return 0

    lax.fori_loop(0, N_GROUPS, group, 0)


def _k1_gather(table, idx_flat):
    mesh = plsc.VectorSubcoreMesh(core_axis_name="c", subcore_axis_name="s")
    return pl.kernel(
        _gather_body,
        out_type=jax.ShapeDtypeStruct((N_CHUNKS, G, D), jnp.float32),
        mesh=mesh,
        scratch_types=[
            pltpu.VMEM((KDEPTH, G), jnp.int32),
            pltpu.VMEM((KDEPTH, G, D), jnp.float32),
            pltpu.SemaphoreType.DMA,
            pltpu.SemaphoreType.DMA,
        ],
        compiler_params=_SC_PARAMS,
    )(table, idx_flat)


BR = 400
NB = (N_EDGES * D) // (128 * BR)
MROWS = N_EDGES * H // 512


def _celu(v):
    return jnp.where(v > 0, v, jnp.exp(v) - 1.0)


def _edge_mlp_body(rs_ref, rd_ref, w1b_ref, b1_ref, w2_ref, b2_ref, out_ref):
    col = lax.broadcasted_iota(jnp.int32, (BR, 128), 1) % D
    sub = (col >= 3) & (col < 6)
    feat = rs_ref[...] - jnp.where(sub, rd_ref[...], 0.0)
    h = jnp.dot(feat, w1b_ref[...], preferred_element_type=jnp.float32) + b1_ref[...]
    h = _celu(h)
    w2 = w2_ref[...]
    b2 = b2_ref[...]
    parts = []
    for j in range(EPR):
        m = jnp.dot(h[:, j * H:(j + 1) * H], w2,
                    preferred_element_type=jnp.float32) + b2
        parts.append(jnp.maximum(m, 0.0))
    for p in range(EPR // 2):
        out_ref[p] = jnp.concatenate([parts[2 * p], parts[2 * p + 1]], axis=1)


def _k2_edge_mlp(feat, w1b, b1t, f_w2, f_b2):
    half = FROWS // 2
    return pl.pallas_call(
        _edge_mlp_body,
        grid=(NB,),
        in_specs=[
            pl.BlockSpec((BR, 128), lambda i: (i, 0)),
            pl.BlockSpec((BR, 128), lambda i: (i + half // BR, 0)),
            pl.BlockSpec((128, 8 * H), lambda i: (0, 0)),
            pl.BlockSpec((1, 8 * H), lambda i: (0, 0)),
            pl.BlockSpec((H, H), lambda i: (0, 0)),
            pl.BlockSpec((1, H), lambda i: (0, 0)),
        ],
        out_specs=pl.BlockSpec((EPR // 2, BR, 128), lambda i: (0, i, 0)),
        out_shape=jax.ShapeDtypeStruct((EPR // 2, MROWS, 128), jnp.float32),
    )(feat, feat, w1b, b1t, f_w2, f_b2.reshape(1, H))


RPW = 1568
NP = NW * RPW
TRASH = RPW
CH = 1600
NCH = N_EDGES // CH
VB = CH // L
BATCH = 128
PCAP = 2048
RMASK = PCAP - 1
AROWS = RPW + 8


def _scatter_body(dst_hbm, msg_hbm, out_hbm, dbuf, pend_i, pend_d,
                  rows_v, aggr_v, csem, gsem):
    c = lax.axis_index("c")
    s = lax.axis_index("s")
    w = s * NC + c
    lo = w * RPW
    zero16 = jnp.zeros((L,), jnp.float32)
    iota16 = lax.iota(jnp.int32, L)

    def zi(i, _):
        aggr_v[pl.ds(i * L, L)] = zero16
        return 0
    lax.fori_loop(0, AROWS * H // L, zi, 0)

    def chunk_start(ci, half):
        pltpu.async_copy(dst_hbm.at[pl.ds(ci * CH, CH)],
                         dbuf.at[pl.ds(half * CH, CH)], csem)

    def chunk_wait(ci, half):
        pltpu.make_async_copy(dst_hbm.at[pl.ds(ci * CH, CH)],
                              dbuf.at[pl.ds(half * CH, CH)], csem).wait()

    rconst = 2 * ((lax.shift_right_logical(iota16, 1) & 3) * MROWS
                  + lax.shift_right_logical(iota16, 3)) + (iota16 & 1)

    def fire(rp, slot):
        base = pl.multiple_of(rp & RMASK, BATCH)
        pltpu.async_copy(
            msg_hbm.at[pend_i.at[pl.ds(base, BATCH)]],
            rows_v.at[slot], gsem)

    def wait_g(rp, slot):
        base = pl.multiple_of(rp & RMASK, BATCH)
        pltpu.make_async_copy(
            msg_hbm.at[pend_i.at[pl.ds(base, BATCH)]],
            rows_v.at[slot], gsem).wait()

    def rmw_batch(rp, slot):
        base = pl.multiple_of(rp & RMASK, BATCH)
        UE = 4

        def rmw(i4, _):
            vs = []
            for u in range(UE):
                i = UE * i4 + u
                dvec = pend_d[pl.ds(pl.multiple_of(base + (i & -L), L), L)]
                lane = i & (L - 1)
                vs.append(lax.reduce_sum(
                    jnp.where(iota16 == lane, dvec, 0), axes=(0,)))
            for u in range(UE):
                i = UE * i4 + u
                rb = vs[u] * H
                a = [aggr_v[pl.ds(rb + k * L, L)] for k in range(H // L)]
                r = [rows_v[slot, i, pl.ds(k * L, L)] for k in range(H // L)]
                for k in range(H // L):
                    aggr_v[pl.ds(rb + k * L, L)] = jnp.maximum(a[k], r[k])
            return 0
        lax.fori_loop(0, BATCH // UE, rmw, 0)

    chunk_start(0, 0)

    UN = 10

    def chunk_body(ci, carry):
        wp, rp = carry
        @pl.when(ci + 1 < NCH)
        def _():
            chunk_start(ci + 1, (ci + 1) % 2)
        chunk_wait(ci, ci % 2)
        dbase = (ci % 2) * CH

        f1 = wp - rp >= BATCH
        f2 = wp - rp >= 2 * BATCH
        @pl.when(f1)
        def _():
            fire(rp, 0)
        @pl.when(f2)
        def _():
            fire(rp + BATCH, 1)

        voff0 = jnp.full((L,), wp - 1, jnp.int32)
        ev0 = jnp.full((L,), 400 * ci, jnp.int32) + rconst

        def scan_vreg(vi, carry):
            voff, ev = carry
            for u in range(UN):
                v = vi * UN + u
                dvec = dbuf[pl.ds(dbase + v * L, L)]
                dloc = dvec - lo
                mask = plsc.bitcast(dloc, jnp.uint32) < jnp.uint32(RPW)
                pc = plsc.cumsum(jnp.where(mask, 1, 0))
                pos = (voff + pc) & RMASK
                plsc.store_scatter(pend_i, [pos], ev, mask=mask)
                plsc.store_scatter(pend_d, [pos], dloc, mask=mask)
                voff = voff + plsc.all_reduce_population_count(mask)
                ev = ev + 4
            return voff, ev

        voff, _ = lax.fori_loop(0, VB // UN, scan_vreg, (voff0, ev0))
        wp = lax.reduce_max(voff, axes=(0,)) + 1

        @pl.when(f1)
        def _():
            wait_g(rp, 0)
            rmw_batch(rp, 0)
        @pl.when(f2)
        def _():
            wait_g(rp + BATCH, 1)
            rmw_batch(rp + BATCH, 1)
        rp = rp + jnp.where(f2, 2 * BATCH, jnp.where(f1, BATCH, 0))

        wp, rp = lax.while_loop(lambda c: c[0] - c[1] >= 320, _drain,
                                (wp, rp))
        return wp, rp

    def _drain(carry):
        wp, rp = carry
        two = wp - rp >= 2 * BATCH
        fire(rp, 0)
        @pl.when(two)
        def _():
            fire(rp + BATCH, 1)
        wait_g(rp, 0)
        rmw_batch(rp, 0)
        @pl.when(two)
        def _():
            wait_g(rp + BATCH, 1)
            rmw_batch(rp + BATCH, 1)
        return wp, rp + jnp.where(two, 2 * BATCH, BATCH)

    wp, rp = lax.fori_loop(0, NCH, chunk_body, (0, 0))
    wp, rp = lax.while_loop(lambda c: c[0] - c[1] >= BATCH, _drain, (wp, rp))

    for j in range(BATCH // L):
        pos = (wp + j * L + iota16) & RMASK
        full = jnp.full((L,), True, jnp.bool_)
        plsc.store_scatter(pend_i, [pos], w * 64 + j * L + iota16, mask=full)
        plsc.store_scatter(pend_d, [pos], jnp.full((L,), TRASH, jnp.int32),
                           mask=full)
    fire(rp, 0)
    wait_g(rp, 0)
    rmw_batch(rp, 0)

    pltpu.sync_copy(aggr_v.at[pl.ds(0, RPW * H)],
                    out_hbm.at[pl.ds(w * RPW * H, RPW * H)])


def _k3_segment_max(dst, msg2):
    mesh = plsc.VectorSubcoreMesh(core_axis_name="c", subcore_axis_name="s")
    return pl.kernel(
        _scatter_body,
        out_type=jax.ShapeDtypeStruct((NP * H,), jnp.float32),
        mesh=mesh,
        scratch_types=[
            pltpu.VMEM((2 * CH,), jnp.int32),
            pltpu.VMEM((PCAP,), jnp.int32),
            pltpu.VMEM((PCAP,), jnp.int32),
            pltpu.VMEM((2, BATCH, H), jnp.float32),
            pltpu.VMEM((AROWS * H,), jnp.float32),
            pltpu.SemaphoreType.DMA,
            pltpu.SemaphoreType.DMA,
        ],
        compiler_params=_SC_PARAMS,
    )(dst, msg2)


BN = 784


def _update_body(a_ref, xp_ref, g1a_ref, g1x_ref, gb1_ref, g2_ref, gb2_ref, out_ref):
    a = a_ref[...]
    xp = xp_ref[...]
    g1a = g1a_ref[...]
    g1x = g1x_ref[...]
    gb1 = gb1_ref[...]
    g2 = g2_ref[...]
    gb2 = gb2_ref[...]
    outs = []
    for j in range(2):
        h = (jnp.dot(a[:, j * H:(j + 1) * H], g1a, preferred_element_type=jnp.float32)
             + jnp.dot(xp[:, j * 3:(j + 1) * 3], g1x, preferred_element_type=jnp.float32)
             + gb1)
        outs.append(_celu(jnp.dot(_celu(h), g2, preferred_element_type=jnp.float32) + gb2))
    out_ref[...] = jnp.concatenate(outs, axis=1)


def _k4_update(aggr2, xp, g1a, g1x, g_b1, g_w2, g_b2):
    n2 = NP // 2
    return pl.pallas_call(
        _update_body,
        grid=(n2 // BN,),
        in_specs=[
            pl.BlockSpec((BN, 128), lambda i: (i, 0)),
            pl.BlockSpec((BN, 6), lambda i: (i, 0)),
            pl.BlockSpec((H, H), lambda i: (0, 0)),
            pl.BlockSpec((3, H), lambda i: (0, 0)),
            pl.BlockSpec((1, H), lambda i: (0, 0)),
            pl.BlockSpec((H, H), lambda i: (0, 0)),
            pl.BlockSpec((1, H), lambda i: (0, 0)),
        ],
        out_specs=pl.BlockSpec((BN, 128), lambda i: (i, 0)),
        out_shape=jax.ShapeDtypeStruct((n2, 128), jnp.float32),
    )(aggr2, xp, g1a, g1x, g_b1.reshape(1, H), g_w2, g_b2.reshape(1, H))


def kernel(x, pos, edge_index, f_w1, f_b1, f_w2, f_b2,
           g_w1, g_b1, g_w2, g_b2, h_w1, h_b1, h_w2, h_b2):
    table = jnp.concatenate(
        [x, pos, jnp.zeros((N_NODES, D - 6), jnp.float32)], axis=1)
    idx_flat = edge_index.reshape(2 * N_EDGES)
    feat = _k1_gather(table, idx_flat).reshape(FROWS, 128)

    w1p = jnp.concatenate([f_w1, jnp.zeros((D - 6, H), jnp.float32)], axis=0)
    w1b = jnp.zeros((EPR, D, EPR, H), jnp.float32)
    w1b = w1b.at[jnp.arange(EPR), :, jnp.arange(EPR), :].set(w1p)
    w1b = w1b.reshape(128, EPR * H)
    b1t = jnp.tile(f_b1, EPR).reshape(1, EPR * H)
    msg = _k2_edge_mlp(feat, w1b, b1t, f_w2, f_b2)

    msg2 = msg.reshape(N_EDGES, H)
    aggr2 = _k3_segment_max(edge_index[1], msg2).reshape(NP // 2, 128)

    xp = jnp.concatenate(
        [x.reshape(N_NODES // 2, 6),
         jnp.zeros(((NP - N_NODES) // 2, 6), jnp.float32)], axis=0)
    out2 = _k4_update(aggr2, xp, g_w1[:H], g_w1[H:], g_b1, g_w2, g_b2)
    out = out2.reshape(NP, H)[:N_NODES]
    return (out, pos, edge_index)

# --- scband reference (transcript-rebuilt; emitter-appended) ---
"""Pipeline reference for scband-auto-registration-layer-64269890617431 (READ-ONLY COPY).

The authoritative reference and input builder live on the scoring server;
editing this copy changes nothing except your own understanding.
"""

import jax, jax.numpy as jnp
import numpy as np

N_NODES = 50000
N_EDGES = 800000


def _linear_init(key, fan_in, fan_out):
    # torch.nn.Linear default init: U(-1/sqrt(fan_in), 1/sqrt(fan_in))
    k1, k2 = jax.random.split(key)
    bound = 1.0 / np.sqrt(fan_in)
    w = jax.random.uniform(k1, (fan_in, fan_out), minval=-bound, maxval=bound, dtype=jnp.float32)
    b = jax.random.uniform(k2, (fan_out,), minval=-bound, maxval=bound, dtype=jnp.float32)
    return w, b


def setup_inputs(seed: int = 0) -> dict:
    key = jax.random.key(seed)
    ks = jax.random.split(key, 10)
    x = jax.random.normal(ks[0], (N_NODES, 3), dtype=jnp.float32)
    pos = jax.random.normal(ks[1], (N_NODES, 3), dtype=jnp.float32)
    edge_index = jax.random.randint(ks[2], (2, N_EDGES), 0, N_NODES, dtype=jnp.int32)
    # f: MLP(x_dim + pos_dim=6 -> 64 -> 64)
    f_w1, f_b1 = _linear_init(ks[3], 6, 64)
    f_w2, f_b2 = _linear_init(ks[4], 64, 64)
    # g: MLP(f_out + x_dim=67 -> 64 -> 64)
    g_w1, g_b1 = _linear_init(ks[5], 67, 64)
    g_w2, g_b2 = _linear_init(ks[6], 64, 64)
    # h: MLP(x_dim=3 -> 32 -> 3)
    h_w1, h_b1 = _linear_init(ks[7], 3, 32)
    h_w2, h_b2 = _linear_init(ks[8], 32, 3)
    return {
        "x": x, "pos": pos, "edge_index": edge_index,
        "f_w1": f_w1, "f_b1": f_b1, "f_w2": f_w2, "f_b2": f_b2,
        "g_w1": g_w1, "g_b1": g_b1, "g_w2": g_w2, "g_b2": g_b2,
        "h_w1": h_w1, "h_b1": h_b1, "h_w2": h_w2, "h_b2": h_b2,
    }


def reference(x, pos, edge_index, f_w1, f_b1, f_w2, f_b2, g_w1, g_b1, g_w2, g_b2, h_w1, h_b1, h_w2, h_b2):
    src = edge_index[0]  # j (source)
    dst = edge_index[1]  # i (target); aggregation over dst
    x_j = jnp.take(x, src, axis=0)
    x_i = jnp.take(x, dst, axis=0)
    pos_j = jnp.take(pos, src, axis=0)
    pos_i = jnp.take(pos, dst, axis=0)
    # message(): delta_pos_i computed then overwritten (faithful to original code)
    delta_pos_i = jax.nn.relu(jax.nn.celu(x_i @ h_w1 + h_b1) @ h_w2 + h_b2)
    delta_pos = pos_j - pos_i + delta_pos_i
    delta_pos = pos_j - pos_i  # overwrite, as in the torch module
    msg_in = jnp.concatenate([x_j, delta_pos], axis=1)
    msg = jax.nn.relu(jax.nn.celu(msg_in @ f_w1 + f_b1) @ f_w2 + f_b2)
    # aggr='max' over destination nodes; empty segments -> 0 (PyG scatter-max fill)
    aggr = jax.ops.segment_max(msg, dst, num_segments=N_NODES)
    aggr = jnp.where(jnp.isneginf(aggr), 0.0, aggr)
    # update(): g(cat([aggr_out, x]))
    upd_in = jnp.concatenate([aggr, x], axis=-1)
    out = jax.nn.celu(upd_in @ g_w1 + g_b1) @ g_w2 + g_b2
    # end_relu=True -> F.celu
    out = jax.nn.celu(out)
    return (out, pos, edge_index)

if __name__ == "__main__":
    import jax
    _d = setup_inputs()
    print(jax.jit(kernel)(*tuple(_d.values())))

</pallas_src>

<mosaic_0001>
#map = affine_map<(d0, d1) -> (0, 0)>
#map1 = affine_map<(d0, d1) -> (0)>
#map2 = affine_map<(d0, d1) -> (0, 0, 0)>
module attributes {stable_mosaic.version = 14 : i64} {
  func.func @_gather_body(%arg0: i32, %arg1: i32, %arg2: memref<50000x16xf32, #tpu.memory_space<hbm>>, %arg3: memref<1600000xi32, #tpu.memory_space<hbm>>, %arg4: memref<12500x128x16xf32, #tpu.memory_space<hbm>>, %arg5: memref<8x128xi32, #tpu.memory_space<vmem>>, %arg6: memref<8x128x16xf32, #tpu.memory_space<vmem>>, %arg7: memref<!tpu.dma_semaphore, #tpu.memory_space<semaphore_mem>>, %arg8: memref<!tpu.dma_semaphore, #tpu.memory_space<semaphore_mem>>) attributes {dimension_semantics = [#tpu.dimension_semantics<core_parallel>, #tpu.dimension_semantics<subcore_parallel>], iteration_bounds = array<i64: 2, 16>, scalar_prefetch = 0 : i64, scratch_operands = 4 : i64, tpu.core_type = #tpu.core_type<sc_vector_subcore>, window_params = [{transform_indices = #map}, {transform_indices = #map1}, {transform_indices = #map2}]} {
    %mul3A = arith.constant 2 : i32
    %mul3A_0 = arith.muli %arg1, %mul3A : i32
    %add3A = arith.addi %mul3A_0, %arg0 : i32
    %scan3A = arith.constant 0 : i32
    %scan3A_1 = arith.constant 0 : i32
    %scan3A_2 = arith.constant 49 : i32
    %scan3A_3 = arith.addi %scan3A_1, %scan3A_2 : i32
    %scan3A_4 = arith.constant 1 : i32
    %scan3A_5 = scf.for %scan3A_7 = %scan3A_1 to %scan3A_3 step %scan3A_4 iter_args(%scan3A_8 = %scan3A) -> (i32)  : i32 {
      %mul3A_9 = arith.constant 256 : i32
      %mul3A_10 = arith.muli %mul3A_9, %scan3A_7 : i32
      %add3A_11 = arith.addi %add3A, %mul3A_10 : i32
      %add3A_12 = arith.constant 0 : i32
      %add3A_13 = arith.addi %add3A_11, %add3A_12 : i32
      %lt3A = arith.constant 12500 : i32
      %lt3A_14 = arith.cmpi slt, %add3A_13, %lt3A : i32
      %convert_element_type3A = arith.extui %lt3A_14 : i1 to i32
      %cond3A = arith.constant 0 : i32
      %cond3A_15 = arith.cmpi ne, %convert_element_type3A, %cond3A : i32
      scf.if %cond3A_15 {
        %mul3A_178 = arith.constant 128 : i32
        %mul3A_179 = arith.muli %add3A_13, %mul3A_178 : i32
        %dma_start3A = arith.constant 0 : i32
        %dma_start3A_180 = arith.constant 0 : i32
        %dma_start3A_181 = tpu.memref_slice %arg5[%dma_start3A, %dma_start3A_180] : memref<8x128xi32, #tpu.memory_space<vmem>> -> memref<1x128xi32, #tpu.memory_space<vmem>>
        %dma_start3A_182 = tpu.memref_squeeze %dma_start3A_181 : memref<1x128xi32, #tpu.memory_space<vmem>> -> memref<128xi32, #tpu.memory_space<vmem>>
        %dma_start3A_183 = tpu.memref_slice %arg3[%mul3A_179] : memref<1600000xi32, #tpu.memory_space<hbm>> -> memref<128xi32, #tpu.memory_space<hbm>>
        %dma_start3A_184 = arith.constant 0 : i32
        %dma_start3A_185 = tpu.memref_slice %arg5[%dma_start3A, %dma_start3A_184] : memref<8x128xi32, #tpu.memory_space<vmem>> -> memref<1x128xi32, #tpu.memory_space<vmem>>
        %dma_start3A_186 = tpu.memref_squeeze %dma_start3A_185 : memref<1x128xi32, #tpu.memory_space<vmem>> -> memref<128xi32, #tpu.memory_space<vmem>>
        %dma_start3A_187 = tpu.memref_slice %arg3[%mul3A_179] : memref<1600000xi32, #tpu.memory_space<hbm>> -> memref<128xi32, #tpu.memory_space<hbm>>
        tpu.enqueue_dma source(%dma_start3A_187 : memref<128xi32, #tpu.memory_space<hbm>>) target(%dma_start3A_186 : memref<128xi32, #tpu.memory_space<vmem>>) target_semaphore(%arg7 : memref<!tpu.dma_semaphore, #tpu.memory_space<semaphore_mem>>)
      } else {
      }
      %add3A_16 = arith.constant 32 : i32
      %add3A_17 = arith.addi %add3A_11, %add3A_16 : i32
      %lt3A_18 = arith.constant 12500 : i32
      %lt3A_19 = arith.cmpi slt, %add3A_17, %lt3A_18 : i32
      %convert_element_type3A_20 = arith.extui %lt3A_19 : i1 to i32
      %cond3A_21 = arith.constant 0 : i32
      %cond3A_22 = arith.cmpi ne, %convert_element_type3A_20, %cond3A_21 : i32
      scf.if %cond3A_22 {
        %mul3A_178 = arith.constant 128 : i32
        %mul3A_179 = arith.muli %add3A_17, %mul3A_178 : i32
        %dma_start3A = arith.constant 1 : i32
        %dma_start3A_180 = arith.constant 0 : i32
        %dma_start3A_181 = tpu.memref_slice %arg5[%dma_start3A, %dma_start3A_180] : memref<8x128xi32, #tpu.memory_space<vmem>> -> memref<1x128xi32, #tpu.memory_space<vmem>>
        %dma_start3A_182 = tpu.memref_squeeze %dma_start3A_181 : memref<1x128xi32, #tpu.memory_space<vmem>> -> memref<128xi32, #tpu.memory_space<vmem>>
        %dma_start3A_183 = tpu.memref_slice %arg3[%mul3A_179] : memref<1600000xi32, #tpu.memory_space<hbm>> -> memref<128xi32, #tpu.memory_space<hbm>>
        %dma_start3A_184 = arith.constant 0 : i32
        %dma_start3A_185 = tpu.memref_slice %arg5[%dma_start3A, %dma_start3A_184] : memref<8x128xi32, #tpu.memory_space<vmem>> -> memref<1x128xi32, #tpu.memory_space<vmem>>
        %dma_start3A_186 = tpu.memref_squeeze %dma_start3A_185 : memref<1x128xi32, #tpu.memory_space<vmem>> -> memref<128xi32, #tpu.memory_space<vmem>>
        %dma_start3A_187 = tpu.memref_slice %arg3[%mul3A_179] : memref<1600000xi32, #tpu.memory_space<hbm>> -> memref<128xi32, #tpu.memory_space<hbm>>
        tpu.enqueue_dma source(%dma_start3A_187 : memref<128xi32, #tpu.memory_space<hbm>>) target(%dma_start3A_186 : memref<128xi32, #tpu.memory_space<vmem>>) target_semaphore(%arg7 : memref<!tpu.dma_semaphore, #tpu.memory_space<semaphore_mem>>)
      } else {
      }
      %add3A_23 = arith.constant 64 : i32
      %add3A_24 = arith.addi %add3A_11, %add3A_23 : i32
      %lt3A_25 = arith.constant 12500 : i32
      %lt3A_26 = arith.cmpi slt, %add3A_24, %lt3A_25 : i32
      %convert_element_type3A_27 = arith.extui %lt3A_26 : i1 to i32
      %cond3A_28 = arith.constant 0 : i32
      %cond3A_29 = arith.cmpi ne, %convert_element_type3A_27, %cond3A_28 : i32
      scf.if %cond3A_29 {
        %mul3A_178 = arith.constant 128 : i32
        %mul3A_179 = arith.muli %add3A_24, %mul3A_178 : i32
        %dma_start3A = arith.constant 2 : i32
        %dma_start3A_180 = arith.constant 0 : i32
        %dma_start3A_181 = tpu.memref_slice %arg5[%dma_start3A, %dma_start3A_180] : memref<8x128xi32, #tpu.memory_space<vmem>> -> memref<1x128xi32, #tpu.memory_space<vmem>>
        %dma_start3A_182 = tpu.memref_squeeze %dma_start3A_181 : memref<1x128xi32, #tpu.memory_space<vmem>> -> memref<128xi32, #tpu.memory_space<vmem>>
        %dma_start3A_183 = tpu.memref_slice %arg3[%mul3A_179] : memref<1600000xi32, #tpu.memory_space<hbm>> -> memref<128xi32, #tpu.memory_space<hbm>>
        %dma_start3A_184 = arith.constant 0 : i32
        %dma_start3A_185 = tpu.memref_slice %arg5[%dma_start3A, %dma_start3A_184] : memref<8x128xi32, #tpu.memory_space<vmem>> -> memref<1x128xi32, #tpu.memory_space<vmem>>
        %dma_start3A_186 = tpu.memref_squeeze %dma_start3A_185 : memref<1x128xi32, #tpu.memory_space<vmem>> -> memref<128xi32, #tpu.memory_space<vmem>>
        %dma_start3A_187 = tpu.memref_slice %arg3[%mul3A_179] : memref<1600000xi32, #tpu.memory_space<hbm>> -> memref<128xi32, #tpu.memory_space<hbm>>
        tpu.enqueue_dma source(%dma_start3A_187 : memref<128xi32, #tpu.memory_space<hbm>>) target(%dma_start3A_186 : memref<128xi32, #tpu.memory_space<vmem>>) target_semaphore(%arg7 : memref<!tpu.dma_semaphore, #tpu.memory_space<semaphore_mem>>)
      } else {
      }
      %add3A_30 = arith.constant 96 : i32
      %add3A_31 = arith.addi %add3A_11, %add3A_30 : i32
      %lt3A_32 = arith.constant 12500 : i32
      %lt3A_33 = arith.cmpi slt, %add3A_31, %lt3A_32 : i32
      %convert_element_type3A_34 = arith.extui %lt3A_33 : i1 to i32
      %cond3A_35 = arith.constant 0 : i32
      %cond3A_36 = arith.cmpi ne, %convert_element_type3A_34, %cond3A_35 : i32
      scf.if %cond3A_36 {
        %mul3A_178 = arith.constant 128 : i32
        %mul3A_179 = arith.muli %add3A_31, %mul3A_178 : i32
        %dma_start3A = arith.constant 3 : i32
        %dma_start3A_180 = arith.constant 0 : i32
        %dma_start3A_181 = tpu.memref_slice %arg5[%dma_start3A, %dma_start3A_180] : memref<8x128xi32, #tpu.memory_space<vmem>> -> memref<1x128xi32, #tpu.memory_space<vmem>>
        %dma_start3A_182 = tpu.memref_squeeze %dma_start3A_181 : memref<1x128xi32, #tpu.memory_space<vmem>> -> memref<128xi32, #tpu.memory_space<vmem>>
        %dma_start3A_183 = tpu.memref_slice %arg3[%mul3A_179] : memref<1600000xi32, #tpu.memory_space<hbm>> -> memref<128xi32, #tpu.memory_space<hbm>>
        %dma_start3A_184 = arith.constant 0 : i32
        %dma_start3A_185 = tpu.memref_slice %arg5[%dma_start3A, %dma_start3A_184] : memref<8x128xi32, #tpu.memory_space<vmem>> -> memref<1x128xi32, #tpu.memory_space<vmem>>
        %dma_start3A_186 = tpu.memref_squeeze %dma_start3A_185 : memref<1x128xi32, #tpu.memory_space<vmem>> -> memref<128xi32, #tpu.memory_space<vmem>>
        %dma_start3A_187 = tpu.memref_slice %arg3[%mul3A_179] : memref<1600000xi32, #tpu.memory_space<hbm>> -> memref<128xi32, #tpu.memory_space<hbm>>
        tpu.enqueue_dma source(%dma_start3A_187 : memref<128xi32, #tpu.memory_space<hbm>>) target(%dma_start3A_186 : memref<128xi32, #tpu.memory_space<vmem>>) target_semaphore(%arg7 : memref<!tpu.dma_semaphore, #tpu.memory_space<semaphore_mem>>)
      } else {
      }
      %add3A_37 = arith.constant 128 : i32
      %add3A_38 = arith.addi %add3A_11, %add3A_37 : i32
      %lt3A_39 = arith.constant 12500 : i32
      %lt3A_40 = arith.cmpi slt, %add3A_38, %lt3A_39 : i32
      %convert_element_type3A_41 = arith.extui %lt3A_40 : i1 to i32
      %cond3A_42 = arith.constant 0 : i32
      %cond3A_43 = arith.cmpi ne, %convert_element_type3A_41, %cond3A_42 : i32
      scf.if %cond3A_43 {
        %mul3A_178 = arith.constant 128 : i32
        %mul3A_179 = arith.muli %add3A_38, %mul3A_178 : i32
        %dma_start3A = arith.constant 4 : i32
        %dma_start3A_180 = arith.constant 0 : i32
        %dma_start3A_181 = tpu.memref_slice %arg5[%dma_start3A, %dma_start3A_180] : memref<8x128xi32, #tpu.memory_space<vmem>> -> memref<1x128xi32, #tpu.memory_space<vmem>>
        %dma_start3A_182 = tpu.memref_squeeze %dma_start3A_181 : memref<1x128xi32, #tpu.memory_space<vmem>> -> memref<128xi32, #tpu.memory_space<vmem>>
        %dma_start3A_183 = tpu.memref_slice %arg3[%mul3A_179] : memref<1600000xi32, #tpu.memory_space<hbm>> -> memref<128xi32, #tpu.memory_space<hbm>>
        %dma_start3A_184 = arith.constant 0 : i32
        %dma_start3A_185 = tpu.memref_slice %arg5[%dma_start3A, %dma_start3A_184] : memref<8x128xi32, #tpu.memory_space<vmem>> -> memref<1x128xi32, #tpu.memory_space<vmem>>
        %dma_start3A_186 = tpu.memref_squeeze %dma_start3A_185 : memref<1x128xi32, #tpu.memory_space<vmem>> -> memref<128xi32, #tpu.memory_space<vmem>>
        %dma_start3A_187 = tpu.memref_slice %arg3[%mul3A_179] : memref<1600000xi32, #tpu.memory_space<hbm>> -> memref<128xi32, #tpu.memory_space<hbm>>
        tpu.enqueue_dma source(%dma_start3A_187 : memref<128xi32, #tpu.memory_space<hbm>>) target(%dma_start3A_186 : memref<128xi32, #tpu.memory_space<vmem>>) target_semaphore(%arg7 : memref<!tpu.dma_semaphore, #tpu.memory_space<semaphore_mem>>)
      } else {
      }
      %add3A_44 = arith.constant 160 : i32
      %add3A_45 = arith.addi %add3A_11, %add3A_44 : i32
      %lt3A_46 = arith.constant 12500 : i32
      %lt3A_47 = arith.cmpi slt, %add3A_45, %lt3A_46 : i32
      %convert_element_type3A_48 = arith.extui %lt3A_47 : i1 to i32
      %cond3A_49 = arith.constant 0 : i32
      %cond3A_50 = arith.cmpi ne, %convert_element_type3A_48, %cond3A_49 : i32
      scf.if %cond3A_50 {
        %mul3A_178 = arith.constant 128 : i32
        %mul3A_179 = arith.muli %add3A_45, %mul3A_178 : i32
        %dma_start3A = arith.constant 5 : i32
        %dma_start3A_180 = arith.constant 0 : i32
        %dma_start3A_181 = tpu.memref_slice %arg5[%dma_start3A, %dma_start3A_180] : memref<8x128xi32, #tpu.memory_space<vmem>> -> memref<1x128xi32, #tpu.memory_space<vmem>>
        %dma_start3A_182 = tpu.memref_squeeze %dma_start3A_181 : memref<1x128xi32, #tpu.memory_space<vmem>> -> memref<128xi32, #tpu.memory_space<vmem>>
        %dma_start3A_183 = tpu.memref_slice %arg3[%mul3A_179] : memref<1600000xi32, #tpu.memory_space<hbm>> -> memref<128xi32, #tpu.memory_space<hbm>>
        %dma_start3A_184 = arith.constant 0 : i32
        %dma_start3A_185 = tpu.memref_slice %arg5[%dma_start3A, %dma_start3A_184] : memref<8x128xi32, #tpu.memory_space<vmem>> -> memref<1x128xi32, #tpu.memory_space<vmem>>
        %dma_start3A_186 = tpu.memref_squeeze %dma_start3A_185 : memref<1x128xi32, #tpu.memory_space<vmem>> -> memref<128xi32, #tpu.memory_space<vmem>>
        %dma_start3A_187 = tpu.memref_slice %arg3[%mul3A_179] : memref<1600000xi32, #tpu.memory_space<hbm>> -> memref<128xi32, #tpu.memory_space<hbm>>
        tpu.enqueue_dma source(%dma_start3A_187 : memref<128xi32, #tpu.memory_space<hbm>>) target(%dma_start3A_186 : memref<128xi32, #tpu.memory_space<vmem>>) target_semaphore(%arg7 : memref<!tpu.dma_semaphore, #tpu.memory_space<semaphore_mem>>)
      } else {
      }
      %add3A_51 = arith.constant 192 : i32
      %add3A_52 = arith.addi %add3A_11, %add3A_51 : i32
      %lt3A_53 = arith.constant 12500 : i32
      %lt3A_54 = arith.cmpi slt, %add3A_52, %lt3A_53 : i32
      %convert_element_type3A_55 = arith.extui %lt3A_54 : i1 to i32
      %cond3A_56 = arith.constant 0 : i32
      %cond3A_57 = arith.cmpi ne, %convert_element_type3A_55, %cond3A_56 : i32
      scf.if %cond3A_57 {
        %mul3A_178 = arith.constant 128 : i32
        %mul3A_179 = arith.muli %add3A_52, %mul3A_178 : i32
        %dma_start3A = arith.constant 6 : i32
        %dma_start3A_180 = arith.constant 0 : i32
        %dma_start3A_181 = tpu.memref_slice %arg5[%dma_start3A, %dma_start3A_180] : memref<8x128xi32, #tpu.memory_space<vmem>> -> memref<1x128xi32, #tpu.memory_space<vmem>>
        %dma_start3A_182 = tpu.memref_squeeze %dma_start3A_181 : memref<1x128xi32, #tpu.memory_space<vmem>> -> memref<128xi32, #tpu.memory_space<vmem>>
        %dma_start3A_183 = tpu.memref_slice %arg3[%mul3A_179] : memref<1600000xi32, #tpu.memory_space<hbm>> -> memref<128xi32, #tpu.memory_space<hbm>>
        %dma_start3A_184 = arith.constant 0 : i32
        %dma_start3A_185 = tpu.memref_slice %arg5[%dma_start3A, %dma_start3A_184] : memref<8x128xi32, #tpu.memory_space<vmem>> -> memref<1x128xi32, #tpu.memory_space<vmem>>
        %dma_start3A_186 = tpu.memref_squeeze %dma_start3A_185 : memref<1x128xi32, #tpu.memory_space<vmem>> -> memref<128xi32, #tpu.memory_space<vmem>>
        %dma_start3A_187 = tpu.memref_slice %arg3[%mul3A_179] : memref<1600000xi32, #tpu.memory_space<hbm>> -> memref<128xi32, #tpu.memory_space<hbm>>
        tpu.enqueue_dma source(%dma_start3A_187 : memref<128xi32, #tpu.memory_space<hbm>>) target(%dma_start3A_186 : memref<128xi32, #tpu.memory_space<vmem>>) target_semaphore(%arg7 : memref<!tpu.dma_semaphore, #tpu.memory_space<semaphore_mem>>)
      } else {
      }
      %add3A_58 = arith.constant 224 : i32
      %add3A_59 = arith.addi %add3A_11, %add3A_58 : i32
      %lt3A_60 = arith.constant 12500 : i32
      %lt3A_61 = arith.cmpi slt, %add3A_59, %lt3A_60 : i32
      %convert_element_type3A_62 = arith.extui %lt3A_61 : i1 to i32
      %cond3A_63 = arith.constant 0 : i32
      %cond3A_64 = arith.cmpi ne, %convert_element_type3A_62, %cond3A_63 : i32
      scf.if %cond3A_64 {
        %mul3A_178 = arith.constant 128 : i32
        %mul3A_179 = arith.muli %add3A_59, %mul3A_178 : i32
        %dma_start3A = arith.constant 7 : i32
        %dma_start3A_180 = arith.constant 0 : i32
        %dma_start3A_181 = tpu.memref_slice %arg5[%dma_start3A, %dma_start3A_180] : memref<8x128xi32, #tpu.memory_space<vmem>> -> memref<1x128xi32, #tpu.memory_space<vmem>>
        %dma_start3A_182 = tpu.memref_squeeze %dma_start3A_181 : memref<1x128xi32, #tpu.memory_space<vmem>> -> memref<128xi32, #tpu.memory_space<vmem>>
        %dma_start3A_183 = tpu.memref_slice %arg3[%mul3A_179] : memref<1600000xi32, #tpu.memory_space<hbm>> -> memref<128xi32, #tpu.memory_space<hbm>>
        %dma_start3A_184 = arith.constant 0 : i32
        %dma_start3A_185 = tpu.memref_slice %arg5[%dma_start3A, %dma_start3A_184] : memref<8x128xi32, #tpu.memory_space<vmem>> -> memref<1x128xi32, #tpu.memory_space<vmem>>
        %dma_start3A_186 = tpu.memref_squeeze %dma_start3A_185 : memref<1x128xi32, #tpu.memory_space<vmem>> -> memref<128xi32, #tpu.memory_space<vmem>>
        %dma_start3A_187 = tpu.memref_slice %arg3[%mul3A_179] : memref<1600000xi32, #tpu.memory_space<hbm>> -> memref<128xi32, #tpu.memory_space<hbm>>
        tpu.enqueue_dma source(%dma_start3A_187 : memref<128xi32, #tpu.memory_space<hbm>>) target(%dma_start3A_186 : memref<128xi32, #tpu.memory_space<vmem>>) target_semaphore(%arg7 : memref<!tpu.dma_semaphore, #tpu.memory_space<semaphore_mem>>)
      } else {
      }
      %add3A_65 = arith.constant 0 : i32
      %add3A_66 = arith.addi %add3A_11, %add3A_65 : i32
      %lt3A_67 = arith.constant 12500 : i32
      %lt3A_68 = arith.cmpi slt, %add3A_66, %lt3A_67 : i32
      %convert_element_type3A_69 = arith.extui %lt3A_68 : i1 to i32
      %cond3A_70 = arith.constant 0 : i32
      %cond3A_71 = arith.cmpi ne, %convert_element_type3A_69, %cond3A_70 : i32
      scf.if %cond3A_71 {
        %mul3A_178 = arith.constant 128 : i32
        %mul3A_179 = arith.muli %add3A_66, %mul3A_178 : i32
        %dma_wait3A = arith.constant 0 : i32
        %dma_wait3A_180 = arith.constant 0 : i32
        %dma_wait3A_181 = tpu.memref_slice %arg5[%dma_wait3A, %dma_wait3A_180] : memref<8x128xi32, #tpu.memory_space<vmem>> -> memref<1x128xi32, #tpu.memory_space<vmem>>
        %dma_wait3A_182 = tpu.memref_squeeze %dma_wait3A_181 : memref<1x128xi32, #tpu.memory_space<vmem>> -> memref<128xi32, #tpu.memory_space<vmem>>
        %dma_wait3A_183 = tpu.memref_slice %arg3[%mul3A_179] : memref<1600000xi32, #tpu.memory_space<hbm>> -> memref<128xi32, #tpu.memory_space<hbm>>
        %dma_wait3A_184 = arith.constant 0 : i32
        %dma_wait3A_185 = tpu.memref_slice %arg5[%dma_wait3A, %dma_wait3A_184] : memref<8x128xi32, #tpu.memory_space<vmem>> -> memref<1x128xi32, #tpu.memory_space<vmem>>
        %dma_wait3A_186 = tpu.memref_squeeze %dma_wait3A_185 : memref<1x128xi32, #tpu.memory_space<vmem>> -> memref<128xi32, #tpu.memory_space<vmem>>
        %dma_wait3A_187 = tpu.memref_slice %arg3[%mul3A_179] : memref<1600000xi32, #tpu.memory_space<hbm>> -> memref<128xi32, #tpu.memory_space<hbm>>
        tpu.wait_dma2 semaphore(%arg7 : memref<!tpu.dma_semaphore, #tpu.memory_space<semaphore_mem>>) src(%dma_wait3A_187 : memref<128xi32, #tpu.memory_space<hbm>>) dst(%dma_wait3A_186 : memref<128xi32, #tpu.memory_space<vmem>>)
        %dma_start3A = arith.constant 0 : i32
        %dma_start3A_188 = arith.constant 0 : i32
        %dma_start3A_189 = arith.constant 0 : i32
        %dma_start3A_190 = arith.constant 0 : i32
        %dma_start3A_191 = tpu.memref_slice %arg6[%dma_start3A_188, %dma_start3A_189, %dma_start3A_190] : memref<8x128x16xf32, #tpu.memory_space<vmem>> -> memref<1x128x16xf32, #tpu.memory_space<vmem>>
        %dma_start3A_192 = tpu.memref_squeeze %dma_start3A_191 : memref<1x128x16xf32, #tpu.memory_space<vmem>> -> memref<128x16xf32, #tpu.memory_space<vmem>>
        %dma_start3A_193 = arith.constant 0 : i32
        %dma_start3A_194 = tpu.memref_slice %arg5[%dma_start3A, %dma_start3A_193] : memref<8x128xi32, #tpu.memory_space<vmem>> -> memref<1x128xi32, #tpu.memory_space<vmem>>
        %dma_start3A_195 = tpu.memref_squeeze %dma_start3A_194 : memref<1x128xi32, #tpu.memory_space<vmem>> -> memref<128xi32, #tpu.memory_space<vmem>>
        %dma_start3A_196 = arith.constant 0 : i32
        %dma_start3A_197 = arith.constant 0 : i32
        %dma_start3A_198 = tpu.memref_slice %arg2[%dma_start3A_196, %dma_start3A_197] : memref<50000x16xf32, #tpu.memory_space<hbm>> -> memref<50000x16xf32, #tpu.memory_space<hbm>>
        tpu.enqueue_indirect_dma source(%dma_start3A_198 : memref<50000x16xf32, #tpu.memory_space<hbm>>) target(%dma_start3A_192 : memref<128x16xf32, #tpu.memory_space<vmem>>) offsets(%dma_start3A_195 : memref<128xi32, #tpu.memory_space<vmem>>) semaphore(%arg8 : memref<!tpu.dma_semaphore, #tpu.memory_space<semaphore_mem>>)
      } else {
      }
      %add3A_72 = arith.constant 32 : i32
      %add3A_73 = arith.addi %add3A_11, %add3A_72 : i32
      %lt3A_74 = arith.constant 12500 : i32
      %lt3A_75 = arith.cmpi slt, %add3A_73, %lt3A_74 : i32
      %convert_element_type3A_76 = arith.extui %lt3A_75 : i1 to i32
      %cond3A_77 = arith.constant 0 : i32
      %cond3A_78 = arith.cmpi ne, %convert_element_type3A_76, %cond3A_77 : i32
      scf.if %cond3A_78 {
        %mul3A_178 = arith.constant 128 : i32
        %mul3A_179 = arith.muli %add3A_73, %mul3A_178 : i32
        %dma_wait3A = arith.constant 1 : i32
        %dma_wait3A_180 = arith.constant 0 : i32
        %dma_wait3A_181 = tpu.memref_slice %arg5[%dma_wait3A, %dma_wait3A_180] : memref<8x128xi32, #tpu.memory_space<vmem>> -> memref<1x128xi32, #tpu.memory_space<vmem>>
        %dma_wait3A_182 = tpu.memref_squeeze %dma_wait3A_181 : memref<1x128xi32, #tpu.memory_space<vmem>> -> memref<128xi32, #tpu.memory_space<vmem>>
        %dma_wait3A_183 = tpu.memref_slice %arg3[%mul3A_179] : memref<1600000xi32, #tpu.memory_space<hbm>> -> memref<128xi32, #tpu.memory_space<hbm>>
        %dma_wait3A_184 = arith.constant 0 : i32
        %dma_wait3A_185 = tpu.memref_slice %arg5[%dma_wait3A, %dma_wait3A_184] : memref<8x128xi32, #tpu.memory_space<vmem>> -> memref<1x128xi32, #tpu.memory_space<vmem>>
        %dma_wait3A_186 = tpu.memref_squeeze %dma_wait3A_185 : memref<1x128xi32, #tpu.memory_space<vmem>> -> memref<128xi32, #tpu.memory_space<vmem>>
        %dma_wait3A_187 = tpu.memref_slice %arg3[%mul3A_179] : memref<1600000xi32, #tpu.memory_space<hbm>> -> memref<128xi32, #tpu.memory_space<hbm>>
        tpu.wait_dma2 semaphore(%arg7 : memref<!tpu.dma_semaphore, #tpu.memory_space<semaphore_mem>>) src(%dma_wait3A_187 : memref<128xi32, #tpu.memory_space<hbm>>) dst(%dma_wait3A_186 : memref<128xi32, #tpu.memory_space<vmem>>)
        %dma_start3A = arith.constant 1 : i32
        %dma_start3A_188 = arith.constant 1 : i32
        %dma_start3A_189 = arith.constant 0 : i32
        %dma_start3A_190 = arith.constant 0 : i32
        %dma_start3A_191 = tpu.memref_slice %arg6[%dma_start3A_188, %dma_start3A_189, %dma_start3A_190] : memref<8x128x16xf32, #tpu.memory_space<vmem>> -> memref<1x128x16xf32, #tpu.memory_space<vmem>>
        %dma_start3A_192 = tpu.memref_squeeze %dma_start3A_191 : memref<1x128x16xf32, #tpu.memory_space<vmem>> -> memref<128x16xf32, #tpu.memory_space<vmem>>
        %dma_start3A_193 = arith.constant 0 : i32
        %dma_start3A_194 = tpu.memref_slice %arg5[%dma_start3A, %dma_start3A_193] : memref<8x128xi32, #tpu.memory_space<vmem>> -> memref<1x128xi32, #tpu.memory_space<vmem>>
        %dma_start3A_195 = tpu.memref_squeeze %dma_start3A_194 : memref<1x128xi32, #tpu.memory_space<vmem>> -> memref<128xi32, #tpu.memory_space<vmem>>
        %dma_start3A_196 = arith.constant 0 : i32
        %dma_start3A_197 = arith.constant 0 : i32
        %dma_start3A_198 = tpu.memref_slice %arg2[%dma_start3A_196, %dma_start3A_197] : memref<50000x16xf32, #tpu.memory_space<hbm>> -> memref<50000x16xf32, #tpu.memory_space<hbm>>
        tpu.enqueue_indirect_dma source(%dma_start3A_198 : memref<50000x16xf32, #tpu.memory_space<hbm>>) target(%dma_start3A_192 : memref<128x16xf32, #tpu.memory_space<vmem>>) offsets(%dma_start3A_195 : memref<128xi32, #tpu.memory_space<vmem>>) semaphore(%arg8 : memref<!tpu.dma_semaphore, #tpu.memory_space<semaphore_mem>>)
      } else {
      }
      %add3A_79 = arith.constant 64 : i32
      %add3A_80 = arith.addi %add3A_11, %add3A_79 : i32
      %lt3A_81 = arith.constant 12500 : i32
      %lt3A_82 = arith.cmpi slt, %add3A_80, %lt3A_81 : i32
      %convert_element_type3A_83 = arith.extui %lt3A_82 : i1 to i32
      %cond3A_84 = arith.constant 0 : i32
      %cond3A_85 = arith.cmpi ne, %convert_element_type3A_83, %cond3A_84 : i32
      scf.if %cond3A_85 {
        %mul3A_178 = arith.constant 128 : i32
        %mul3A_179 = arith.muli %add3A_80, %mul3A_178 : i32
        %dma_wait3A = arith.constant 2 : i32
        %dma_wait3A_180 = arith.constant 0 : i32
        %dma_wait3A_181 = tpu.memref_slice %arg5[%dma_wait3A, %dma_wait3A_180] : memref<8x128xi32, #tpu.memory_space<vmem>> -> memref<1x128xi32, #tpu.memory_space<vmem>>
        %dma_wait3A_182 = tpu.memref_squeeze %dma_wait3A_181 : memref<1x128xi32, #tpu.memory_space<vmem>> -> memref<128xi32, #tpu.memory_space<vmem>>
        %dma_wait3A_183 = tpu.memref_slice %arg3[%mul3A_179] : memref<1600000xi32, #tpu.memory_space<hbm>> -> memref<128xi32, #tpu.memory_space<hbm>>
        %dma_wait3A_184 = arith.constant 0 : i32
        %dma_wait3A_185 = tpu.memref_slice %arg5[%dma_wait3A, %dma_wait3A_184] : memref<8x128xi32, #tpu.memory_space<vmem>> -> memref<1x128xi32, #tpu.memory_space<vmem>>
        %dma_wait3A_186 = tpu.memref_squeeze %dma_wait3A_185 : memref<1x128xi32, #tpu.memory_space<vmem>> -> memref<128xi32, #tpu.memory_space<vmem>>
        %dma_wait3A_187 = tpu.memref_slice %arg3[%mul3A_179] : memref<1600000xi32, #tpu.memory_space<hbm>> -> memref<128xi32, #tpu.memory_space<hbm>>
        tpu.wait_dma2 semaphore(%arg7 : memref<!tpu.dma_semaphore, #tpu.memory_space<semaphore_mem>>) src(%dma_wait3A_187 : memref<128xi32, #tpu.memory_space<hbm>>) dst(%dma_wait3A_186 : memref<128xi32, #tpu.memory_space<vmem>>)
        %dma_start3A = arith.constant 2 : i32
        %dma_start3A_188 = arith.constant 2 : i32
        %dma_start3A_189 = arith.constant 0 : i32
        %dma_start3A_190 = arith.constant 0 : i32
        %dma_start3A_191 = tpu.memref_slice %arg6[%dma_start3A_188, %dma_start3A_189, %dma_start3A_190] : memref<8x128x16xf32, #tpu.memory_space<vmem>> -> memref<1x128x16xf32, #tpu.memory_space<vmem>>
        %dma_start3A_192 = tpu.memref_squeeze %dma_start3A_191 : memref<1x128x16xf32, #tpu.memory_space<vmem>> -> memref<128x16xf32, #tpu.memory_space<vmem>>
        %dma_start3A_193 = arith.constant 0 : i32
        %dma_start3A_194 = tpu.memref_slice %arg5[%dma_start3A, %dma_start3A_193] : memref<8x128xi32, #tpu.memory_space<vmem>> -> memref<1x128xi32, #tpu.memory_space<vmem>>
        %dma_start3A_195 = tpu.memref_squeeze %dma_start3A_194 : memref<1x128xi32, #tpu.memory_space<vmem>> -> memref<128xi32, #tpu.memory_space<vmem>>
        %dma_start3A_196 = arith.constant 0 : i32
        %dma_start3A_197 = arith.constant 0 : i32
        %dma_start3A_198 = tpu.memref_slice %arg2[%dma_start3A_196, %dma_start3A_197] : memref<50000x16xf32, #tpu.memory_space<hbm>> -> memref<50000x16xf32, #tpu.memory_space<hbm>>
        tpu.enqueue_indirect_dma source(%dma_start3A_198 : memref<50000x16xf32, #tpu.memory_space<hbm>>) target(%dma_start3A_192 : memref<128x16xf32, #tpu.memory_space<vmem>>) offsets(%dma_start3A_195 : memref<128xi32, #tpu.memory_space<vmem>>) semaphore(%arg8 : memref<!tpu.dma_semaphore, #tpu.memory_space<semaphore_mem>>)
      } else {
      }
      %add3A_86 = arith.constant 96 : i32
      %add3A_87 = arith.addi %add3A_11, %add3A_86 : i32
      %lt3A_88 = arith.constant 12500 : i32
      %lt3A_89 = arith.cmpi slt, %add3A_87, %lt3A_88 : i32
      %convert_element_type3A_90 = arith.extui %lt3A_89 : i1 to i32
      %cond3A_91 = arith.constant 0 : i32
      %cond3A_92 = arith.cmpi ne, %convert_element_type3A_90, %cond3A_91 : i32
      scf.if %cond3A_92 {
        %mul3A_178 = arith.constant 128 : i32
        %mul3A_179 = arith.muli %add3A_87, %mul3A_178 : i32
        %dma_wait3A = arith.constant 3 : i32
        %dma_wait3A_180 = arith.constant 0 : i32
        %dma_wait3A_181 = tpu.memref_slice %arg5[%dma_wait3A, %dma_wait3A_180] : memref<8x128xi32, #tpu.memory_space<vmem>> -> memref<1x128xi32, #tpu.memory_space<vmem>>
        %dma_wait3A_182 = tpu.memref_squeeze %dma_wait3A_181 : memref<1x128xi32, #tpu.memory_space<vmem>> -> memref<128xi32, #tpu.memory_space<vmem>>
        %dma_wait3A_183 = tpu.memref_slice %arg3[%mul3A_179] : memref<1600000xi32, #tpu.memory_space<hbm>> -> memref<128xi32, #tpu.memory_space<hbm>>
        %dma_wait3A_184 = arith.constant 0 : i32
        %dma_wait3A_185 = tpu.memref_slice %arg5[%dma_wait3A, %dma_wait3A_184] : memref<8x128xi32, #tpu.memory_space<vmem>> -> memref<1x128xi32, #tpu.memory_space<vmem>>
        %dma_wait3A_186 = tpu.memref_squeeze %dma_wait3A_185 : memref<1x128xi32, #tpu.memory_space<vmem>> -> memref<128xi32, #tpu.memory_space<vmem>>
        %dma_wait3A_187 = tpu.memref_slice %arg3[%mul3A_179] : memref<1600000xi32, #tpu.memory_space<hbm>> -> memref<128xi32, #tpu.memory_space<hbm>>
        tpu.wait_dma2 semaphore(%arg7 : memref<!tpu.dma_semaphore, #tpu.memory_space<semaphore_mem>>) src(%dma_wait3A_187 : memref<128xi32, #tpu.memory_space<hbm>>) dst(%dma_wait3A_186 : memref<128xi32, #tpu.memory_space<vmem>>)
        %dma_start3A = arith.constant 3 : i32
        %dma_start3A_188 = arith.constant 3 : i32
        %dma_start3A_189 = arith.constant 0 : i32
        %dma_start3A_190 = arith.constant 0 : i32
        %dma_start3A_191 = tpu.memref_slice %arg6[%dma_start3A_188, %dma_start3A_189, %dma_start3A_190] : memref<8x128x16xf32, #tpu.memory_space<vmem>> -> memref<1x128x16xf32, #tpu.memory_space<vmem>>
        %dma_start3A_192 = tpu.memref_squeeze %dma_start3A_191 : memref<1x128x16xf32, #tpu.memory_space<vmem>> -> memref<128x16xf32, #tpu.memory_space<vmem>>
        %dma_start3A_193 = arith.constant 0 : i32
        %dma_start3A_194 = tpu.memref_slice %arg5[%dma_start3A, %dma_start3A_193] : memref<8x128xi32, #tpu.memory_space<vmem>> -> memref<1x128xi32, #tpu.memory_space<vmem>>
        %dma_start3A_195 = tpu.memref_squeeze %dma_start3A_194 : memref<1x128xi32, #tpu.memory_space<vmem>> -> memref<128xi32, #tpu.memory_space<vmem>>
        %dma_start3A_196 = arith.constant 0 : i32
        %dma_start3A_197 = arith.constant 0 : i32
        %dma_start3A_198 = tpu.memref_slice %arg2[%dma_start3A_196, %dma_start3A_197] : memref<50000x16xf32, #tpu.memory_space<hbm>> -> memref<50000x16xf32, #tpu.memory_space<hbm>>
        tpu.enqueue_indirect_dma source(%dma_start3A_198 : memref<50000x16xf32, #tpu.memory_space<hbm>>) target(%dma_start3A_192 : memref<128x16xf32, #tpu.memory_space<vmem>>) offsets(%dma_start3A_195 : memref<128xi32, #tpu.memory_space<vmem>>) semaphore(%arg8 : memref<!tpu.dma_semaphore, #tpu.memory_space<semaphore_mem>>)
      } else {
      }
      %add3A_93 = arith.constant 128 : i32
      %add3A_94 = arith.addi %add3A_11, %add3A_93 : i32
      %lt3A_95 = arith.constant 12500 : i32
      %lt3A_96 = arith.cmpi slt, %add3A_94, %lt3A_95 : i32
      %convert_element_type3A_97 = arith.extui %lt3A_96 : i1 to i32
      %cond3A_98 = arith.constant 0 : i32
      %cond3A_99 = arith.cmpi ne, %convert_element_type3A_97, %cond3A_98 : i32
      scf.if %cond3A_99 {
        %mul3A_178 = arith.constant 128 : i32
        %mul3A_179 = arith.muli %add3A_94, %mul3A_178 : i32
        %dma_wait3A = arith.constant 4 : i32
        %dma_wait3A_180 = arith.constant 0 : i32
        %dma_wait3A_181 = tpu.memref_slice %arg5[%dma_wait3A, %dma_wait3A_180] : memref<8x128xi32, #tpu.memory_space<vmem>> -> memref<1x128xi32, #tpu.memory_space<vmem>>
        %dma_wait3A_182 = tpu.memref_squeeze %dma_wait3A_181 : memref<1x128xi32, #tpu.memory_space<vmem>> -> memref<128xi32, #tpu.memory_space<vmem>>
        %dma_wait3A_183 = tpu.memref_slice %arg3[%mul3A_179] : memref<1600000xi32, #tpu.memory_space<hbm>> -> memref<128xi32, #tpu.memory_space<hbm>>
        %dma_wait3A_184 = arith.constant 0 : i32
        %dma_wait3A_185 = tpu.memref_slice %arg5[%dma_wait3A, %dma_wait3A_184] : memref<8x128xi32, #tpu.memory_space<vmem>> -> memref<1x128xi32, #tpu.memory_space<vmem>>
        %dma_wait3A_186 = tpu.memref_squeeze %dma_wait3A_185 : memref<1x128xi32, #tpu.memory_space<vmem>> -> memref<128xi32, #tpu.memory_space<vmem>>
        %dma_wait3A_187 = tpu.memref_slice %arg3[%mul3A_179] : memref<1600000xi32, #tpu.memory_space<hbm>> -> memref<128xi32, #tpu.memory_space<hbm>>
        tpu.wait_dma2 semaphore(%arg7 : memref<!tpu.dma_semaphore, #tpu.memory_space<semaphore_mem>>) src(%dma_wait3A_187 : memref<128xi32, #tpu.memory_space<hbm>>) dst(%dma_wait3A_186 : memref<128xi32, #tpu.memory_space<vmem>>)
        %dma_start3A = arith.constant 4 : i32
        %dma_start3A_188 = arith.constant 4 : i32
        %dma_start3A_189 = arith.constant 0 : i32
        %dma_start3A_190 = arith.constant 0 : i32
        %dma_start3A_191 = tpu.memref_slice %arg6[%dma_start3A_188, %dma_start3A_189, %dma_start3A_190] : memref<8x128x16xf32, #tpu.memory_space<vmem>> -> memref<1x128x16xf32, #tpu.memory_space<vmem>>
        %dma_start3A_192 = tpu.memref_squeeze %dma_start3A_191 : memref<1x128x16xf32, #tpu.memory_space<vmem>> -> memref<128x16xf32, #tpu.memory_space<vmem>>
        %dma_start3A_193 = arith.constant 0 : i32
        %dma_start3A_194 = tpu.memref_slice %arg5[%dma_start3A, %dma_start3A_193] : memref<8x128xi32, #tpu.memory_space<vmem>> -> memref<1x128xi32, #tpu.memory_space<vmem>>
        %dma_start3A_195 = tpu.memref_squeeze %dma_start3A_194 : memref<1x128xi32, #tpu.memory_space<vmem>> -> memref<128xi32, #tpu.memory_space<vmem>>
        %dma_start3A_196 = arith.constant 0 : i32
        %dma_start3A_197 = arith.constant 0 : i32
        %dma_start3A_198 = tpu.memref_slice %arg2[%dma_start3A_196, %dma_start3A_197] : memref<50000x16xf32, #tpu.memory_space<hbm>> -> memref<50000x16xf32, #tpu.memory_space<hbm>>
        tpu.enqueue_indirect_dma source(%dma_start3A_198 : memref<50000x16xf32, #tpu.memory_space<hbm>>) target(%dma_start3A_192 : memref<128x16xf32, #tpu.memory_space<vmem>>) offsets(%dma_start3A_195 : memref<128xi32, #tpu.memory_space<vmem>>) semaphore(%arg8 : memref<!tpu.dma_semaphore, #tpu.memory_space<semaphore_mem>>)
      } else {
      }
      %add3A_100 = arith.constant 160 : i32
      %add3A_101 = arith.addi %add3A_11, %add3A_100 : i32
      %lt3A_102 = arith.constant 12500 : i32
      %lt3A_103 = arith.cmpi slt, %add3A_101, %lt3A_102 : i32
      %convert_element_type3A_104 = arith.extui %lt3A_103 : i1 to i32
      %cond3A_105 = arith.constant 0 : i32
      %cond3A_106 = arith.cmpi ne, %convert_element_type3A_104, %cond3A_105 : i32
      scf.if %cond3A_106 {
        %mul3A_178 = arith.constant 128 : i32
        %mul3A_179 = arith.muli %add3A_101, %mul3A_178 : i32
        %dma_wait3A = arith.constant 5 : i32
        %dma_wait3A_180 = arith.constant 0 : i32
        %dma_wait3A_181 = tpu.memref_slice %arg5[%dma_wait3A, %dma_wait3A_180] : memref<8x128xi32, #tpu.memory_space<vmem>> -> memref<1x128xi32, #tpu.memory_space<vmem>>
        %dma_wait3A_182 = tpu.memref_squeeze %dma_wait3A_181 : memref<1x128xi32, #tpu.memory_space<vmem>> -> memref<128xi32, #tpu.memory_space<vmem>>
        %dma_wait3A_183 = tpu.memref_slice %arg3[%mul3A_179] : memref<1600000xi32, #tpu.memory_space<hbm>> -> memref<128xi32, #tpu.memory_space<hbm>>
        %dma_wait3A_184 = arith.constant 0 : i32
        %dma_wait3A_185 = tpu.memref_slice %arg5[%dma_wait3A, %dma_wait3A_184] : memref<8x128xi32, #tpu.memory_space<vmem>> -> memref<1x128xi32, #tpu.memory_space<vmem>>
        %dma_wait3A_186 = tpu.memref_squeeze %dma_wait3A_185 : memref<1x128xi32, #tpu.memory_space<vmem>> -> memref<128xi32, #tpu.memory_space<vmem>>
        %dma_wait3A_187 = tpu.memref_slice %arg3[%mul3A_179] : memref<1600000xi32, #tpu.memory_space<hbm>> -> memref<128xi32, #tpu.memory_space<hbm>>
        tpu.wait_dma2 semaphore(%arg7 : memref<!tpu.dma_semaphore, #tpu.memory_space<semaphore_mem>>) src(%dma_wait3A_187 : memref<128xi32, #tpu.memory_space<hbm>>) dst(%dma_wait3A_186 : memref<128xi32, #tpu.memory_space<vmem>>)
        %dma_start3A = arith.constant 5 : i32
        %dma_start3A_188 = arith.constant 5 : i32
        %dma_start3A_189 = arith.constant 0 : i32
        %dma_start3A_190 = arith.constant 0 : i32
        %dma_start3A_191 = tpu.memref_slice %arg6[%dma_start3A_188, %dma_start3A_189, %dma_start3A_190] : memref<8x128x16xf32, #tpu.memory_space<vmem>> -> memref<1x128x16xf32, #tpu.memory_space<vmem>>
        %dma_start3A_192 = tpu.memref_squeeze %dma_start3A_191 : memref<1x128x16xf32, #tpu.memory_space<vmem>> -> memref<128x16xf32, #tpu.memory_space<vmem>>
        %dma_start3A_193 = arith.constant 0 : i32
        %dma_start3A_194 = tpu.memref_slice %arg5[%dma_start3A, %dma_start3A_193] : memref<8x128xi32, #tpu.memory_space<vmem>> -> memref<1x128xi32, #tpu.memory_space<vmem>>
        %dma_start3A_195 = tpu.memref_squeeze %dma_start3A_194 : memref<1x128xi32, #tpu.memory_space<vmem>> -> memref<128xi32, #tpu.memory_space<vmem>>
        %dma_start3A_196 = arith.constant 0 : i32
        %dma_start3A_197 = arith.constant 0 : i32
        %dma_start3A_198 = tpu.memref_slice %arg2[%dma_start3A_196, %dma_start3A_197] : memref<50000x16xf32, #tpu.memory_space<hbm>> -> memref<50000x16xf32, #tpu.memory_space<hbm>>
        tpu.enqueue_indirect_dma source(%dma_start3A_198 : memref<50000x16xf32, #tpu.memory_space<hbm>>) target(%dma_start3A_192 : memref<128x16xf32, #tpu.memory_space<vmem>>) offsets(%dma_start3A_195 : memref<128xi32, #tpu.memory_space<vmem>>) semaphore(%arg8 : memref<!tpu.dma_semaphore, #tpu.memory_space<semaphore_mem>>)
      } else {
      }
      %add3A_107 = arith.constant 192 : i32
      %add3A_108 = arith.addi %add3A_11, %add3A_107 : i32
      %lt3A_109 = arith.constant 12500 : i32
      %lt3A_110 = arith.cmpi slt, %add3A_108, %lt3A_109 : i32
      %convert_element_type3A_111 = arith.extui %lt3A_110 : i1 to i32
      %cond3A_112 = arith.constant 0 : i32
      %cond3A_113 = arith.cmpi ne, %convert_element_type3A_111, %cond3A_112 : i32
      scf.if %cond3A_113 {
        %mul3A_178 = arith.constant 128 : i32
        %mul3A_179 = arith.muli %add3A_108, %mul3A_178 : i32
        %dma_wait3A = arith.constant 6 : i32
        %dma_wait3A_180 = arith.constant 0 : i32
        %dma_wait3A_181 = tpu.memref_slice %arg5[%dma_wait3A, %dma_wait3A_180] : memref<8x128xi32, #tpu.memory_space<vmem>> -> memref<1x128xi32, #tpu.memory_space<vmem>>
        %dma_wait3A_182 = tpu.memref_squeeze %dma_wait3A_181 : memref<1x128xi32, #tpu.memory_space<vmem>> -> memref<128xi32, #tpu.memory_space<vmem>>
        %dma_wait3A_183 = tpu.memref_slice %arg3[%mul3A_179] : memref<1600000xi32, #tpu.memory_space<hbm>> -> memref<128xi32, #tpu.memory_space<hbm>>
        %dma_wait3A_184 = arith.constant 0 : i32
        %dma_wait3A_185 = tpu.memref_slice %arg5[%dma_wait3A, %dma_wait3A_184] : memref<8x128xi32, #tpu.memory_space<vmem>> -> memref<1x128xi32, #tpu.memory_space<vmem>>
        %dma_wait3A_186 = tpu.memref_squeeze %dma_wait3A_185 : memref<1x128xi32, #tpu.memory_space<vmem>> -> memref<128xi32, #tpu.memory_space<vmem>>
        %dma_wait3A_187 = tpu.memref_slice %arg3[%mul3A_179] : memref<1600000xi32, #tpu.memory_space<hbm>> -> memref<128xi32, #tpu.memory_space<hbm>>
        tpu.wait_dma2 semaphore(%arg7 : memref<!tpu.dma_semaphore, #tpu.memory_space<semaphore_mem>>) src(%dma_wait3A_187 : memref<128xi32, #tpu.memory_space<hbm>>) dst(%dma_wait3A_186 : memref<128xi32, #tpu.memory_space<vmem>>)
        %dma_start3A = arith.constant 6 : i32
        %dma_start3A_188 = arith.constant 6 : i32
        %dma_start3A_189 = arith.constant 0 : i32
        %dma_start3A_190 = arith.constant 0 : i32
        %dma_start3A_191 = tpu.memref_slice %arg6[%dma_start3A_188, %dma_start3A_189, %dma_start3A_190] : memref<8x128x16xf32, #tpu.memory_space<vmem>> -> memref<1x128x16xf32, #tpu.memory_space<vmem>>
        %dma_start3A_192 = tpu.memref_squeeze %dma_start3A_191 : memref<1x128x16xf32, #tpu.memory_space<vmem>> -> memref<128x16xf32, #tpu.memory_space<vmem>>
        %dma_start3A_193 = arith.constant 0 : i32
        %dma_start3A_194 = tpu.memref_slice %arg5[%dma_start3A, %dma_start3A_193] : memref<8x128xi32, #tpu.memory_space<vmem>> -> memref<1x128xi32, #tpu.memory_space<vmem>>
        %dma_start3A_195 = tpu.memref_squeeze %dma_start3A_194 : memref<1x128xi32, #tpu.memory_space<vmem>> -> memref<128xi32, #tpu.memory_space<vmem>>
        %dma_start3A_196 = arith.constant 0 : i32
        %dma_start3A_197 = arith.constant 0 : i32
        %dma_start3A_198 = tpu.memref_slice %arg2[%dma_start3A_196, %dma_start3A_197] : memref<50000x16xf32, #tpu.memory_space<hbm>> -> memref<50000x16xf32, #tpu.memory_space<hbm>>
        tpu.enqueue_indirect_dma source(%dma_start3A_198 : memref<50000x16xf32, #tpu.memory_space<hbm>>) target(%dma_start3A_192 : memref<128x16xf32, #tpu.memory_space<vmem>>) offsets(%dma_start3A_195 : memref<128xi32, #tpu.memory_space<vmem>>) semaphore(%arg8 : memref<!tpu.dma_semaphore, #tpu.memory_space<semaphore_mem>>)
      } else {
      }
      %add3A_114 = arith.constant 224 : i32
      %add3A_115 = arith.addi %add3A_11, %add3A_114 : i32
      %lt3A_116 = arith.constant 12500 : i32
      %lt3A_117 = arith.cmpi slt, %add3A_115, %lt3A_116 : i32
      %convert_element_type3A_118 = arith.extui %lt3A_117 : i1 to i32
      %cond3A_119 = arith.constant 0 : i32
      %cond3A_120 = arith.cmpi ne, %convert_element_type3A_118, %cond3A_119 : i32
      scf.if %cond3A_120 {
        %mul3A_178 = arith.constant 128 : i32
        %mul3A_179 = arith.muli %add3A_115, %mul3A_178 : i32
        %dma_wait3A = arith.constant 7 : i32
        %dma_wait3A_180 = arith.constant 0 : i32
        %dma_wait3A_181 = tpu.memref_slice %arg5[%dma_wait3A, %dma_wait3A_180] : memref<8x128xi32, #tpu.memory_space<vmem>> -> memref<1x128xi32, #tpu.memory_space<vmem>>
        %dma_wait3A_182 = tpu.memref_squeeze %dma_wait3A_181 : memref<1x128xi32, #tpu.memory_space<vmem>> -> memref<128xi32, #tpu.memory_space<vmem>>
        %dma_wait3A_183 = tpu.memref_slice %arg3[%mul3A_179] : memref<1600000xi32, #tpu.memory_space<hbm>> -> memref<128xi32, #tpu.memory_space<hbm>>
        %dma_wait3A_184 = arith.constant 0 : i32
        %dma_wait3A_185 = tpu.memref_slice %arg5[%dma_wait3A, %dma_wait3A_184] : memref<8x128xi32, #tpu.memory_space<vmem>> -> memref<1x128xi32, #tpu.memory_space<vmem>>
        %dma_wait3A_186 = tpu.memref_squeeze %dma_wait3A_185 : memref<1x128xi32, #tpu.memory_space<vmem>> -> memref<128xi32, #tpu.memory_space<vmem>>
        %dma_wait3A_187 = tpu.memref_slice %arg3[%mul3A_179] : memref<1600000xi32, #tpu.memory_space<hbm>> -> memref<128xi32, #tpu.memory_space<hbm>>
        tpu.wait_dma2 semaphore(%arg7 : memref<!tpu.dma_semaphore, #tpu.memory_space<semaphore_mem>>) src(%dma_wait3A_187 : memref<128xi32, #tpu.memory_space<hbm>>) dst(%dma_wait3A_186 : memref<128xi32, #tpu.memory_space<vmem>>)
        %dma_start3A = arith.constant 7 : i32
        %dma_start3A_188 = arith.constant 7 : i32
        %dma_start3A_189 = arith.constant 0 : i32
        %dma_start3A_190 = arith.constant 0 : i32
        %dma_start3A_191 = tpu.memref_slice %arg6[%dma_start3A_188, %dma_start3A_189, %dma_start3A_190] : memref<8x128x16xf32, #tpu.memory_space<vmem>> -> memref<1x128x16xf32, #tpu.memory_space<vmem>>
        %dma_start3A_192 = tpu.memref_squeeze %dma_start3A_191 : memref<1x128x16xf32, #tpu.memory_space<vmem>> -> memref<128x16xf32, #tpu.memory_space<vmem>>
        %dma_start3A_193 = arith.constant 0 : i32
        %dma_start3A_194 = tpu.memref_slice %arg5[%dma_start3A, %dma_start3A_193] : memref<8x128xi32, #tpu.memory_space<vmem>> -> memref<1x128xi32, #tpu.memory_space<vmem>>
        %dma_start3A_195 = tpu.memref_squeeze %dma_start3A_194 : memref<1x128xi32, #tpu.memory_space<vmem>> -> memref<128xi32, #tpu.memory_space<vmem>>
        %dma_start3A_196 = arith.constant 0 : i32
        %dma_start3A_197 = arith.constant 0 : i32
        %dma_start3A_198 = tpu.memref_slice %arg2[%dma_start3A_196, %dma_start3A_197] : memref<50000x16xf32, #tpu.memory_space<hbm>> -> memref<50000x16xf32, #tpu.memory_space<hbm>>
        tpu.enqueue_indirect_dma source(%dma_start3A_198 : memref<50000x16xf32, #tpu.memory_space<hbm>>) target(%dma_start3A_192 : memref<128x16xf32, #tpu.memory_space<vmem>>) offsets(%dma_start3A_195 : memref<128xi32, #tpu.memory_space<vmem>>) semaphore(%arg8 : memref<!tpu.dma_semaphore, #tpu.memory_space<semaphore_mem>>)
      } else {
      }
      %add3A_121 = arith.constant 0 : i32
      %add3A_122 = arith.addi %add3A_11, %add3A_121 : i32
      %lt3A_123 = arith.constant 12500 : i32
      %lt3A_124 = arith.cmpi slt, %add3A_122, %lt3A_123 : i32
      %convert_element_type3A_125 = arith.extui %lt3A_124 : i1 to i32
      %cond3A_126 = arith.constant 0 : i32
      %cond3A_127 = arith.cmpi ne, %convert_element_type3A_125, %cond3A_126 : i32
      scf.if %cond3A_127 {
        %dma_wait3A = arith.constant 0 : i32
        %dma_wait3A_178 = arith.constant 0 : i32
        %dma_wait3A_179 = arith.constant 0 : i32
        %dma_wait3A_180 = arith.constant 0 : i32
        %dma_wait3A_181 = tpu.memref_slice %arg6[%dma_wait3A_178, %dma_wait3A_179, %dma_wait3A_180] : memref<8x128x16xf32, #tpu.memory_space<vmem>> -> memref<1x128x16xf32, #tpu.memory_space<vmem>>
        %dma_wait3A_182 = tpu.memref_squeeze %dma_wait3A_181 : memref<1x128x16xf32, #tpu.memory_space<vmem>> -> memref<128x16xf32, #tpu.memory_space<vmem>>
        %dma_wait3A_183 = arith.constant 0 : i32
        %dma_wait3A_184 = tpu.memref_slice %arg5[%dma_wait3A, %dma_wait3A_183] : memref<8x128xi32, #tpu.memory_space<vmem>> -> memref<1x128xi32, #tpu.memory_space<vmem>>
        %dma_wait3A_185 = tpu.memref_squeeze %dma_wait3A_184 : memref<1x128xi32, #tpu.memory_space<vmem>> -> memref<128xi32, #tpu.memory_space<vmem>>
        %dma_wait3A_186 = arith.constant 0 : i32
        %dma_wait3A_187 = arith.constant 0 : i32
        %dma_wait3A_188 = tpu.memref_slice %arg2[%dma_wait3A_186, %dma_wait3A_187] : memref<50000x16xf32, #tpu.memory_space<hbm>> -> memref<50000x16xf32, #tpu.memory_space<hbm>>
        tpu.wait_indirect_dma semaphore(%arg8 : memref<!tpu.dma_semaphore, #tpu.memory_space<semaphore_mem>>) src(%dma_wait3A_188 : memref<50000x16xf32, #tpu.memory_space<hbm>>) dst(%dma_wait3A_182 : memref<128x16xf32, #tpu.memory_space<vmem>>)
        %run_scoped3A = arith.constant 0 : i32
        "tpu.region"() ({
          %run_scoped3A_189 = tpu.sem_alloc : memref<!tpu.dma_semaphore, #tpu.memory_space<semaphore_mem>>
          %dma_start3A = arith.constant 0 : i32
          %dma_start3A_190 = arith.constant 0 : i32
          %dma_start3A_191 = tpu.memref_slice %arg6[%run_scoped3A, %dma_start3A, %dma_start3A_190] : memref<8x128x16xf32, #tpu.memory_space<vmem>> -> memref<1x128x16xf32, #tpu.memory_space<vmem>>
          %dma_start3A_192 = tpu.memref_squeeze %dma_start3A_191 : memref<1x128x16xf32, #tpu.memory_space<vmem>> -> memref<128x16xf32, #tpu.memory_space<vmem>>
          %dma_start3A_193 = arith.constant 0 : i32
          %dma_start3A_194 = arith.constant 0 : i32
          %dma_start3A_195 = tpu.memref_slice %arg4[%add3A_122, %dma_start3A_193, %dma_start3A_194] : memref<12500x128x16xf32, #tpu.memory_space<hbm>> -> memref<1x128x16xf32, #tpu.memory_space<hbm>>
          %dma_start3A_196 = tpu.memref_squeeze %dma_start3A_195 : memref<1x128x16xf32, #tpu.memory_space<hbm>> -> memref<128x16xf32, #tpu.memory_space<hbm>>
          %dma_start3A_197 = arith.constant 0 : i32
          %dma_start3A_198 = arith.constant 0 : i32
          %dma_start3A_199 = tpu.memref_slice %arg4[%add3A_122, %dma_start3A_197, %dma_start3A_198] : memref<12500x128x16xf32, #tpu.memory_space<hbm>> -> memref<1x128x16xf32, #tpu.memory_space<hbm>>
          %dma_start3A_200 = tpu.memref_squeeze %dma_start3A_199 : memref<1x128x16xf32, #tpu.memory_space<hbm>> -> memref<128x16xf32, #tpu.memory_space<hbm>>
          %dma_start3A_201 = arith.constant 0 : i32
          %dma_start3A_202 = arith.constant 0 : i32
          %dma_start3A_203 = tpu.memref_slice %arg6[%run_scoped3A, %dma_start3A_201, %dma_start3A_202] : memref<8x128x16xf32, #tpu.memory_space<vmem>> -> memref<1x128x16xf32, #tpu.memory_space<vmem>>
          %dma_start3A_204 = tpu.memref_squeeze %dma_start3A_203 : memref<1x128x16xf32, #tpu.memory_space<vmem>> -> memref<128x16xf32, #tpu.memory_space<vmem>>
          tpu.enqueue_dma source(%dma_start3A_204 : memref<128x16xf32, #tpu.memory_space<vmem>>) target(%dma_start3A_200 : memref<128x16xf32, #tpu.memory_space<hbm>>) target_semaphore(%run_scoped3A_189 : memref<!tpu.dma_semaphore, #tpu.memory_space<semaphore_mem>>)
          %dma_wait3A_205 = arith.constant 0 : i32
          %dma_wait3A_206 = arith.constant 0 : i32
          %dma_wait3A_207 = tpu.memref_slice %arg6[%run_scoped3A, %dma_wait3A_205, %dma_wait3A_206] : memref<8x128x16xf32, #tpu.memory_space<vmem>> -> memref<1x128x16xf32, #tpu.memory_space<vmem>>
          %dma_wait3A_208 = tpu.memref_squeeze %dma_wait3A_207 : memref<1x128x16xf32, #tpu.memory_space<vmem>> -> memref<128x16xf32, #tpu.memory_space<vmem>>
          %dma_wait3A_209 = arith.constant 0 : i32
          %dma_wait3A_210 = arith.constant 0 : i32
          %dma_wait3A_211 = tpu.memref_slice %arg4[%add3A_122, %dma_wait3A_209, %dma_wait3A_210] : memref<12500x128x16xf32, #tpu.memory_space<hbm>> -> memref<1x128x16xf32, #tpu.memory_space<hbm>>
          %dma_wait3A_212 = tpu.memref_squeeze %dma_wait3A_211 : memref<1x128x16xf32, #tpu.memory_space<hbm>> -> memref<128x16xf32, #tpu.memory_space<hbm>>
          %dma_wait3A_213 = arith.constant 0 : i32
          %dma_wait3A_214 = arith.constant 0 : i32
          %dma_wait3A_215 = tpu.memref_slice %arg4[%add3A_122, %dma_wait3A_213, %dma_wait3A_214] : memref<12500x128x16xf32, #tpu.memory_space<hbm>> -> memref<1x128x16xf32, #tpu.memory_space<hbm>>
          %dma_wait3A_216 = tpu.memref_squeeze %dma_wait3A_215 : memref<1x128x16xf32, #tpu.memory_space<hbm>> -> memref<128x16xf32, #tpu.memory_space<hbm>>
          %dma_wait3A_217 = arith.constant 0 : i32
          %dma_wait3A_218 = arith.constant 0 : i32
          %dma_wait3A_219 = tpu.memref_slice %arg6[%run_scoped3A, %dma_wait3A_217, %dma_wait3A_218] : memref<8x128x16xf32, #tpu.memory_space<vmem>> -> memref<1x128x16xf32, #tpu.memory_space<vmem>>
          %dma_wait3A_220 = tpu.memref_squeeze %dma_wait3A_219 : memref<1x128x16xf32, #tpu.memory_space<vmem>> -> memref<128x16xf32, #tpu.memory_space<vmem>>
          tpu.wait_dma2 semaphore(%run_scoped3A_189 : memref<!tpu.dma_semaphore, #tpu.memory_space<semaphore_mem>>) src(%dma_wait3A_220 : memref<128x16xf32, #tpu.memory_space<vmem>>) dst(%dma_wait3A_216 : memref<128x16xf32, #tpu.memory_space<hbm>>)
          tpu.yield
        }) : () -> ()
      } else {
      }
      %add3A_128 = arith.constant 32 : i32
      %add3A_129 = arith.addi %add3A_11, %add3A_128 : i32
      %lt3A_130 = arith.constant 12500 : i32
      %lt3A_131 = arith.cmpi slt, %add3A_129, %lt3A_130 : i32
      %convert_element_type3A_132 = arith.extui %lt3A_131 : i1 to i32
      %cond3A_133 = arith.constant 0 : i32
      %cond3A_134 = arith.cmpi ne, %convert_element_type3A_132, %cond3A_133 : i32
      scf.if %cond3A_134 {
        %dma_wait3A = arith.constant 1 : i32
        %dma_wait3A_178 = arith.constant 1 : i32
        %dma_wait3A_179 = arith.constant 0 : i32
        %dma_wait3A_180 = arith.constant 0 : i32
        %dma_wait3A_181 = tpu.memref_slice %arg6[%dma_wait3A_178, %dma_wait3A_179, %dma_wait3A_180] : memref<8x128x16xf32, #tpu.memory_space<vmem>> -> memref<1x128x16xf32, #tpu.memory_space<vmem>>
        %dma_wait3A_182 = tpu.memref_squeeze %dma_wait3A_181 : memref<1x128x16xf32, #tpu.memory_space<vmem>> -> memref<128x16xf32, #tpu.memory_space<vmem>>
        %dma_wait3A_183 = arith.constant 0 : i32
        %dma_wait3A_184 = tpu.memref_slice %arg5[%dma_wait3A, %dma_wait3A_183] : memref<8x128xi32, #tpu.memory_space<vmem>> -> memref<1x128xi32, #tpu.memory_space<vmem>>
        %dma_wait3A_185 = tpu.memref_squeeze %dma_wait3A_184 : memref<1x128xi32, #tpu.memory_space<vmem>> -> memref<128xi32, #tpu.memory_space<vmem>>
        %dma_wait3A_186 = arith.constant 0 : i32
        %dma_wait3A_187 = arith.constant 0 : i32
        %dma_wait3A_188 = tpu.memref_slice %arg2[%dma_wait3A_186, %dma_wait3A_187] : memref<50000x16xf32, #tpu.memory_space<hbm>> -> memref<50000x16xf32, #tpu.memory_space<hbm>>
        tpu.wait_indirect_dma semaphore(%arg8 : memref<!tpu.dma_semaphore, #tpu.memory_space<semaphore_mem>>) src(%dma_wait3A_188 : memref<50000x16xf32, #tpu.memory_space<hbm>>) dst(%dma_wait3A_182 : memref<128x16xf32, #tpu.memory_space<vmem>>)
        %run_scoped3A = arith.constant 1 : i32
        "tpu.region"() ({
          %run_scoped3A_189 = tpu.sem_alloc : memref<!tpu.dma_semaphore, #tpu.memory_space<semaphore_mem>>
          %dma_start3A = arith.constant 0 : i32
          %dma_start3A_190 = arith.constant 0 : i32
          %dma_start3A_191 = tpu.memref_slice %arg6[%run_scoped3A, %dma_start3A, %dma_start3A_190] : memref<8x128x16xf32, #tpu.memory_space<vmem>> -> memref<1x128x16xf32, #tpu.memory_space<vmem>>
          %dma_start3A_192 = tpu.memref_squeeze %dma_start3A_191 : memref<1x128x16xf32, #tpu.memory_space<vmem>> -> memref<128x16xf32, #tpu.memory_space<vmem>>
          %dma_start3A_193 = arith.constant 0 : i32
          %dma_start3A_194 = arith.constant 0 : i32
          %dma_start3A_195 = tpu.memref_slice %arg4[%add3A_129, %dma_start3A_193, %dma_start3A_194] : memref<12500x128x16xf32, #tpu.memory_space<hbm>> -> memref<1x128x16xf32, #tpu.memory_space<hbm>>
          %dma_start3A_196 = tpu.memref_squeeze %dma_start3A_195 : memref<1x128x16xf32, #tpu.memory_space<hbm>> -> memref<128x16xf32, #tpu.memory_space<hbm>>
          %dma_start3A_197 = arith.constant 0 : i32
          %dma_start3A_198 = arith.constant 0 : i32
          %dma_start3A_199 = tpu.memref_slice %arg4[%add3A_129, %dma_start3A_197, %dma_start3A_198] : memref<12500x128x16xf32, #tpu.memory_space<hbm>> -> memref<1x128x16xf32, #tpu.memory_space<hbm>>
          %dma_start3A_200 = tpu.memref_squeeze %dma_start3A_199 : memref<1x128x16xf32, #tpu.memory_space<hbm>> -> memref<128x16xf32, #tpu.memory_space<hbm>>
          %dma_start3A_201 = arith.constant 0 : i32
          %dma_start3A_202 = arith.constant 0 : i32
          %dma_start3A_203 = tpu.memref_slice %arg6[%run_scoped3A, %dma_start3A_201, %dma_start3A_202] : memref<8x128x16xf32, #tpu.memory_space<vmem>> -> memref<1x128x16xf32, #tpu.memory_space<vmem>>
          %dma_start3A_204 = tpu.memref_squeeze %dma_start3A_203 : memref<1x128x16xf32, #tpu.memory_space<vmem>> -> memref<128x16xf32, #tpu.memory_space<vmem>>
          tpu.enqueue_dma source(%dma_start3A_204 : memref<128x16xf32, #tpu.memory_space<vmem>>) target(%dma_start3A_200 : memref<128x16xf32, #tpu.memory_space<hbm>>) target_semaphore(%run_scoped3A_189 : memref<!tpu.dma_semaphore, #tpu.memory_space<semaphore_mem>>)
          %dma_wait3A_205 = arith.constant 0 : i32
          %dma_wait3A_206 = arith.constant 0 : i32
          %dma_wait3A_207 = tpu.memref_slice %arg6[%run_scoped3A, %dma_wait3A_205, %dma_wait3A_206] : memref<8x128x16xf32, #tpu.memory_space<vmem>> -> memref<1x128x16xf32, #tpu.memory_space<vmem>>
          %dma_wait3A_208 = tpu.memref_squeeze %dma_wait3A_207 : memref<1x128x16xf32, #tpu.memory_space<vmem>> -> memref<128x16xf32, #tpu.memory_space<vmem>>
          %dma_wait3A_209 = arith.constant 0 : i32
          %dma_wait3A_210 = arith.constant 0 : i32
          %dma_wait3A_211 = tpu.memref_slice %arg4[%add3A_129, %dma_wait3A_209, %dma_wait3A_210] : memref<12500x128x16xf32, #tpu.memory_space<hbm>> -> memref<1x128x16xf32, #tpu.memory_space<hbm>>
          %dma_wait3A_212 = tpu.memref_squeeze %dma_wait3A_211 : memref<1x128x16xf32, #tpu.memory_space<hbm>> -> memref<128x16xf32, #tpu.memory_space<hbm>>
          %dma_wait3A_213 = arith.constant 0 : i32
          %dma_wait3A_214 = arith.constant 0 : i32
          %dma_wait3A_215 = tpu.memref_slice %arg4[%add3A_129, %dma_wait3A_213, %dma_wait3A_214] : memref<12500x128x16xf32, #tpu.memory_space<hbm>> -> memref<1x128x16xf32, #tpu.memory_space<hbm>>
          %dma_wait3A_216 = tpu.memref_squeeze %dma_wait3A_215 : memref<1x128x16xf32, #tpu.memory_space<hbm>> -> memref<128x16xf32, #tpu.memory_space<hbm>>
          %dma_wait3A_217 = arith.constant 0 : i32
          %dma_wait3A_218 = arith.constant 0 : i32
          %dma_wait3A_219 = tpu.memref_slice %arg6[%run_scoped3A, %dma_wait3A_217, %dma_wait3A_218] : memref<8x128x16xf32, #tpu.memory_space<vmem>> -> memref<1x128x16xf32, #tpu.memory_space<vmem>>
          %dma_wait3A_220 = tpu.memref_squeeze %dma_wait3A_219 : memref<1x128x16xf32, #tpu.memory_space<vmem>> -> memref<128x16xf32, #tpu.memory_space<vmem>>
          tpu.wait_dma2 semaphore(%run_scoped3A_189 : memref<!tpu.dma_semaphore, #tpu.memory_space<semaphore_mem>>) src(%dma_wait3A_220 : memref<128x16xf32, #tpu.memory_space<vmem>>) dst(%dma_wait3A_216 : memref<128x16xf32, #tpu.memory_space<hbm>>)
          tpu.yield
        }) : () -> ()
      } else {
      }
      %add3A_135 = arith.constant 64 : i32
      %add3A_136 = arith.addi %add3A_11, %add3A_135 : i32
      %lt3A_137 = arith.constant 12500 : i32
      %lt3A_138 = arith.cmpi slt, %add3A_136, %lt3A_137 : i32
      %convert_element_type3A_139 = arith.extui %lt3A_138 : i1 to i32
      %cond3A_140 = arith.constant 0 : i32
      %cond3A_141 = arith.cmpi ne, %convert_element_type3A_139, %cond3A_140 : i32
      scf.if %cond3A_141 {
        %dma_wait3A = arith.constant 2 : i32
        %dma_wait3A_178 = arith.constant 2 : i32
        %dma_wait3A_179 = arith.constant 0 : i32
        %dma_wait3A_180 = arith.constant 0 : i32
        %dma_wait3A_181 = tpu.memref_slice %arg6[%dma_wait3A_178, %dma_wait3A_179, %dma_wait3A_180] : memref<8x128x16xf32, #tpu.memory_space<vmem>> -> memref<1x128x16xf32, #tpu.memory_space<vmem>>
        %dma_wait3A_182 = tpu.memref_squeeze %dma_wait3A_181 : memref<1x128x16xf32, #tpu.memory_space<vmem>> -> memref<128x16xf32, #tpu.memory_space<vmem>>
        %dma_wait3A_183 = arith.constant 0 : i32
        %dma_wait3A_184 = tpu.memref_slice %arg5[%dma_wait3A, %dma_wait3A_183] : memref<8x128xi32, #tpu.memory_space<vmem>> -> memref<1x128xi32, #tpu.memory_space<vmem>>
        %dma_wait3A_185 = tpu.memref_squeeze %dma_wait3A_184 : memref<1x128xi32, #tpu.memory_space<vmem>> -> memref<128xi32, #tpu.memory_space<vmem>>
        %dma_wait3A_186 = arith.constant 0 : i32
        %dma_wait3A_187 = arith.constant 0 : i32
        %dma_wait3A_188 = tpu.memref_slice %arg2[%dma_wait3A_186, %dma_wait3A_187] : memref<50000x16xf32, #tpu.memory_space<hbm>> -> memref<50000x16xf32, #tpu.memory_space<hbm>>
        tpu.wait_indirect_dma semaphore(%arg8 : memref<!tpu.dma_semaphore, #tpu.memory_space<semaphore_mem>>) src(%dma_wait3A_188 : memref<50000x16xf32, #tpu.memory_space<hbm>>) dst(%dma_wait3A_182 : memref<128x16xf32, #tpu.memory_space<vmem>>)
        %run_scoped3A = arith.constant 2 : i32
        "tpu.region"() ({
          %run_scoped3A_189 = tpu.sem_alloc : memref<!tpu.dma_semaphore, #tpu.memory_space<semaphore_mem>>
          %dma_start3A = arith.constant 0 : i32
          %dma_start3A_190 = arith.constant 0 : i32
          %dma_start3A_191 = tpu.memref_slice %arg6[%run_scoped3A, %dma_start3A, %dma_start3A_190] : memref<8x128x16xf32, #tpu.memory_space<vmem>> -> memref<1x128x16xf32, #tpu.memory_space<vmem>>
          %dma_start3A_192 = tpu.memref_squeeze %dma_start3A_191 : memref<1x128x16xf32, #tpu.memory_space<vmem>> -> memref<128x16xf32, #tpu.memory_space<vmem>>
          %dma_start3A_193 = arith.constant 0 : i32
          %dma_start3A_194 = arith.constant 0 : i32
          %dma_start3A_195 = tpu.memref_slice %arg4[%add3A_136, %dma_start3A_193, %dma_start3A_194] : memref<12500x128x16xf32, #tpu.memory_space<hbm>> -> memref<1x128x16xf32, #tpu.memory_space<hbm>>
          %dma_start3A_196 = tpu.memref_squeeze %dma_start3A_195 : memref<1x128x16xf32, #tpu.memory_space<hbm>> -> memref<128x16xf32, #tpu.memory_space<hbm>>
          %dma_start3A_197 = arith.constant 0 : i32
          %dma_start3A_198 = arith.constant 0 : i32
          %dma_start3A_199 = tpu.memref_slice %arg4[%add3A_136, %dma_start3A_197, %dma_start3A_198] : memref<12500x128x16xf32, #tpu.memory_space<hbm>> -> memref<1x128x16xf32, #tpu.memory_space<hbm>>
          %dma_start3A_200 = tpu.memref_squeeze %dma_start3A_199 : memref<1x128x16xf32, #tpu.memory_space<hbm>> -> memref<128x16xf32, #tpu.memory_space<hbm>>
          %dma_start3A_201 = arith.constant 0 : i32
          %dma_start3A_202 = arith.constant 0 : i32
          %dma_start3A_203 = tpu.memref_slice %arg6[%run_scoped3A, %dma_start3A_201, %dma_start3A_202] : memref<8x128x16xf32, #tpu.memory_space<vmem>> -> memref<1x128x16xf32, #tpu.memory_space<vmem>>
          %dma_start3A_204 = tpu.memref_squeeze %dma_start3A_203 : memref<1x128x16xf32, #tpu.memory_space<vmem>> -> memref<128x16xf32, #tpu.memory_space<vmem>>
          tpu.enqueue_dma source(%dma_start3A_204 : memref<128x16xf32, #tpu.memory_space<vmem>>) target(%dma_start3A_200 : memref<128x16xf32, #tpu.memory_space<hbm>>) target_semaphore(%run_scoped3A_189 : memref<!tpu.dma_semaphore, #tpu.memory_space<semaphore_mem>>)
          %dma_wait3A_205 = arith.constant 0 : i32
          %dma_wait3A_206 = arith.constant 0 : i32
          %dma_wait3A_207 = tpu.memref_slice %arg6[%run_scoped3A, %dma_wait3A_205, %dma_wait3A_206] : memref<8x128x16xf32, #tpu.memory_space<vmem>> -> memref<1x128x16xf32, #tpu.memory_space<vmem>>
          %dma_wait3A_208 = tpu.memref_squeeze %dma_wait3A_207 : memref<1x128x16xf32, #tpu.memory_space<vmem>> -> memref<128x16xf32, #tpu.memory_space<vmem>>
          %dma_wait3A_209 = arith.constant 0 : i32
          %dma_wait3A_210 = arith.constant 0 : i32
          %dma_wait3A_211 = tpu.memref_slice %arg4[%add3A_136, %dma_wait3A_209, %dma_wait3A_210] : memref<12500x128x16xf32, #tpu.memory_space<hbm>> -> memref<1x128x16xf32, #tpu.memory_space<hbm>>
          %dma_wait3A_212 = tpu.memref_squeeze %dma_wait3A_211 : memref<1x128x16xf32, #tpu.memory_space<hbm>> -> memref<128x16xf32, #tpu.memory_space<hbm>>
          %dma_wait3A_213 = arith.constant 0 : i32
          %dma_wait3A_214 = arith.constant 0 : i32
          %dma_wait3A_215 = tpu.memref_slice %arg4[%add3A_136, %dma_wait3A_213, %dma_wait3A_214] : memref<12500x128x16xf32, #tpu.memory_space<hbm>> -> memref<1x128x16xf32, #tpu.memory_space<hbm>>
          %dma_wait3A_216 = tpu.memref_squeeze %dma_wait3A_215 : memref<1x128x16xf32, #tpu.memory_space<hbm>> -> memref<128x16xf32, #tpu.memory_space<hbm>>
          %dma_wait3A_217 = arith.constant 0 : i32
          %dma_wait3A_218 = arith.constant 0 : i32
          %dma_wait3A_219 = tpu.memref_slice %arg6[%run_scoped3A, %dma_wait3A_217, %dma_wait3A_218] : memref<8x128x16xf32, #tpu.memory_space<vmem>> -> memref<1x128x16xf32, #tpu.memory_space<vmem>>
          %dma_wait3A_220 = tpu.memref_squeeze %dma_wait3A_219 : memref<1x128x16xf32, #tpu.memory_space<vmem>> -> memref<128x16xf32, #tpu.memory_space<vmem>>
          tpu.wait_dma2 semaphore(%run_scoped3A_189 : memref<!tpu.dma_semaphore, #tpu.memory_space<semaphore_mem>>) src(%dma_wait3A_220 : memref<128x16xf32, #tpu.memory_space<vmem>>) dst(%dma_wait3A_216 : memref<128x16xf32, #tpu.memory_space<hbm>>)
          tpu.yield
        }) : () -> ()
      } else {
      }
      %add3A_142 = arith.constant 96 : i32
      %add3A_143 = arith.addi %add3A_11, %add3A_142 : i32
      %lt3A_144 = arith.constant 12500 : i32
      %lt3A_145 = arith.cmpi slt, %add3A_143, %lt3A_144 : i32
      %convert_element_type3A_146 = arith.extui %lt3A_145 : i1 to i32
      %cond3A_147 = arith.constant 0 : i32
      %cond3A_148 = arith.cmpi ne, %convert_element_type3A_146, %cond3A_147 : i32
      scf.if %cond3A_148 {
        %dma_wait3A = arith.constant 3 : i32
        %dma_wait3A_178 = arith.constant 3 : i32
        %dma_wait3A_179 = arith.constant 0 : i32
        %dma_wait3A_180 = arith.constant 0 : i32
        %dma_wait3A_181 = tpu.memref_slice %arg6[%dma_wait3A_178, %dma_wait3A_179, %dma_wait3A_180] : memref<8x128x16xf32, #tpu.memory_space<vmem>> -> memref<1x128x16xf32, #tpu.memory_space<vmem>>
        %dma_wait3A_182 = tpu.memref_squeeze %dma_wait3A_181 : memref<1x128x16xf32, #tpu.memory_space<vmem>> -> memref<128x16xf32, #tpu.memory_space<vmem>>
        %dma_wait3A_183 = arith.constant 0 : i32
        %dma_wait3A_184 = tpu.memref_slice %arg5[%dma_wait3A, %dma_wait3A_183] : memref<8x128xi32, #tpu.memory_space<vmem>> -> memref<1x128xi32, #tpu.memory_space<vmem>>
        %dma_wait3A_185 = tpu.memref_squeeze %dma_wait3A_184 : memref<1x128xi32, #tpu.memory_space<vmem>> -> memref<128xi32, #tpu.memory_space<vmem>>
        %dma_wait3A_186 = arith.constant 0 : i32
        %dma_wait3A_187 = arith.constant 0 : i32
        %dma_wait3A_188 = tpu.memref_slice %arg2[%dma_wait3A_186, %dma_wait3A_187] : memref<50000x16xf32, #tpu.memory_space<hbm>> -> memref<50000x16xf32, #tpu.memory_space<hbm>>
        tpu.wait_indirect_dma semaphore(%arg8 : memref<!tpu.dma_semaphore, #tpu.memory_space<semaphore_mem>>) src(%dma_wait3A_188 : memref<50000x16xf32, #tpu.memory_space<hbm>>) dst(%dma_wait3A_182 : memref<128x16xf32, #tpu.memory_space<vmem>>)
        %run_scoped3A = arith.constant 3 : i32
        "tpu.region"() ({
          %run_scoped3A_189 = tpu.sem_alloc : memref<!tpu.dma_semaphore, #tpu.memory_space<semaphore_mem>>
          %dma_start3A = arith.constant 0 : i32
          %dma_start3A_190 = arith.constant 0 : i32
          %dma_start3A_191 = tpu.memref_slice %arg6[%run_scoped3A, %dma_start3A, %dma_start3A_190] : memref<8x128x16xf32, #tpu.memory_space<vmem>> -> memref<1x128x16xf32, #tpu.memory_space<vmem>>
          %dma_start3A_192 = tpu.memref_squeeze %dma_start3A_191 : memref<1x128x16xf32, #tpu.memory_space<vmem>> -> memref<128x16xf32, #tpu.memory_space<vmem>>
          %dma_start3A_193 = arith.constant 0 : i32
          %dma_start3A_194 = arith.constant 0 : i32
          %dma_start3A_195 = tpu.memref_slice %arg4[%add3A_143, %dma_start3A_193, %dma_start3A_194] : memref<12500x128x16xf32, #tpu.memory_space<hbm>> -> memref<1x128x16xf32, #tpu.memory_space<hbm>>
          %dma_start3A_196 = tpu.memref_squeeze %dma_start3A_195 : memref<1x128x16xf32, #tpu.memory_space<hbm>> -> memref<128x16xf32, #tpu.memory_space<hbm>>
          %dma_start3A_197 = arith.constant 0 : i32
          %dma_start3A_198 = arith.constant 0 : i32
          %dma_start3A_199 = tpu.memref_slice %arg4[%add3A_143, %dma_start3A_197, %dma_start3A_198] : memref<12500x128x16xf32, #tpu.memory_space<hbm>> -> memref<1x128x16xf32, #tpu.memory_space<hbm>>
          %dma_start3A_200 = tpu.memref_squeeze %dma_start3A_199 : memref<1x128x16xf32, #tpu.memory_space<hbm>> -> memref<128x16xf32, #tpu.memory_space<hbm>>
          %dma_start3A_201 = arith.constant 0 : i32
          %dma_start3A_202 = arith.constant 0 : i32
          %dma_start3A_203 = tpu.memref_slice %arg6[%run_scoped3A, %dma_start3A_201, %dma_start3A_202] : memref<8x128x16xf32, #tpu.memory_space<vmem>> -> memref<1x128x16xf32, #tpu.memory_space<vmem>>
          %dma_start3A_204 = tpu.memref_squeeze %dma_start3A_203 : memref<1x128x16xf32, #tpu.memory_space<vmem>> -> memref<128x16xf32, #tpu.memory_space<vmem>>
          tpu.enqueue_dma source(%dma_start3A_204 : memref<128x16xf32, #tpu.memory_space<vmem>>) target(%dma_start3A_200 : memref<128x16xf32, #tpu.memory_space<hbm>>) target_semaphore(%run_scoped3A_189 : memref<!tpu.dma_semaphore, #tpu.memory_space<semaphore_mem>>)
          %dma_wait3A_205 = arith.constant 0 : i32
          %dma_wait3A_206 = arith.constant 0 : i32
          %dma_wait3A_207 = tpu.memref_slice %arg6[%run_scoped3A, %dma_wait3A_205, %dma_wait3A_206] : memref<8x128x16xf32, #tpu.memory_space<vmem>> -> memref<1x128x16xf32, #tpu.memory_space<vmem>>
          %dma_wait3A_208 = tpu.memref_squeeze %dma_wait3A_207 : memref<1x128x16xf32, #tpu.memory_space<vmem>> -> memref<128x16xf32, #tpu.memory_space<vmem>>
          %dma_wait3A_209 = arith.constant 0 : i32
          %dma_wait3A_210 = arith.constant 0 : i32
          %dma_wait3A_211 = tpu.memref_slice %arg4[%add3A_143, %dma_wait3A_209, %dma_wait3A_210] : memref<12500x128x16xf32, #tpu.memory_space<hbm>> -> memref<1x128x16xf32, #tpu.memory_space<hbm>>
          %dma_wait3A_212 = tpu.memref_squeeze %dma_wait3A_211 : memref<1x128x16xf32, #tpu.memory_space<hbm>> -> memref<128x16xf32, #tpu.memory_space<hbm>>
          %dma_wait3A_213 = arith.constant 0 : i32
          %dma_wait3A_214 = arith.constant 0 : i32
          %dma_wait3A_215 = tpu.memref_slice %arg4[%add3A_143, %dma_wait3A_213, %dma_wait3A_214] : memref<12500x128x16xf32, #tpu.memory_space<hbm>> -> memref<1x128x16xf32, #tpu.memory_space<hbm>>
          %dma_wait3A_216 = tpu.memref_squeeze %dma_wait3A_215 : memref<1x128x16xf32, #tpu.memory_space<hbm>> -> memref<128x16xf32, #tpu.memory_space<hbm>>
          %dma_wait3A_217 = arith.constant 0 : i32
          %dma_wait3A_218 = arith.constant 0 : i32
          %dma_wait3A_219 = tpu.memref_slice %arg6[%run_scoped3A, %dma_wait3A_217, %dma_wait3A_218] : memref<8x128x16xf32, #tpu.memory_space<vmem>> -> memref<1x128x16xf32, #tpu.memory_space<vmem>>
          %dma_wait3A_220 = tpu.memref_squeeze %dma_wait3A_219 : memref<1x128x16xf32, #tpu.memory_space<vmem>> -> memref<128x16xf32, #tpu.memory_space<vmem>>
          tpu.wait_dma2 semaphore(%run_scoped3A_189 : memref<!tpu.dma_semaphore, #tpu.memory_space<semaphore_mem>>) src(%dma_wait3A_220 : memref<128x16xf32, #tpu.memory_space<vmem>>) dst(%dma_wait3A_216 : memref<128x16xf32, #tpu.memory_space<hbm>>)
          tpu.yield
        }) : () -> ()
      } else {
      }
      %add3A_149 = arith.constant 128 : i32
      %add3A_150 = arith.addi %add3A_11, %add3A_149 : i32
      %lt3A_151 = arith.constant 12500 : i32
      %lt3A_152 = arith.cmpi slt, %add3A_150, %lt3A_151 : i32
      %convert_element_type3A_153 = arith.extui %lt3A_152 : i1 to i32
      %cond3A_154 = arith.constant 0 : i32
      %cond3A_155 = arith.cmpi ne, %convert_element_type3A_153, %cond3A_154 : i32
      scf.if %cond3A_155 {
        %dma_wait3A = arith.constant 4 : i32
        %dma_wait3A_178 = arith.constant 4 : i32
        %dma_wait3A_179 = arith.constant 0 : i32
        %dma_wait3A_180 = arith.constant 0 : i32
        %dma_wait3A_181 = tpu.memref_slice %arg6[%dma_wait3A_178, %dma_wait3A_179, %dma_wait3A_180] : memref<8x128x16xf32, #tpu.memory_space<vmem>> -> memref<1x128x16xf32, #tpu.memory_space<vmem>>
        %dma_wait3A_182 = tpu.memref_squeeze %dma_wait3A_181 : memref<1x128x16xf32, #tpu.memory_space<vmem>> -> memref<128x16xf32, #tpu.memory_space<vmem>>
        %dma_wait3A_183 = arith.constant 0 : i32
        %dma_wait3A_184 = tpu.memref_slice %arg5[%dma_wait3A, %dma_wait3A_183] : memref<8x128xi32, #tpu.memory_space<vmem>> -> memref<1x128xi32, #tpu.memory_space<vmem>>
        %dma_wait3A_185 = tpu.memref_squeeze %dma_wait3A_184 : memref<1x128xi32, #tpu.memory_space<vmem>> -> memref<128xi32, #tpu.memory_space<vmem>>
        %dma_wait3A_186 = arith.constant 0 : i32
        %dma_wait3A_187 = arith.constant 0 : i32
        %dma_wait3A_188 = tpu.memref_slice %arg2[%dma_wait3A_186, %dma_wait3A_187] : memref<50000x16xf32, #tpu.memory_space<hbm>> -> memref<50000x16xf32, #tpu.memory_space<hbm>>
        tpu.wait_indirect_dma semaphore(%arg8 : memref<!tpu.dma_semaphore, #tpu.memory_space<semaphore_mem>>) src(%dma_wait3A_188 : memref<50000x16xf32, #tpu.memory_space<hbm>>) dst(%dma_wait3A_182 : memref<128x16xf32, #tpu.memory_space<vmem>>)
        %run_scoped3A = arith.constant 4 : i32
        "tpu.region"() ({
          %run_scoped3A_189 = tpu.sem_alloc : memref<!tpu.dma_semaphore, #tpu.memory_space<semaphore_mem>>
          %dma_start3A = arith.constant 0 : i32
          %dma_start3A_190 = arith.constant 0 : i32
          %dma_start3A_191 = tpu.memref_slice %arg6[%run_scoped3A, %dma_start3A, %dma_start3A_190] : memref<8x128x16xf32, #tpu.memory_space<vmem>> -> memref<1x128x16xf32, #tpu.memory_space<vmem>>
          %dma_start3A_192 = tpu.memref_squeeze %dma_start3A_191 : memref<1x128x16xf32, #tpu.memory_space<vmem>> -> memref<128x16xf32, #tpu.memory_space<vmem>>
          %dma_start3A_193 = arith.constant 0 : i32
          %dma_start3A_194 = arith.constant 0 : i32
          %dma_start3A_195 = tpu.memref_slice %arg4[%add3A_150, %dma_start3A_193, %dma_start3A_194] : memref<12500x128x16xf32, #tpu.memory_space<hbm>> -> memref<1x128x16xf32, #tpu.memory_space<hbm>>
          %dma_start3A_196 = tpu.memref_squeeze %dma_start3A_195 : memref<1x128x16xf32, #tpu.memory_space<hbm>> -> memref<128x16xf32, #tpu.memory_space<hbm>>
          %dma_start3A_197 = arith.constant 0 : i32
          %dma_start3A_198 = arith.constant 0 : i32
          %dma_start3A_199 = tpu.memref_slice %arg4[%add3A_150, %dma_start3A_197, %dma_start3A_198] : memref<12500x128x16xf32, #tpu.memory_space<hbm>> -> memref<1x128x16xf32, #tpu.memory_space<hbm>>
          %dma_start3A_200 = tpu.memref_squeeze %dma_start3A_199 : memref<1x128x16xf32, #tpu.memory_space<hbm>> -> memref<128x16xf32, #tpu.memory_space<hbm>>
          %dma_start3A_201 = arith.constant 0 : i32
          %dma_start3A_202 = arith.constant 0 : i32
          %dma_start3A_203 = tpu.memref_slice %arg6[%run_scoped3A, %dma_start3A_201, %dma_start3A_202] : memref<8x128x16xf32, #tpu.memory_space<vmem>> -> memref<1x128x16xf32, #tpu.memory_space<vmem>>
          %dma_start3A_204 = tpu.memref_squeeze %dma_start3A_203 : memref<1x128x16xf32, #tpu.memory_space<vmem>> -> memref<128x16xf32, #tpu.memory_space<vmem>>
          tpu.enqueue_dma source(%dma_start3A_204 : memref<128x16xf32, #tpu.memory_space<vmem>>) target(%dma_start3A_200 : memref<128x16xf32, #tpu.memory_space<hbm>>) target_semaphore(%run_scoped3A_189 : memref<!tpu.dma_semaphore, #tpu.memory_space<semaphore_mem>>)
          %dma_wait3A_205 = arith.constant 0 : i32
          %dma_wait3A_206 = arith.constant 0 : i32
          %dma_wait3A_207 = tpu.memref_slice %arg6[%run_scoped3A, %dma_wait3A_205, %dma_wait3A_206] : memref<8x128x16xf32, #tpu.memory_space<vmem>> -> memref<1x128x16xf32, #tpu.memory_space<vmem>>
          %dma_wait3A_208 = tpu.memref_squeeze %dma_wait3A_207 : memref<1x128x16xf32, #tpu.memory_space<vmem>> -> memref<128x16xf32, #tpu.memory_space<vmem>>
          %dma_wait3A_209 = arith.constant 0 : i32
          %dma_wait3A_210 = arith.constant 0 : i32
          %dma_wait3A_211 = tpu.memref_slice %arg4[%add3A_150, %dma_wait3A_209, %dma_wait3A_210] : memref<12500x128x16xf32, #tpu.memory_space<hbm>> -> memref<1x128x16xf32, #tpu.memory_space<hbm>>
          %dma_wait3A_212 = tpu.memref_squeeze %dma_wait3A_211 : memref<1x128x16xf32, #tpu.memory_space<hbm>> -> memref<128x16xf32, #tpu.memory_space<hbm>>
          %dma_wait3A_213 = arith.constant 0 : i32
          %dma_wait3A_214 = arith.constant 0 : i32
          %dma_wait3A_215 = tpu.memref_slice %arg4[%add3A_150, %dma_wait3A_213, %dma_wait3A_214] : memref<12500x128x16xf32, #tpu.memory_space<hbm>> -> memref<1x128x16xf32, #tpu.memory_space<hbm>>
          %dma_wait3A_216 = tpu.memref_squeeze %dma_wait3A_215 : memref<1x128x16xf32, #tpu.memory_space<hbm>> -> memref<128x16xf32, #tpu.memory_space<hbm>>
          %dma_wait3A_217 = arith.constant 0 : i32
          %dma_wait3A_218 = arith.constant 0 : i32
          %dma_wait3A_219 = tpu.memref_slice %arg6[%run_scoped3A, %dma_wait3A_217, %dma_wait3A_218] : memref<8x128x16xf32, #tpu.memory_space<vmem>> -> memref<1x128x16xf32, #tpu.memory_space<vmem>>
          %dma_wait3A_220 = tpu.memref_squeeze %dma_wait3A_219 : memref<1x128x16xf32, #tpu.memory_space<vmem>> -> memref<128x16xf32, #tpu.memory_space<vmem>>
          tpu.wait_dma2 semaphore(%run_scoped3A_189 : memref<!tpu.dma_semaphore, #tpu.memory_space<semaphore_mem>>) src(%dma_wait3A_220 : memref<128x16xf32, #tpu.memory_space<vmem>>) dst(%dma_wait3A_216 : memref<128x16xf32, #tpu.memory_space<hbm>>)
          tpu.yield
        }) : () -> ()
      } else {
      }
      %add3A_156 = arith.constant 160 : i32
      %add3A_157 = arith.addi %add3A_11, %add3A_156 : i32
      %lt3A_158 = arith.constant 12500 : i32
      %lt3A_159 = arith.cmpi slt, %add3A_157, %lt3A_158 : i32
      %convert_element_type3A_160 = arith.extui %lt3A_159 : i1 to i32
      %cond3A_161 = arith.constant 0 : i32
      %cond3A_162 = arith.cmpi ne, %convert_element_type3A_160, %cond3A_161 : i32
      scf.if %cond3A_162 {
        %dma_wait3A = arith.constant 5 : i32
        %dma_wait3A_178 = arith.constant 5 : i32
        %dma_wait3A_179 = arith.constant 0 : i32
        %dma_wait3A_180 = arith.constant 0 : i32
        %dma_wait3A_181 = tpu.memref_slice %arg6[%dma_wait3A_178, %dma_wait3A_179, %dma_wait3A_180] : memref<8x128x16xf32, #tpu.memory_space<vmem>> -> memref<1x128x16xf32, #tpu.memory_space<vmem>>
        %dma_wait3A_182 = tpu.memref_squeeze %dma_wait3A_181 : memref<1x128x16xf32, #tpu.memory_space<vmem>> -> memref<128x16xf32, #tpu.memory_space<vmem>>
        %dma_wait3A_183 = arith.constant 0 : i32
        %dma_wait3A_184 = tpu.memref_slice %arg5[%dma_wait3A, %dma_wait3A_183] : memref<8x128xi32, #tpu.memory_space<vmem>> -> memref<1x128xi32, #tpu.memory_space<vmem>>
        %dma_wait3A_185 = tpu.memref_squeeze %dma_wait3A_184 : memref<1x128xi32, #tpu.memory_space<vmem>> -> memref<128xi32, #tpu.memory_space<vmem>>
        %dma_wait3A_186 = arith.constant 0 : i32
        %dma_wait3A_187 = arith.constant 0 : i32
        %dma_wait3A_188 = tpu.memref_slice %arg2[%dma_wait3A_186, %dma_wait3A_187] : memref<50000x16xf32, #tpu.memory_space<hbm>> -> memref<50000x16xf32, #tpu.memory_space<hbm>>
        tpu.wait_indirect_dma semaphore(%arg8 : memref<!tpu.dma_semaphore, #tpu.memory_space<semaphore_mem>>) src(%dma_wait3A_188 : memref<50000x16xf32, #tpu.memory_space<hbm>>) dst(%dma_wait3A_182 : memref<128x16xf32, #tpu.memory_space<vmem>>)
        %run_scoped3A = arith.constant 5 : i32
        "tpu.region"() ({
          %run_scoped3A_189 = tpu.sem_alloc : memref<!tpu.dma_semaphore, #tpu.memory_space<semaphore_mem>>
          %dma_start3A = arith.constant 0 : i32
          %dma_start3A_190 = arith.constant 0 : i32
          %dma_start3A_191 = tpu.memref_slice %arg6[%run_scoped3A, %dma_start3A, %dma_start3A_190] : memref<8x128x16xf32, #tpu.memory_space<vmem>> -> memref<1x128x16xf32, #tpu.memory_space<vmem>>
          %dma_start3A_192 = tpu.memref_squeeze %dma_start3A_191 : memref<1x128x16xf32, #tpu.memory_space<vmem>> -> memref<128x16xf32, #tpu.memory_space<vmem>>
          %dma_start3A_193 = arith.constant 0 : i32
          %dma_start3A_194 = arith.constant 0 : i32
          %dma_start3A_195 = tpu.memref_slice %arg4[%add3A_157, %dma_start3A_193, %dma_start3A_194] : memref<12500x128x16xf32, #tpu.memory_space<hbm>> -> memref<1x128x16xf32, #tpu.memory_space<hbm>>
          %dma_start3A_196 = tpu.memref_squeeze %dma_start3A_195 : memref<1x128x16xf32, #tpu.memory_space<hbm>> -> memref<128x16xf32, #tpu.memory_space<hbm>>
          %dma_start3A_197 = arith.constant 0 : i32
          %dma_start3A_198 = arith.constant 0 : i32
          %dma_start3A_199 = tpu.memref_slice %arg4[%add3A_157, %dma_start3A_197, %dma_start3A_198] : memref<12500x128x16xf32, #tpu.memory_space<hbm>> -> memref<1x128x16xf32, #tpu.memory_space<hbm>>
          %dma_start3A_200 = tpu.memref_squeeze %dma_start3A_199 : memref<1x128x16xf32, #tpu.memory_space<hbm>> -> memref<128x16xf32, #tpu.memory_space<hbm>>
          %dma_start3A_201 = arith.constant 0 : i32
          %dma_start3A_202 = arith.constant 0 : i32
          %dma_start3A_203 = tpu.memref_slice %arg6[%run_scoped3A, %dma_start3A_201, %dma_start3A_202] : memref<8x128x16xf32, #tpu.memory_space<vmem>> -> memref<1x128x16xf32, #tpu.memory_space<vmem>>
          %dma_start3A_204 = tpu.memref_squeeze %dma_start3A_203 : memref<1x128x16xf32, #tpu.memory_space<vmem>> -> memref<128x16xf32, #tpu.memory_space<vmem>>
          tpu.enqueue_dma source(%dma_start3A_204 : memref<128x16xf32, #tpu.memory_space<vmem>>) target(%dma_start3A_200 : memref<128x16xf32, #tpu.memory_space<hbm>>) target_semaphore(%run_scoped3A_189 : memref<!tpu.dma_semaphore, #tpu.memory_space<semaphore_mem>>)
          %dma_wait3A_205 = arith.constant 0 : i32
          %dma_wait3A_206 = arith.constant 0 : i32
          %dma_wait3A_207 = tpu.memref_slice %arg6[%run_scoped3A, %dma_wait3A_205, %dma_wait3A_206] : memref<8x128x16xf32, #tpu.memory_space<vmem>> -> memref<1x128x16xf32, #tpu.memory_space<vmem>>
          %dma_wait3A_208 = tpu.memref_squeeze %dma_wait3A_207 : memref<1x128x16xf32, #tpu.memory_space<vmem>> -> memref<128x16xf32, #tpu.memory_space<vmem>>
          %dma_wait3A_209 = arith.constant 0 : i32
          %dma_wait3A_210 = arith.constant 0 : i32
          %dma_wait3A_211 = tpu.memref_slice %arg4[%add3A_157, %dma_wait3A_209, %dma_wait3A_210] : memref<12500x128x16xf32, #tpu.memory_space<hbm>> -> memref<1x128x16xf32, #tpu.memory_space<hbm>>
          %dma_wait3A_212 = tpu.memref_squeeze %dma_wait3A_211 : memref<1x128x16xf32, #tpu.memory_space<hbm>> -> memref<128x16xf32, #tpu.memory_space<hbm>>
          %dma_wait3A_213 = arith.constant 0 : i32
          %dma_wait3A_214 = arith.constant 0 : i32
          %dma_wait3A_215 = tpu.memref_slice %arg4[%add3A_157, %dma_wait3A_213, %dma_wait3A_214] : memref<12500x128x16xf32, #tpu.memory_space<hbm>> -> memref<1x128x16xf32, #tpu.memory_space<hbm>>
          %dma_wait3A_216 = tpu.memref_squeeze %dma_wait3A_215 : memref<1x128x16xf32, #tpu.memory_space<hbm>> -> memref<128x16xf32, #tpu.memory_space<hbm>>
          %dma_wait3A_217 = arith.constant 0 : i32
          %dma_wait3A_218 = arith.constant 0 : i32
          %dma_wait3A_219 = tpu.memref_slice %arg6[%run_scoped3A, %dma_wait3A_217, %dma_wait3A_218] : memref<8x128x16xf32, #tpu.memory_space<vmem>> -> memref<1x128x16xf32, #tpu.memory_space<vmem>>
          %dma_wait3A_220 = tpu.memref_squeeze %dma_wait3A_219 : memref<1x128x16xf32, #tpu.memory_space<vmem>> -> memref<128x16xf32, #tpu.memory_space<vmem>>
          tpu.wait_dma2 semaphore(%run_scoped3A_189 : memref<!tpu.dma_semaphore, #tpu.memory_space<semaphore_mem>>) src(%dma_wait3A_220 : memref<128x16xf32, #tpu.memory_space<vmem>>) dst(%dma_wait3A_216 : memref<128x16xf32, #tpu.memory_space<hbm>>)
          tpu.yield
        }) : () -> ()
      } else {
      }
      %add3A_163 = arith.constant 192 : i32
      %add3A_164 = arith.addi %add3A_11, %add3A_163 : i32
      %lt3A_165 = arith.constant 12500 : i32
      %lt3A_166 = arith.cmpi slt, %add3A_164, %lt3A_165 : i32
      %convert_element_type3A_167 = arith.extui %lt3A_166 : i1 to i32
      %cond3A_168 = arith.constant 0 : i32
      %cond3A_169 = arith.cmpi ne, %convert_element_type3A_167, %cond3A_168 : i32
      scf.if %cond3A_169 {
        %dma_wait3A = arith.constant 6 : i32
        %dma_wait3A_178 = arith.constant 6 : i32
        %dma_wait3A_179 = arith.constant 0 : i32
        %dma_wait3A_180 = arith.constant 0 : i32
        %dma_wait3A_181 = tpu.memref_slice %arg6[%dma_wait3A_178, %dma_wait3A_179, %dma_wait3A_180] : memref<8x128x16xf32, #tpu.memory_space<vmem>> -> memref<1x128x16xf32, #tpu.memory_space<vmem>>
        %dma_wait3A_182 = tpu.memref_squeeze %dma_wait3A_181 : memref<1x128x16xf32, #tpu.memory_space<vmem>> -> memref<128x16xf32, #tpu.memory_space<vmem>>
        %dma_wait3A_183 = arith.constant 0 : i32
        %dma_wait3A_184 = tpu.memref_slice %arg5[%dma_wait3A, %dma_wait3A_183] : memref<8x128xi32, #tpu.memory_space<vmem>> -> memref<1x128xi32, #tpu.memory_space<vmem>>
        %dma_wait3A_185 = tpu.memref_squeeze %dma_wait3A_184 : memref<1x128xi32, #tpu.memory_space<vmem>> -> memref<128xi32, #tpu.memory_space<vmem>>
        %dma_wait3A_186 = arith.constant 0 : i32
        %dma_wait3A_187 = arith.constant 0 : i32
        %dma_wait3A_188 = tpu.memref_slice %arg2[%dma_wait3A_186, %dma_wait3A_187] : memref<50000x16xf32, #tpu.memory_space<hbm>> -> memref<50000x16xf32, #tpu.memory_space<hbm>>
        tpu.wait_indirect_dma semaphore(%arg8 : memref<!tpu.dma_semaphore, #tpu.memory_space<semaphore_mem>>) src(%dma_wait3A_188 : memref<50000x16xf32, #tpu.memory_space<hbm>>) dst(%dma_wait3A_182 : memref<128x16xf32, #tpu.memory_space<vmem>>)
        %run_scoped3A = arith.constant 6 : i32
        "tpu.region"() ({
          %run_scoped3A_189 = tpu.sem_alloc : memref<!tpu.dma_semaphore, #tpu.memory_space<semaphore_mem>>
          %dma_start3A = arith.constant 0 : i32
          %dma_start3A_190 = arith.constant 0 : i32
          %dma_start3A_191 = tpu.memref_slice %arg6[%run_scoped3A, %dma_start3A, %dma_start3A_190] : memref<8x128x16xf32, #tpu.memory_space<vmem>> -> memref<1x128x16xf32, #tpu.memory_space<vmem>>
          %dma_start3A_192 = tpu.memref_squeeze %dma_start3A_191 : memref<1x128x16xf32, #tpu.memory_space<vmem>> -> memref<128x16xf32, #tpu.memory_space<vmem>>
          %dma_start3A_193 = arith.constant 0 : i32
          %dma_start3A_194 = arith.constant 0 : i32
          %dma_start3A_195 = tpu.memref_slice %arg4[%add3A_164, %dma_start3A_193, %dma_start3A_194] : memref<12500x128x16xf32, #tpu.memory_space<hbm>> -> memref<1x128x16xf32, #tpu.memory_space<hbm>>
          %dma_start3A_196 = tpu.memref_squeeze %dma_start3A_195 : memref<1x128x16xf32, #tpu.memory_space<hbm>> -> memref<128x16xf32, #tpu.memory_space<hbm>>
          %dma_start3A_197 = arith.constant 0 : i32
          %dma_start3A_198 = arith.constant 0 : i32
          %dma_start3A_199 = tpu.memref_slice %arg4[%add3A_164, %dma_start3A_197, %dma_start3A_198] : memref<12500x128x16xf32, #tpu.memory_space<hbm>> -> memref<1x128x16xf32, #tpu.memory_space<hbm>>
          %dma_start3A_200 = tpu.memref_squeeze %dma_start3A_199 : memref<1x128x16xf32, #tpu.memory_space<hbm>> -> memref<128x16xf32, #tpu.memory_space<hbm>>
          %dma_start3A_201 = arith.constant 0 : i32
          %dma_start3A_202 = arith.constant 0 : i32
          %dma_start3A_203 = tpu.memref_slice %arg6[%run_scoped3A, %dma_start3A_201, %dma_start3A_202] : memref<8x128x16xf32, #tpu.memory_space<vmem>> -> memref<1x128x16xf32, #tpu.memory_space<vmem>>
          %dma_start3A_204 = tpu.memref_squeeze %dma_start3A_203 : memref<1x128x16xf32, #tpu.memory_space<vmem>> -> memref<128x16xf32, #tpu.memory_space<vmem>>
          tpu.enqueue_dma source(%dma_start3A_204 : memref<128x16xf32, #tpu.memory_space<vmem>>) target(%dma_start3A_200 : memref<128x16xf32, #tpu.memory_space<hbm>>) target_semaphore(%run_scoped3A_189 : memref<!tpu.dma_semaphore, #tpu.memory_space<semaphore_mem>>)
          %dma_wait3A_205 = arith.constant 0 : i32
          %dma_wait3A_206 = arith.constant 0 : i32
          %dma_wait3A_207 = tpu.memref_slice %arg6[%run_scoped3A, %dma_wait3A_205, %dma_wait3A_206] : memref<8x128x16xf32, #tpu.memory_space<vmem>> -> memref<1x128x16xf32, #tpu.memory_space<vmem>>
          %dma_wait3A_208 = tpu.memref_squeeze %dma_wait3A_207 : memref<1x128x16xf32, #tpu.memory_space<vmem>> -> memref<128x16xf32, #tpu.memory_space<vmem>>
          %dma_wait3A_209 = arith.constant 0 : i32
          %dma_wait3A_210 = arith.constant 0 : i32
          %dma_wait3A_211 = tpu.memref_slice %arg4[%add3A_164, %dma_wait3A_209, %dma_wait3A_210] : memref<12500x128x16xf32, #tpu.memory_space<hbm>> -> memref<1x128x16xf32, #tpu.memory_space<hbm>>
          %dma_wait3A_212 = tpu.memref_squeeze %dma_wait3A_211 : memref<1x128x16xf32, #tpu.memory_space<hbm>> -> memref<128x16xf32, #tpu.memory_space<hbm>>
          %dma_wait3A_213 = arith.constant 0 : i32
          %dma_wait3A_214 = arith.constant 0 : i32
          %dma_wait3A_215 = tpu.memref_slice %arg4[%add3A_164, %dma_wait3A_213, %dma_wait3A_214] : memref<12500x128x16xf32, #tpu.memory_space<hbm>> -> memref<1x128x16xf32, #tpu.memory_space<hbm>>
          %dma_wait3A_216 = tpu.memref_squeeze %dma_wait3A_215 : memref<1x128x16xf32, #tpu.memory_space<hbm>> -> memref<128x16xf32, #tpu.memory_space<hbm>>
          %dma_wait3A_217 = arith.constant 0 : i32
          %dma_wait3A_218 = arith.constant 0 : i32
          %dma_wait3A_219 = tpu.memref_slice %arg6[%run_scoped3A, %dma_wait3A_217, %dma_wait3A_218] : memref<8x128x16xf32, #tpu.memory_space<vmem>> -> memref<1x128x16xf32, #tpu.memory_space<vmem>>
          %dma_wait3A_220 = tpu.memref_squeeze %dma_wait3A_219 : memref<1x128x16xf32, #tpu.memory_space<vmem>> -> memref<128x16xf32, #tpu.memory_space<vmem>>
          tpu.wait_dma2 semaphore(%run_scoped3A_189 : memref<!tpu.dma_semaphore, #tpu.memory_space<semaphore_mem>>) src(%dma_wait3A_220 : memref<128x16xf32, #tpu.memory_space<vmem>>) dst(%dma_wait3A_216 : memref<128x16xf32, #tpu.memory_space<hbm>>)
          tpu.yield
        }) : () -> ()
      } else {
      }
      %add3A_170 = arith.constant 224 : i32
      %add3A_171 = arith.addi %add3A_11, %add3A_170 : i32
      %lt3A_172 = arith.constant 12500 : i32
      %lt3A_173 = arith.cmpi slt, %add3A_171, %lt3A_172 : i32
      %convert_element_type3A_174 = arith.extui %lt3A_173 : i1 to i32
      %cond3A_175 = arith.constant 0 : i32
      %cond3A_176 = arith.cmpi ne, %convert_element_type3A_174, %cond3A_175 : i32
      scf.if %cond3A_176 {
        %dma_wait3A = arith.constant 7 : i32
        %dma_wait3A_178 = arith.constant 7 : i32
        %dma_wait3A_179 = arith.constant 0 : i32
        %dma_wait3A_180 = arith.constant 0 : i32
        %dma_wait3A_181 = tpu.memref_slice %arg6[%dma_wait3A_178, %dma_wait3A_179, %dma_wait3A_180] : memref<8x128x16xf32, #tpu.memory_space<vmem>> -> memref<1x128x16xf32, #tpu.memory_space<vmem>>
        %dma_wait3A_182 = tpu.memref_squeeze %dma_wait3A_181 : memref<1x128x16xf32, #tpu.memory_space<vmem>> -> memref<128x16xf32, #tpu.memory_space<vmem>>
        %dma_wait3A_183 = arith.constant 0 : i32
        %dma_wait3A_184 = tpu.memref_slice %arg5[%dma_wait3A, %dma_wait3A_183] : memref<8x128xi32, #tpu.memory_space<vmem>> -> memref<1x128xi32, #tpu.memory_space<vmem>>
        %dma_wait3A_185 = tpu.memref_squeeze %dma_wait3A_184 : memref<1x128xi32, #tpu.memory_space<vmem>> -> memref<128xi32, #tpu.memory_space<vmem>>
        %dma_wait3A_186 = arith.constant 0 : i32
        %dma_wait3A_187 = arith.constant 0 : i32
        %dma_wait3A_188 = tpu.memref_slice %arg2[%dma_wait3A_186, %dma_wait3A_187] : memref<50000x16xf32, #tpu.memory_space<hbm>> -> memref<50000x16xf32, #tpu.memory_space<hbm>>
        tpu.wait_indirect_dma semaphore(%arg8 : memref<!tpu.dma_semaphore, #tpu.memory_space<semaphore_mem>>) src(%dma_wait3A_188 : memref<50000x16xf32, #tpu.memory_space<hbm>>) dst(%dma_wait3A_182 : memref<128x16xf32, #tpu.memory_space<vmem>>)
        %run_scoped3A = arith.constant 7 : i32
        "tpu.region"() ({
          %run_scoped3A_189 = tpu.sem_alloc : memref<!tpu.dma_semaphore, #tpu.memory_space<semaphore_mem>>
          %dma_start3A = arith.constant 0 : i32
          %dma_start3A_190 = arith.constant 0 : i32
          %dma_start3A_191 = tpu.memref_slice %arg6[%run_scoped3A, %dma_start3A, %dma_start3A_190] : memref<8x128x16xf32, #tpu.memory_space<vmem>> -> memref<1x128x16xf32, #tpu.memory_space<vmem>>
          %dma_start3A_192 = tpu.memref_squeeze %dma_start3A_191 : memref<1x128x16xf32, #tpu.memory_space<vmem>> -> memref<128x16xf32, #tpu.memory_space<vmem>>
          %dma_start3A_193 = arith.constant 0 : i32
          %dma_start3A_194 = arith.constant 0 : i32
          %dma_start3A_195 = tpu.memref_slice %arg4[%add3A_171, %dma_start3A_193, %dma_start3A_194] : memref<12500x128x16xf32, #tpu.memory_space<hbm>> -> memref<1x128x16xf32, #tpu.memory_space<hbm>>
          %dma_start3A_196 = tpu.memref_squeeze %dma_start3A_195 : memref<1x128x16xf32, #tpu.memory_space<hbm>> -> memref<128x16xf32, #tpu.memory_space<hbm>>
          %dma_start3A_197 = arith.constant 0 : i32
          %dma_start3A_198 = arith.constant 0 : i32
          %dma_start3A_199 = tpu.memref_slice %arg4[%add3A_171, %dma_start3A_197, %dma_start3A_198] : memref<12500x128x16xf32, #tpu.memory_space<hbm>> -> memref<1x128x16xf32, #tpu.memory_space<hbm>>
          %dma_start3A_200 = tpu.memref_squeeze %dma_start3A_199 : memref<1x128x16xf32, #tpu.memory_space<hbm>> -> memref<128x16xf32, #tpu.memory_space<hbm>>
          %dma_start3A_201 = arith.constant 0 : i32
          %dma_start3A_202 = arith.constant 0 : i32
          %dma_start3A_203 = tpu.memref_slice %arg6[%run_scoped3A, %dma_start3A_201, %dma_start3A_202] : memref<8x128x16xf32, #tpu.memory_space<vmem>> -> memref<1x128x16xf32, #tpu.memory_space<vmem>>
          %dma_start3A_204 = tpu.memref_squeeze %dma_start3A_203 : memref<1x128x16xf32, #tpu.memory_space<vmem>> -> memref<128x16xf32, #tpu.memory_space<vmem>>
          tpu.enqueue_dma source(%dma_start3A_204 : memref<128x16xf32, #tpu.memory_space<vmem>>) target(%dma_start3A_200 : memref<128x16xf32, #tpu.memory_space<hbm>>) target_semaphore(%run_scoped3A_189 : memref<!tpu.dma_semaphore, #tpu.memory_space<semaphore_mem>>)
          %dma_wait3A_205 = arith.constant 0 : i32
          %dma_wait3A_206 = arith.constant 0 : i32
          %dma_wait3A_207 = tpu.memref_slice %arg6[%run_scoped3A, %dma_wait3A_205, %dma_wait3A_206] : memref<8x128x16xf32, #tpu.memory_space<vmem>> -> memref<1x128x16xf32, #tpu.memory_space<vmem>>
          %dma_wait3A_208 = tpu.memref_squeeze %dma_wait3A_207 : memref<1x128x16xf32, #tpu.memory_space<vmem>> -> memref<128x16xf32, #tpu.memory_space<vmem>>
          %dma_wait3A_209 = arith.constant 0 : i32
          %dma_wait3A_210 = arith.constant 0 : i32
          %dma_wait3A_211 = tpu.memref_slice %arg4[%add3A_171, %dma_wait3A_209, %dma_wait3A_210] : memref<12500x128x16xf32, #tpu.memory_space<hbm>> -> memref<1x128x16xf32, #tpu.memory_space<hbm>>
          %dma_wait3A_212 = tpu.memref_squeeze %dma_wait3A_211 : memref<1x128x16xf32, #tpu.memory_space<hbm>> -> memref<128x16xf32, #tpu.memory_space<hbm>>
          %dma_wait3A_213 = arith.constant 0 : i32
          %dma_wait3A_214 = arith.constant 0 : i32
          %dma_wait3A_215 = tpu.memref_slice %arg4[%add3A_171, %dma_wait3A_213, %dma_wait3A_214] : memref<12500x128x16xf32, #tpu.memory_space<hbm>> -> memref<1x128x16xf32, #tpu.memory_space<hbm>>
          %dma_wait3A_216 = tpu.memref_squeeze %dma_wait3A_215 : memref<1x128x16xf32, #tpu.memory_space<hbm>> -> memref<128x16xf32, #tpu.memory_space<hbm>>
          %dma_wait3A_217 = arith.constant 0 : i32
          %dma_wait3A_218 = arith.constant 0 : i32
          %dma_wait3A_219 = tpu.memref_slice %arg6[%run_scoped3A, %dma_wait3A_217, %dma_wait3A_218] : memref<8x128x16xf32, #tpu.memory_space<vmem>> -> memref<1x128x16xf32, #tpu.memory_space<vmem>>
          %dma_wait3A_220 = tpu.memref_squeeze %dma_wait3A_219 : memref<1x128x16xf32, #tpu.memory_space<vmem>> -> memref<128x16xf32, #tpu.memory_space<vmem>>
          tpu.wait_dma2 semaphore(%run_scoped3A_189 : memref<!tpu.dma_semaphore, #tpu.memory_space<semaphore_mem>>) src(%dma_wait3A_220 : memref<128x16xf32, #tpu.memory_space<vmem>>) dst(%dma_wait3A_216 : memref<128x16xf32, #tpu.memory_space<hbm>>)
          tpu.yield
        }) : () -> ()
      } else {
      }
      %scan3A_177 = arith.constant 0 : i32
      scf.yield %scan3A_177 : i32
    }
    %scan3A_6 = arith.constant 49 : i32
    return
  }
}

#map = affine_map<(d0, d1) -> (0)>
#map1 = affine_map<(d0, d1) -> (0, 0)>
module attributes {stable_mosaic.version = 14 : i64} {
  func.func @_scatter_body(%arg0: i32, %arg1: i32, %arg2: memref<800000xi32, #tpu.memory_space<hbm>>, %arg3: memref<800000x64xf32, #tpu.memory_space<hbm>>, %arg4: memref<3211264xf32, #tpu.memory_space<hbm>>, %arg5: memref<3200xi32, #tpu.memory_space<vmem>>, %arg6: memref<2048xi32, #tpu.memory_space<vmem>>, %arg7: memref<2048xi32, #tpu.memory_space<vmem>>, %arg8: memref<2x128x64xf32, #tpu.memory_space<vmem>>, %arg9: memref<100864xf32, #tpu.memory_space<vmem>>, %arg10: memref<!tpu.dma_semaphore, #tpu.memory_space<semaphore_mem>>, %arg11: memref<!tpu.dma_semaphore, #tpu.memory_space<semaphore_mem>>) attributes {dimension_semantics = [#tpu.dimension_semantics<core_parallel>, #tpu.dimension_semantics<subcore_parallel>], iteration_bounds = array<i64: 2, 16>, scalar_prefetch = 0 : i64, scratch_operands = 7 : i64, tpu.core_type = #tpu.core_type<sc_vector_subcore>, window_params = [{transform_indices = #map}, {transform_indices = #map1}, {transform_indices = #map}]} {
    %mul3A = arith.constant 2 : i32
    %mul3A_0 = arith.muli %arg1, %mul3A : i32
    %add3A = arith.addi %mul3A_0, %arg0 : i32
    %mul3A_1 = arith.constant 1568 : i32
    %mul3A_2 = arith.muli %add3A, %mul3A_1 : i32
    %broadcast_in_dim3A = arith.constant 0.000000e+00 : f32
    %broadcast_in_dim3A_3 = vector.broadcast %broadcast_in_dim3A : f32 to vector<16xf32>
    %iota3A = tpu.iota {dimensions = array<i32: 0>} : vector<16xi32>
    %scan3A = arith.constant 0 : i32
    %scan3A_4 = arith.constant 0 : i32
    %scan3A_5 = arith.constant 6304 : i32
    %scan3A_6 = arith.addi %scan3A_4, %scan3A_5 : i32
    %scan3A_7 = arith.constant 1 : i32
    %scan3A_8 = scf.for %scan3A_215 = %scan3A_4 to %scan3A_6 step %scan3A_7 iter_args(%scan3A_216 = %scan3A) -> (i32)  : i32 {
      %mul3A_217 = arith.constant 16 : i32
      %mul3A_218 = arith.muli %scan3A_215, %mul3A_217 : i32
      %swap3A = arith.index_cast %mul3A_218 : i32 to index
      %swap3A_219 = tpu.vector_load %arg9[%swap3A] {strides = array<i32>} : memref<100864xf32, #tpu.memory_space<vmem>>, vector<16xf32>,
      tpu.vector_store %arg9[%swap3A], %broadcast_in_dim3A_3 {strides = array<i32>} : memref<100864xf32, #tpu.memory_space<vmem>>, vector<16xf32>,
      %scan3A_220 = arith.constant 0 : i32
      scf.yield %scan3A_220 : i32
    }
    %scan3A_9 = arith.constant 6304 : i32
    %shift_right_logical3A = arith.constant 1 : i32
    %shift_right_logical3A_10 = vector.broadcast %shift_right_logical3A : i32 to vector<16xi32>
    %shift_right_logical3A_11 = arith.shrui %iota3A, %shift_right_logical3A_10 : vector<16xi32>
    %and3A = arith.constant 3 : i32
    %and3A_12 = vector.broadcast %and3A : i32 to vector<16xi32>
    %and3A_13 = arith.andi %shift_right_logical3A_11, %and3A_12 : vector<16xi32>
    %mul3A_14 = arith.constant 100000 : i32
    %mul3A_15 = vector.broadcast %mul3A_14 : i32 to vector<16xi32>
    %mul3A_16 = arith.muli %and3A_13, %mul3A_15 : vector<16xi32>
    %shift_right_logical3A_17 = arith.constant 3 : i32
    %shift_right_logical3A_18 = vector.broadcast %shift_right_logical3A_17 : i32 to vector<16xi32>
    %shift_right_logical3A_19 = arith.shrui %iota3A, %shift_right_logical3A_18 : vector<16xi32>
    %add3A_20 = arith.addi %mul3A_16, %shift_right_logical3A_19 : vector<16xi32>
    %mul3A_21 = arith.constant 2 : i32
    %mul3A_22 = vector.broadcast %mul3A_21 : i32 to vector<16xi32>
    %mul3A_23 = arith.muli %mul3A_22, %add3A_20 : vector<16xi32>
    %and3A_24 = arith.constant 1 : i32
    %and3A_25 = vector.broadcast %and3A_24 : i32 to vector<16xi32>
    %and3A_26 = arith.andi %iota3A, %and3A_25 : vector<16xi32>
    %add3A_27 = arith.addi %mul3A_23, %and3A_26 : vector<16xi32>
    %dma_start3A = arith.constant 0 : i32
    %dma_start3A_28 = tpu.memref_slice %arg5[%dma_start3A] : memref<3200xi32, #tpu.memory_space<vmem>> -> memref<1600xi32, #tpu.memory_space<vmem>>
    %dma_start3A_29 = arith.constant 0 : i32
    %dma_start3A_30 = tpu.memref_slice %arg2[%dma_start3A_29] : memref<800000xi32, #tpu.memory_space<hbm>> -> memref<1600xi32, #tpu.memory_space<hbm>>
    %dma_start3A_31 = arith.constant 0 : i32
    %dma_start3A_32 = tpu.memref_slice %arg5[%dma_start3A_31] : memref<3200xi32, #tpu.memory_space<vmem>> -> memref<1600xi32, #tpu.memory_space<vmem>>
    %dma_start3A_33 = arith.constant 0 : i32
    %dma_start3A_34 = tpu.memref_slice %arg2[%dma_start3A_33] : memref<800000xi32, #tpu.memory_space<hbm>> -> memref<1600xi32, #tpu.memory_space<hbm>>
    tpu.enqueue_dma source(%dma_start3A_34 : memref<1600xi32, #tpu.memory_space<hbm>>) target(%dma_start3A_32 : memref<1600xi32, #tpu.memory_space<vmem>>) target_semaphore(%arg10 : memref<!tpu.dma_semaphore, #tpu.memory_space<semaphore_mem>>)
    %scan3A_35 = arith.constant 0 : i32
    %scan3A_36 = arith.constant 0 : i32
    %scan3A_37 = arith.constant 0 : i32
    %scan3A_38 = arith.constant 500 : i32
    %scan3A_39 = arith.addi %scan3A_37, %scan3A_38 : i32
    %scan3A_40 = arith.constant 1 : i32
    %scan3A_41:2 = scf.for %scan3A_215 = %scan3A_37 to %scan3A_39 step %scan3A_40 iter_args(%scan3A_216 = %scan3A_35, %scan3A_217 = %scan3A_36) -> (i32, i32)  : i32 {
      %add3A_218 = arith.constant 1 : i32
      %add3A_219 = arith.addi %scan3A_215, %add3A_218 : i32
      %lt3A = arith.constant 500 : i32
      %lt3A_220 = arith.cmpi slt, %add3A_219, %lt3A : i32
      %convert_element_type3A = arith.extui %lt3A_220 : i1 to i32
      %cond3A = arith.constant 0 : i32
      %cond3A_221 = arith.cmpi ne, %convert_element_type3A, %cond3A : i32
      scf.if %cond3A_221 {
        %add3A_304 = arith.constant 1 : i32
        %add3A_305 = arith.addi %scan3A_215, %add3A_304 : i32
        %add3A_306 = arith.constant 1 : i32
        %add3A_307 = arith.addi %scan3A_215, %add3A_306 : i32
        %jit3A_308 = arith.constant 2 : i32
        %eq3A_309 = arith.constant 0 : i32
        %eq3A_310 = arith.cmpi eq, %jit3A_308, %eq3A_309 : i32
        %jit3A_311 = arith.constant 1 : i32
        %select_n3A_312 = arith.select %eq3A_310, %jit3A_311, %jit3A_308 : i32
        %rem3A_313 = arith.remsi %add3A_307, %select_n3A_312 : i32
        %ne3A_314 = arith.constant 0 : i32
        %ne3A_315 = arith.cmpi ne, %rem3A_313, %ne3A_314 : i32
        %lt3A_316 = arith.constant 0 : i32
        %lt3A_317 = arith.cmpi slt, %rem3A_313, %lt3A_316 : i32
        %lt3A_318 = arith.constant 0 : i32
        %lt3A_319 = arith.cmpi slt, %select_n3A_312, %lt3A_318 : i32
        %ne3A_320 = arith.xori %lt3A_317, %lt3A_319 : i1
        %and3A_321 = arith.andi %ne3A_320, %ne3A_315 : i1
        %add3A_322 = arith.addi %rem3A_313, %select_n3A_312 : i32
        %select_n3A_323 = arith.select %and3A_321, %add3A_322, %rem3A_313 : i32
        %mul3A_324 = arith.constant 1600 : i32
        %mul3A_325 = arith.muli %add3A_305, %mul3A_324 : i32
        %mul3A_326 = arith.constant 1600 : i32
        %mul3A_327 = arith.muli %select_n3A_323, %mul3A_326 : i32
        %dma_start3A_328 = tpu.memref_slice %arg5[%mul3A_327] : memref<3200xi32, #tpu.memory_space<vmem>> -> memref<1600xi32, #tpu.memory_space<vmem>>
        %dma_start3A_329 = tpu.memref_slice %arg2[%mul3A_325] : memref<800000xi32, #tpu.memory_space<hbm>> -> memref<1600xi32, #tpu.memory_space<hbm>>
        %dma_start3A_330 = tpu.memref_slice %arg5[%mul3A_327] : memref<3200xi32, #tpu.memory_space<vmem>> -> memref<1600xi32, #tpu.memory_space<vmem>>
        %dma_start3A_331 = tpu.memref_slice %arg2[%mul3A_325] : memref<800000xi32, #tpu.memory_space<hbm>> -> memref<1600xi32, #tpu.memory_space<hbm>>
        tpu.enqueue_dma source(%dma_start3A_331 : memref<1600xi32, #tpu.memory_space<hbm>>) target(%dma_start3A_330 : memref<1600xi32, #tpu.memory_space<vmem>>) target_semaphore(%arg10 : memref<!tpu.dma_semaphore, #tpu.memory_space<semaphore_mem>>)
      } else {
      }
      %jit3A = arith.constant 2 : i32
      %eq3A = arith.constant 0 : i32
      %eq3A_222 = arith.cmpi eq, %jit3A, %eq3A : i32
      %jit3A_223 = arith.constant 1 : i32
      %select_n3A = arith.select %eq3A_222, %jit3A_223, %jit3A : i32
      %rem3A = arith.remsi %scan3A_215, %select_n3A : i32
      %ne3A = arith.constant 0 : i32
      %ne3A_224 = arith.cmpi ne, %rem3A, %ne3A : i32
      %lt3A_225 = arith.constant 0 : i32
      %lt3A_226 = arith.cmpi slt, %rem3A, %lt3A_225 : i32
      %lt3A_227 = arith.constant 0 : i32
      %lt3A_228 = arith.cmpi slt, %select_n3A, %lt3A_227 : i32
      %ne3A_229 = arith.xori %lt3A_226, %lt3A_228 : i1
      %and3A_230 = arith.andi %ne3A_229, %ne3A_224 : i1
      %add3A_231 = arith.addi %rem3A, %select_n3A : i32
      %select_n3A_232 = arith.select %and3A_230, %add3A_231, %rem3A : i32
      %mul3A_233 = arith.constant 1600 : i32
      %mul3A_234 = arith.muli %scan3A_215, %mul3A_233 : i32
      %mul3A_235 = arith.constant 1600 : i32
      %mul3A_236 = arith.muli %select_n3A_232, %mul3A_235 : i32
      %dma_wait3A_237 = tpu.memref_slice %arg5[%mul3A_236] : memref<3200xi32, #tpu.memory_space<vmem>> -> memref<1600xi32, #tpu.memory_space<vmem>>
      %dma_wait3A_238 = tpu.memref_slice %arg2[%mul3A_234] : memref<800000xi32, #tpu.memory_space<hbm>> -> memref<1600xi32, #tpu.memory_space<hbm>>
      %dma_wait3A_239 = tpu.memref_slice %arg5[%mul3A_236] : memref<3200xi32, #tpu.memory_space<vmem>> -> memref<1600xi32, #tpu.memory_space<vmem>>
      %dma_wait3A_240 = tpu.memref_slice %arg2[%mul3A_234] : memref<800000xi32, #tpu.memory_space<hbm>> -> memref<1600xi32, #tpu.memory_space<hbm>>
      tpu.wait_dma2 semaphore(%arg10 : memref<!tpu.dma_semaphore, #tpu.memory_space<semaphore_mem>>) src(%dma_wait3A_240 : memref<1600xi32, #tpu.memory_space<hbm>>) dst(%dma_wait3A_239 : memref<1600xi32, #tpu.memory_space<vmem>>)
      %jit3A_241 = arith.constant 2 : i32
      %eq3A_242 = arith.constant 0 : i32
      %eq3A_243 = arith.cmpi eq, %jit3A_241, %eq3A_242 : i32
      %jit3A_244 = arith.constant 1 : i32
      %select_n3A_245 = arith.select %eq3A_243, %jit3A_244, %jit3A_241 : i32
      %rem3A_246 = arith.remsi %scan3A_215, %select_n3A_245 : i32
      %ne3A_247 = arith.constant 0 : i32
      %ne3A_248 = arith.cmpi ne, %rem3A_246, %ne3A_247 : i32
      %lt3A_249 = arith.constant 0 : i32
      %lt3A_250 = arith.cmpi slt, %rem3A_246, %lt3A_249 : i32
      %lt3A_251 = arith.constant 0 : i32
      %lt3A_252 = arith.cmpi slt, %select_n3A_245, %lt3A_251 : i32
      %ne3A_253 = arith.xori %lt3A_250, %lt3A_252 : i1
      %and3A_254 = arith.andi %ne3A_253, %ne3A_248 : i1
      %add3A_255 = arith.addi %rem3A_246, %select_n3A_245 : i32
      %select_n3A_256 = arith.select %and3A_254, %add3A_255, %rem3A_246 : i32
      %mul3A_257 = arith.constant 1600 : i32
      %mul3A_258 = arith.muli %select_n3A_256, %mul3A_257 : i32
      %sub3A = arith.subi %scan3A_216, %scan3A_217 : i32
      %ge3A = arith.constant 128 : i32
      %ge3A_259 = arith.cmpi sge, %sub3A, %ge3A : i32
      %sub3A_260 = arith.subi %scan3A_216, %scan3A_217 : i32
      %ge3A_261 = arith.constant 256 : i32
      %ge3A_262 = arith.cmpi sge, %sub3A_260, %ge3A_261 : i32
      %convert_element_type3A_263 = arith.extui %ge3A_259 : i1 to i32
      %cond3A_264 = arith.constant 0 : i32
      %cond3A_265 = arith.cmpi ne, %convert_element_type3A_263, %cond3A_264 : i32
      scf.if %cond3A_265 {
        %and3A_304 = arith.constant 2047 : i32
        %and3A_305 = arith.andi %scan3A_217, %and3A_304 : i32
        %multiple_of3A_306 = tpu.assume_multiple %and3A_305, 128 : i32
        %dma_start3A_307 = arith.constant 0 : i32
        %dma_start3A_308 = arith.constant 0 : i32
        %dma_start3A_309 = arith.constant 0 : i32
        %dma_start3A_310 = tpu.memref_slice %arg8[%dma_start3A_307, %dma_start3A_308, %dma_start3A_309] : memref<2x128x64xf32, #tpu.memory_space<vmem>> -> memref<1x128x64xf32, #tpu.memory_space<vmem>>
        %dma_start3A_311 = tpu.memref_squeeze %dma_start3A_310 : memref<1x128x64xf32, #tpu.memory_space<vmem>> -> memref<128x64xf32, #tpu.memory_space<vmem>>
        %dma_start3A_312 = tpu.memref_slice %arg6[%multiple_of3A_306] : memref<2048xi32, #tpu.memory_space<vmem>> -> memref<128xi32, #tpu.memory_space<vmem>>
        %dma_start3A_313 = arith.constant 0 : i32
        %dma_start3A_314 = arith.constant 0 : i32
        %dma_start3A_315 = tpu.memref_slice %arg3[%dma_start3A_313, %dma_start3A_314] : memref<800000x64xf32, #tpu.memory_space<hbm>> -> memref<800000x64xf32, #tpu.memory_space<hbm>>
        tpu.enqueue_indirect_dma source(%dma_start3A_315 : memref<800000x64xf32, #tpu.memory_space<hbm>>) target(%dma_start3A_311 : memref<128x64xf32, #tpu.memory_space<vmem>>) offsets(%dma_start3A_312 : memref<128xi32, #tpu.memory_space<vmem>>) semaphore(%arg11 : memref<!tpu.dma_semaphore, #tpu.memory_space<semaphore_mem>>)
      } else {
      }
      %convert_element_type3A_266 = arith.extui %ge3A_262 : i1 to i32
      %cond3A_267 = arith.constant 0 : i32
      %cond3A_268 = arith.cmpi ne, %convert_element_type3A_266, %cond3A_267 : i32
      scf.if %cond3A_268 {
        %add3A_304 = arith.constant 128 : i32
        %add3A_305 = arith.addi %scan3A_217, %add3A_304 : i32
        %and3A_306 = arith.constant 2047 : i32
        %and3A_307 = arith.andi %add3A_305, %and3A_306 : i32
        %multiple_of3A_308 = tpu.assume_multiple %and3A_307, 128 : i32
        %dma_start3A_309 = arith.constant 1 : i32
        %dma_start3A_310 = arith.constant 0 : i32
        %dma_start3A_311 = arith.constant 0 : i32
        %dma_start3A_312 = tpu.memref_slice %arg8[%dma_start3A_309, %dma_start3A_310, %dma_start3A_311] : memref<2x128x64xf32, #tpu.memory_space<vmem>> -> memref<1x128x64xf32, #tpu.memory_space<vmem>>
        %dma_start3A_313 = tpu.memref_squeeze %dma_start3A_312 : memref<1x128x64xf32, #tpu.memory_space<vmem>> -> memref<128x64xf32, #tpu.memory_space<vmem>>
        %dma_start3A_314 = tpu.memref_slice %arg6[%multiple_of3A_308] : memref<2048xi32, #tpu.memory_space<vmem>> -> memref<128xi32, #tpu.memory_space<vmem>>
        %dma_start3A_315 = arith.constant 0 : i32
        %dma_start3A_316 = arith.constant 0 : i32
        %dma_start3A_317 = tpu.memref_slice %arg3[%dma_start3A_315, %dma_start3A_316] : memref<800000x64xf32, #tpu.memory_space<hbm>> -> memref<800000x64xf32, #tpu.memory_space<hbm>>
        tpu.enqueue_indirect_dma source(%dma_start3A_317 : memref<800000x64xf32, #tpu.memory_space<hbm>>) target(%dma_start3A_313 : memref<128x64xf32, #tpu.memory_space<vmem>>) offsets(%dma_start3A_314 : memref<128xi32, #tpu.memory_space<vmem>>) semaphore(%arg11 : memref<!tpu.dma_semaphore, #tpu.memory_space<semaphore_mem>>)
      } else {
      }
      %sub3A_269 = arith.constant 1 : i32
      %sub3A_270 = arith.subi %scan3A_216, %sub3A_269 : i32
      %broadcast_in_dim3A_271 = vector.broadcast %sub3A_270 : i32 to vector<16xi32>
      %mul3A_272 = arith.constant 400 : i32
      %mul3A_273 = arith.muli %mul3A_272, %scan3A_215 : i32
      %broadcast_in_dim3A_274 = vector.broadcast %mul3A_273 : i32 to vector<16xi32>
      %add3A_275 = arith.addi %broadcast_in_dim3A_274, %add3A_27 : vector<16xi32>
      %scan3A_276 = arith.constant 0 : i32
      %scan3A_277 = arith.constant 10 : i32
      %scan3A_278 = arith.addi %scan3A_276, %scan3A_277 : i32
      %scan3A_279 = arith.constant 1 : i32
      %scan3A_280:2 = scf.for %scan3A_304 = %scan3A_276 to %scan3A_278 step %scan3A_279 iter_args(%scan3A_305 = %broadcast_in_dim3A_271, %scan3A_306 = %add3A_275) -> (vector<16xi32>, vector<16xi32>)  : i32 {
        %mul3A_307 = arith.constant 10 : i32
        %mul3A_308 = arith.muli %scan3A_304, %mul3A_307 : i32
        %add3A_309 = arith.constant 0 : i32
        %add3A_310 = arith.addi %mul3A_308, %add3A_309 : i32
        %mul3A_311 = arith.constant 16 : i32
        %mul3A_312 = arith.muli %add3A_310, %mul3A_311 : i32
        %add3A_313 = arith.addi %mul3A_258, %mul3A_312 : i32
        %get3A = arith.index_cast %add3A_313 : i32 to index
        %get3A_314 = tpu.vector_load %arg5[%get3A] {strides = array<i32>} : memref<3200xi32, #tpu.memory_space<vmem>>, vector<16xi32>,
        %sub3A_315 = vector.broadcast %mul3A_2 : i32 to vector<16xi32>
        %sub3A_316 = arith.subi %get3A_314, %sub3A_315 : vector<16xi32>
        %bitcast3A = vector.bitcast %sub3A_316 : vector<16xi32> to vector<16xi32>
        %lt3A_317 = arith.constant 1568 : i32
        %lt3A_318 = vector.broadcast %lt3A_317 : i32 to vector<16xi32>
        %lt3A_319 = arith.cmpi ult, %bitcast3A, %lt3A_318 : vector<16xi32>
        %jit3A_320 = arith.constant 1 : i32
        %jit3A_321 = arith.constant 0 : i32
        %broadcast_in_dim3A_322 = vector.broadcast %jit3A_320 : i32 to vector<16xi32>
        %broadcast_in_dim3A_323 = vector.broadcast %jit3A_321 : i32 to vector<16xi32>
        %select_n3A_324 = arith.select %lt3A_319, %broadcast_in_dim3A_322, %broadcast_in_dim3A_323 : vector<16xi1>, vector<16xi32>
        %broadcast_in_dim3A_325 = arith.constant true
        %broadcast_in_dim3A_326 = vector.broadcast %broadcast_in_dim3A_325 : i1 to vector<16xi1>
        %masked_cumsum3A = tpu.scan <sum>, %select_n3A_324 masked %broadcast_in_dim3A_326 : vector<16xi32>, vector<16xi1> -> vector<16xi32>
        %add3A_327 = arith.addi %scan3A_305, %masked_cumsum3A : vector<16xi32>
        %and3A_328 = arith.constant 2047 : i32
        %and3A_329 = vector.broadcast %and3A_328 : i32 to vector<16xi32>
        %and3A_330 = arith.andi %add3A_327, %and3A_329 : vector<16xi32>
        tpu.vector_store_idx %arg6[%and3A_330], %scan3A_306 masked %lt3A_319 : memref<2048xi32, #tpu.memory_space<vmem>>[vector<16xi32>], vector<16xi32>, vector<16xi1>
        tpu.vector_store_idx %arg7[%and3A_330], %sub3A_316 masked %lt3A_319 : memref<2048xi32, #tpu.memory_space<vmem>>[vector<16xi32>], vector<16xi32>, vector<16xi1>
        %all_reduce_population_count3A = tpu.all_reduce %lt3A_319 {dim = 0 : i64, kind = #tpu.reduction_kind<sum>} : vector<16xi1> -> vector<16xi32>
        %add3A_331 = arith.addi %scan3A_305, %all_reduce_population_count3A : vector<16xi32>
        %add3A_332 = arith.constant 4 : i32
        %add3A_333 = vector.broadcast %add3A_332 : i32 to vector<16xi32>
        %add3A_334 = arith.addi %scan3A_306, %add3A_333 : vector<16xi32>
        %mul3A_335 = arith.constant 10 : i32
        %mul3A_336 = arith.muli %scan3A_304, %mul3A_335 : i32
        %add3A_337 = arith.constant 1 : i32
        %add3A_338 = arith.addi %mul3A_336, %add3A_337 : i32
        %mul3A_339 = arith.constant 16 : i32
        %mul3A_340 = arith.muli %add3A_338, %mul3A_339 : i32
        %add3A_341 = arith.addi %mul3A_258, %mul3A_340 : i32
        %get3A_342 = arith.index_cast %add3A_341 : i32 to index
        %get3A_343 = tpu.vector_load %arg5[%get3A_342] {strides = array<i32>} : memref<3200xi32, #tpu.memory_space<vmem>>, vector<16xi32>,
        %sub3A_344 = vector.broadcast %mul3A_2 : i32 to vector<16xi32>
        %sub3A_345 = arith.subi %get3A_343, %sub3A_344 : vector<16xi32>
        %bitcast3A_346 = vector.bitcast %sub3A_345 : vector<16xi32> to vector<16xi32>
        %lt3A_347 = arith.constant 1568 : i32
        %lt3A_348 = vector.broadcast %lt3A_347 : i32 to vector<16xi32>
        %lt3A_349 = arith.cmpi ult, %bitcast3A_346, %lt3A_348 : vector<16xi32>
        %jit3A_350 = arith.constant 1 : i32
        %jit3A_351 = arith.constant 0 : i32
        %broadcast_in_dim3A_352 = vector.broadcast %jit3A_350 : i32 to vector<16xi32>
        %broadcast_in_dim3A_353 = vector.broadcast %jit3A_351 : i32 to vector<16xi32>
        %select_n3A_354 = arith.select %lt3A_349, %broadcast_in_dim3A_352, %broadcast_in_dim3A_353 : vector<16xi1>, vector<16xi32>
        %broadcast_in_dim3A_355 = arith.constant true
        %broadcast_in_dim3A_356 = vector.broadcast %broadcast_in_dim3A_355 : i1 to vector<16xi1>
        %masked_cumsum3A_357 = tpu.scan <sum>, %select_n3A_354 masked %broadcast_in_dim3A_356 : vector<16xi32>, vector<16xi1> -> vector<16xi32>
        %add3A_358 = arith.addi %add3A_331, %masked_cumsum3A_357 : vector<16xi32>
        %and3A_359 = arith.constant 2047 : i32
        %and3A_360 = vector.broadcast %and3A_359 : i32 to vector<16xi32>
        %and3A_361 = arith.andi %add3A_358, %and3A_360 : vector<16xi32>
        tpu.vector_store_idx %arg6[%and3A_361], %add3A_334 masked %lt3A_349 : memref<2048xi32, #tpu.memory_space<vmem>>[vector<16xi32>], vector<16xi32>, vector<16xi1>
        tpu.vector_store_idx %arg7[%and3A_361], %sub3A_345 masked %lt3A_349 : memref<2048xi32, #tpu.memory_space<vmem>>[vector<16xi32>], vector<16xi32>, vector<16xi1>
        %all_reduce_population_count3A_362 = tpu.all_reduce %lt3A_349 {dim = 0 : i64, kind = #tpu.reduction_kind<sum>} : vector<16xi1> -> vector<16xi32>
        %add3A_363 = arith.addi %add3A_331, %all_reduce_population_count3A_362 : vector<16xi32>
        %add3A_364 = arith.constant 4 : i32
        %add3A_365 = vector.broadcast %add3A_364 : i32 to vector<16xi32>
        %add3A_366 = arith.addi %add3A_334, %add3A_365 : vector<16xi32>
        %mul3A_367 = arith.constant 10 : i32
        %mul3A_368 = arith.muli %scan3A_304, %mul3A_367 : i32
        %add3A_369 = arith.constant 2 : i32
        %add3A_370 = arith.addi %mul3A_368, %add3A_369 : i32
        %mul3A_371 = arith.constant 16 : i32
        %mul3A_372 = arith.muli %add3A_370, %mul3A_371 : i32
        %add3A_373 = arith.addi %mul3A_258, %mul3A_372 : i32
        %get3A_374 = arith.index_cast %add3A_373 : i32 to index
        %get3A_375 = tpu.vector_load %arg5[%get3A_374] {strides = array<i32>} : memref<3200xi32, #tpu.memory_space<vmem>>, vector<16xi32>,
        %sub3A_376 = vector.broadcast %mul3A_2 : i32 to vector<16xi32>
        %sub3A_377 = arith.subi %get3A_375, %sub3A_376 : vector<16xi32>
        %bitcast3A_378 = vector.bitcast %sub3A_377 : vector<16xi32> to vector<16xi32>
        %lt3A_379 = arith.constant 1568 : i32
        %lt3A_380 = vector.broadcast %lt3A_379 : i32 to vector<16xi32>
        %lt3A_381 = arith.cmpi ult, %bitcast3A_378, %lt3A_380 : vector<16xi32>
        %jit3A_382 = arith.constant 1 : i32
        %jit3A_383 = arith.constant 0 : i32
        %broadcast_in_dim3A_384 = vector.broadcast %jit3A_382 : i32 to vector<16xi32>
        %broadcast_in_dim3A_385 = vector.broadcast %jit3A_383 : i32 to vector<16xi32>
        %select_n3A_386 = arith.select %lt3A_381, %broadcast_in_dim3A_384, %broadcast_in_dim3A_385 : vector<16xi1>, vector<16xi32>
        %broadcast_in_dim3A_387 = arith.constant true
        %broadcast_in_dim3A_388 = vector.broadcast %broadcast_in_dim3A_387 : i1 to vector<16xi1>
        %masked_cumsum3A_389 = tpu.scan <sum>, %select_n3A_386 masked %broadcast_in_dim3A_388 : vector<16xi32>, vector<16xi1> -> vector<16xi32>
        %add3A_390 = arith.addi %add3A_363, %masked_cumsum3A_389 : vector<16xi32>
        %and3A_391 = arith.constant 2047 : i32
        %and3A_392 = vector.broadcast %and3A_391 : i32 to vector<16xi32>
        %and3A_393 = arith.andi %add3A_390, %and3A_392 : vector<16xi32>
        tpu.vector_store_idx %arg6[%and3A_393], %add3A_366 masked %lt3A_381 : memref<2048xi32, #tpu.memory_space<vmem>>[vector<16xi32>], vector<16xi32>, vector<16xi1>
        tpu.vector_store_idx %arg7[%and3A_393], %sub3A_377 masked %lt3A_381 : memref<2048xi32, #tpu.memory_space<vmem>>[vector<16xi32>], vector<16xi32>, vector<16xi1>
        %all_reduce_population_count3A_394 = tpu.all_reduce %lt3A_381 {dim = 0 : i64, kind = #tpu.reduction_kind<sum>} : vector<16xi1> -> vector<16xi32>
        %add3A_395 = arith.addi %add3A_363, %all_reduce_population_count3A_394 : vector<16xi32>
        %add3A_396 = arith.constant 4 : i32
        %add3A_397 = vector.broadcast %add3A_396 : i32 to vector<16xi32>
        %add3A_398 = arith.addi %add3A_366, %add3A_397 : vector<16xi32>
        %mul3A_399 = arith.constant 10 : i32
        %mul3A_400 = arith.muli %scan3A_304, %mul3A_399 : i32
        %add3A_401 = arith.constant 3 : i32
        %add3A_402 = arith.addi %mul3A_400, %add3A_401 : i32
        %mul3A_403 = arith.constant 16 : i32
        %mul3A_404 = arith.muli %add3A_402, %mul3A_403 : i32
        %add3A_405 = arith.addi %mul3A_258, %mul3A_404 : i32
        %get3A_406 = arith.index_cast %add3A_405 : i32 to index
        %get3A_407 = tpu.vector_load %arg5[%get3A_406] {strides = array<i32>} : memref<3200xi32, #tpu.memory_space<vmem>>, vector<16xi32>,
        %sub3A_408 = vector.broadcast %mul3A_2 : i32 to vector<16xi32>
        %sub3A_409 = arith.subi %get3A_407, %sub3A_408 : vector<16xi32>
        %bitcast3A_410 = vector.bitcast %sub3A_409 : vector<16xi32> to vector<16xi32>
        %lt3A_411 = arith.constant 1568 : i32
        %lt3A_412 = vector.broadcast %lt3A_411 : i32 to vector<16xi32>
        %lt3A_413 = arith.cmpi ult, %bitcast3A_410, %lt3A_412 : vector<16xi32>
        %jit3A_414 = arith.constant 1 : i32
        %jit3A_415 = arith.constant 0 : i32
        %broadcast_in_dim3A_416 = vector.broadcast %jit3A_414 : i32 to vector<16xi32>
        %broadcast_in_dim3A_417 = vector.broadcast %jit3A_415 : i32 to vector<16xi32>
        %select_n3A_418 = arith.select %lt3A_413, %broadcast_in_dim3A_416, %broadcast_in_dim3A_417 : vector<16xi1>, vector<16xi32>
        %broadcast_in_dim3A_419 = arith.constant true
        %broadcast_in_dim3A_420 = vector.broadcast %broadcast_in_dim3A_419 : i1 to vector<16xi1>
        %masked_cumsum3A_421 = tpu.scan <sum>, %select_n3A_418 masked %broadcast_in_dim3A_420 : vector<16xi32>, vector<16xi1> -> vector<16xi32>
        %add3A_422 = arith.addi %add3A_395, %masked_cumsum3A_421 : vector<16xi32>
        %and3A_423 = arith.constant 2047 : i32
        %and3A_424 = vector.broadcast %and3A_423 : i32 to vector<16xi32>
        %and3A_425 = arith.andi %add3A_422, %and3A_424 : vector<16xi32>
        tpu.vector_store_idx %arg6[%and3A_425], %add3A_398 masked %lt3A_413 : memref<2048xi32, #tpu.memory_space<vmem>>[vector<16xi32>], vector<16xi32>, vector<16xi1>
        tpu.vector_store_idx %arg7[%and3A_425], %sub3A_409 masked %lt3A_413 : memref<2048xi32, #tpu.memory_space<vmem>>[vector<16xi32>], vector<16xi32>, vector<16xi1>
        %all_reduce_population_count3A_426 = tpu.all_reduce %lt3A_413 {dim = 0 : i64, kind = #tpu.reduction_kind<sum>} : vector<16xi1> -> vector<16xi32>
        %add3A_427 = arith.addi %add3A_395, %all_reduce_population_count3A_426 : vector<16xi32>
        %add3A_428 = arith.constant 4 : i32
        %add3A_429 = vector.broadcast %add3A_428 : i32 to vector<16xi32>
        %add3A_430 = arith.addi %add3A_398, %add3A_429 : vector<16xi32>
        %mul3A_431 = arith.constant 10 : i32
        %mul3A_432 = arith.muli %scan3A_304, %mul3A_431 : i32
        %add3A_433 = arith.constant 4 : i32
        %add3A_434 = arith.addi %mul3A_432, %add3A_433 : i32
        %mul3A_435 = arith.constant 16 : i32
        %mul3A_436 = arith.muli %add3A_434, %mul3A_435 : i32
        %add3A_437 = arith.addi %mul3A_258, %mul3A_436 : i32
        %get3A_438 = arith.index_cast %add3A_437 : i32 to index
        %get3A_439 = tpu.vector_load %arg5[%get3A_438] {strides = array<i32>} : memref<3200xi32, #tpu.memory_space<vmem>>, vector<16xi32>,
        %sub3A_440 = vector.broadcast %mul3A_2 : i32 to vector<16xi32>
        %sub3A_441 = arith.subi %get3A_439, %sub3A_440 : vector<16xi32>
        %bitcast3A_442 = vector.bitcast %sub3A_441 : vector<16xi32> to vector<16xi32>
        %lt3A_443 = arith.constant 1568 : i32
        %lt3A_444 = vector.broadcast %lt3A_443 : i32 to vector<16xi32>
        %lt3A_445 = arith.cmpi ult, %bitcast3A_442, %lt3A_444 : vector<16xi32>
        %jit3A_446 = arith.constant 1 : i32
        %jit3A_447 = arith.constant 0 : i32
        %broadcast_in_dim3A_448 = vector.broadcast %jit3A_446 : i32 to vector<16xi32>
        %broadcast_in_dim3A_449 = vector.broadcast %jit3A_447 : i32 to vector<16xi32>
        %select_n3A_450 = arith.select %lt3A_445, %broadcast_in_dim3A_448, %broadcast_in_dim3A_449 : vector<16xi1>, vector<16xi32>
        %broadcast_in_dim3A_451 = arith.constant true
        %broadcast_in_dim3A_452 = vector.broadcast %broadcast_in_dim3A_451 : i1 to vector<16xi1>
        %masked_cumsum3A_453 = tpu.scan <sum>, %select_n3A_450 masked %broadcast_in_dim3A_452 : vector<16xi32>, vector<16xi1> -> vector<16xi32>
        %add3A_454 = arith.addi %add3A_427, %masked_cumsum3A_453 : vector<16xi32>
        %and3A_455 = arith.constant 2047 : i32
        %and3A_456 = vector.broadcast %and3A_455 : i32 to vector<16xi32>
        %and3A_457 = arith.andi %add3A_454, %and3A_456 : vector<16xi32>
        tpu.vector_store_idx %arg6[%and3A_457], %add3A_430 masked %lt3A_445 : memref<2048xi32, #tpu.memory_space<vmem>>[vector<16xi32>], vector<16xi32>, vector<16xi1>
        tpu.vector_store_idx %arg7[%and3A_457], %sub3A_441 masked %lt3A_445 : memref<2048xi32, #tpu.memory_space<vmem>>[vector<16xi32>], vector<16xi32>, vector<16xi1>
        %all_reduce_population_count3A_458 = tpu.all_reduce %lt3A_445 {dim = 0 : i64, kind = #tpu.reduction_kind<sum>} : vector<16xi1> -> vector<16xi32>
        %add3A_459 = arith.addi %add3A_427, %all_reduce_population_count3A_458 : vector<16xi32>
        %add3A_460 = arith.constant 4 : i32
        %add3A_461 = vector.broadcast %add3A_460 : i32 to vector<16xi32>
        %add3A_462 = arith.addi %add3A_430, %add3A_461 : vector<16xi32>
        %mul3A_463 = arith.constant 10 : i32
        %mul3A_464 = arith.muli %scan3A_304, %mul3A_463 : i32
        %add3A_465 = arith.constant 5 : i32
        %add3A_466 = arith.addi %mul3A_464, %add3A_465 : i32
        %mul3A_467 = arith.constant 16 : i32
        %mul3A_468 = arith.muli %add3A_466, %mul3A_467 : i32
        %add3A_469 = arith.addi %mul3A_258, %mul3A_468 : i32
        %get3A_470 = arith.index_cast %add3A_469 : i32 to index
        %get3A_471 = tpu.vector_load %arg5[%get3A_470] {strides = array<i32>} : memref<3200xi32, #tpu.memory_space<vmem>>, vector<16xi32>,
        %sub3A_472 = vector.broadcast %mul3A_2 : i32 to vector<16xi32>
        %sub3A_473 = arith.subi %get3A_471, %sub3A_472 : vector<16xi32>
        %bitcast3A_474 = vector.bitcast %sub3A_473 : vector<16xi32> to vector<16xi32>
        %lt3A_475 = arith.constant 1568 : i32
        %lt3A_476 = vector.broadcast %lt3A_475 : i32 to vector<16xi32>
        %lt3A_477 = arith.cmpi ult, %bitcast3A_474, %lt3A_476 : vector<16xi32>
        %jit3A_478 = arith.constant 1 : i32
        %jit3A_479 = arith.constant 0 : i32
        %broadcast_in_dim3A_480 = vector.broadcast %jit3A_478 : i32 to vector<16xi32>
        %broadcast_in_dim3A_481 = vector.broadcast %jit3A_479 : i32 to vector<16xi32>
        %select_n3A_482 = arith.select %lt3A_477, %broadcast_in_dim3A_480, %broadcast_in_dim3A_481 : vector<16xi1>, vector<16xi32>
        %broadcast_in_dim3A_483 = arith.constant true
        %broadcast_in_dim3A_484 = vector.broadcast %broadcast_in_dim3A_483 : i1 to vector<16xi1>
        %masked_cumsum3A_485 = tpu.scan <sum>, %select_n3A_482 masked %broadcast_in_dim3A_484 : vector<16xi32>, vector<16xi1> -> vector<16xi32>
        %add3A_486 = arith.addi %add3A_459, %masked_cumsum3A_485 : vector<16xi32>
        %and3A_487 = arith.constant 2047 : i32
        %and3A_488 = vector.broadcast %and3A_487 : i32 to vector<16xi32>
        %and3A_489 = arith.andi %add3A_486, %and3A_488 : vector<16xi32>
        tpu.vector_store_idx %arg6[%and3A_489], %add3A_462 masked %lt3A_477 : memref<2048xi32, #tpu.memory_space<vmem>>[vector<16xi32>], vector<16xi32>, vector<16xi1>
        tpu.vector_store_idx %arg7[%and3A_489], %sub3A_473 masked %lt3A_477 : memref<2048xi32, #tpu.memory_space<vmem>>[vector<16xi32>], vector<16xi32>, vector<16xi1>
        %all_reduce_population_count3A_490 = tpu.all_reduce %lt3A_477 {dim = 0 : i64, kind = #tpu.reduction_kind<sum>} : vector<16xi1> -> vector<16xi32>
        %add3A_491 = arith.addi %add3A_459, %all_reduce_population_count3A_490 : vector<16xi32>
        %add3A_492 = arith.constant 4 : i32
        %add3A_493 = vector.broadcast %add3A_492 : i32 to vector<16xi32>
        %add3A_494 = arith.addi %add3A_462, %add3A_493 : vector<16xi32>
        %mul3A_495 = arith.constant 10 : i32
        %mul3A_496 = arith.muli %scan3A_304, %mul3A_495 : i32
        %add3A_497 = arith.constant 6 : i32
        %add3A_498 = arith.addi %mul3A_496, %add3A_497 : i32
        %mul3A_499 = arith.constant 16 : i32
        %mul3A_500 = arith.muli %add3A_498, %mul3A_499 : i32
        %add3A_501 = arith.addi %mul3A_258, %mul3A_500 : i32
        %get3A_502 = arith.index_cast %add3A_501 : i32 to index
        %get3A_503 = tpu.vector_load %arg5[%get3A_502] {strides = array<i32>} : memref<3200xi32, #tpu.memory_space<vmem>>, vector<16xi32>,
        %sub3A_504 = vector.broadcast %mul3A_2 : i32 to vector<16xi32>
        %sub3A_505 = arith.subi %get3A_503, %sub3A_504 : vector<16xi32>
        %bitcast3A_506 = vector.bitcast %sub3A_505 : vector<16xi32> to vector<16xi32>
        %lt3A_507 = arith.constant 1568 : i32
        %lt3A_508 = vector.broadcast %lt3A_507 : i32 to vector<16xi32>
        %lt3A_509 = arith.cmpi ult, %bitcast3A_506, %lt3A_508 : vector<16xi32>
        %jit3A_510 = arith.constant 1 : i32
        %jit3A_511 = arith.constant 0 : i32
        %broadcast_in_dim3A_512 = vector.broadcast %jit3A_510 : i32 to vector<16xi32>
        %broadcast_in_dim3A_513 = vector.broadcast %jit3A_511 : i32 to vector<16xi32>
        %select_n3A_514 = arith.select %lt3A_509, %broadcast_in_dim3A_512, %broadcast_in_dim3A_513 : vector<16xi1>, vector<16xi32>
        %broadcast_in_dim3A_515 = arith.constant true
        %broadcast_in_dim3A_516 = vector.broadcast %broadcast_in_dim3A_515 : i1 to vector<16xi1>
        %masked_cumsum3A_517 = tpu.scan <sum>, %select_n3A_514 masked %broadcast_in_dim3A_516 : vector<16xi32>, vector<16xi1> -> vector<16xi32>
        %add3A_518 = arith.addi %add3A_491, %masked_cumsum3A_517 : vector<16xi32>
        %and3A_519 = arith.constant 2047 : i32
        %and3A_520 = vector.broadcast %and3A_519 : i32 to vector<16xi32>
        %and3A_521 = arith.andi %add3A_518, %and3A_520 : vector<16xi32>
        tpu.vector_store_idx %arg6[%and3A_521], %add3A_494 masked %lt3A_509 : memref<2048xi32, #tpu.memory_space<vmem>>[vector<16xi32>], vector<16xi32>, vector<16xi1>
        tpu.vector_store_idx %arg7[%and3A_521], %sub3A_505 masked %lt3A_509 : memref<2048xi32, #tpu.memory_space<vmem>>[vector<16xi32>], vector<16xi32>, vector<16xi1>
        %all_reduce_population_count3A_522 = tpu.all_reduce %lt3A_509 {dim = 0 : i64, kind = #tpu.reduction_kind<sum>} : vector<16xi1> -> vector<16xi32>
        %add3A_523 = arith.addi %add3A_491, %all_reduce_population_count3A_522 : vector<16xi32>
        %add3A_524 = arith.constant 4 : i32
        %add3A_525 = vector.broadcast %add3A_524 : i32 to vector<16xi32>
        %add3A_526 = arith.addi %add3A_494, %add3A_525 : vector<16xi32>
        %mul3A_527 = arith.constant 10 : i32
        %mul3A_528 = arith.muli %scan3A_304, %mul3A_527 : i32
        %add3A_529 = arith.constant 7 : i32
        %add3A_530 = arith.addi %mul3A_528, %add3A_529 : i32
        %mul3A_531 = arith.constant 16 : i32
        %mul3A_532 = arith.muli %add3A_530, %mul3A_531 : i32
        %add3A_533 = arith.addi %mul3A_258, %mul3A_532 : i32
        %get3A_534 = arith.index_cast %add3A_533 : i32 to index
        %get3A_535 = tpu.vector_load %arg5[%get3A_534] {strides = array<i32>} : memref<3200xi32, #tpu.memory_space<vmem>>, vector<16xi32>,
        %sub3A_536 = vector.broadcast %mul3A_2 : i32 to vector<16xi32>
        %sub3A_537 = arith.subi %get3A_535, %sub3A_536 : vector<16xi32>
        %bitcast3A_538 = vector.bitcast %sub3A_537 : vector<16xi32> to vector<16xi32>
        %lt3A_539 = arith.constant 1568 : i32
        %lt3A_540 = vector.broadcast %lt3A_539 : i32 to vector<16xi32>
        %lt3A_541 = arith.cmpi ult, %bitcast3A_538, %lt3A_540 : vector<16xi32>
        %jit3A_542 = arith.constant 1 : i32
        %jit3A_543 = arith.constant 0 : i32
        %broadcast_in_dim3A_544 = vector.broadcast %jit3A_542 : i32 to vector<16xi32>
        %broadcast_in_dim3A_545 = vector.broadcast %jit3A_543 : i32 to vector<16xi32>
        %select_n3A_546 = arith.select %lt3A_541, %broadcast_in_dim3A_544, %broadcast_in_dim3A_545 : vector<16xi1>, vector<16xi32>
        %broadcast_in_dim3A_547 = arith.constant true
        %broadcast_in_dim3A_548 = vector.broadcast %broadcast_in_dim3A_547 : i1 to vector<16xi1>
        %masked_cumsum3A_549 = tpu.scan <sum>, %select_n3A_546 masked %broadcast_in_dim3A_548 : vector<16xi32>, vector<16xi1> -> vector<16xi32>
        %add3A_550 = arith.addi %add3A_523, %masked_cumsum3A_549 : vector<16xi32>
        %and3A_551 = arith.constant 2047 : i32
        %and3A_552 = vector.broadcast %and3A_551 : i32 to vector<16xi32>
        %and3A_553 = arith.andi %add3A_550, %and3A_552 : vector<16xi32>
        tpu.vector_store_idx %arg6[%and3A_553], %add3A_526 masked %lt3A_541 : memref<2048xi32, #tpu.memory_space<vmem>>[vector<16xi32>], vector<16xi32>, vector<16xi1>
        tpu.vector_store_idx %arg7[%and3A_553], %sub3A_537 masked %lt3A_541 : memref<2048xi32, #tpu.memory_space<vmem>>[vector<16xi32>], vector<16xi32>, vector<16xi1>
        %all_reduce_population_count3A_554 = tpu.all_reduce %lt3A_541 {dim = 0 : i64, kind = #tpu.reduction_kind<sum>} : vector<16xi1> -> vector<16xi32>
        %add3A_555 = arith.addi %add3A_523, %all_reduce_population_count3A_554 : vector<16xi32>
        %add3A_556 = arith.constant 4 : i32
        %add3A_557 = vector.broadcast %add3A_556 : i32 to vector<16xi32>
        %add3A_558 = arith.addi %add3A_526, %add3A_557 : vector<16xi32>
        %mul3A_559 = arith.constant 10 : i32
        %mul3A_560 = arith.muli %scan3A_304, %mul3A_559 : i32
        %add3A_561 = arith.constant 8 : i32
        %add3A_562 = arith.addi %mul3A_560, %add3A_561 : i32
        %mul3A_563 = arith.constant 16 : i32
        %mul3A_564 = arith.muli %add3A_562, %mul3A_563 : i32
        %add3A_565 = arith.addi %mul3A_258, %mul3A_564 : i32
        %get3A_566 = arith.index_cast %add3A_565 : i32 to index
        %get3A_567 = tpu.vector_load %arg5[%get3A_566] {strides = array<i32>} : memref<3200xi32, #tpu.memory_space<vmem>>, vector<16xi32>,
        %sub3A_568 = vector.broadcast %mul3A_2 : i32 to vector<16xi32>
        %sub3A_569 = arith.subi %get3A_567, %sub3A_568 : vector<16xi32>
        %bitcast3A_570 = vector.bitcast %sub3A_569 : vector<16xi32> to vector<16xi32>
        %lt3A_571 = arith.constant 1568 : i32
        %lt3A_572 = vector.broadcast %lt3A_571 : i32 to vector<16xi32>
        %lt3A_573 = arith.cmpi ult, %bitcast3A_570, %lt3A_572 : vector<16xi32>
        %jit3A_574 = arith.constant 1 : i32
        %jit3A_575 = arith.constant 0 : i32
        %broadcast_in_dim3A_576 = vector.broadcast %jit3A_574 : i32 to vector<16xi32>
        %broadcast_in_dim3A_577 = vector.broadcast %jit3A_575 : i32 to vector<16xi32>
        %select_n3A_578 = arith.select %lt3A_573, %broadcast_in_dim3A_576, %broadcast_in_dim3A_577 : vector<16xi1>, vector<16xi32>
        %broadcast_in_dim3A_579 = arith.constant true
        %broadcast_in_dim3A_580 = vector.broadcast %broadcast_in_dim3A_579 : i1 to vector<16xi1>
        %masked_cumsum3A_581 = tpu.scan <sum>, %select_n3A_578 masked %broadcast_in_dim3A_580 : vector<16xi32>, vector<16xi1> -> vector<16xi32>
        %add3A_582 = arith.addi %add3A_555, %masked_cumsum3A_581 : vector<16xi32>
        %and3A_583 = arith.constant 2047 : i32
        %and3A_584 = vector.broadcast %and3A_583 : i32 to vector<16xi32>
        %and3A_585 = arith.andi %add3A_582, %and3A_584 : vector<16xi32>
        tpu.vector_store_idx %arg6[%and3A_585], %add3A_558 masked %lt3A_573 : memref<2048xi32, #tpu.memory_space<vmem>>[vector<16xi32>], vector<16xi32>, vector<16xi1>
        tpu.vector_store_idx %arg7[%and3A_585], %sub3A_569 masked %lt3A_573 : memref<2048xi32, #tpu.memory_space<vmem>>[vector<16xi32>], vector<16xi32>, vector<16xi1>
        %all_reduce_population_count3A_586 = tpu.all_reduce %lt3A_573 {dim = 0 : i64, kind = #tpu.reduction_kind<sum>} : vector<16xi1> -> vector<16xi32>
        %add3A_587 = arith.addi %add3A_555, %all_reduce_population_count3A_586 : vector<16xi32>
        %add3A_588 = arith.constant 4 : i32
        %add3A_589 = vector.broadcast %add3A_588 : i32 to vector<16xi32>
        %add3A_590 = arith.addi %add3A_558, %add3A_589 : vector<16xi32>
        %mul3A_591 = arith.constant 10 : i32
        %mul3A_592 = arith.muli %scan3A_304, %mul3A_591 : i32
        %add3A_593 = arith.constant 9 : i32
        %add3A_594 = arith.addi %mul3A_592, %add3A_593 : i32
        %mul3A_595 = arith.constant 16 : i32
        %mul3A_596 = arith.muli %add3A_594, %mul3A_595 : i32
        %add3A_597 = arith.addi %mul3A_258, %mul3A_596 : i32
        %get3A_598 = arith.index_cast %add3A_597 : i32 to index
        %get3A_599 = tpu.vector_load %arg5[%get3A_598] {strides = array<i32>} : memref<3200xi32, #tpu.memory_space<vmem>>, vector<16xi32>,
        %sub3A_600 = vector.broadcast %mul3A_2 : i32 to vector<16xi32>
        %sub3A_601 = arith.subi %get3A_599, %sub3A_600 : vector<16xi32>
        %bitcast3A_602 = vector.bitcast %sub3A_601 : vector<16xi32> to vector<16xi32>
        %lt3A_603 = arith.constant 1568 : i32
        %lt3A_604 = vector.broadcast %lt3A_603 : i32 to vector<16xi32>
        %lt3A_605 = arith.cmpi ult, %bitcast3A_602, %lt3A_604 : vector<16xi32>
        %jit3A_606 = arith.constant 1 : i32
        %jit3A_607 = arith.constant 0 : i32
        %broadcast_in_dim3A_608 = vector.broadcast %jit3A_606 : i32 to vector<16xi32>
        %broadcast_in_dim3A_609 = vector.broadcast %jit3A_607 : i32 to vector<16xi32>
        %select_n3A_610 = arith.select %lt3A_605, %broadcast_in_dim3A_608, %broadcast_in_dim3A_609 : vector<16xi1>, vector<16xi32>
        %broadcast_in_dim3A_611 = arith.constant true
        %broadcast_in_dim3A_612 = vector.broadcast %broadcast_in_dim3A_611 : i1 to vector<16xi1>
        %masked_cumsum3A_613 = tpu.scan <sum>, %select_n3A_610 masked %broadcast_in_dim3A_612 : vector<16xi32>, vector<16xi1> -> vector<16xi32>
        %add3A_614 = arith.addi %add3A_587, %masked_cumsum3A_613 : vector<16xi32>
        %and3A_615 = arith.constant 2047 : i32
        %and3A_616 = vector.broadcast %and3A_615 : i32 to vector<16xi32>
        %and3A_617 = arith.andi %add3A_614, %and3A_616 : vector<16xi32>
        tpu.vector_store_idx %arg6[%and3A_617], %add3A_590 masked %lt3A_605 : memref<2048xi32, #tpu.memory_space<vmem>>[vector<16xi32>], vector<16xi32>, vector<16xi1>
        tpu.vector_store_idx %arg7[%and3A_617], %sub3A_601 masked %lt3A_605 : memref<2048xi32, #tpu.memory_space<vmem>>[vector<16xi32>], vector<16xi32>, vector<16xi1>
        %all_reduce_population_count3A_618 = tpu.all_reduce %lt3A_605 {dim = 0 : i64, kind = #tpu.reduction_kind<sum>} : vector<16xi1> -> vector<16xi32>
        %add3A_619 = arith.addi %add3A_587, %all_reduce_population_count3A_618 : vector<16xi32>
        %add3A_620 = arith.constant 4 : i32
        %add3A_621 = vector.broadcast %add3A_620 : i32 to vector<16xi32>
        %add3A_622 = arith.addi %add3A_590, %add3A_621 : vector<16xi32>
        scf.yield %add3A_619, %add3A_622 : vector<16xi32>, vector<16xi32>
      }
      %scan3A_281 = arith.constant 10 : i32
      %reduce_max3A = arith.constant true
      %reduce_max3A_282 = vector.broadcast %reduce_max3A : i1 to vector<16xi1>
      %reduce_max3A_283 = arith.constant -2147483648 : i32
      %reduce_max3A_284 = vector.broadcast %reduce_max3A_283 : i32 to vector<16xi32>
      %reduce_max3A_285 = arith.xori %scan3A_280#0, %reduce_max3A_284 : vector<16xi32>
      %reduce_max3A_286 = tpu.scan <max>, %reduce_max3A_285 masked %reduce_max3A_282 : vector<16xi32>, vector<16xi1> -> vector<16xi32>
      %reduce_max3A_287 = arith.xori %reduce_max3A_286, %reduce_max3A_284 : vector<16xi32>
      %reduce_max3A_288 = vector.extract %reduce_max3A_287[15] : i32 from vector<16xi32>
      %add3A_289 = arith.constant 1 : i32
      %add3A_290 = arith.addi %reduce_max3A_288, %add3A_289 : i32
      %convert_element_type3A_291 = arith.extui %ge3A_259 : i1 to i32
      %cond3A_292 = arith.constant 0 : i32
      %cond3A_293 = arith.cmpi ne, %convert_element_type3A_291, %cond3A_292 : i32
      scf.if %cond3A_293 {
        %and3A_304 = arith.constant 2047 : i32
        %and3A_305 = arith.andi %scan3A_217, %and3A_304 : i32
        %multiple_of3A_306 = tpu.assume_multiple %and3A_305, 128 : i32
        %dma_wait3A_307 = arith.constant 0 : i32
        %dma_wait3A_308 = arith.constant 0 : i32
        %dma_wait3A_309 = arith.constant 0 : i32
        %dma_wait3A_310 = tpu.memref_slice %arg8[%dma_wait3A_307, %dma_wait3A_308, %dma_wait3A_309] : memref<2x128x64xf32, #tpu.memory_space<vmem>> -> memref<1x128x64xf32, #tpu.memory_space<vmem>>
        %dma_wait3A_311 = tpu.memref_squeeze %dma_wait3A_310 : memref<1x128x64xf32, #tpu.memory_space<vmem>> -> memref<128x64xf32, #tpu.memory_space<vmem>>
        %dma_wait3A_312 = tpu.memref_slice %arg6[%multiple_of3A_306] : memref<2048xi32, #tpu.memory_space<vmem>> -> memref<128xi32, #tpu.memory_space<vmem>>
        %dma_wait3A_313 = arith.constant 0 : i32
        %dma_wait3A_314 = arith.constant 0 : i32
        %dma_wait3A_315 = tpu.memref_slice %arg3[%dma_wait3A_313, %dma_wait3A_314] : memref<800000x64xf32, #tpu.memory_space<hbm>> -> memref<800000x64xf32, #tpu.memory_space<hbm>>
        tpu.wait_indirect_dma semaphore(%arg11 : memref<!tpu.dma_semaphore, #tpu.memory_space<semaphore_mem>>) src(%dma_wait3A_315 : memref<800000x64xf32, #tpu.memory_space<hbm>>) dst(%dma_wait3A_311 : memref<128x64xf32, #tpu.memory_space<vmem>>)
        %and3A_316 = arith.constant 2047 : i32
        %and3A_317 = arith.andi %scan3A_217, %and3A_316 : i32
        %multiple_of3A_318 = tpu.assume_multiple %and3A_317, 128 : i32
        %scan3A_319 = arith.constant 0 : i32
        %scan3A_320 = arith.constant 0 : i32
        %scan3A_321 = arith.constant 32 : i32
        %scan3A_322 = arith.addi %scan3A_320, %scan3A_321 : i32
        %scan3A_323 = arith.constant 1 : i32
        %scan3A_324 = scf.for %scan3A_326 = %scan3A_320 to %scan3A_322 step %scan3A_323 iter_args(%scan3A_327 = %scan3A_319) -> (i32)  : i32 {
          %mul3A_328 = arith.constant 4 : i32
          %mul3A_329 = arith.muli %mul3A_328, %scan3A_326 : i32
          %add3A_330 = arith.constant 0 : i32
          %add3A_331 = arith.addi %mul3A_329, %add3A_330 : i32
          %and3A_332 = arith.constant -16 : i32
          %and3A_333 = arith.andi %add3A_331, %and3A_332 : i32
          %add3A_334 = arith.addi %multiple_of3A_318, %and3A_333 : i32
          %multiple_of3A_335 = tpu.assume_multiple %add3A_334, 16 : i32
          %get3A = arith.index_cast %multiple_of3A_335 : i32 to index
          %get3A_336 = tpu.vector_load %arg7[%get3A] {strides = array<i32>} : memref<2048xi32, #tpu.memory_space<vmem>>, vector<16xi32>,
          %and3A_337 = arith.constant 15 : i32
          %and3A_338 = arith.andi %add3A_331, %and3A_337 : i32
          %eq3A_339 = vector.broadcast %and3A_338 : i32 to vector<16xi32>
          %eq3A_340 = arith.cmpi eq, %iota3A, %eq3A_339 : vector<16xi32>
          %jit3A_341 = arith.constant 0 : i32
          %broadcast_in_dim3A_342 = vector.broadcast %jit3A_341 : i32 to vector<16xi32>
          %select_n3A_343 = arith.select %eq3A_340, %get3A_336, %broadcast_in_dim3A_342 : vector<16xi1>, vector<16xi32>
          %reduce_sum3A = arith.constant true
          %reduce_sum3A_344 = vector.broadcast %reduce_sum3A : i1 to vector<16xi1>
          %reduce_sum3A_345 = tpu.scan <sum>, %select_n3A_343 masked %reduce_sum3A_344 : vector<16xi32>, vector<16xi1> -> vector<16xi32>
          %reduce_sum3A_346 = vector.extract %reduce_sum3A_345[15] : i32 from vector<16xi32>
          %mul3A_347 = arith.constant 4 : i32
          %mul3A_348 = arith.muli %mul3A_347, %scan3A_326 : i32
          %add3A_349 = arith.constant 1 : i32
          %add3A_350 = arith.addi %mul3A_348, %add3A_349 : i32
          %and3A_351 = arith.constant -16 : i32
          %and3A_352 = arith.andi %add3A_350, %and3A_351 : i32
          %add3A_353 = arith.addi %multiple_of3A_318, %and3A_352 : i32
          %multiple_of3A_354 = tpu.assume_multiple %add3A_353, 16 : i32
          %get3A_355 = arith.index_cast %multiple_of3A_354 : i32 to index
          %get3A_356 = tpu.vector_load %arg7[%get3A_355] {strides = array<i32>} : memref<2048xi32, #tpu.memory_space<vmem>>, vector<16xi32>,
          %and3A_357 = arith.constant 15 : i32
          %and3A_358 = arith.andi %add3A_350, %and3A_357 : i32
          %eq3A_359 = vector.broadcast %and3A_358 : i32 to vector<16xi32>
          %eq3A_360 = arith.cmpi eq, %iota3A, %eq3A_359 : vector<16xi32>
          %jit3A_361 = arith.constant 0 : i32
          %broadcast_in_dim3A_362 = vector.broadcast %jit3A_361 : i32 to vector<16xi32>
          %select_n3A_363 = arith.select %eq3A_360, %get3A_356, %broadcast_in_dim3A_362 : vector<16xi1>, vector<16xi32>
          %reduce_sum3A_364 = arith.constant true
          %reduce_sum3A_365 = vector.broadcast %reduce_sum3A_364 : i1 to vector<16xi1>
          %reduce_sum3A_366 = tpu.scan <sum>, %select_n3A_363 masked %reduce_sum3A_365 : vector<16xi32>, vector<16xi1> -> vector<16xi32>
          %reduce_sum3A_367 = vector.extract %reduce_sum3A_366[15] : i32 from vector<16xi32>
          %mul3A_368 = arith.constant 4 : i32
          %mul3A_369 = arith.muli %mul3A_368, %scan3A_326 : i32
          %add3A_370 = arith.constant 2 : i32
          %add3A_371 = arith.addi %mul3A_369, %add3A_370 : i32
          %and3A_372 = arith.constant -16 : i32
          %and3A_373 = arith.andi %add3A_371, %and3A_372 : i32
          %add3A_374 = arith.addi %multiple_of3A_318, %and3A_373 : i32
          %multiple_of3A_375 = tpu.assume_multiple %add3A_374, 16 : i32
          %get3A_376 = arith.index_cast %multiple_of3A_375 : i32 to index
          %get3A_377 = tpu.vector_load %arg7[%get3A_376] {strides = array<i32>} : memref<2048xi32, #tpu.memory_space<vmem>>, vector<16xi32>,
          %and3A_378 = arith.constant 15 : i32
          %and3A_379 = arith.andi %add3A_371, %and3A_378 : i32
          %eq3A_380 = vector.broadcast %and3A_379 : i32 to vector<16xi32>
          %eq3A_381 = arith.cmpi eq, %iota3A, %eq3A_380 : vector<16xi32>
          %jit3A_382 = arith.constant 0 : i32
          %broadcast_in_dim3A_383 = vector.broadcast %jit3A_382 : i32 to vector<16xi32>
          %select_n3A_384 = arith.select %eq3A_381, %get3A_377, %broadcast_in_dim3A_383 : vector<16xi1>, vector<16xi32>
          %reduce_sum3A_385 = arith.constant true
          %reduce_sum3A_386 = vector.broadcast %reduce_sum3A_385 : i1 to vector<16xi1>
          %reduce_sum3A_387 = tpu.scan <sum>, %select_n3A_384 masked %reduce_sum3A_386 : vector<16xi32>, vector<16xi1> -> vector<16xi32>
          %reduce_sum3A_388 = vector.extract %reduce_sum3A_387[15] : i32 from vector<16xi32>
          %mul3A_389 = arith.constant 4 : i32
          %mul3A_390 = arith.muli %mul3A_389, %scan3A_326 : i32
          %add3A_391 = arith.constant 3 : i32
          %add3A_392 = arith.addi %mul3A_390, %add3A_391 : i32
          %and3A_393 = arith.constant -16 : i32
          %and3A_394 = arith.andi %add3A_392, %and3A_393 : i32
          %add3A_395 = arith.addi %multiple_of3A_318, %and3A_394 : i32
          %multiple_of3A_396 = tpu.assume_multiple %add3A_395, 16 : i32
          %get3A_397 = arith.index_cast %multiple_of3A_396 : i32 to index
          %get3A_398 = tpu.vector_load %arg7[%get3A_397] {strides = array<i32>} : memref<2048xi32, #tpu.memory_space<vmem>>, vector<16xi32>,
          %and3A_399 = arith.constant 15 : i32
          %and3A_400 = arith.andi %add3A_392, %and3A_399 : i32
          %eq3A_401 = vector.broadcast %and3A_400 : i32 to vector<16xi32>
          %eq3A_402 = arith.cmpi eq, %iota3A, %eq3A_401 : vector<16xi32>
          %jit3A_403 = arith.constant 0 : i32
          %broadcast_in_dim3A_404 = vector.broadcast %jit3A_403 : i32 to vector<16xi32>
          %select_n3A_405 = arith.select %eq3A_402, %get3A_398, %broadcast_in_dim3A_404 : vector<16xi1>, vector<16xi32>
          %reduce_sum3A_406 = arith.constant true
          %reduce_sum3A_407 = vector.broadcast %reduce_sum3A_406 : i1 to vector<16xi1>
          %reduce_sum3A_408 = tpu.scan <sum>, %select_n3A_405 masked %reduce_sum3A_407 : vector<16xi32>, vector<16xi1> -> vector<16xi32>
          %reduce_sum3A_409 = vector.extract %reduce_sum3A_408[15] : i32 from vector<16xi32>
          %mul3A_410 = arith.constant 4 : i32
          %mul3A_411 = arith.muli %mul3A_410, %scan3A_326 : i32
          %add3A_412 = arith.constant 0 : i32
          %add3A_413 = arith.addi %mul3A_411, %add3A_412 : i32
          %mul3A_414 = arith.constant 64 : i32
          %mul3A_415 = arith.muli %reduce_sum3A_346, %mul3A_414 : i32
          %add3A_416 = arith.constant 0 : i32
          %add3A_417 = arith.addi %mul3A_415, %add3A_416 : i32
          %get3A_418 = arith.index_cast %add3A_417 : i32 to index
          %get3A_419 = tpu.vector_load %arg9[%get3A_418] {strides = array<i32>} : memref<100864xf32, #tpu.memory_space<vmem>>, vector<16xf32>,
          %add3A_420 = arith.constant 16 : i32
          %add3A_421 = arith.addi %mul3A_415, %add3A_420 : i32
          %get3A_422 = arith.index_cast %add3A_421 : i32 to index
          %get3A_423 = tpu.vector_load %arg9[%get3A_422] {strides = array<i32>} : memref<100864xf32, #tpu.memory_space<vmem>>, vector<16xf32>,
          %add3A_424 = arith.constant 32 : i32
          %add3A_425 = arith.addi %mul3A_415, %add3A_424 : i32
          %get3A_426 = arith.index_cast %add3A_425 : i32 to index
          %get3A_427 = tpu.vector_load %arg9[%get3A_426] {strides = array<i32>} : memref<100864xf32, #tpu.memory_space<vmem>>, vector<16xf32>,
          %add3A_428 = arith.constant 48 : i32
          %add3A_429 = arith.addi %mul3A_415, %add3A_428 : i32
          %get3A_430 = arith.index_cast %add3A_429 : i32 to index
          %get3A_431 = tpu.vector_load %arg9[%get3A_430] {strides = array<i32>} : memref<100864xf32, #tpu.memory_space<vmem>>, vector<16xf32>,
          %get3A_432 = arith.constant 0 : i32
          %get3A_433 = arith.index_cast %get3A_432 : i32 to index
          %get3A_434 = arith.index_cast %add3A_413 : i32 to index
          %get3A_435 = arith.constant 0 : index
          %get3A_436 = tpu.vector_load %arg8[%get3A_433, %get3A_434, %get3A_435] {strides = array<i32>} : memref<2x128x64xf32, #tpu.memory_space<vmem>>, vector<16xf32>,
          %get3A_437 = arith.constant 0 : i32
          %get3A_438 = arith.index_cast %get3A_437 : i32 to index
          %get3A_439 = arith.index_cast %add3A_413 : i32 to index
          %get3A_440 = arith.constant 16 : index
          %get3A_441 = tpu.vector_load %arg8[%get3A_438, %get3A_439, %get3A_440] {strides = array<i32>} : memref<2x128x64xf32, #tpu.memory_space<vmem>>, vector<16xf32>,
          %get3A_442 = arith.constant 0 : i32
          %get3A_443 = arith.index_cast %get3A_442 : i32 to index
          %get3A_444 = arith.index_cast %add3A_413 : i32 to index
          %get3A_445 = arith.constant 32 : index
          %get3A_446 = tpu.vector_load %arg8[%get3A_443, %get3A_444, %get3A_445] {strides = array<i32>} : memref<2x128x64xf32, #tpu.memory_space<vmem>>, vector<16xf32>,
          %get3A_447 = arith.constant 0 : i32
          %get3A_448 = arith.index_cast %get3A_447 : i32 to index
          %get3A_449 = arith.index_cast %add3A_413 : i32 to index
          %get3A_450 = arith.constant 48 : index
          %get3A_451 = tpu.vector_load %arg8[%get3A_448, %get3A_449, %get3A_450] {strides = array<i32>} : memref<2x128x64xf32, #tpu.memory_space<vmem>>, vector<16xf32>,
          %max3A = arith.maximumf %get3A_419, %get3A_436 : vector<16xf32>
          %add3A_452 = arith.constant 0 : i32
          %add3A_453 = arith.addi %mul3A_415, %add3A_452 : i32
          %swap3A = arith.index_cast %add3A_453 : i32 to index
          %swap3A_454 = tpu.vector_load %arg9[%swap3A] {strides = array<i32>} : memref<100864xf32, #tpu.memory_space<vmem>>, vector<16xf32>,
          tpu.vector_store %arg9[%swap3A], %max3A {strides = array<i32>} : memref<100864xf32, #tpu.memory_space<vmem>>, vector<16xf32>,
          %max3A_455 = arith.maximumf %get3A_423, %get3A_441 : vector<16xf32>
          %add3A_456 = arith.constant 16 : i32
          %add3A_457 = arith.addi %mul3A_415, %add3A_456 : i32
          %swap3A_458 = arith.index_cast %add3A_457 : i32 to index
          %swap3A_459 = tpu.vector_load %arg9[%swap3A_458] {strides = array<i32>} : memref<100864xf32, #tpu.memory_space<vmem>>, vector<16xf32>,
          tpu.vector_store %arg9[%swap3A_458], %max3A_455 {strides = array<i32>} : memref<100864xf32, #tpu.memory_space<vmem>>, vector<16xf32>,
          %max3A_460 = arith.maximumf %get3A_427, %get3A_446 : vector<16xf32>
          %add3A_461 = arith.constant 32 : i32
          %add3A_462 = arith.addi %mul3A_415, %add3A_461 : i32
          %swap3A_463 = arith.index_cast %add3A_462 : i32 to index
          %swap3A_464 = tpu.vector_load %arg9[%swap3A_463] {strides = array<i32>} : memref<100864xf32, #tpu.memory_space<vmem>>, vector<16xf32>,
          tpu.vector_store %arg9[%swap3A_463], %max3A_460 {strides = array<i32>} : memref<100864xf32, #tpu.memory_space<vmem>>, vector<16xf32>,
          %max3A_465 = arith.maximumf %get3A_431, %get3A_451 : vector<16xf32>
          %add3A_466 = arith.constant 48 : i32
          %add3A_467 = arith.addi %mul3A_415, %add3A_466 : i32
          %swap3A_468 = arith.index_cast %add3A_467 : i32 to index
          %swap3A_469 = tpu.vector_load %arg9[%swap3A_468] {strides = array<i32>} : memref<100864xf32, #tpu.memory_space<vmem>>, vector<16xf32>,
          tpu.vector_store %arg9[%swap3A_468], %max3A_465 {strides = array<i32>} : memref<100864xf32, #tpu.memory_space<vmem>>, vector<16xf32>,
          %mul3A_470 = arith.constant 4 : i32
          %mul3A_471 = arith.muli %mul3A_470, %scan3A_326 : i32
          %add3A_472 = arith.constant 1 : i32
          %add3A_473 = arith.addi %mul3A_471, %add3A_472 : i32
          %mul3A_474 = arith.constant 64 : i32
          %mul3A_475 = arith.muli %reduce_sum3A_367, %mul3A_474 : i32
          %add3A_476 = arith.constant 0 : i32
          %add3A_477 = arith.addi %mul3A_475, %add3A_476 : i32
          %get3A_478 = arith.index_cast %add3A_477 : i32 to index
          %get3A_479 = tpu.vector_load %arg9[%get3A_478] {strides = array<i32>} : memref<100864xf32, #tpu.memory_space<vmem>>, vector<16xf32>,
          %add3A_480 = arith.constant 16 : i32
          %add3A_481 = arith.addi %mul3A_475, %add3A_480 : i32
          %get3A_482 = arith.index_cast %add3A_481 : i32 to index
          %get3A_483 = tpu.vector_load %arg9[%get3A_482] {strides = array<i32>} : memref<100864xf32, #tpu.memory_space<vmem>>, vector<16xf32>,
          %add3A_484 = arith.constant 32 : i32
          %add3A_485 = arith.addi %mul3A_475, %add3A_484 : i32
          %get3A_486 = arith.index_cast %add3A_485 : i32 to index
          %get3A_487 = tpu.vector_load %arg9[%get3A_486] {strides = array<i32>} : memref<100864xf32, #tpu.memory_space<vmem>>, vector<16xf32>,
          %add3A_488 = arith.constant 48 : i32
          %add3A_489 = arith.addi %mul3A_475, %add3A_488 : i32
          %get3A_490 = arith.index_cast %add3A_489 : i32 to index
          %get3A_491 = tpu.vector_load %arg9[%get3A_490] {strides = array<i32>} : memref<100864xf32, #tpu.memory_space<vmem>>, vector<16xf32>,
          %get3A_492 = arith.constant 0 : i32
          %get3A_493 = arith.index_cast %get3A_492 : i32 to index
          %get3A_494 = arith.index_cast %add3A_473 : i32 to index
          %get3A_495 = arith.constant 0 : index
          %get3A_496 = tpu.vector_load %arg8[%get3A_493, %get3A_494, %get3A_495] {strides = array<i32>} : memref<2x128x64xf32, #tpu.memory_space<vmem>>, vector<16xf32>,
          %get3A_497 = arith.constant 0 : i32
          %get3A_498 = arith.index_cast %get3A_497 : i32 to index
          %get3A_499 = arith.index_cast %add3A_473 : i32 to index
          %get3A_500 = arith.constant 16 : index
          %get3A_501 = tpu.vector_load %arg8[%get3A_498, %get3A_499, %get3A_500] {strides = array<i32>} : memref<2x128x64xf32, #tpu.memory_space<vmem>>, vector<16xf32>,
          %get3A_502 = arith.constant 0 : i32
          %get3A_503 = arith.index_cast %get3A_502 : i32 to index
          %get3A_504 = arith.index_cast %add3A_473 : i32 to index
          %get3A_505 = arith.constant 32 : index
          %get3A_506 = tpu.vector_load %arg8[%get3A_503, %get3A_504, %get3A_505] {strides = array<i32>} : memref<2x128x64xf32, #tpu.memory_space<vmem>>, vector<16xf32>,
          %get3A_507 = arith.constant 0 : i32
          %get3A_508 = arith.index_cast %get3A_507 : i32 to index
          %get3A_509 = arith.index_cast %add3A_473 : i32 to index
          %get3A_510 = arith.constant 48 : index
          %get3A_511 = tpu.vector_load %arg8[%get3A_508, %get3A_509, %get3A_510] {strides = array<i32>} : memref<2x128x64xf32, #tpu.memory_space<vmem>>, vector<16xf32>,
          %max3A_512 = arith.maximumf %get3A_479, %get3A_496 : vector<16xf32>
          %add3A_513 = arith.constant 0 : i32
          %add3A_514 = arith.addi %mul3A_475, %add3A_513 : i32
          %swap3A_515 = arith.index_cast %add3A_514 : i32 to index
          %swap3A_516 = tpu.vector_load %arg9[%swap3A_515] {strides = array<i32>} : memref<100864xf32, #tpu.memory_space<vmem>>, vector<16xf32>,
          tpu.vector_store %arg9[%swap3A_515], %max3A_512 {strides = array<i32>} : memref<100864xf32, #tpu.memory_space<vmem>>, vector<16xf32>,
          %max3A_517 = arith.maximumf %get3A_483, %get3A_501 : vector<16xf32>
          %add3A_518 = arith.constant 16 : i32
          %add3A_519 = arith.addi %mul3A_475, %add3A_518 : i32
          %swap3A_520 = arith.index_cast %add3A_519 : i32 to index
          %swap3A_521 = tpu.vector_load %arg9[%swap3A_520] {strides = array<i32>} : memref<100864xf32, #tpu.memory_space<vmem>>, vector<16xf32>,
          tpu.vector_store %arg9[%swap3A_520], %max3A_517 {strides = array<i32>} : memref<100864xf32, #tpu.memory_space<vmem>>, vector<16xf32>,
          %max3A_522 = arith.maximumf %get3A_487, %get3A_506 : vector<16xf32>
          %add3A_523 = arith.constant 32 : i32
          %add3A_524 = arith.addi %mul3A_475, %add3A_523 : i32
          %swap3A_525 = arith.index_cast %add3A_524 : i32 to index
          %swap3A_526 = tpu.vector_load %arg9[%swap3A_525] {strides = array<i32>} : memref<100864xf32, #tpu.memory_space<vmem>>, vector<16xf32>,
          tpu.vector_store %arg9[%swap3A_525], %max3A_522 {strides = array<i32>} : memref<100864xf32, #tpu.memory_space<vmem>>, vector<16xf32>,
          %max3A_527 = arith.maximumf %get3A_491, %get3A_511 : vector<16xf32>
          %add3A_528 = arith.constant 48 : i32
          %add3A_529 = arith.addi %mul3A_475, %add3A_528 : i32
          %swap3A_530 = arith.index_cast %add3A_529 : i32 to index
          %swap3A_531 = tpu.vector_load %arg9[%swap3A_530] {strides = array<i32>} : memref<100864xf32, #tpu.memory_space<vmem>>, vector<16xf32>,
          tpu.vector_store %arg9[%swap3A_530], %max3A_527 {strides = array<i32>} : memref<100864xf32, #tpu.memory_space<vmem>>, vector<16xf32>,
          %mul3A_532 = arith.constant 4 : i32
          %mul3A_533 = arith.muli %mul3A_532, %scan3A_326 : i32
          %add3A_534 = arith.constant 2 : i32
          %add3A_535 = arith.addi %mul3A_533, %add3A_534 : i32
          %mul3A_536 = arith.constant 64 : i32
          %mul3A_537 = arith.muli %reduce_sum3A_388, %mul3A_536 : i32
          %add3A_538 = arith.constant 0 : i32
          %add3A_539 = arith.addi %mul3A_537, %add3A_538 : i32
          %get3A_540 = arith.index_cast %add3A_539 : i32 to index
          %get3A_541 = tpu.vector_load %arg9[%get3A_540] {strides = array<i32>} : memref<100864xf32, #tpu.memory_space<vmem>>, vector<16xf32>,
          %add3A_542 = arith.constant 16 : i32
          %add3A_543 = arith.addi %mul3A_537, %add3A_542 : i32
          %get3A_544 = arith.index_cast %add3A_543 : i32 to index
          %get3A_545 = tpu.vector_load %arg9[%get3A_544] {strides = array<i32>} : memref<100864xf32, #tpu.memory_space<vmem>>, vector<16xf32>,
          %add3A_546 = arith.constant 32 : i32
          %add3A_547 = arith.addi %mul3A_537, %add3A_546 : i32
          %get3A_548 = arith.index_cast %add3A_547 : i32 to index
          %get3A_549 = tpu.vector_load %arg9[%get3A_548] {strides = array<i32>} : memref<100864xf32, #tpu.memory_space<vmem>>, vector<16xf32>,
          %add3A_550 = arith.constant 48 : i32
          %add3A_551 = arith.addi %mul3A_537, %add3A_550 : i32
          %get3A_552 = arith.index_cast %add3A_551 : i32 to index
          %get3A_553 = tpu.vector_load %arg9[%get3A_552] {strides = array<i32>} : memref<100864xf32, #tpu.memory_space<vmem>>, vector<16xf32>,
          %get3A_554 = arith.constant 0 : i32
          %get3A_555 = arith.index_cast %get3A_554 : i32 to index
          %get3A_556 = arith.index_cast %add3A_535 : i32 to index
          %get3A_557 = arith.constant 0 : index
          %get3A_558 = tpu.vector_load %arg8[%get3A_555, %get3A_556, %get3A_557] {strides = array<i32>} : memref<2x128x64xf32, #tpu.memory_space<vmem>>, vector<16xf32>,
          %get3A_559 = arith.constant 0 : i32
          %get3A_560 = arith.index_cast %get3A_559 : i32 to index
          %get3A_561 = arith.index_cast %add3A_535 : i32 to index
          %get3A_562 = arith.constant 16 : index
          %get3A_563 = tpu.vector_load %arg8[%get3A_560, %get3A_561, %get3A_562] {strides = array<i32>} : memref<2x128x64xf32, #tpu.memory_space<vmem>>, vector<16xf32>,
          %get3A_564 = arith.constant 0 : i32
          %get3A_565 = arith.index_cast %get3A_564 : i32 to index
          %get3A_566 = arith.index_cast %add3A_535 : i32 to index
          %get3A_567 = arith.constant 32 : index
          %get3A_568 = tpu.vector_load %arg8[%get3A_565, %get3A_566, %get3A_567] {strides = array<i32>} : memref<2x128x64xf32, #tpu.memory_space<vmem>>, vector<16xf32>,
          %get3A_569 = arith.constant 0 : i32
          %get3A_570 = arith.index_cast %get3A_569 : i32 to index
          %get3A_571 = arith.index_cast %add3A_535 : i32 to index
          %get3A_572 = arith.constant 48 : index
          %get3A_573 = tpu.vector_load %arg8[%get3A_570, %get3A_571, %get3A_572] {strides = array<i32>} : memref<2x128x64xf32, #tpu.memory_space<vmem>>, vector<16xf32>,
          %max3A_574 = arith.maximumf %get3A_541, %get3A_558 : vector<16xf32>
          %add3A_575 = arith.constant 0 : i32
          %add3A_576 = arith.addi %mul3A_537, %add3A_575 : i32
          %swap3A_577 = arith.index_cast %add3A_576 : i32 to index
          %swap3A_578 = tpu.vector_load %arg9[%swap3A_577] {strides = array<i32>} : memref<100864xf32, #tpu.memory_space<vmem>>, vector<16xf32>,
          tpu.vector_store %arg9[%swap3A_577], %max3A_574 {strides = array<i32>} : memref<100864xf32, #tpu.memory_space<vmem>>, vector<16xf32>,
          %max3A_579 = arith.maximumf %get3A_545, %get3A_563 : vector<16xf32>
          %add3A_580 = arith.constant 16 : i32
          %add3A_581 = arith.addi %mul3A_537, %add3A_580 : i32
          %swap3A_582 = arith.index_cast %add3A_581 : i32 to index
          %swap3A_583 = tpu.vector_load %arg9[%swap3A_582] {strides = array<i32>} : memref<100864xf32, #tpu.memory_space<vmem>>, vector<16xf32>,
          tpu.vector_store %arg9[%swap3A_582], %max3A_579 {strides = array<i32>} : memref<100864xf32, #tpu.memory_space<vmem>>, vector<16xf32>,
          %max3A_584 = arith.maximumf %get3A_549, %get3A_568 : vector<16xf32>
          %add3A_585 = arith.constant 32 : i32
          %add3A_586 = arith.addi %mul3A_537, %add3A_585 : i32
          %swap3A_587 = arith.index_cast %add3A_586 : i32 to index
          %swap3A_588 = tpu.vector_load %arg9[%swap3A_587] {strides = array<i32>} : memref<100864xf32, #tpu.memory_space<vmem>>, vector<16xf32>,
          tpu.vector_store %arg9[%swap3A_587], %max3A_584 {strides = array<i32>} : memref<100864xf32, #tpu.memory_space<vmem>>, vector<16xf32>,
          %max3A_589 = arith.maximumf %get3A_553, %get3A_573 : vector<16xf32>
          %add3A_590 = arith.constant 48 : i32
          %add3A_591 = arith.addi %mul3A_537, %add3A_590 : i32
          %swap3A_592 = arith.index_cast %add3A_591 : i32 to index
          %swap3A_593 = tpu.vector_load %arg9[%swap3A_592] {strides = array<i32>} : memref<100864xf32, #tpu.memory_space<vmem>>, vector<16xf32>,
          tpu.vector_store %arg9[%swap3A_592], %max3A_589 {strides = array<i32>} : memref<100864xf32, #tpu.memory_space<vmem>>, vector<16xf32>,
          %mul3A_594 = arith.constant 4 : i32
          %mul3A_595 = arith.muli %mul3A_594, %scan3A_326 : i32
          %add3A_596 = arith.constant 3 : i32
          %add3A_597 = arith.addi %mul3A_595, %add3A_596 : i32
          %mul3A_598 = arith.constant 64 : i32
          %mul3A_599 = arith.muli %reduce_sum3A_409, %mul3A_598 : i32
          %add3A_600 = arith.constant 0 : i32
          %add3A_601 = arith.addi %mul3A_599, %add3A_600 : i32
          %get3A_602 = arith.index_cast %add3A_601 : i32 to index
          %get3A_603 = tpu.vector_load %arg9[%get3A_602] {strides = array<i32>} : memref<100864xf32, #tpu.memory_space<vmem>>, vector<16xf32>,
          %add3A_604 = arith.constant 16 : i32
          %add3A_605 = arith.addi %mul3A_599, %add3A_604 : i32
          %get3A_606 = arith.index_cast %add3A_605 : i32 to index
          %get3A_607 = tpu.vector_load %arg9[%get3A_606] {strides = array<i32>} : memref<100864xf32, #tpu.memory_space<vmem>>, vector<16xf32>,
          %add3A_608 = arith.constant 32 : i32
          %add3A_609 = arith.addi %mul3A_599, %add3A_608 : i32
          %get3A_610 = arith.index_cast %add3A_609 : i32 to index
          %get3A_611 = tpu.vector_load %arg9[%get3A_610] {strides = array<i32>} : memref<100864xf32, #tpu.memory_space<vmem>>, vector<16xf32>,
          %add3A_612 = arith.constant 48 : i32
          %add3A_613 = arith.addi %mul3A_599, %add3A_612 : i32
          %get3A_614 = arith.index_cast %add3A_613 : i32 to index
          %get3A_615 = tpu.vector_load %arg9[%get3A_614] {strides = array<i32>} : memref<100864xf32, #tpu.memory_space<vmem>>, vector<16xf32>,
          %get3A_616 = arith.constant 0 : i32
          %get3A_617 = arith.index_cast %get3A_616 : i32 to index
          %get3A_618 = arith.index_cast %add3A_597 : i32 to index
          %get3A_619 = arith.constant 0 : index
          %get3A_620 = tpu.vector_load %arg8[%get3A_617, %get3A_618, %get3A_619] {strides = array<i32>} : memref<2x128x64xf32, #tpu.memory_space<vmem>>, vector<16xf32>,
          %get3A_621 = arith.constant 0 : i32
          %get3A_622 = arith.index_cast %get3A_621 : i32 to index
          %get3A_623 = arith.index_cast %add3A_597 : i32 to index
          %get3A_624 = arith.constant 16 : index
          %get3A_625 = tpu.vector_load %arg8[%get3A_622, %get3A_623, %get3A_624] {strides = array<i32>} : memref<2x128x64xf32, #tpu.memory_space<vmem>>, vector<16xf32>,
          %get3A_626 = arith.constant 0 : i32
          %get3A_627 = arith.index_cast %get3A_626 : i32 to index
          %get3A_628 = arith.index_cast %add3A_597 : i32 to index
          %get3A_629 = arith.constant 32 : index
          %get3A_630 = tpu.vector_load %arg8[%get3A_627, %get3A_628, %get3A_629] {strides = array<i32>} : memref<2x128x64xf32, #tpu.memory_space<vmem>>, vector<16xf32>,
          %get3A_631 = arith.constant 0 : i32
          %get3A_632 = arith.index_cast %get3A_631 : i32 to index
          %get3A_633 = arith.index_cast %add3A_597 : i32 to index
          %get3A_634 = arith.constant 48 : index
          %get3A_635 = tpu.vector_load %arg8[%get3A_632, %get3A_633, %get3A_634] {strides = array<i32>} : memref<2x128x64xf32, #tpu.memory_space<vmem>>, vector<16xf32>,
          %max3A_636 = arith.maximumf %get3A_603, %get3A_620 : vector<16xf32>
          %add3A_637 = arith.constant 0 : i32
          %add3A_638 = arith.addi %mul3A_599, %add3A_637 : i32
          %swap3A_639 = arith.index_cast %add3A_638 : i32 to index
          %swap3A_640 = tpu.vector_load %arg9[%swap3A_639] {strides = array<i32>} : memref<100864xf32, #tpu.memory_space<vmem>>, vector<16xf32>,
          tpu.vector_store %arg9[%swap3A_639], %max3A_636 {strides = array<i32>} : memref<100864xf32, #tpu.memory_space<vmem>>, vector<16xf32>,
          %max3A_641 = arith.maximumf %get3A_607, %get3A_625 : vector<16xf32>
          %add3A_642 = arith.constant 16 : i32
          %add3A_643 = arith.addi %mul3A_599, %add3A_642 : i32
          %swap3A_644 = arith.index_cast %add3A_643 : i32 to index
          %swap3A_645 = tpu.vector_load %arg9[%swap3A_644] {strides = array<i32>} : memref<100864xf32, #tpu.memory_space<vmem>>, vector<16xf32>,
          tpu.vector_store %arg9[%swap3A_644], %max3A_641 {strides = array<i32>} : memref<100864xf32, #tpu.memory_space<vmem>>, vector<16xf32>,
          %max3A_646 = arith.maximumf %get3A_611, %get3A_630 : vector<16xf32>
          %add3A_647 = arith.constant 32 : i32
          %add3A_648 = arith.addi %mul3A_599, %add3A_647 : i32
          %swap3A_649 = arith.index_cast %add3A_648 : i32 to index
          %swap3A_650 = tpu.vector_load %arg9[%swap3A_649] {strides = array<i32>} : memref<100864xf32, #tpu.memory_space<vmem>>, vector<16xf32>,
          tpu.vector_store %arg9[%swap3A_649], %max3A_646 {strides = array<i32>} : memref<100864xf32, #tpu.memory_space<vmem>>, vector<16xf32>,
          %max3A_651 = arith.maximumf %get3A_615, %get3A_635 : vector<16xf32>
          %add3A_652 = arith.constant 48 : i32
          %add3A_653 = arith.addi %mul3A_599, %add3A_652 : i32
          %swap3A_654 = arith.index_cast %add3A_653 : i32 to index
          %swap3A_655 = tpu.vector_load %arg9[%swap3A_654] {strides = array<i32>} : memref<100864xf32, #tpu.memory_space<vmem>>, vector<16xf32>,
          tpu.vector_store %arg9[%swap3A_654], %max3A_651 {strides = array<i32>} : memref<100864xf32, #tpu.memory_space<vmem>>, vector<16xf32>,
          %scan3A_656 = arith.constant 0 : i32
          scf.yield %scan3A_656 : i32
        }
        %scan3A_325 = arith.constant 32 : i32
      } else {
      }
      %convert_element_type3A_294 = arith.extui %ge3A_262 : i1 to i32
      %cond3A_295 = arith.constant 0 : i32
      %cond3A_296 = arith.cmpi ne, %convert_element_type3A_294, %cond3A_295 : i32
      scf.if %cond3A_296 {
        %add3A_304 = arith.constant 128 : i32
        %add3A_305 = arith.addi %scan3A_217, %add3A_304 : i32
        %and3A_306 = arith.constant 2047 : i32
        %and3A_307 = arith.andi %add3A_305, %and3A_306 : i32
        %multiple_of3A_308 = tpu.assume_multiple %and3A_307, 128 : i32
        %dma_wait3A_309 = arith.constant 1 : i32
        %dma_wait3A_310 = arith.constant 0 : i32
        %dma_wait3A_311 = arith.constant 0 : i32
        %dma_wait3A_312 = tpu.memref_slice %arg8[%dma_wait3A_309, %dma_wait3A_310, %dma_wait3A_311] : memref<2x128x64xf32, #tpu.memory_space<vmem>> -> memref<1x128x64xf32, #tpu.memory_space<vmem>>
        %dma_wait3A_313 = tpu.memref_squeeze %dma_wait3A_312 : memref<1x128x64xf32, #tpu.memory_space<vmem>> -> memref<128x64xf32, #tpu.memory_space<vmem>>
        %dma_wait3A_314 = tpu.memref_slice %arg6[%multiple_of3A_308] : memref<2048xi32, #tpu.memory_space<vmem>> -> memref<128xi32, #tpu.memory_space<vmem>>
        %dma_wait3A_315 = arith.constant 0 : i32
        %dma_wait3A_316 = arith.constant 0 : i32
        %dma_wait3A_317 = tpu.memref_slice %arg3[%dma_wait3A_315, %dma_wait3A_316] : memref<800000x64xf32, #tpu.memory_space<hbm>> -> memref<800000x64xf32, #tpu.memory_space<hbm>>
        tpu.wait_indirect_dma semaphore(%arg11 : memref<!tpu.dma_semaphore, #tpu.memory_space<semaphore_mem>>) src(%dma_wait3A_317 : memref<800000x64xf32, #tpu.memory_space<hbm>>) dst(%dma_wait3A_313 : memref<128x64xf32, #tpu.memory_space<vmem>>)
        %add3A_318 = arith.constant 128 : i32
        %add3A_319 = arith.addi %scan3A_217, %add3A_318 : i32
        %and3A_320 = arith.constant 2047 : i32
        %and3A_321 = arith.andi %add3A_319, %and3A_320 : i32
        %multiple_of3A_322 = tpu.assume_multiple %and3A_321, 128 : i32
        %scan3A_323 = arith.constant 0 : i32
        %scan3A_324 = arith.constant 0 : i32
        %scan3A_325 = arith.constant 32 : i32
        %scan3A_326 = arith.addi %scan3A_324, %scan3A_325 : i32
        %scan3A_327 = arith.constant 1 : i32
        %scan3A_328 = scf.for %scan3A_330 = %scan3A_324 to %scan3A_326 step %scan3A_327 iter_args(%scan3A_331 = %scan3A_323) -> (i32)  : i32 {
          %mul3A_332 = arith.constant 4 : i32
          %mul3A_333 = arith.muli %mul3A_332, %scan3A_330 : i32
          %add3A_334 = arith.constant 0 : i32
          %add3A_335 = arith.addi %mul3A_333, %add3A_334 : i32
          %and3A_336 = arith.constant -16 : i32
          %and3A_337 = arith.andi %add3A_335, %and3A_336 : i32
          %add3A_338 = arith.addi %multiple_of3A_322, %and3A_337 : i32
          %multiple_of3A_339 = tpu.assume_multiple %add3A_338, 16 : i32
          %get3A = arith.index_cast %multiple_of3A_339 : i32 to index
          %get3A_340 = tpu.vector_load %arg7[%get3A] {strides = array<i32>} : memref<2048xi32, #tpu.memory_space<vmem>>, vector<16xi32>,
          %and3A_341 = arith.constant 15 : i32
          %and3A_342 = arith.andi %add3A_335, %and3A_341 : i32
          %eq3A_343 = vector.broadcast %and3A_342 : i32 to vector<16xi32>
          %eq3A_344 = arith.cmpi eq, %iota3A, %eq3A_343 : vector<16xi32>
          %jit3A_345 = arith.constant 0 : i32
          %broadcast_in_dim3A_346 = vector.broadcast %jit3A_345 : i32 to vector<16xi32>
          %select_n3A_347 = arith.select %eq3A_344, %get3A_340, %broadcast_in_dim3A_346 : vector<16xi1>, vector<16xi32>
          %reduce_sum3A = arith.constant true
          %reduce_sum3A_348 = vector.broadcast %reduce_sum3A : i1 to vector<16xi1>
          %reduce_sum3A_349 = tpu.scan <sum>, %select_n3A_347 masked %reduce_sum3A_348 : vector<16xi32>, vector<16xi1> -> vector<16xi32>
          %reduce_sum3A_350 = vector.extract %reduce_sum3A_349[15] : i32 from vector<16xi32>
          %mul3A_351 = arith.constant 4 : i32
          %mul3A_352 = arith.muli %mul3A_351, %scan3A_330 : i32
          %add3A_353 = arith.constant 1 : i32
          %add3A_354 = arith.addi %mul3A_352, %add3A_353 : i32
          %and3A_355 = arith.constant -16 : i32
          %and3A_356 = arith.andi %add3A_354, %and3A_355 : i32
          %add3A_357 = arith.addi %multiple_of3A_322, %and3A_356 : i32
          %multiple_of3A_358 = tpu.assume_multiple %add3A_357, 16 : i32
          %get3A_359 = arith.index_cast %multiple_of3A_358 : i32 to index
          %get3A_360 = tpu.vector_load %arg7[%get3A_359] {strides = array<i32>} : memref<2048xi32, #tpu.memory_space<vmem>>, vector<16xi32>,
          %and3A_361 = arith.constant 15 : i32
          %and3A_362 = arith.andi %add3A_354, %and3A_361 : i32
          %eq3A_363 = vector.broadcast %and3A_362 : i32 to vector<16xi32>
          %eq3A_364 = arith.cmpi eq, %iota3A, %eq3A_363 : vector<16xi32>
          %jit3A_365 = arith.constant 0 : i32
          %broadcast_in_dim3A_366 = vector.broadcast %jit3A_365 : i32 to vector<16xi32>
          %select_n3A_367 = arith.select %eq3A_364, %get3A_360, %broadcast_in_dim3A_366 : vector<16xi1>, vector<16xi32>
          %reduce_sum3A_368 = arith.constant true
          %reduce_sum3A_369 = vector.broadcast %reduce_sum3A_368 : i1 to vector<16xi1>
          %reduce_sum3A_370 = tpu.scan <sum>, %select_n3A_367 masked %reduce_sum3A_369 : vector<16xi32>, vector<16xi1> -> vector<16xi32>
          %reduce_sum3A_371 = vector.extract %reduce_sum3A_370[15] : i32 from vector<16xi32>
          %mul3A_372 = arith.constant 4 : i32
          %mul3A_373 = arith.muli %mul3A_372, %scan3A_330 : i32
          %add3A_374 = arith.constant 2 : i32
          %add3A_375 = arith.addi %mul3A_373, %add3A_374 : i32
          %and3A_376 = arith.constant -16 : i32
          %and3A_377 = arith.andi %add3A_375, %and3A_376 : i32
          %add3A_378 = arith.addi %multiple_of3A_322, %and3A_377 : i32
          %multiple_of3A_379 = tpu.assume_multiple %add3A_378, 16 : i32
          %get3A_380 = arith.index_cast %multiple_of3A_379 : i32 to index
          %get3A_381 = tpu.vector_load %arg7[%get3A_380] {strides = array<i32>} : memref<2048xi32, #tpu.memory_space<vmem>>, vector<16xi32>,
          %and3A_382 = arith.constant 15 : i32
          %and3A_383 = arith.andi %add3A_375, %and3A_382 : i32
          %eq3A_384 = vector.broadcast %and3A_383 : i32 to vector<16xi32>
          %eq3A_385 = arith.cmpi eq, %iota3A, %eq3A_384 : vector<16xi32>
          %jit3A_386 = arith.constant 0 : i32
          %broadcast_in_dim3A_387 = vector.broadcast %jit3A_386 : i32 to vector<16xi32>
          %select_n3A_388 = arith.select %eq3A_385, %get3A_381, %broadcast_in_dim3A_387 : vector<16xi1>, vector<16xi32>
          %reduce_sum3A_389 = arith.constant true
          %reduce_sum3A_390 = vector.broadcast %reduce_sum3A_389 : i1 to vector<16xi1>
          %reduce_sum3A_391 = tpu.scan <sum>, %select_n3A_388 masked %reduce_sum3A_390 : vector<16xi32>, vector<16xi1> -> vector<16xi32>
          %reduce_sum3A_392 = vector.extract %reduce_sum3A_391[15] : i32 from vector<16xi32>
          %mul3A_393 = arith.constant 4 : i32
          %mul3A_394 = arith.muli %mul3A_393, %scan3A_330 : i32
          %add3A_395 = arith.constant 3 : i32
          %add3A_396 = arith.addi %mul3A_394, %add3A_395 : i32
          %and3A_397 = arith.constant -16 : i32
          %and3A_398 = arith.andi %add3A_396, %and3A_397 : i32
          %add3A_399 = arith.addi %multiple_of3A_322, %and3A_398 : i32
          %multiple_of3A_400 = tpu.assume_multiple %add3A_399, 16 : i32
          %get3A_401 = arith.index_cast %multiple_of3A_400 : i32 to index
          %get3A_402 = tpu.vector_load %arg7[%get3A_401] {strides = array<i32>} : memref<2048xi32, #tpu.memory_space<vmem>>, vector<16xi32>,
          %and3A_403 = arith.constant 15 : i32
          %and3A_404 = arith.andi %add3A_396, %and3A_403 : i32
          %eq3A_405 = vector.broadcast %and3A_404 : i32 to vector<16xi32>
          %eq3A_406 = arith.cmpi eq, %iota3A, %eq3A_405 : vector<16xi32>
          %jit3A_407 = arith.constant 0 : i32
          %broadcast_in_dim3A_408 = vector.broadcast %jit3A_407 : i32 to vector<16xi32>
          %select_n3A_409 = arith.select %eq3A_406, %get3A_402, %broadcast_in_dim3A_408 : vector<16xi1>, vector<16xi32>
          %reduce_sum3A_410 = arith.constant true
          %reduce_sum3A_411 = vector.broadcast %reduce_sum3A_410 : i1 to vector<16xi1>
          %reduce_sum3A_412 = tpu.scan <sum>, %select_n3A_409 masked %reduce_sum3A_411 : vector<16xi32>, vector<16xi1> -> vector<16xi32>
          %reduce_sum3A_413 = vector.extract %reduce_sum3A_412[15] : i32 from vector<16xi32>
          %mul3A_414 = arith.constant 4 : i32
          %mul3A_415 = arith.muli %mul3A_414, %scan3A_330 : i32
          %add3A_416 = arith.constant 0 : i32
          %add3A_417 = arith.addi %mul3A_415, %add3A_416 : i32
          %mul3A_418 = arith.constant 64 : i32
          %mul3A_419 = arith.muli %reduce_sum3A_350, %mul3A_418 : i32
          %add3A_420 = arith.constant 0 : i32
          %add3A_421 = arith.addi %mul3A_419, %add3A_420 : i32
          %get3A_422 = arith.index_cast %add3A_421 : i32 to index
          %get3A_423 = tpu.vector_load %arg9[%get3A_422] {strides = array<i32>} : memref<100864xf32, #tpu.memory_space<vmem>>, vector<16xf32>,
          %add3A_424 = arith.constant 16 : i32
          %add3A_425 = arith.addi %mul3A_419, %add3A_424 : i32
          %get3A_426 = arith.index_cast %add3A_425 : i32 to index
          %get3A_427 = tpu.vector_load %arg9[%get3A_426] {strides = array<i32>} : memref<100864xf32, #tpu.memory_space<vmem>>, vector<16xf32>,
          %add3A_428 = arith.constant 32 : i32
          %add3A_429 = arith.addi %mul3A_419, %add3A_428 : i32
          %get3A_430 = arith.index_cast %add3A_429 : i32 to index
          %get3A_431 = tpu.vector_load %arg9[%get3A_430] {strides = array<i32>} : memref<100864xf32, #tpu.memory_space<vmem>>, vector<16xf32>,
          %add3A_432 = arith.constant 48 : i32
          %add3A_433 = arith.addi %mul3A_419, %add3A_432 : i32
          %get3A_434 = arith.index_cast %add3A_433 : i32 to index
          %get3A_435 = tpu.vector_load %arg9[%get3A_434] {strides = array<i32>} : memref<100864xf32, #tpu.memory_space<vmem>>, vector<16xf32>,
          %get3A_436 = arith.constant 1 : i32
          %get3A_437 = arith.index_cast %get3A_436 : i32 to index
          %get3A_438 = arith.index_cast %add3A_417 : i32 to index
          %get3A_439 = arith.constant 0 : index
          %get3A_440 = tpu.vector_load %arg8[%get3A_437, %get3A_438, %get3A_439] {strides = array<i32>} : memref<2x128x64xf32, #tpu.memory_space<vmem>>, vector<16xf32>,
          %get3A_441 = arith.constant 1 : i32
          %get3A_442 = arith.index_cast %get3A_441 : i32 to index
          %get3A_443 = arith.index_cast %add3A_417 : i32 to index
          %get3A_444 = arith.constant 16 : index
          %get3A_445 = tpu.vector_load %arg8[%get3A_442, %get3A_443, %get3A_444] {strides = array<i32>} : memref<2x128x64xf32, #tpu.memory_space<vmem>>, vector<16xf32>,
          %get3A_446 = arith.constant 1 : i32
          %get3A_447 = arith.index_cast %get3A_446 : i32 to index
          %get3A_448 = arith.index_cast %add3A_417 : i32 to index
          %get3A_449 = arith.constant 32 : index
          %get3A_450 = tpu.vector_load %arg8[%get3A_447, %get3A_448, %get3A_449] {strides = array<i32>} : memref<2x128x64xf32, #tpu.memory_space<vmem>>, vector<16xf32>,
          %get3A_451 = arith.constant 1 : i32
          %get3A_452 = arith.index_cast %get3A_451 : i32 to index
          %get3A_453 = arith.index_cast %add3A_417 : i32 to index
          %get3A_454 = arith.constant 48 : index
          %get3A_455 = tpu.vector_load %arg8[%get3A_452, %get3A_453, %get3A_454] {strides = array<i32>} : memref<2x128x64xf32, #tpu.memory_space<vmem>>, vector<16xf32>,
          %max3A = arith.maximumf %get3A_423, %get3A_440 : vector<16xf32>
          %add3A_456 = arith.constant 0 : i32
          %add3A_457 = arith.addi %mul3A_419, %add3A_456 : i32
          %swap3A = arith.index_cast %add3A_457 : i32 to index
          %swap3A_458 = tpu.vector_load %arg9[%swap3A] {strides = array<i32>} : memref<100864xf32, #tpu.memory_space<vmem>>, vector<16xf32>,
          tpu.vector_store %arg9[%swap3A], %max3A {strides = array<i32>} : memref<100864xf32, #tpu.memory_space<vmem>>, vector<16xf32>,
          %max3A_459 = arith.maximumf %get3A_427, %get3A_445 : vector<16xf32>
          %add3A_460 = arith.constant 16 : i32
          %add3A_461 = arith.addi %mul3A_419, %add3A_460 : i32
          %swap3A_462 = arith.index_cast %add3A_461 : i32 to index
          %swap3A_463 = tpu.vector_load %arg9[%swap3A_462] {strides = array<i32>} : memref<100864xf32, #tpu.memory_space<vmem>>, vector<16xf32>,
          tpu.vector_store %arg9[%swap3A_462], %max3A_459 {strides = array<i32>} : memref<100864xf32, #tpu.memory_space<vmem>>, vector<16xf32>,
          %max3A_464 = arith.maximumf %get3A_431, %get3A_450 : vector<16xf32>
          %add3A_465 = arith.constant 32 : i32
          %add3A_466 = arith.addi %mul3A_419, %add3A_465 : i32
          %swap3A_467 = arith.index_cast %add3A_466 : i32 to index
          %swap3A_468 = tpu.vector_load %arg9[%swap3A_467] {strides = array<i32>} : memref<100864xf32, #tpu.memory_space<vmem>>, vector<16xf32>,
          tpu.vector_store %arg9[%swap3A_467], %max3A_464 {strides = array<i32>} : memref<100864xf32, #tpu.memory_space<vmem>>, vector<16xf32>,
          %max3A_469 = arith.maximumf %get3A_435, %get3A_455 : vector<16xf32>
          %add3A_470 = arith.constant 48 : i32
          %add3A_471 = arith.addi %mul3A_419, %add3A_470 : i32
          %swap3A_472 = arith.index_cast %add3A_471 : i32 to index
          %swap3A_473 = tpu.vector_load %arg9[%swap3A_472] {strides = array<i32>} : memref<100864xf32, #tpu.memory_space<vmem>>, vector<16xf32>,
          tpu.vector_store %arg9[%swap3A_472], %max3A_469 {strides = array<i32>} : memref<100864xf32, #tpu.memory_space<vmem>>, vector<16xf32>,
          %mul3A_474 = arith.constant 4 : i32
          %mul3A_475 = arith.muli %mul3A_474, %scan3A_330 : i32
          %add3A_476 = arith.constant 1 : i32
          %add3A_477 = arith.addi %mul3A_475, %add3A_476 : i32
          %mul3A_478 = arith.constant 64 : i32
          %mul3A_479 = arith.muli %reduce_sum3A_371, %mul3A_478 : i32
          %add3A_480 = arith.constant 0 : i32
          %add3A_481 = arith.addi %mul3A_479, %add3A_480 : i32
          %get3A_482 = arith.index_cast %add3A_481 : i32 to index
          %get3A_483 = tpu.vector_load %arg9[%get3A_482] {strides = array<i32>} : memref<100864xf32, #tpu.memory_space<vmem>>, vector<16xf32>,
          %add3A_484 = arith.constant 16 : i32
          %add3A_485 = arith.addi %mul3A_479, %add3A_484 : i32
          %get3A_486 = arith.index_cast %add3A_485 : i32 to index
          %get3A_487 = tpu.vector_load %arg9[%get3A_486] {strides = array<i32>} : memref<100864xf32, #tpu.memory_space<vmem>>, vector<16xf32>,
          %add3A_488 = arith.constant 32 : i32
          %add3A_489 = arith.addi %mul3A_479, %add3A_488 : i32
          %get3A_490 = arith.index_cast %add3A_489 : i32 to index
          %get3A_491 = tpu.vector_load %arg9[%get3A_490] {strides = array<i32>} : memref<100864xf32, #tpu.memory_space<vmem>>, vector<16xf32>,
          %add3A_492 = arith.constant 48 : i32
          %add3A_493 = arith.addi %mul3A_479, %add3A_492 : i32
          %get3A_494 = arith.index_cast %add3A_493 : i32 to index
          %get3A_495 = tpu.vector_load %arg9[%get3A_494] {strides = array<i32>} : memref<100864xf32, #tpu.memory_space<vmem>>, vector<16xf32>,
          %get3A_496 = arith.constant 1 : i32
          %get3A_497 = arith.index_cast %get3A_496 : i32 to index
          %get3A_498 = arith.index_cast %add3A_477 : i32 to index
          %get3A_499 = arith.constant 0 : index
          %get3A_500 = tpu.vector_load %arg8[%get3A_497, %get3A_498, %get3A_499] {strides = array<i32>} : memref<2x128x64xf32, #tpu.memory_space<vmem>>, vector<16xf32>,
          %get3A_501 = arith.constant 1 : i32
          %get3A_502 = arith.index_cast %get3A_501 : i32 to index
          %get3A_503 = arith.index_cast %add3A_477 : i32 to index
          %get3A_504 = arith.constant 16 : index
          %get3A_505 = tpu.vector_load %arg8[%get3A_502, %get3A_503, %get3A_504] {strides = array<i32>} : memref<2x128x64xf32, #tpu.memory_space<vmem>>, vector<16xf32>,
          %get3A_506 = arith.constant 1 : i32
          %get3A_507 = arith.index_cast %get3A_506 : i32 to index
          %get3A_508 = arith.index_cast %add3A_477 : i32 to index
          %get3A_509 = arith.constant 32 : index
          %get3A_510 = tpu.vector_load %arg8[%get3A_507, %get3A_508, %get3A_509] {strides = array<i32>} : memref<2x128x64xf32, #tpu.memory_space<vmem>>, vector<16xf32>,
          %get3A_511 = arith.constant 1 : i32
          %get3A_512 = arith.index_cast %get3A_511 : i32 to index
          %get3A_513 = arith.index_cast %add3A_477 : i32 to index
          %get3A_514 = arith.constant 48 : index
          %get3A_515 = tpu.vector_load %arg8[%get3A_512, %get3A_513, %get3A_514] {strides = array<i32>} : memref<2x128x64xf32, #tpu.memory_space<vmem>>, vector<16xf32>,
          %max3A_516 = arith.maximumf %get3A_483, %get3A_500 : vector<16xf32>
          %add3A_517 = arith.constant 0 : i32
          %add3A_518 = arith.addi %mul3A_479, %add3A_517 : i32
          %swap3A_519 = arith.index_cast %add3A_518 : i32 to index
          %swap3A_520 = tpu.vector_load %arg9[%swap3A_519] {strides = array<i32>} : memref<100864xf32, #tpu.memory_space<vmem>>, vector<16xf32>,
          tpu.vector_store %arg9[%swap3A_519], %max3A_516 {strides = array<i32>} : memref<100864xf32, #tpu.memory_space<vmem>>, vector<16xf32>,
          %max3A_521 = arith.maximumf %get3A_487, %get3A_505 : vector<16xf32>
          %add3A_522 = arith.constant 16 : i32
          %add3A_523 = arith.addi %mul3A_479, %add3A_522 : i32
          %swap3A_524 = arith.index_cast %add3A_523 : i32 to index
          %swap3A_525 = tpu.vector_load %arg9[%swap3A_524] {strides = array<i32>} : memref<100864xf32, #tpu.memory_space<vmem>>, vector<16xf32>,
          tpu.vector_store %arg9[%swap3A_524], %max3A_521 {strides = array<i32>} : memref<100864xf32, #tpu.memory_space<vmem>>, vector<16xf32>,
          %max3A_526 = arith.maximumf %get3A_491, %get3A_510 : vector<16xf32>
          %add3A_527 = arith.constant 32 : i32
          %add3A_528 = arith.addi %mul3A_479, %add3A_527 : i32
          %swap3A_529 = arith.index_cast %add3A_528 : i32 to index
          %swap3A_530 = tpu.vector_load %arg9[%swap3A_529] {strides = array<i32>} : memref<100864xf32, #tpu.memory_space<vmem>>, vector<16xf32>,
          tpu.vector_store %arg9[%swap3A_529], %max3A_526 {strides = array<i32>} : memref<100864xf32, #tpu.memory_space<vmem>>, vector<16xf32>,
          %max3A_531 = arith.maximumf %get3A_495, %get3A_515 : vector<16xf32>
          %add3A_532 = arith.constant 48 : i32
          %add3A_533 = arith.addi %mul3A_479, %add3A_532 : i32
          %swap3A_534 = arith.index_cast %add3A_533 : i32 to index
          %swap3A_535 = tpu.vector_load %arg9[%swap3A_534] {strides = array<i32>} : memref<100864xf32, #tpu.memory_space<vmem>>, vector<16xf32>,
          tpu.vector_store %arg9[%swap3A_534], %max3A_531 {strides = array<i32>} : memref<100864xf32, #tpu.memory_space<vmem>>, vector<16xf32>,
          %mul3A_536 = arith.constant 4 : i32
          %mul3A_537 = arith.muli %mul3A_536, %scan3A_330 : i32
          %add3A_538 = arith.constant 2 : i32
          %add3A_539 = arith.addi %mul3A_537, %add3A_538 : i32
          %mul3A_540 = arith.constant 64 : i32
          %mul3A_541 = arith.muli %reduce_sum3A_392, %mul3A_540 : i32
          %add3A_542 = arith.constant 0 : i32
          %add3A_543 = arith.addi %mul3A_541, %add3A_542 : i32
          %get3A_544 = arith.index_cast %add3A_543 : i32 to index
          %get3A_545 = tpu.vector_load %arg9[%get3A_544] {strides = array<i32>} : memref<100864xf32, #tpu.memory_space<vmem>>, vector<16xf32>,
          %add3A_546 = arith.constant 16 : i32
          %add3A_547 = arith.addi %mul3A_541, %add3A_546 : i32
          %get3A_548 = arith.index_cast %add3A_547 : i32 to index
          %get3A_549 = tpu.vector_load %arg9[%get3A_548] {strides = array<i32>} : memref<100864xf32, #tpu.memory_space<vmem>>, vector<16xf32>,
          %add3A_550 = arith.constant 32 : i32
          %add3A_551 = arith.addi %mul3A_541, %add3A_550 : i32
          %get3A_552 = arith.index_cast %add3A_551 : i32 to index
          %get3A_553 = tpu.vector_load %arg9[%get3A_552] {strides = array<i32>} : memref<100864xf32, #tpu.memory_space<vmem>>, vector<16xf32>,
          %add3A_554 = arith.constant 48 : i32
          %add3A_555 = arith.addi %mul3A_541, %add3A_554 : i32
          %get3A_556 = arith.index_cast %add3A_555 : i32 to index
          %get3A_557 = tpu.vector_load %arg9[%get3A_556] {strides = array<i32>} : memref<100864xf32, #tpu.memory_space<vmem>>, vector<16xf32>,
          %get3A_558 = arith.constant 1 : i32
          %get3A_559 = arith.index_cast %get3A_558 : i32 to index
          %get3A_560 = arith.index_cast %add3A_539 : i32 to index
          %get3A_561 = arith.constant 0 : index
          %get3A_562 = tpu.vector_load %arg8[%get3A_559, %get3A_560, %get3A_561] {strides = array<i32>} : memref<2x128x64xf32, #tpu.memory_space<vmem>>, vector<16xf32>,
          %get3A_563 = arith.constant 1 : i32
          %get3A_564 = arith.index_cast %get3A_563 : i32 to index
          %get3A_565 = arith.index_cast %add3A_539 : i32 to index
          %get3A_566 = arith.constant 16 : index
          %get3A_567 = tpu.vector_load %arg8[%get3A_564, %get3A_565, %get3A_566] {strides = array<i32>} : memref<2x128x64xf32, #tpu.memory_space<vmem>>, vector<16xf32>,
          %get3A_568 = arith.constant 1 : i32
          %get3A_569 = arith.index_cast %get3A_568 : i32 to index
          %get3A_570 = arith.index_cast %add3A_539 : i32 to index
          %get3A_571 = arith.constant 32 : index
          %get3A_572 = tpu.vector_load %arg8[%get3A_569, %get3A_570, %get3A_571] {strides = array<i32>} : memref<2x128x64xf32, #tpu.memory_space<vmem>>, vector<16xf32>,
          %get3A_573 = arith.constant 1 : i32
          %get3A_574 = arith.index_cast %get3A_573 : i32 to index
          %get3A_575 = arith.index_cast %add3A_539 : i32 to index
          %get3A_576 = arith.constant 48 : index
          %get3A_577 = tpu.vector_load %arg8[%get3A_574, %get3A_575, %get3A_576] {strides = array<i32>} : memref<2x128x64xf32, #tpu.memory_space<vmem>>, vector<16xf32>,
          %max3A_578 = arith.maximumf %get3A_545, %get3A_562 : vector<16xf32>
          %add3A_579 = arith.constant 0 : i32
          %add3A_580 = arith.addi %mul3A_541, %add3A_579 : i32
          %swap3A_581 = arith.index_cast %add3A_580 : i32 to index
          %swap3A_582 = tpu.vector_load %arg9[%swap3A_581] {strides = array<i32>} : memref<100864xf32, #tpu.memory_space<vmem>>, vector<16xf32>,
          tpu.vector_store %arg9[%swap3A_581], %max3A_578 {strides = array<i32>} : memref<100864xf32, #tpu.memory_space<vmem>>, vector<16xf32>,
          %max3A_583 = arith.maximumf %get3A_549, %get3A_567 : vector<16xf32>
          %add3A_584 = arith.constant 16 : i32
          %add3A_585 = arith.addi %mul3A_541, %add3A_584 : i32
          %swap3A_586 = arith.index_cast %add3A_585 : i32 to index
          %swap3A_587 = tpu.vector_load %arg9[%swap3A_586] {strides = array<i32>} : memref<100864xf32, #tpu.memory_space<vmem>>, vector<16xf32>,
          tpu.vector_store %arg9[%swap3A_586], %max3A_583 {strides = array<i32>} : memref<100864xf32, #tpu.memory_space<vmem>>, vector<16xf32>,
          %max3A_588 = arith.maximumf %get3A_553, %get3A_572 : vector<16xf32>
          %add3A_589 = arith.constant 32 : i32
          %add3A_590 = arith.addi %mul3A_541, %add3A_589 : i32
          %swap3A_591 = arith.index_cast %add3A_590 : i32 to index
          %swap3A_592 = tpu.vector_load %arg9[%swap3A_591] {strides = array<i32>} : memref<100864xf32, #tpu.memory_space<vmem>>, vector<16xf32>,
          tpu.vector_store %arg9[%swap3A_591], %max3A_588 {strides = array<i32>} : memref<100864xf32, #tpu.memory_space<vmem>>, vector<16xf32>,
          %max3A_593 = arith.maximumf %get3A_557, %get3A_577 : vector<16xf32>
          %add3A_594 = arith.constant 48 : i32
          %add3A_595 = arith.addi %mul3A_541, %add3A_594 : i32
          %swap3A_596 = arith.index_cast %add3A_595 : i32 to index
          %swap3A_597 = tpu.vector_load %arg9[%swap3A_596] {strides = array<i32>} : memref<100864xf32, #tpu.memory_space<vmem>>, vector<16xf32>,
          tpu.vector_store %arg9[%swap3A_596], %max3A_593 {strides = array<i32>} : memref<100864xf32, #tpu.memory_space<vmem>>, vector<16xf32>,
          %mul3A_598 = arith.constant 4 : i32
          %mul3A_599 = arith.muli %mul3A_598, %scan3A_330 : i32
          %add3A_600 = arith.constant 3 : i32
          %add3A_601 = arith.addi %mul3A_599, %add3A_600 : i32
          %mul3A_602 = arith.constant 64 : i32
          %mul3A_603 = arith.muli %reduce_sum3A_413, %mul3A_602 : i32
          %add3A_604 = arith.constant 0 : i32
          %add3A_605 = arith.addi %mul3A_603, %add3A_604 : i32
          %get3A_606 = arith.index_cast %add3A_605 : i32 to index
          %get3A_607 = tpu.vector_load %arg9[%get3A_606] {strides = array<i32>} : memref<100864xf32, #tpu.memory_space<vmem>>, vector<16xf32>,
          %add3A_608 = arith.constant 16 : i32
          %add3A_609 = arith.addi %mul3A_603, %add3A_608 : i32
          %get3A_610 = arith.index_cast %add3A_609 : i32 to index
          %get3A_611 = tpu.vector_load %arg9[%get3A_610] {strides = array<i32>} : memref<100864xf32, #tpu.memory_space<vmem>>, vector<16xf32>,
          %add3A_612 = arith.constant 32 : i32
          %add3A_613 = arith.addi %mul3A_603, %add3A_612 : i32
          %get3A_614 = arith.index_cast %add3A_613 : i32 to index
          %get3A_615 = tpu.vector_load %arg9[%get3A_614] {strides = array<i32>} : memref<100864xf32, #tpu.memory_space<vmem>>, vector<16xf32>,
          %add3A_616 = arith.constant 48 : i32
          %add3A_617 = arith.addi %mul3A_603, %add3A_616 : i32
          %get3A_618 = arith.index_cast %add3A_617 : i32 to index
          %get3A_619 = tpu.vector_load %arg9[%get3A_618] {strides = array<i32>} : memref<100864xf32, #tpu.memory_space<vmem>>, vector<16xf32>,
          %get3A_620 = arith.constant 1 : i32
          %get3A_621 = arith.index_cast %get3A_620 : i32 to index
          %get3A_622 = arith.index_cast %add3A_601 : i32 to index
          %get3A_623 = arith.constant 0 : index
          %get3A_624 = tpu.vector_load %arg8[%get3A_621, %get3A_622, %get3A_623] {strides = array<i32>} : memref<2x128x64xf32, #tpu.memory_space<vmem>>, vector<16xf32>,
          %get3A_625 = arith.constant 1 : i32
          %get3A_626 = arith.index_cast %get3A_625 : i32 to index
          %get3A_627 = arith.index_cast %add3A_601 : i32 to index
          %get3A_628 = arith.constant 16 : index
          %get3A_629 = tpu.vector_load %arg8[%get3A_626, %get3A_627, %get3A_628] {strides = array<i32>} : memref<2x128x64xf32, #tpu.memory_space<vmem>>, vector<16xf32>,
          %get3A_630 = arith.constant 1 : i32
          %get3A_631 = arith.index_cast %get3A_630 : i32 to index
          %get3A_632 = arith.index_cast %add3A_601 : i32 to index
          %get3A_633 = arith.constant 32 : index
          %get3A_634 = tpu.vector_load %arg8[%get3A_631, %get3A_632, %get3A_633] {strides = array<i32>} : memref<2x128x64xf32, #tpu.memory_space<vmem>>, vector<16xf32>,
          %get3A_635 = arith.constant 1 : i32
          %get3A_636 = arith.index_cast %get3A_635 : i32 to index
          %get3A_637 = arith.index_cast %add3A_601 : i32 to index
          %get3A_638 = arith.constant 48 : index
          %get3A_639 = tpu.vector_load %arg8[%get3A_636, %get3A_637, %get3A_638] {strides = array<i32>} : memref<2x128x64xf32, #tpu.memory_space<vmem>>, vector<16xf32>,
          %max3A_640 = arith.maximumf %get3A_607, %get3A_624 : vector<16xf32>
          %add3A_641 = arith.constant 0 : i32
          %add3A_642 = arith.addi %mul3A_603, %add3A_641 : i32
          %swap3A_643 = arith.index_cast %add3A_642 : i32 to index
          %swap3A_644 = tpu.vector_load %arg9[%swap3A_643] {strides = array<i32>} : memref<100864xf32, #tpu.memory_space<vmem>>, vector<16xf32>,
          tpu.vector_store %arg9[%swap3A_643], %max3A_640 {strides = array<i32>} : memref<100864xf32, #tpu.memory_space<vmem>>, vector<16xf32>,
          %max3A_645 = arith.maximumf %get3A_611, %get3A_629 : vector<16xf32>
          %add3A_646 = arith.constant 16 : i32
          %add3A_647 = arith.addi %mul3A_603, %add3A_646 : i32
          %swap3A_648 = arith.index_cast %add3A_647 : i32 to index
          %swap3A_649 = tpu.vector_load %arg9[%swap3A_648] {strides = array<i32>} : memref<100864xf32, #tpu.memory_space<vmem>>, vector<16xf32>,
          tpu.vector_store %arg9[%swap3A_648], %max3A_645 {strides = array<i32>} : memref<100864xf32, #tpu.memory_space<vmem>>, vector<16xf32>,
          %max3A_650 = arith.maximumf %get3A_615, %get3A_634 : vector<16xf32>
          %add3A_651 = arith.constant 32 : i32
          %add3A_652 = arith.addi %mul3A_603, %add3A_651 : i32
          %swap3A_653 = arith.index_cast %add3A_652 : i32 to index
          %swap3A_654 = tpu.vector_load %arg9[%swap3A_653] {strides = array<i32>} : memref<100864xf32, #tpu.memory_space<vmem>>, vector<16xf32>,
          tpu.vector_store %arg9[%swap3A_653], %max3A_650 {strides = array<i32>} : memref<100864xf32, #tpu.memory_space<vmem>>, vector<16xf32>,
          %max3A_655 = arith.maximumf %get3A_619, %get3A_639 : vector<16xf32>
          %add3A_656 = arith.constant 48 : i32
          %add3A_657 = arith.addi %mul3A_603, %add3A_656 : i32
          %swap3A_658 = arith.index_cast %add3A_657 : i32 to index
          %swap3A_659 = tpu.vector_load %arg9[%swap3A_658] {strides = array<i32>} : memref<100864xf32, #tpu.memory_space<vmem>>, vector<16xf32>,
          tpu.vector_store %arg9[%swap3A_658], %max3A_655 {strides = array<i32>} : memref<100864xf32, #tpu.memory_space<vmem>>, vector<16xf32>,
          %scan3A_660 = arith.constant 0 : i32
          scf.yield %scan3A_660 : i32
        }
        %scan3A_329 = arith.constant 32 : i32
      } else {
      }
      %jit3A_297 = arith.constant 128 : i32
      %jit3A_298 = arith.constant 0 : i32
      %select_n3A_299 = arith.select %ge3A_259, %jit3A_297, %jit3A_298 : i32
      %jit3A_300 = arith.constant 256 : i32
      %select_n3A_301 = arith.select %ge3A_262, %jit3A_300, %select_n3A_299 : i32
      %add3A_302 = arith.addi %scan3A_217, %select_n3A_301 : i32
      %while3A_303:2 = scf.while (%while3A_304 = %add3A_290, %while3A_305 = %add3A_302) : (i32, i32) -> (i32, i32) {
        %sub3A_306 = arith.subi %while3A_304, %while3A_305 : i32
        %ge3A_307 = arith.constant 320 : i32
        %ge3A_308 = arith.cmpi sge, %sub3A_306, %ge3A_307 : i32
        scf.condition(%ge3A_308) %while3A_304, %while3A_305 : i32, i32
      } do {
      ^bb0(%while3A_304: i32, %while3A_305: i32):
        %sub3A_306 = arith.subi %while3A_304, %while3A_305 : i32
        %ge3A_307 = arith.constant 256 : i32
        %ge3A_308 = arith.cmpi sge, %sub3A_306, %ge3A_307 : i32
        %and3A_309 = arith.constant 2047 : i32
        %and3A_310 = arith.andi %while3A_305, %and3A_309 : i32
        %multiple_of3A_311 = tpu.assume_multiple %and3A_310, 128 : i32
        %dma_start3A_312 = arith.constant 0 : i32
        %dma_start3A_313 = arith.constant 0 : i32
        %dma_start3A_314 = arith.constant 0 : i32
        %dma_start3A_315 = tpu.memref_slice %arg8[%dma_start3A_312, %dma_start3A_313, %dma_start3A_314] : memref<2x128x64xf32, #tpu.memory_space<vmem>> -> memref<1x128x64xf32, #tpu.memory_space<vmem>>
        %dma_start3A_316 = tpu.memref_squeeze %dma_start3A_315 : memref<1x128x64xf32, #tpu.memory_space<vmem>> -> memref<128x64xf32, #tpu.memory_space<vmem>>
        %dma_start3A_317 = tpu.memref_slice %arg6[%multiple_of3A_311] : memref<2048xi32, #tpu.memory_space<vmem>> -> memref<128xi32, #tpu.memory_space<vmem>>
        %dma_start3A_318 = arith.constant 0 : i32
        %dma_start3A_319 = arith.constant 0 : i32
        %dma_start3A_320 = tpu.memref_slice %arg3[%dma_start3A_318, %dma_start3A_319] : memref<800000x64xf32, #tpu.memory_space<hbm>> -> memref<800000x64xf32, #tpu.memory_space<hbm>>
        tpu.enqueue_indirect_dma source(%dma_start3A_320 : memref<800000x64xf32, #tpu.memory_space<hbm>>) target(%dma_start3A_316 : memref<128x64xf32, #tpu.memory_space<vmem>>) offsets(%dma_start3A_317 : memref<128xi32, #tpu.memory_space<vmem>>) semaphore(%arg11 : memref<!tpu.dma_semaphore, #tpu.memory_space<semaphore_mem>>)
        %convert_element_type3A_321 = arith.extui %ge3A_308 : i1 to i32
        %cond3A_322 = arith.constant 0 : i32
        %cond3A_323 = arith.cmpi ne, %convert_element_type3A_321, %cond3A_322 : i32
        scf.if %cond3A_323 {
          %add3A_353 = arith.constant 128 : i32
          %add3A_354 = arith.addi %while3A_305, %add3A_353 : i32
          %and3A_355 = arith.constant 2047 : i32
          %and3A_356 = arith.andi %add3A_354, %and3A_355 : i32
          %multiple_of3A_357 = tpu.assume_multiple %and3A_356, 128 : i32
          %dma_start3A_358 = arith.constant 1 : i32
          %dma_start3A_359 = arith.constant 0 : i32
          %dma_start3A_360 = arith.constant 0 : i32
          %dma_start3A_361 = tpu.memref_slice %arg8[%dma_start3A_358, %dma_start3A_359, %dma_start3A_360] : memref<2x128x64xf32, #tpu.memory_space<vmem>> -> memref<1x128x64xf32, #tpu.memory_space<vmem>>
          %dma_start3A_362 = tpu.memref_squeeze %dma_start3A_361 : memref<1x128x64xf32, #tpu.memory_space<vmem>> -> memref<128x64xf32, #tpu.memory_space<vmem>>
          %dma_start3A_363 = tpu.memref_slice %arg6[%multiple_of3A_357] : memref<2048xi32, #tpu.memory_space<vmem>> -> memref<128xi32, #tpu.memory_space<vmem>>
          %dma_start3A_364 = arith.constant 0 : i32
          %dma_start3A_365 = arith.constant 0 : i32
          %dma_start3A_366 = tpu.memref_slice %arg3[%dma_start3A_364, %dma_start3A_365] : memref<800000x64xf32, #tpu.memory_space<hbm>> -> memref<800000x64xf32, #tpu.memory_space<hbm>>
          tpu.enqueue_indirect_dma source(%dma_start3A_366 : memref<800000x64xf32, #tpu.memory_space<hbm>>) target(%dma_start3A_362 : memref<128x64xf32, #tpu.memory_space<vmem>>) offsets(%dma_start3A_363 : memref<128xi32, #tpu.memory_space<vmem>>) semaphore(%arg11 : memref<!tpu.dma_semaphore, #tpu.memory_space<semaphore_mem>>)
        } else {
        }
        %and3A_324 = arith.constant 2047 : i32
        %and3A_325 = arith.andi %while3A_305, %and3A_324 : i32
        %multiple_of3A_326 = tpu.assume_multiple %and3A_325, 128 : i32
        %dma_wait3A_327 = arith.constant 0 : i32
        %dma_wait3A_328 = arith.constant 0 : i32
        %dma_wait3A_329 = arith.constant 0 : i32
        %dma_wait3A_330 = tpu.memref_slice %arg8[%dma_wait3A_327, %dma_wait3A_328, %dma_wait3A_329] : memref<2x128x64xf32, #tpu.memory_space<vmem>> -> memref<1x128x64xf32, #tpu.memory_space<vmem>>
        %dma_wait3A_331 = tpu.memref_squeeze %dma_wait3A_330 : memref<1x128x64xf32, #tpu.memory_space<vmem>> -> memref<128x64xf32, #tpu.memory_space<vmem>>
        %dma_wait3A_332 = tpu.memref_slice %arg6[%multiple_of3A_326] : memref<2048xi32, #tpu.memory_space<vmem>> -> memref<128xi32, #tpu.memory_space<vmem>>
        %dma_wait3A_333 = arith.constant 0 : i32
        %dma_wait3A_334 = arith.constant 0 : i32
        %dma_wait3A_335 = tpu.memref_slice %arg3[%dma_wait3A_333, %dma_wait3A_334] : memref<800000x64xf32, #tpu.memory_space<hbm>> -> memref<800000x64xf32, #tpu.memory_space<hbm>>
        tpu.wait_indirect_dma semaphore(%arg11 : memref<!tpu.dma_semaphore, #tpu.memory_space<semaphore_mem>>) src(%dma_wait3A_335 : memref<800000x64xf32, #tpu.memory_space<hbm>>) dst(%dma_wait3A_331 : memref<128x64xf32, #tpu.memory_space<vmem>>)
        %and3A_336 = arith.constant 2047 : i32
        %and3A_337 = arith.andi %while3A_305, %and3A_336 : i32
        %multiple_of3A_338 = tpu.assume_multiple %and3A_337, 128 : i32
        %scan3A_339 = arith.constant 0 : i32
        %scan3A_340 = arith.constant 0 : i32
        %scan3A_341 = arith.constant 32 : i32
        %scan3A_342 = arith.addi %scan3A_340, %scan3A_341 : i32
        %scan3A_343 = arith.constant 1 : i32
        %scan3A_344 = scf.for %scan3A_353 = %scan3A_340 to %scan3A_342 step %scan3A_343 iter_args(%scan3A_354 = %scan3A_339) -> (i32)  : i32 {
          %mul3A_355 = arith.constant 4 : i32
          %mul3A_356 = arith.muli %mul3A_355, %scan3A_353 : i32
          %add3A_357 = arith.constant 0 : i32
          %add3A_358 = arith.addi %mul3A_356, %add3A_357 : i32
          %and3A_359 = arith.constant -16 : i32
          %and3A_360 = arith.andi %add3A_358, %and3A_359 : i32
          %add3A_361 = arith.addi %multiple_of3A_338, %and3A_360 : i32
          %multiple_of3A_362 = tpu.assume_multiple %add3A_361, 16 : i32
          %get3A = arith.index_cast %multiple_of3A_362 : i32 to index
          %get3A_363 = tpu.vector_load %arg7[%get3A] {strides = array<i32>} : memref<2048xi32, #tpu.memory_space<vmem>>, vector<16xi32>,
          %and3A_364 = arith.constant 15 : i32
          %and3A_365 = arith.andi %add3A_358, %and3A_364 : i32
          %eq3A_366 = vector.broadcast %and3A_365 : i32 to vector<16xi32>
          %eq3A_367 = arith.cmpi eq, %iota3A, %eq3A_366 : vector<16xi32>
          %jit3A_368 = arith.constant 0 : i32
          %broadcast_in_dim3A_369 = vector.broadcast %jit3A_368 : i32 to vector<16xi32>
          %select_n3A_370 = arith.select %eq3A_367, %get3A_363, %broadcast_in_dim3A_369 : vector<16xi1>, vector<16xi32>
          %reduce_sum3A = arith.constant true
          %reduce_sum3A_371 = vector.broadcast %reduce_sum3A : i1 to vector<16xi1>
          %reduce_sum3A_372 = tpu.scan <sum>, %select_n3A_370 masked %reduce_sum3A_371 : vector<16xi32>, vector<16xi1> -> vector<16xi32>
          %reduce_sum3A_373 = vector.extract %reduce_sum3A_372[15] : i32 from vector<16xi32>
          %mul3A_374 = arith.constant 4 : i32
          %mul3A_375 = arith.muli %mul3A_374, %scan3A_353 : i32
          %add3A_376 = arith.constant 1 : i32
          %add3A_377 = arith.addi %mul3A_375, %add3A_376 : i32
          %and3A_378 = arith.constant -16 : i32
          %and3A_379 = arith.andi %add3A_377, %and3A_378 : i32
          %add3A_380 = arith.addi %multiple_of3A_338, %and3A_379 : i32
          %multiple_of3A_381 = tpu.assume_multiple %add3A_380, 16 : i32
          %get3A_382 = arith.index_cast %multiple_of3A_381 : i32 to index
          %get3A_383 = tpu.vector_load %arg7[%get3A_382] {strides = array<i32>} : memref<2048xi32, #tpu.memory_space<vmem>>, vector<16xi32>,
          %and3A_384 = arith.constant 15 : i32
          %and3A_385 = arith.andi %add3A_377, %and3A_384 : i32
          %eq3A_386 = vector.broadcast %and3A_385 : i32 to vector<16xi32>
          %eq3A_387 = arith.cmpi eq, %iota3A, %eq3A_386 : vector<16xi32>
          %jit3A_388 = arith.constant 0 : i32
          %broadcast_in_dim3A_389 = vector.broadcast %jit3A_388 : i32 to vector<16xi32>
          %select_n3A_390 = arith.select %eq3A_387, %get3A_383, %broadcast_in_dim3A_389 : vector<16xi1>, vector<16xi32>
          %reduce_sum3A_391 = arith.constant true
          %reduce_sum3A_392 = vector.broadcast %reduce_sum3A_391 : i1 to vector<16xi1>
          %reduce_sum3A_393 = tpu.scan <sum>, %select_n3A_390 masked %reduce_sum3A_392 : vector<16xi32>, vector<16xi1> -> vector<16xi32>
          %reduce_sum3A_394 = vector.extract %reduce_sum3A_393[15] : i32 from vector<16xi32>
          %mul3A_395 = arith.constant 4 : i32
          %mul3A_396 = arith.muli %mul3A_395, %scan3A_353 : i32
          %add3A_397 = arith.constant 2 : i32
          %add3A_398 = arith.addi %mul3A_396, %add3A_397 : i32
          %and3A_399 = arith.constant -16 : i32
          %and3A_400 = arith.andi %add3A_398, %and3A_399 : i32
          %add3A_401 = arith.addi %multiple_of3A_338, %and3A_400 : i32
          %multiple_of3A_402 = tpu.assume_multiple %add3A_401, 16 : i32
          %get3A_403 = arith.index_cast %multiple_of3A_402 : i32 to index
          %get3A_404 = tpu.vector_load %arg7[%get3A_403] {strides = array<i32>} : memref<2048xi32, #tpu.memory_space<vmem>>, vector<16xi32>,
          %and3A_405 = arith.constant 15 : i32
          %and3A_406 = arith.andi %add3A_398, %and3A_405 : i32
          %eq3A_407 = vector.broadcast %and3A_406 : i32 to vector<16xi32>
          %eq3A_408 = arith.cmpi eq, %iota3A, %eq3A_407 : vector<16xi32>
          %jit3A_409 = arith.constant 0 : i32
          %broadcast_in_dim3A_410 = vector.broadcast %jit3A_409 : i32 to vector<16xi32>
          %select_n3A_411 = arith.select %eq3A_408, %get3A_404, %broadcast_in_dim3A_410 : vector<16xi1>, vector<16xi32>
          %reduce_sum3A_412 = arith.constant true
          %reduce_sum3A_413 = vector.broadcast %reduce_sum3A_412 : i1 to vector<16xi1>
          %reduce_sum3A_414 = tpu.scan <sum>, %select_n3A_411 masked %reduce_sum3A_413 : vector<16xi32>, vector<16xi1> -> vector<16xi32>
          %reduce_sum3A_415 = vector.extract %reduce_sum3A_414[15] : i32 from vector<16xi32>
          %mul3A_416 = arith.constant 4 : i32
          %mul3A_417 = arith.muli %mul3A_416, %scan3A_353 : i32
          %add3A_418 = arith.constant 3 : i32
          %add3A_419 = arith.addi %mul3A_417, %add3A_418 : i32
          %and3A_420 = arith.constant -16 : i32
          %and3A_421 = arith.andi %add3A_419, %and3A_420 : i32
          %add3A_422 = arith.addi %multiple_of3A_338, %and3A_421 : i32
          %multiple_of3A_423 = tpu.assume_multiple %add3A_422, 16 : i32
          %get3A_424 = arith.index_cast %multiple_of3A_423 : i32 to index
          %get3A_425 = tpu.vector_load %arg7[%get3A_424] {strides = array<i32>} : memref<2048xi32, #tpu.memory_space<vmem>>, vector<16xi32>,
          %and3A_426 = arith.constant 15 : i32
          %and3A_427 = arith.andi %add3A_419, %and3A_426 : i32
          %eq3A_428 = vector.broadcast %and3A_427 : i32 to vector<16xi32>
          %eq3A_429 = arith.cmpi eq, %iota3A, %eq3A_428 : vector<16xi32>
          %jit3A_430 = arith.constant 0 : i32
          %broadcast_in_dim3A_431 = vector.broadcast %jit3A_430 : i32 to vector<16xi32>
          %select_n3A_432 = arith.select %eq3A_429, %get3A_425, %broadcast_in_dim3A_431 : vector<16xi1>, vector<16xi32>
          %reduce_sum3A_433 = arith.constant true
          %reduce_sum3A_434 = vector.broadcast %reduce_sum3A_433 : i1 to vector<16xi1>
          %reduce_sum3A_435 = tpu.scan <sum>, %select_n3A_432 masked %reduce_sum3A_434 : vector<16xi32>, vector<16xi1> -> vector<16xi32>
          %reduce_sum3A_436 = vector.extract %reduce_sum3A_435[15] : i32 from vector<16xi32>
          %mul3A_437 = arith.constant 4 : i32
          %mul3A_438 = arith.muli %mul3A_437, %scan3A_353 : i32
          %add3A_439 = arith.constant 0 : i32
          %add3A_440 = arith.addi %mul3A_438, %add3A_439 : i32
          %mul3A_441 = arith.constant 64 : i32
          %mul3A_442 = arith.muli %reduce_sum3A_373, %mul3A_441 : i32
          %add3A_443 = arith.constant 0 : i32
          %add3A_444 = arith.addi %mul3A_442, %add3A_443 : i32
          %get3A_445 = arith.index_cast %add3A_444 : i32 to index
          %get3A_446 = tpu.vector_load %arg9[%get3A_445] {strides = array<i32>} : memref<100864xf32, #tpu.memory_space<vmem>>, vector<16xf32>,
          %add3A_447 = arith.constant 16 : i32
          %add3A_448 = arith.addi %mul3A_442, %add3A_447 : i32
          %get3A_449 = arith.index_cast %add3A_448 : i32 to index
          %get3A_450 = tpu.vector_load %arg9[%get3A_449] {strides = array<i32>} : memref<100864xf32, #tpu.memory_space<vmem>>, vector<16xf32>,
          %add3A_451 = arith.constant 32 : i32
          %add3A_452 = arith.addi %mul3A_442, %add3A_451 : i32
          %get3A_453 = arith.index_cast %add3A_452 : i32 to index
          %get3A_454 = tpu.vector_load %arg9[%get3A_453] {strides = array<i32>} : memref<100864xf32, #tpu.memory_space<vmem>>, vector<16xf32>,
          %add3A_455 = arith.constant 48 : i32
          %add3A_456 = arith.addi %mul3A_442, %add3A_455 : i32
          %get3A_457 = arith.index_cast %add3A_456 : i32 to index
          %get3A_458 = tpu.vector_load %arg9[%get3A_457] {strides = array<i32>} : memref<100864xf32, #tpu.memory_space<vmem>>, vector<16xf32>,
          %get3A_459 = arith.constant 0 : i32
          %get3A_460 = arith.index_cast %get3A_459 : i32 to index
          %get3A_461 = arith.index_cast %add3A_440 : i32 to index
          %get3A_462 = arith.constant 0 : index
          %get3A_463 = tpu.vector_load %arg8[%get3A_460, %get3A_461, %get3A_462] {strides = array<i32>} : memref<2x128x64xf32, #tpu.memory_space<vmem>>, vector<16xf32>,
          %get3A_464 = arith.constant 0 : i32
          %get3A_465 = arith.index_cast %get3A_464 : i32 to index
          %get3A_466 = arith.index_cast %add3A_440 : i32 to index
          %get3A_467 = arith.constant 16 : index
          %get3A_468 = tpu.vector_load %arg8[%get3A_465, %get3A_466, %get3A_467] {strides = array<i32>} : memref<2x128x64xf32, #tpu.memory_space<vmem>>, vector<16xf32>,
          %get3A_469 = arith.constant 0 : i32
          %get3A_470 = arith.index_cast %get3A_469 : i32 to index
          %get3A_471 = arith.index_cast %add3A_440 : i32 to index
          %get3A_472 = arith.constant 32 : index
          %get3A_473 = tpu.vector_load %arg8[%get3A_470, %get3A_471, %get3A_472] {strides = array<i32>} : memref<2x128x64xf32, #tpu.memory_space<vmem>>, vector<16xf32>,
          %get3A_474 = arith.constant 0 : i32
          %get3A_475 = arith.index_cast %get3A_474 : i32 to index
          %get3A_476 = arith.index_cast %add3A_440 : i32 to index
          %get3A_477 = arith.constant 48 : index
          %get3A_478 = tpu.vector_load %arg8[%get3A_475, %get3A_476, %get3A_477] {strides = array<i32>} : memref<2x128x64xf32, #tpu.memory_space<vmem>>, vector<16xf32>,
          %max3A = arith.maximumf %get3A_446, %get3A_463 : vector<16xf32>
          %add3A_479 = arith.constant 0 : i32
          %add3A_480 = arith.addi %mul3A_442, %add3A_479 : i32
          %swap3A = arith.index_cast %add3A_480 : i32 to index
          %swap3A_481 = tpu.vector_load %arg9[%swap3A] {strides = array<i32>} : memref<100864xf32, #tpu.memory_space<vmem>>, vector<16xf32>,
          tpu.vector_store %arg9[%swap3A], %max3A {strides = array<i32>} : memref<100864xf32, #tpu.memory_space<vmem>>, vector<16xf32>,
          %max3A_482 = arith.maximumf %get3A_450, %get3A_468 : vector<16xf32>
          %add3A_483 = arith.constant 16 : i32
          %add3A_484 = arith.addi %mul3A_442, %add3A_483 : i32
          %swap3A_485 = arith.index_cast %add3A_484 : i32 to index
          %swap3A_486 = tpu.vector_load %arg9[%swap3A_485] {strides = array<i32>} : memref<100864xf32, #tpu.memory_space<vmem>>, vector<16xf32>,
          tpu.vector_store %arg9[%swap3A_485], %max3A_482 {strides = array<i32>} : memref<100864xf32, #tpu.memory_space<vmem>>, vector<16xf32>,
          %max3A_487 = arith.maximumf %get3A_454, %get3A_473 : vector<16xf32>
          %add3A_488 = arith.constant 32 : i32
          %add3A_489 = arith.addi %mul3A_442, %add3A_488 : i32
          %swap3A_490 = arith.index_cast %add3A_489 : i32 to index
          %swap3A_491 = tpu.vector_load %arg9[%swap3A_490] {strides = array<i32>} : memref<100864xf32, #tpu.memory_space<vmem>>, vector<16xf32>,
          tpu.vector_store %arg9[%swap3A_490], %max3A_487 {strides = array<i32>} : memref<100864xf32, #tpu.memory_space<vmem>>, vector<16xf32>,
          %max3A_492 = arith.maximumf %get3A_458, %get3A_478 : vector<16xf32>
          %add3A_493 = arith.constant 48 : i32
          %add3A_494 = arith.addi %mul3A_442, %add3A_493 : i32
          %swap3A_495 = arith.index_cast %add3A_494 : i32 to index
          %swap3A_496 = tpu.vector_load %arg9[%swap3A_495] {strides = array<i32>} : memref<100864xf32, #tpu.memory_space<vmem>>, vector<16xf32>,
          tpu.vector_store %arg9[%swap3A_495], %max3A_492 {strides = array<i32>} : memref<100864xf32, #tpu.memory_space<vmem>>, vector<16xf32>,
          %mul3A_497 = arith.constant 4 : i32
          %mul3A_498 = arith.muli %mul3A_497, %scan3A_353 : i32
          %add3A_499 = arith.constant 1 : i32
          %add3A_500 = arith.addi %mul3A_498, %add3A_499 : i32
          %mul3A_501 = arith.constant 64 : i32
          %mul3A_502 = arith.muli %reduce_sum3A_394, %mul3A_501 : i32
          %add3A_503 = arith.constant 0 : i32
          %add3A_504 = arith.addi %mul3A_502, %add3A_503 : i32
          %get3A_505 = arith.index_cast %add3A_504 : i32 to index
          %get3A_506 = tpu.vector_load %arg9[%get3A_505] {strides = array<i32>} : memref<100864xf32, #tpu.memory_space<vmem>>, vector<16xf32>,
          %add3A_507 = arith.constant 16 : i32
          %add3A_508 = arith.addi %mul3A_502, %add3A_507 : i32
          %get3A_509 = arith.index_cast %add3A_508 : i32 to index
          %get3A_510 = tpu.vector_load %arg9[%get3A_509] {strides = array<i32>} : memref<100864xf32, #tpu.memory_space<vmem>>, vector<16xf32>,
          %add3A_511 = arith.constant 32 : i32
          %add3A_512 = arith.addi %mul3A_502, %add3A_511 : i32
          %get3A_513 = arith.index_cast %add3A_512 : i32 to index
          %get3A_514 = tpu.vector_load %arg9[%get3A_513] {strides = array<i32>} : memref<100864xf32, #tpu.memory_space<vmem>>, vector<16xf32>,
          %add3A_515 = arith.constant 48 : i32
          %add3A_516 = arith.addi %mul3A_502, %add3A_515 : i32
          %get3A_517 = arith.index_cast %add3A_516 : i32 to index
          %get3A_518 = tpu.vector_load %arg9[%get3A_517] {strides = array<i32>} : memref<100864xf32, #tpu.memory_space<vmem>>, vector<16xf32>,
          %get3A_519 = arith.constant 0 : i32
          %get3A_520 = arith.index_cast %get3A_519 : i32 to index
          %get3A_521 = arith.index_cast %add3A_500 : i32 to index
          %get3A_522 = arith.constant 0 : index
          %get3A_523 = tpu.vector_load %arg8[%get3A_520, %get3A_521, %get3A_522] {strides = array<i32>} : memref<2x128x64xf32, #tpu.memory_space<vmem>>, vector<16xf32>,
          %get3A_524 = arith.constant 0 : i32
          %get3A_525 = arith.index_cast %get3A_524 : i32 to index
          %get3A_526 = arith.index_cast %add3A_500 : i32 to index
          %get3A_527 = arith.constant 16 : index
          %get3A_528 = tpu.vector_load %arg8[%get3A_525, %get3A_526, %get3A_527] {strides = array<i32>} : memref<2x128x64xf32, #tpu.memory_space<vmem>>, vector<16xf32>,
          %get3A_529 = arith.constant 0 : i32
          %get3A_530 = arith.index_cast %get3A_529 : i32 to index
          %get3A_531 = arith.index_cast %add3A_500 : i32 to index
          %get3A_532 = arith.constant 32 : index
          %get3A_533 = tpu.vector_load %arg8[%get3A_530, %get3A_531, %get3A_532] {strides = array<i32>} : memref<2x128x64xf32, #tpu.memory_space<vmem>>, vector<16xf32>,
          %get3A_534 = arith.constant 0 : i32
          %get3A_535 = arith.index_cast %get3A_534 : i32 to index
          %get3A_536 = arith.index_cast %add3A_500 : i32 to index
          %get3A_537 = arith.constant 48 : index
          %get3A_538 = tpu.vector_load %arg8[%get3A_535, %get3A_536, %get3A_537] {strides = array<i32>} : memref<2x128x64xf32, #tpu.memory_space<vmem>>, vector<16xf32>,
          %max3A_539 = arith.maximumf %get3A_506, %get3A_523 : vector<16xf32>
          %add3A_540 = arith.constant 0 : i32
          %add3A_541 = arith.addi %mul3A_502, %add3A_540 : i32
          %swap3A_542 = arith.index_cast %add3A_541 : i32 to index
          %swap3A_543 = tpu.vector_load %arg9[%swap3A_542] {strides = array<i32>} : memref<100864xf32, #tpu.memory_space<vmem>>, vector<16xf32>,
          tpu.vector_store %arg9[%swap3A_542], %max3A_539 {strides = array<i32>} : memref<100864xf32, #tpu.memory_space<vmem>>, vector<16xf32>,
          %max3A_544 = arith.maximumf %get3A_510, %get3A_528 : vector<16xf32>
          %add3A_545 = arith.constant 16 : i32
          %add3A_546 = arith.addi %mul3A_502, %add3A_545 : i32
          %swap3A_547 = arith.index_cast %add3A_546 : i32 to index
          %swap3A_548 = tpu.vector_load %arg9[%swap3A_547] {strides = array<i32>} : memref<100864xf32, #tpu.memory_space<vmem>>, vector<16xf32>,
          tpu.vector_store %arg9[%swap3A_547], %max3A_544 {strides = array<i32>} : memref<100864xf32, #tpu.memory_space<vmem>>, vector<16xf32>,
          %max3A_549 = arith.maximumf %get3A_514, %get3A_533 : vector<16xf32>
          %add3A_550 = arith.constant 32 : i32
          %add3A_551 = arith.addi %mul3A_502, %add3A_550 : i32
          %swap3A_552 = arith.index_cast %add3A_551 : i32 to index
          %swap3A_553 = tpu.vector_load %arg9[%swap3A_552] {strides = array<i32>} : memref<100864xf32, #tpu.memory_space<vmem>>, vector<16xf32>,
          tpu.vector_store %arg9[%swap3A_552], %max3A_549 {strides = array<i32>} : memref<100864xf32, #tpu.memory_space<vmem>>, vector<16xf32>,
          %max3A_554 = arith.maximumf %get3A_518, %get3A_538 : vector<16xf32>
          %add3A_555 = arith.constant 48 : i32
          %add3A_556 = arith.addi %mul3A_502, %add3A_555 : i32
          %swap3A_557 = arith.index_cast %add3A_556 : i32 to index
          %swap3A_558 = tpu.vector_load %arg9[%swap3A_557] {strides = array<i32>} : memref<100864xf32, #tpu.memory_space<vmem>>, vector<16xf32>,
          tpu.vector_store %arg9[%swap3A_557], %max3A_554 {strides = array<i32>} : memref<100864xf32, #tpu.memory_space<vmem>>, vector<16xf32>,
          %mul3A_559 = arith.constant 4 : i32
          %mul3A_560 = arith.muli %mul3A_559, %scan3A_353 : i32
          %add3A_561 = arith.constant 2 : i32
          %add3A_562 = arith.addi %mul3A_560, %add3A_561 : i32
          %mul3A_563 = arith.constant 64 : i32
          %mul3A_564 = arith.muli %reduce_sum3A_415, %mul3A_563 : i32
          %add3A_565 = arith.constant 0 : i32
          %add3A_566 = arith.addi %mul3A_564, %add3A_565 : i32
          %get3A_567 = arith.index_cast %add3A_566 : i32 to index
          %get3A_568 = tpu.vector_load %arg9[%get3A_567] {strides = array<i32>} : memref<100864xf32, #tpu.memory_space<vmem>>, vector<16xf32>,
          %add3A_569 = arith.constant 16 : i32
          %add3A_570 = arith.addi %mul3A_564, %add3A_569 : i32
          %get3A_571 = arith.index_cast %add3A_570 : i32 to index
          %get3A_572 = tpu.vector_load %arg9[%get3A_571] {strides = array<i32>} : memref<100864xf32, #tpu.memory_space<vmem>>, vector<16xf32>,
          %add3A_573 = arith.constant 32 : i32
          %add3A_574 = arith.addi %mul3A_564, %add3A_573 : i32
          %get3A_575 = arith.index_cast %add3A_574 : i32 to index
          %get3A_576 = tpu.vector_load %arg9[%get3A_575] {strides = array<i32>} : memref<100864xf32, #tpu.memory_space<vmem>>, vector<16xf32>,
          %add3A_577 = arith.constant 48 : i32
          %add3A_578 = arith.addi %mul3A_564, %add3A_577 : i32
          %get3A_579 = arith.index_cast %add3A_578 : i32 to index
          %get3A_580 = tpu.vector_load %arg9[%get3A_579] {strides = array<i32>} : memref<100864xf32, #tpu.memory_space<vmem>>, vector<16xf32>,
          %get3A_581 = arith.constant 0 : i32
          %get3A_582 = arith.index_cast %get3A_581 : i32 to index
          %get3A_583 = arith.index_cast %add3A_562 : i32 to index
          %get3A_584 = arith.constant 0 : index
          %get3A_585 = tpu.vector_load %arg8[%get3A_582, %get3A_583, %get3A_584] {strides = array<i32>} : memref<2x128x64xf32, #tpu.memory_space<vmem>>, vector<16xf32>,
          %get3A_586 = arith.constant 0 : i32
          %get3A_587 = arith.index_cast %get3A_586 : i32 to index
          %get3A_588 = arith.index_cast %add3A_562 : i32 to index
          %get3A_589 = arith.constant 16 : index
          %get3A_590 = tpu.vector_load %arg8[%get3A_587, %get3A_588, %get3A_589] {strides = array<i32>} : memref<2x128x64xf32, #tpu.memory_space<vmem>>, vector<16xf32>,
          %get3A_591 = arith.constant 0 : i32
          %get3A_592 = arith.index_cast %get3A_591 : i32 to index
          %get3A_593 = arith.index_cast %add3A_562 : i32 to index
          %get3A_594 = arith.constant 32 : index
          %get3A_595 = tpu.vector_load %arg8[%get3A_592, %get3A_593, %get3A_594] {strides = array<i32>} : memref<2x128x64xf32, #tpu.memory_space<vmem>>, vector<16xf32>,
          %get3A_596 = arith.constant 0 : i32
          %get3A_597 = arith.index_cast %get3A_596 : i32 to index
          %get3A_598 = arith.index_cast %add3A_562 : i32 to index
          %get3A_599 = arith.constant 48 : index
          %get3A_600 = tpu.vector_load %arg8[%get3A_597, %get3A_598, %get3A_599] {strides = array<i32>} : memref<2x128x64xf32, #tpu.memory_space<vmem>>, vector<16xf32>,
          %max3A_601 = arith.maximumf %get3A_568, %get3A_585 : vector<16xf32>
          %add3A_602 = arith.constant 0 : i32
          %add3A_603 = arith.addi %mul3A_564, %add3A_602 : i32
          %swap3A_604 = arith.index_cast %add3A_603 : i32 to index
          %swap3A_605 = tpu.vector_load %arg9[%swap3A_604] {strides = array<i32>} : memref<100864xf32, #tpu.memory_space<vmem>>, vector<16xf32>,
          tpu.vector_store %arg9[%swap3A_604], %max3A_601 {strides = array<i32>} : memref<100864xf32, #tpu.memory_space<vmem>>, vector<16xf32>,
          %max3A_606 = arith.maximumf %get3A_572, %get3A_590 : vector<16xf32>
          %add3A_607 = arith.constant 16 : i32
          %add3A_608 = arith.addi %mul3A_564, %add3A_607 : i32
          %swap3A_609 = arith.index_cast %add3A_608 : i32 to index
          %swap3A_610 = tpu.vector_load %arg9[%swap3A_609] {strides = array<i32>} : memref<100864xf32, #tpu.memory_space<vmem>>, vector<16xf32>,
          tpu.vector_store %arg9[%swap3A_609], %max3A_606 {strides = array<i32>} : memref<100864xf32, #tpu.memory_space<vmem>>, vector<16xf32>,
          %max3A_611 = arith.maximumf %get3A_576, %get3A_595 : vector<16xf32>
          %add3A_612 = arith.constant 32 : i32
          %add3A_613 = arith.addi %mul3A_564, %add3A_612 : i32
          %swap3A_614 = arith.index_cast %add3A_613 : i32 to index
          %swap3A_615 = tpu.vector_load %arg9[%swap3A_614] {strides = array<i32>} : memref<100864xf32, #tpu.memory_space<vmem>>, vector<16xf32>,
          tpu.vector_store %arg9[%swap3A_614], %max3A_611 {strides = array<i32>} : memref<100864xf32, #tpu.memory_space<vmem>>, vector<16xf32>,
          %max3A_616 = arith.maximumf %get3A_580, %get3A_600 : vector<16xf32>
          %add3A_617 = arith.constant 48 : i32
          %add3A_618 = arith.addi %mul3A_564, %add3A_617 : i32
          %swap3A_619 = arith.index_cast %add3A_618 : i32 to index
          %swap3A_620 = tpu.vector_load %arg9[%swap3A_619] {strides = array<i32>} : memref<100864xf32, #tpu.memory_space<vmem>>, vector<16xf32>,
          tpu.vector_store %arg9[%swap3A_619], %max3A_616 {strides = array<i32>} : memref<100864xf32, #tpu.memory_space<vmem>>, vector<16xf32>,
          %mul3A_621 = arith.constant 4 : i32
          %mul3A_622 = arith.muli %mul3A_621, %scan3A_353 : i32
          %add3A_623 = arith.constant 3 : i32
          %add3A_624 = arith.addi %mul3A_622, %add3A_623 : i32
          %mul3A_625 = arith.constant 64 : i32
          %mul3A_626 = arith.muli %reduce_sum3A_436, %mul3A_625 : i32
          %add3A_627 = arith.constant 0 : i32
          %add3A_628 = arith.addi %mul3A_626, %add3A_627 : i32
          %get3A_629 = arith.index_cast %add3A_628 : i32 to index
          %get3A_630 = tpu.vector_load %arg9[%get3A_629] {strides = array<i32>} : memref<100864xf32, #tpu.memory_space<vmem>>, vector<16xf32>,
          %add3A_631 = arith.constant 16 : i32
          %add3A_632 = arith.addi %mul3A_626, %add3A_631 : i32
          %get3A_633 = arith.index_cast %add3A_632 : i32 to index
          %get3A_634 = tpu.vector_load %arg9[%get3A_633] {strides = array<i32>} : memref<100864xf32, #tpu.memory_space<vmem>>, vector<16xf32>,
          %add3A_635 = arith.constant 32 : i32
          %add3A_636 = arith.addi %mul3A_626, %add3A_635 : i32
          %get3A_637 = arith.index_cast %add3A_636 : i32 to index
          %get3A_638 = tpu.vector_load %arg9[%get3A_637] {strides = array<i32>} : memref<100864xf32, #tpu.memory_space<vmem>>, vector<16xf32>,
          %add3A_639 = arith.constant 48 : i32
          %add3A_640 = arith.addi %mul3A_626, %add3A_639 : i32
          %get3A_641 = arith.index_cast %add3A_640 : i32 to index
          %get3A_642 = tpu.vector_load %arg9[%get3A_641] {strides = array<i32>} : memref<100864xf32, #tpu.memory_space<vmem>>, vector<16xf32>,
          %get3A_643 = arith.constant 0 : i32
          %get3A_644 = arith.index_cast %get3A_643 : i32 to index
          %get3A_645 = arith.index_cast %add3A_624 : i32 to index
          %get3A_646 = arith.constant 0 : index
          %get3A_647 = tpu.vector_load %arg8[%get3A_644, %get3A_645, %get3A_646] {strides = array<i32>} : memref<2x128x64xf32, #tpu.memory_space<vmem>>, vector<16xf32>,
          %get3A_648 = arith.constant 0 : i32
          %get3A_649 = arith.index_cast %get3A_648 : i32 to index
          %get3A_650 = arith.index_cast %add3A_624 : i32 to index
          %get3A_651 = arith.constant 16 : index
          %get3A_652 = tpu.vector_load %arg8[%get3A_649, %get3A_650, %get3A_651] {strides = array<i32>} : memref<2x128x64xf32, #tpu.memory_space<vmem>>, vector<16xf32>,
          %get3A_653 = arith.constant 0 : i32
          %get3A_654 = arith.index_cast %get3A_653 : i32 to index
          %get3A_655 = arith.index_cast %add3A_624 : i32 to index
          %get3A_656 = arith.constant 32 : index
          %get3A_657 = tpu.vector_load %arg8[%get3A_654, %get3A_655, %get3A_656] {strides = array<i32>} : memref<2x128x64xf32, #tpu.memory_space<vmem>>, vector<16xf32>,
          %get3A_658 = arith.constant 0 : i32
          %get3A_659 = arith.index_cast %get3A_658 : i32 to index
          %get3A_660 = arith.index_cast %add3A_624 : i32 to index
          %get3A_661 = arith.constant 48 : index
          %get3A_662 = tpu.vector_load %arg8[%get3A_659, %get3A_660, %get3A_661] {strides = array<i32>} : memref<2x128x64xf32, #tpu.memory_space<vmem>>, vector<16xf32>,
          %max3A_663 = arith.maximumf %get3A_630, %get3A_647 : vector<16xf32>
          %add3A_664 = arith.constant 0 : i32
          %add3A_665 = arith.addi %mul3A_626, %add3A_664 : i32
          %swap3A_666 = arith.index_cast %add3A_665 : i32 to index
          %swap3A_667 = tpu.vector_load %arg9[%swap3A_666] {strides = array<i32>} : memref<100864xf32, #tpu.memory_space<vmem>>, vector<16xf32>,
          tpu.vector_store %arg9[%swap3A_666], %max3A_663 {strides = array<i32>} : memref<100864xf32, #tpu.memory_space<vmem>>, vector<16xf32>,
          %max3A_668 = arith.maximumf %get3A_634, %get3A_652 : vector<16xf32>
          %add3A_669 = arith.constant 16 : i32
          %add3A_670 = arith.addi %mul3A_626, %add3A_669 : i32
          %swap3A_671 = arith.index_cast %add3A_670 : i32 to index
          %swap3A_672 = tpu.vector_load %arg9[%swap3A_671] {strides = array<i32>} : memref<100864xf32, #tpu.memory_space<vmem>>, vector<16xf32>,
          tpu.vector_store %arg9[%swap3A_671], %max3A_668 {strides = array<i32>} : memref<100864xf32, #tpu.memory_space<vmem>>, vector<16xf32>,
          %max3A_673 = arith.maximumf %get3A_638, %get3A_657 : vector<16xf32>
          %add3A_674 = arith.constant 32 : i32
          %add3A_675 = arith.addi %mul3A_626, %add3A_674 : i32
          %swap3A_676 = arith.index_cast %add3A_675 : i32 to index
          %swap3A_677 = tpu.vector_load %arg9[%swap3A_676] {strides = array<i32>} : memref<100864xf32, #tpu.memory_space<vmem>>, vector<16xf32>,
          tpu.vector_store %arg9[%swap3A_676], %max3A_673 {strides = array<i32>} : memref<100864xf32, #tpu.memory_space<vmem>>, vector<16xf32>,
          %max3A_678 = arith.maximumf %get3A_642, %get3A_662 : vector<16xf32>
          %add3A_679 = arith.constant 48 : i32
          %add3A_680 = arith.addi %mul3A_626, %add3A_679 : i32
          %swap3A_681 = arith.index_cast %add3A_680 : i32 to index
          %swap3A_682 = tpu.vector_load %arg9[%swap3A_681] {strides = array<i32>} : memref<100864xf32, #tpu.memory_space<vmem>>, vector<16xf32>,
          tpu.vector_store %arg9[%swap3A_681], %max3A_678 {strides = array<i32>} : memref<100864xf32, #tpu.memory_space<vmem>>, vector<16xf32>,
          %scan3A_683 = arith.constant 0 : i32
          scf.yield %scan3A_683 : i32
        }
        %scan3A_345 = arith.constant 32 : i32
        %convert_element_type3A_346 = arith.extui %ge3A_308 : i1 to i32
        %cond3A_347 = arith.constant 0 : i32
        %cond3A_348 = arith.cmpi ne, %convert_element_type3A_346, %cond3A_347 : i32
        scf.if %cond3A_348 {
          %add3A_353 = arith.constant 128 : i32
          %add3A_354 = arith.addi %while3A_305, %add3A_353 : i32
          %and3A_355 = arith.constant 2047 : i32
          %and3A_356 = arith.andi %add3A_354, %and3A_355 : i32
          %multiple_of3A_357 = tpu.assume_multiple %and3A_356, 128 : i32
          %dma_wait3A_358 = arith.constant 1 : i32
          %dma_wait3A_359 = arith.constant 0 : i32
          %dma_wait3A_360 = arith.constant 0 : i32
          %dma_wait3A_361 = tpu.memref_slice %arg8[%dma_wait3A_358, %dma_wait3A_359, %dma_wait3A_360] : memref<2x128x64xf32, #tpu.memory_space<vmem>> -> memref<1x128x64xf32, #tpu.memory_space<vmem>>
          %dma_wait3A_362 = tpu.memref_squeeze %dma_wait3A_361 : memref<1x128x64xf32, #tpu.memory_space<vmem>> -> memref<128x64xf32, #tpu.memory_space<vmem>>
          %dma_wait3A_363 = tpu.memref_slice %arg6[%multiple_of3A_357] : memref<2048xi32, #tpu.memory_space<vmem>> -> memref<128xi32, #tpu.memory_space<vmem>>
          %dma_wait3A_364 = arith.constant 0 : i32
          %dma_wait3A_365 = arith.constant 0 : i32
          %dma_wait3A_366 = tpu.memref_slice %arg3[%dma_wait3A_364, %dma_wait3A_365] : memref<800000x64xf32, #tpu.memory_space<hbm>> -> memref<800000x64xf32, #tpu.memory_space<hbm>>
          tpu.wait_indirect_dma semaphore(%arg11 : memref<!tpu.dma_semaphore, #tpu.memory_space<semaphore_mem>>) src(%dma_wait3A_366 : memref<800000x64xf32, #tpu.memory_space<hbm>>) dst(%dma_wait3A_362 : memref<128x64xf32, #tpu.memory_space<vmem>>)
          %add3A_367 = arith.constant 128 : i32
          %add3A_368 = arith.addi %while3A_305, %add3A_367 : i32
          %and3A_369 = arith.constant 2047 : i32
          %and3A_370 = arith.andi %add3A_368, %and3A_369 : i32
          %multiple_of3A_371 = tpu.assume_multiple %and3A_370, 128 : i32
          %scan3A_372 = arith.constant 0 : i32
          %scan3A_373 = arith.constant 0 : i32
          %scan3A_374 = arith.constant 32 : i32
          %scan3A_375 = arith.addi %scan3A_373, %scan3A_374 : i32
          %scan3A_376 = arith.constant 1 : i32
          %scan3A_377 = scf.for %scan3A_379 = %scan3A_373 to %scan3A_375 step %scan3A_376 iter_args(%scan3A_380 = %scan3A_372) -> (i32)  : i32 {
            %mul3A_381 = arith.constant 4 : i32
            %mul3A_382 = arith.muli %mul3A_381, %scan3A_379 : i32
            %add3A_383 = arith.constant 0 : i32
            %add3A_384 = arith.addi %mul3A_382, %add3A_383 : i32
            %and3A_385 = arith.constant -16 : i32
            %and3A_386 = arith.andi %add3A_384, %and3A_385 : i32
            %add3A_387 = arith.addi %multiple_of3A_371, %and3A_386 : i32
            %multiple_of3A_388 = tpu.assume_multiple %add3A_387, 16 : i32
            %get3A = arith.index_cast %multiple_of3A_388 : i32 to index
            %get3A_389 = tpu.vector_load %arg7[%get3A] {strides = array<i32>} : memref<2048xi32, #tpu.memory_space<vmem>>, vector<16xi32>,
            %and3A_390 = arith.constant 15 : i32
            %and3A_391 = arith.andi %add3A_384, %and3A_390 : i32
            %eq3A_392 = vector.broadcast %and3A_391 : i32 to vector<16xi32>
            %eq3A_393 = arith.cmpi eq, %iota3A, %eq3A_392 : vector<16xi32>
            %jit3A_394 = arith.constant 0 : i32
            %broadcast_in_dim3A_395 = vector.broadcast %jit3A_394 : i32 to vector<16xi32>
            %select_n3A_396 = arith.select %eq3A_393, %get3A_389, %broadcast_in_dim3A_395 : vector<16xi1>, vector<16xi32>
            %reduce_sum3A = arith.constant true
            %reduce_sum3A_397 = vector.broadcast %reduce_sum3A : i1 to vector<16xi1>
            %reduce_sum3A_398 = tpu.scan <sum>, %select_n3A_396 masked %reduce_sum3A_397 : vector<16xi32>, vector<16xi1> -> vector<16xi32>
            %reduce_sum3A_399 = vector.extract %reduce_sum3A_398[15] : i32 from vector<16xi32>
            %mul3A_400 = arith.constant 4 : i32
            %mul3A_401 = arith.muli %mul3A_400, %scan3A_379 : i32
            %add3A_402 = arith.constant 1 : i32
            %add3A_403 = arith.addi %mul3A_401, %add3A_402 : i32
            %and3A_404 = arith.constant -16 : i32
            %and3A_405 = arith.andi %add3A_403, %and3A_404 : i32
            %add3A_406 = arith.addi %multiple_of3A_371, %and3A_405 : i32
            %multiple_of3A_407 = tpu.assume_multiple %add3A_406, 16 : i32
            %get3A_408 = arith.index_cast %multiple_of3A_407 : i32 to index
            %get3A_409 = tpu.vector_load %arg7[%get3A_408] {strides = array<i32>} : memref<2048xi32, #tpu.memory_space<vmem>>, vector<16xi32>,
            %and3A_410 = arith.constant 15 : i32
            %and3A_411 = arith.andi %add3A_403, %and3A_410 : i32
            %eq3A_412 = vector.broadcast %and3A_411 : i32 to vector<16xi32>
            %eq3A_413 = arith.cmpi eq, %iota3A, %eq3A_412 : vector<16xi32>
            %jit3A_414 = arith.constant 0 : i32
            %broadcast_in_dim3A_415 = vector.broadcast %jit3A_414 : i32 to vector<16xi32>
            %select_n3A_416 = arith.select %eq3A_413, %get3A_409, %broadcast_in_dim3A_415 : vector<16xi1>, vector<16xi32>
            %reduce_sum3A_417 = arith.constant true
            %reduce_sum3A_418 = vector.broadcast %reduce_sum3A_417 : i1 to vector<16xi1>
            %reduce_sum3A_419 = tpu.scan <sum>, %select_n3A_416 masked %reduce_sum3A_418 : vector<16xi32>, vector<16xi1> -> vector<16xi32>
            %reduce_sum3A_420 = vector.extract %reduce_sum3A_419[15] : i32 from vector<16xi32>
            %mul3A_421 = arith.constant 4 : i32
            %mul3A_422 = arith.muli %mul3A_421, %scan3A_379 : i32
            %add3A_423 = arith.constant 2 : i32
            %add3A_424 = arith.addi %mul3A_422, %add3A_423 : i32
            %and3A_425 = arith.constant -16 : i32
            %and3A_426 = arith.andi %add3A_424, %and3A_425 : i32
            %add3A_427 = arith.addi %multiple_of3A_371, %and3A_426 : i32
            %multiple_of3A_428 = tpu.assume_multiple %add3A_427, 16 : i32
            %get3A_429 = arith.index_cast %multiple_of3A_428 : i32 to index
            %get3A_430 = tpu.vector_load %arg7[%get3A_429] {strides = array<i32>} : memref<2048xi32, #tpu.memory_space<vmem>>, vector<16xi32>,
            %and3A_431 = arith.constant 15 : i32
            %and3A_432 = arith.andi %add3A_424, %and3A_431 : i32
            %eq3A_433 = vector.broadcast %and3A_432 : i32 to vector<16xi32>
            %eq3A_434 = arith.cmpi eq, %iota3A, %eq3A_433 : vector<16xi32>
            %jit3A_435 = arith.constant 0 : i32
            %broadcast_in_dim3A_436 = vector.broadcast %jit3A_435 : i32 to vector<16xi32>
            %select_n3A_437 = arith.select %eq3A_434, %get3A_430, %broadcast_in_dim3A_436 : vector<16xi1>, vector<16xi32>
            %reduce_sum3A_438 = arith.constant true
            %reduce_sum3A_439 = vector.broadcast %reduce_sum3A_438 : i1 to vector<16xi1>
            %reduce_sum3A_440 = tpu.scan <sum>, %select_n3A_437 masked %reduce_sum3A_439 : vector<16xi32>, vector<16xi1> -> vector<16xi32>
            %reduce_sum3A_441 = vector.extract %reduce_sum3A_440[15] : i32 from vector<16xi32>
            %mul3A_442 = arith.constant 4 : i32
            %mul3A_443 = arith.muli %mul3A_442, %scan3A_379 : i32
            %add3A_444 = arith.constant 3 : i32
            %add3A_445 = arith.addi %mul3A_443, %add3A_444 : i32
            %and3A_446 = arith.constant -16 : i32
            %and3A_447 = arith.andi %add3A_445, %and3A_446 : i32
            %add3A_448 = arith.addi %multiple_of3A_371, %and3A_447 : i32
            %multiple_of3A_449 = tpu.assume_multiple %add3A_448, 16 : i32
            %get3A_450 = arith.index_cast %multiple_of3A_449 : i32 to index
            %get3A_451 = tpu.vector_load %arg7[%get3A_450] {strides = array<i32>} : memref<2048xi32, #tpu.memory_space<vmem>>, vector<16xi32>,
            %and3A_452 = arith.constant 15 : i32
            %and3A_453 = arith.andi %add3A_445, %and3A_452 : i32
            %eq3A_454 = vector.broadcast %and3A_453 : i32 to vector<16xi32>
            %eq3A_455 = arith.cmpi eq, %iota3A, %eq3A_454 : vector<16xi32>
            %jit3A_456 = arith.constant 0 : i32
            %broadcast_in_dim3A_457 = vector.broadcast %jit3A_456 : i32 to vector<16xi32>
            %select_n3A_458 = arith.select %eq3A_455, %get3A_451, %broadcast_in_dim3A_457 : vector<16xi1>, vector<16xi32>
            %reduce_sum3A_459 = arith.constant true
            %reduce_sum3A_460 = vector.broadcast %reduce_sum3A_459 : i1 to vector<16xi1>
            %reduce_sum3A_461 = tpu.scan <sum>, %select_n3A_458 masked %reduce_sum3A_460 : vector<16xi32>, vector<16xi1> -> vector<16xi32>
            %reduce_sum3A_462 = vector.extract %reduce_sum3A_461[15] : i32 from vector<16xi32>
            %mul3A_463 = arith.constant 4 : i32
            %mul3A_464 = arith.muli %mul3A_463, %scan3A_379 : i32
            %add3A_465 = arith.constant 0 : i32
            %add3A_466 = arith.addi %mul3A_464, %add3A_465 : i32
            %mul3A_467 = arith.constant 64 : i32
            %mul3A_468 = arith.muli %reduce_sum3A_399, %mul3A_467 : i32
            %add3A_469 = arith.constant 0 : i32
            %add3A_470 = arith.addi %mul3A_468, %add3A_469 : i32
            %get3A_471 = arith.index_cast %add3A_470 : i32 to index
            %get3A_472 = tpu.vector_load %arg9[%get3A_471] {strides = array<i32>} : memref<100864xf32, #tpu.memory_space<vmem>>, vector<16xf32>,
            %add3A_473 = arith.constant 16 : i32
            %add3A_474 = arith.addi %mul3A_468, %add3A_473 : i32
            %get3A_475 = arith.index_cast %add3A_474 : i32 to index
            %get3A_476 = tpu.vector_load %arg9[%get3A_475] {strides = array<i32>} : memref<100864xf32, #tpu.memory_space<vmem>>, vector<16xf32>,
            %add3A_477 = arith.constant 32 : i32
            %add3A_478 = arith.addi %mul3A_468, %add3A_477 : i32
            %get3A_479 = arith.index_cast %add3A_478 : i32 to index
            %get3A_480 = tpu.vector_load %arg9[%get3A_479] {strides = array<i32>} : memref<100864xf32, #tpu.memory_space<vmem>>, vector<16xf32>,
            %add3A_481 = arith.constant 48 : i32
            %add3A_482 = arith.addi %mul3A_468, %add3A_481 : i32
            %get3A_483 = arith.index_cast %add3A_482 : i32 to index
            %get3A_484 = tpu.vector_load %arg9[%get3A_483] {strides = array<i32>} : memref<100864xf32, #tpu.memory_space<vmem>>, vector<16xf32>,
            %get3A_485 = arith.constant 1 : i32
            %get3A_486 = arith.index_cast %get3A_485 : i32 to index
            %get3A_487 = arith.index_cast %add3A_466 : i32 to index
            %get3A_488 = arith.constant 0 : index
            %get3A_489 = tpu.vector_load %arg8[%get3A_486, %get3A_487, %get3A_488] {strides = array<i32>} : memref<2x128x64xf32, #tpu.memory_space<vmem>>, vector<16xf32>,
            %get3A_490 = arith.constant 1 : i32
            %get3A_491 = arith.index_cast %get3A_490 : i32 to index
            %get3A_492 = arith.index_cast %add3A_466 : i32 to index
            %get3A_493 = arith.constant 16 : index
            %get3A_494 = tpu.vector_load %arg8[%get3A_491, %get3A_492, %get3A_493] {strides = array<i32>} : memref<2x128x64xf32, #tpu.memory_space<vmem>>, vector<16xf32>,
            %get3A_495 = arith.constant 1 : i32
            %get3A_496 = arith.index_cast %get3A_495 : i32 to index
            %get3A_497 = arith.index_cast %add3A_466 : i32 to index
            %get3A_498 = arith.constant 32 : index
            %get3A_499 = tpu.vector_load %arg8[%get3A_496, %get3A_497, %get3A_498] {strides = array<i32>} : memref<2x128x64xf32, #tpu.memory_space<vmem>>, vector<16xf32>,
            %get3A_500 = arith.constant 1 : i32
            %get3A_501 = arith.index_cast %get3A_500 : i32 to index
            %get3A_502 = arith.index_cast %add3A_466 : i32 to index
            %get3A_503 = arith.constant 48 : index
            %get3A_504 = tpu.vector_load %arg8[%get3A_501, %get3A_502, %get3A_503] {strides = array<i32>} : memref<2x128x64xf32, #tpu.memory_space<vmem>>, vector<16xf32>,
            %max3A = arith.maximumf %get3A_472, %get3A_489 : vector<16xf32>
            %add3A_505 = arith.constant 0 : i32
            %add3A_506 = arith.addi %mul3A_468, %add3A_505 : i32
            %swap3A = arith.index_cast %add3A_506 : i32 to index
            %swap3A_507 = tpu.vector_load %arg9[%swap3A] {strides = array<i32>} : memref<100864xf32, #tpu.memory_space<vmem>>, vector<16xf32>,
            tpu.vector_store %arg9[%swap3A], %max3A {strides = array<i32>} : memref<100864xf32, #tpu.memory_space<vmem>>, vector<16xf32>,
            %max3A_508 = arith.maximumf %get3A_476, %get3A_494 : vector<16xf32>
            %add3A_509 = arith.constant 16 : i32
            %add3A_510 = arith.addi %mul3A_468, %add3A_509 : i32
            %swap3A_511 = arith.index_cast %add3A_510 : i32 to index
            %swap3A_512 = tpu.vector_load %arg9[%swap3A_511] {strides = array<i32>} : memref<100864xf32, #tpu.memory_space<vmem>>, vector<16xf32>,
            tpu.vector_store %arg9[%swap3A_511], %max3A_508 {strides = array<i32>} : memref<100864xf32, #tpu.memory_space<vmem>>, vector<16xf32>,
            %max3A_513 = arith.maximumf %get3A_480, %get3A_499 : vector<16xf32>
            %add3A_514 = arith.constant 32 : i32
            %add3A_515 = arith.addi %mul3A_468, %add3A_514 : i32
            %swap3A_516 = arith.index_cast %add3A_515 : i32 to index
            %swap3A_517 = tpu.vector_load %arg9[%swap3A_516] {strides = array<i32>} : memref<100864xf32, #tpu.memory_space<vmem>>, vector<16xf32>,
            tpu.vector_store %arg9[%swap3A_516], %max3A_513 {strides = array<i32>} : memref<100864xf32, #tpu.memory_space<vmem>>, vector<16xf32>,
            %max3A_518 = arith.maximumf %get3A_484, %get3A_504 : vector<16xf32>
            %add3A_519 = arith.constant 48 : i32
            %add3A_520 = arith.addi %mul3A_468, %add3A_519 : i32
            %swap3A_521 = arith.index_cast %add3A_520 : i32 to index
            %swap3A_522 = tpu.vector_load %arg9[%swap3A_521] {strides = array<i32>} : memref<100864xf32, #tpu.memory_space<vmem>>, vector<16xf32>,
            tpu.vector_store %arg9[%swap3A_521], %max3A_518 {strides = array<i32>} : memref<100864xf32, #tpu.memory_space<vmem>>, vector<16xf32>,
            %mul3A_523 = arith.constant 4 : i32
            %mul3A_524 = arith.muli %mul3A_523, %scan3A_379 : i32
            %add3A_525 = arith.constant 1 : i32
            %add3A_526 = arith.addi %mul3A_524, %add3A_525 : i32
            %mul3A_527 = arith.constant 64 : i32
            %mul3A_528 = arith.muli %reduce_sum3A_420, %mul3A_527 : i32
            %add3A_529 = arith.constant 0 : i32
            %add3A_530 = arith.addi %mul3A_528, %add3A_529 : i32
            %get3A_531 = arith.index_cast %add3A_530 : i32 to index
            %get3A_532 = tpu.vector_load %arg9[%get3A_531] {strides = array<i32>} : memref<100864xf32, #tpu.memory_space<vmem>>, vector<16xf32>,
            %add3A_533 = arith.constant 16 : i32
            %add3A_534 = arith.addi %mul3A_528, %add3A_533 : i32
            %get3A_535 = arith.index_cast %add3A_534 : i32 to index
            %get3A_536 = tpu.vector_load %arg9[%get3A_535] {strides = array<i32>} : memref<100864xf32, #tpu.memory_space<vmem>>, vector<16xf32>,
            %add3A_537 = arith.constant 32 : i32
            %add3A_538 = arith.addi %mul3A_528, %add3A_537 : i32
            %get3A_539 = arith.index_cast %add3A_538 : i32 to index
            %get3A_540 = tpu.vector_load %arg9[%get3A_539] {strides = array<i32>} : memref<100864xf32, #tpu.memory_space<vmem>>, vector<16xf32>,
            %add3A_541 = arith.constant 48 : i32
            %add3A_542 = arith.addi %mul3A_528, %add3A_541 : i32
            %get3A_543 = arith.index_cast %add3A_542 : i32 to index
            %get3A_544 = tpu.vector_load %arg9[%get3A_543] {strides = array<i32>} : memref<100864xf32, #tpu.memory_space<vmem>>, vector<16xf32>,
            %get3A_545 = arith.constant 1 : i32
            %get3A_546 = arith.index_cast %get3A_545 : i32 to index
            %get3A_547 = arith.index_cast %add3A_526 : i32 to index
            %get3A_548 = arith.constant 0 : index
            %get3A_549 = tpu.vector_load %arg8[%get3A_546, %get3A_547, %get3A_548] {strides = array<i32>} : memref<2x128x64xf32, #tpu.memory_space<vmem>>, vector<16xf32>,
            %get3A_550 = arith.constant 1 : i32
            %get3A_551 = arith.index_cast %get3A_550 : i32 to index
            %get3A_552 = arith.index_cast %add3A_526 : i32 to index
            %get3A_553 = arith.constant 16 : index
            %get3A_554 = tpu.vector_load %arg8[%get3A_551, %get3A_552, %get3A_553] {strides = array<i32>} : memref<2x128x64xf32, #tpu.memory_space<vmem>>, vector<16xf32>,
            %get3A_555 = arith.constant 1 : i32
            %get3A_556 = arith.index_cast %get3A_555 : i32 to index
            %get3A_557 = arith.index_cast %add3A_526 : i32 to index
            %get3A_558 = arith.constant 32 : index
            %get3A_559 = tpu.vector_load %arg8[%get3A_556, %get3A_557, %get3A_558] {strides = array<i32>} : memref<2x128x64xf32, #tpu.memory_space<vmem>>, vector<16xf32>,
            %get3A_560 = arith.constant 1 : i32
            %get3A_561 = arith.index_cast %get3A_560 : i32 to index
            %get3A_562 = arith.index_cast %add3A_526 : i32 to index
            %get3A_563 = arith.constant 48 : index
            %get3A_564 = tpu.vector_load %arg8[%get3A_561, %get3A_562, %get3A_563] {strides = array<i32>} : memref<2x128x64xf32, #tpu.memory_space<vmem>>, vector<16xf32>,
            %max3A_565 = arith.maximumf %get3A_532, %get3A_549 : vector<16xf32>
            %add3A_566 = arith.constant 0 : i32
            %add3A_567 = arith.addi %mul3A_528, %add3A_566 : i32
            %swap3A_568 = arith.index_cast %add3A_567 : i32 to index
            %swap3A_569 = tpu.vector_load %arg9[%swap3A_568] {strides = array<i32>} : memref<100864xf32, #tpu.memory_space<vmem>>, vector<16xf32>,
            tpu.vector_store %arg9[%swap3A_568], %max3A_565 {strides = array<i32>} : memref<100864xf32, #tpu.memory_space<vmem>>, vector<16xf32>,
            %max3A_570 = arith.maximumf %get3A_536, %get3A_554 : vector<16xf32>
            %add3A_571 = arith.constant 16 : i32
            %add3A_572 = arith.addi %mul3A_528, %add3A_571 : i32
            %swap3A_573 = arith.index_cast %add3A_572 : i32 to index
            %swap3A_574 = tpu.vector_load %arg9[%swap3A_573] {strides = array<i32>} : memref<100864xf32, #tpu.memory_space<vmem>>, vector<16xf32>,
            tpu.vector_store %arg9[%swap3A_573], %max3A_570 {strides = array<i32>} : memref<100864xf32, #tpu.memory_space<vmem>>, vector<16xf32>,
            %max3A_575 = arith.maximumf %get3A_540, %get3A_559 : vector<16xf32>
            %add3A_576 = arith.constant 32 : i32
            %add3A_577 = arith.addi %mul3A_528, %add3A_576 : i32
            %swap3A_578 = arith.index_cast %add3A_577 : i32 to index
            %swap3A_579 = tpu.vector_load %arg9[%swap3A_578] {strides = array<i32>} : memref<100864xf32, #tpu.memory_space<vmem>>, vector<16xf32>,
            tpu.vector_store %arg9[%swap3A_578], %max3A_575 {strides = array<i32>} : memref<100864xf32, #tpu.memory_space<vmem>>, vector<16xf32>,
            %max3A_580 = arith.maximumf %get3A_544, %get3A_564 : vector<16xf32>
            %add3A_581 = arith.constant 48 : i32
            %add3A_582 = arith.addi %mul3A_528, %add3A_581 : i32
            %swap3A_583 = arith.index_cast %add3A_582 : i32 to index
            %swap3A_584 = tpu.vector_load %arg9[%swap3A_583] {strides = array<i32>} : memref<100864xf32, #tpu.memory_space<vmem>>, vector<16xf32>,
            tpu.vector_store %arg9[%swap3A_583], %max3A_580 {strides = array<i32>} : memref<100864xf32, #tpu.memory_space<vmem>>, vector<16xf32>,
            %mul3A_585 = arith.constant 4 : i32
            %mul3A_586 = arith.muli %mul3A_585, %scan3A_379 : i32
            %add3A_587 = arith.constant 2 : i32
            %add3A_588 = arith.addi %mul3A_586, %add3A_587 : i32
            %mul3A_589 = arith.constant 64 : i32
            %mul3A_590 = arith.muli %reduce_sum3A_441, %mul3A_589 : i32
            %add3A_591 = arith.constant 0 : i32
            %add3A_592 = arith.addi %mul3A_590, %add3A_591 : i32
            %get3A_593 = arith.index_cast %add3A_592 : i32 to index
            %get3A_594 = tpu.vector_load %arg9[%get3A_593] {strides = array<i32>} : memref<100864xf32, #tpu.memory_space<vmem>>, vector<16xf32>,
            %add3A_595 = arith.constant 16 : i32
            %add3A_596 = arith.addi %mul3A_590, %add3A_595 : i32
            %get3A_597 = arith.index_cast %add3A_596 : i32 to index
            %get3A_598 = tpu.vector_load %arg9[%get3A_597] {strides = array<i32>} : memref<100864xf32, #tpu.memory_space<vmem>>, vector<16xf32>,
            %add3A_599 = arith.constant 32 : i32
            %add3A_600 = arith.addi %mul3A_590, %add3A_599 : i32
            %get3A_601 = arith.index_cast %add3A_600 : i32 to index
            %get3A_602 = tpu.vector_load %arg9[%get3A_601] {strides = array<i32>} : memref<100864xf32, #tpu.memory_space<vmem>>, vector<16xf32>,
            %add3A_603 = arith.constant 48 : i32
            %add3A_604 = arith.addi %mul3A_590, %add3A_603 : i32
            %get3A_605 = arith.index_cast %add3A_604 : i32 to index
            %get3A_606 = tpu.vector_load %arg9[%get3A_605] {strides = array<i32>} : memref<100864xf32, #tpu.memory_space<vmem>>, vector<16xf32>,
            %get3A_607 = arith.constant 1 : i32
            %get3A_608 = arith.index_cast %get3A_607 : i32 to index
            %get3A_609 = arith.index_cast %add3A_588 : i32 to index
            %get3A_610 = arith.constant 0 : index
            %get3A_611 = tpu.vector_load %arg8[%get3A_608, %get3A_609, %get3A_610] {strides = array<i32>} : memref<2x128x64xf32, #tpu.memory_space<vmem>>, vector<16xf32>,
            %get3A_612 = arith.constant 1 : i32
            %get3A_613 = arith.index_cast %get3A_612 : i32 to index
            %get3A_614 = arith.index_cast %add3A_588 : i32 to index
            %get3A_615 = arith.constant 16 : index
            %get3A_616 = tpu.vector_load %arg8[%get3A_613, %get3A_614, %get3A_615] {strides = array<i32>} : memref<2x128x64xf32, #tpu.memory_space<vmem>>, vector<16xf32>,
            %get3A_617 = arith.constant 1 : i32
            %get3A_618 = arith.index_cast %get3A_617 : i32 to index
            %get3A_619 = arith.index_cast %add3A_588 : i32 to index
            %get3A_620 = arith.constant 32 : index
            %get3A_621 = tpu.vector_load %arg8[%get3A_618, %get3A_619, %get3A_620] {strides = array<i32>} : memref<2x128x64xf32, #tpu.memory_space<vmem>>, vector<16xf32>,
            %get3A_622 = arith.constant 1 : i32
            %get3A_623 = arith.index_cast %get3A_622 : i32 to index
            %get3A_624 = arith.index_cast %add3A_588 : i32 to index
            %get3A_625 = arith.constant 48 : index
            %get3A_626 = tpu.vector_load %arg8[%get3A_623, %get3A_624, %get3A_625] {strides = array<i32>} : memref<2x128x64xf32, #tpu.memory_space<vmem>>, vector<16xf32>,
            %max3A_627 = arith.maximumf %get3A_594, %get3A_611 : vector<16xf32>
            %add3A_628 = arith.constant 0 : i32
            %add3A_629 = arith.addi %mul3A_590, %add3A_628 : i32
            %swap3A_630 = arith.index_cast %add3A_629 : i32 to index
            %swap3A_631 = tpu.vector_load %arg9[%swap3A_630] {strides = array<i32>} : memref<100864xf32, #tpu.memory_space<vmem>>, vector<16xf32>,
            tpu.vector_store %arg9[%swap3A_630], %max3A_627 {strides = array<i32>} : memref<100864xf32, #tpu.memory_space<vmem>>, vector<16xf32>,
            %max3A_632 = arith.maximumf %get3A_598, %get3A_616 : vector<16xf32>
            %add3A_633 = arith.constant 16 : i32
            %add3A_634 = arith.addi %mul3A_590, %add3A_633 : i32
            %swap3A_635 = arith.index_cast %add3A_634 : i32 to index
            %swap3A_636 = tpu.vector_load %arg9[%swap3A_635] {strides = array<i32>} : memref<100864xf32, #tpu.memory_space<vmem>>, vector<16xf32>,
            tpu.vector_store %arg9[%swap3A_635], %max3A_632 {strides = array<i32>} : memref<100864xf32, #tpu.memory_space<vmem>>, vector<16xf32>,
            %max3A_637 = arith.maximumf %get3A_602, %get3A_621 : vector<16xf32>
            %add3A_638 = arith.constant 32 : i32
            %add3A_639 = arith.addi %mul3A_590, %add3A_638 : i32
            %swap3A_640 = arith.index_cast %add3A_639 : i32 to index
            %swap3A_641 = tpu.vector_load %arg9[%swap3A_640] {strides = array<i32>} : memref<100864xf32, #tpu.memory_space<vmem>>, vector<16xf32>,
            tpu.vector_store %arg9[%swap3A_640], %max3A_637 {strides = array<i32>} : memref<100864xf32, #tpu.memory_space<vmem>>, vector<16xf32>,
            %max3A_642 = arith.maximumf %get3A_606, %get3A_626 : vector<16xf32>
            %add3A_643 = arith.constant 48 : i32
            %add3A_644 = arith.addi %mul3A_590, %add3A_643 : i32
            %swap3A_645 = arith.index_cast %add3A_644 : i32 to index
            %swap3A_646 = tpu.vector_load %arg9[%swap3A_645] {strides = array<i32>} : memref<100864xf32, #tpu.memory_space<vmem>>, vector<16xf32>,
            tpu.vector_store %arg9[%swap3A_645], %max3A_642 {strides = array<i32>} : memref<100864xf32, #tpu.memory_space<vmem>>, vector<16xf32>,
            %mul3A_647 = arith.constant 4 : i32
            %mul3A_648 = arith.muli %mul3A_647, %scan3A_379 : i32
            %add3A_649 = arith.constant 3 : i32
            %add3A_650 = arith.addi %mul3A_648, %add3A_649 : i32
            %mul3A_651 = arith.constant 64 : i32
            %mul3A_652 = arith.muli %reduce_sum3A_462, %mul3A_651 : i32
            %add3A_653 = arith.constant 0 : i32
            %add3A_654 = arith.addi %mul3A_652, %add3A_653 : i32
            %get3A_655 = arith.index_cast %add3A_654 : i32 to index
            %get3A_656 = tpu.vector_load %arg9[%get3A_655] {strides = array<i32>} : memref<100864xf32, #tpu.memory_space<vmem>>, vector<16xf32>,
            %add3A_657 = arith.constant 16 : i32
            %add3A_658 = arith.addi %mul3A_652, %add3A_657 : i32
            %get3A_659 = arith.index_cast %add3A_658 : i32 to index
            %get3A_660 = tpu.vector_load %arg9[%get3A_659] {strides = array<i32>} : memref<100864xf32, #tpu.memory_space<vmem>>, vector<16xf32>,
            %add3A_661 = arith.constant 32 : i32
            %add3A_662 = arith.addi %mul3A_652, %add3A_661 : i32
            %get3A_663 = arith.index_cast %add3A_662 : i32 to index
            %get3A_664 = tpu.vector_load %arg9[%get3A_663] {strides = array<i32>} : memref<100864xf32, #tpu.memory_space<vmem>>, vector<16xf32>,
            %add3A_665 = arith.constant 48 : i32
            %add3A_666 = arith.addi %mul3A_652, %add3A_665 : i32
            %get3A_667 = arith.index_cast %add3A_666 : i32 to index
            %get3A_668 = tpu.vector_load %arg9[%get3A_667] {strides = array<i32>} : memref<100864xf32, #tpu.memory_space<vmem>>, vector<16xf32>,
            %get3A_669 = arith.constant 1 : i32
            %get3A_670 = arith.index_cast %get3A_669 : i32 to index
            %get3A_671 = arith.index_cast %add3A_650 : i32 to index
            %get3A_672 = arith.constant 0 : index
            %get3A_673 = tpu.vector_load %arg8[%get3A_670, %get3A_671, %get3A_672] {strides = array<i32>} : memref<2x128x64xf32, #tpu.memory_space<vmem>>, vector<16xf32>,
            %get3A_674 = arith.constant 1 : i32
            %get3A_675 = arith.index_cast %get3A_674 : i32 to index
            %get3A_676 = arith.index_cast %add3A_650 : i32 to index
            %get3A_677 = arith.constant 16 : index
            %get3A_678 = tpu.vector_load %arg8[%get3A_675, %get3A_676, %get3A_677] {strides = array<i32>} : memref<2x128x64xf32, #tpu.memory_space<vmem>>, vector<16xf32>,
            %get3A_679 = arith.constant 1 : i32
            %get3A_680 = arith.index_cast %get3A_679 : i32 to index
            %get3A_681 = arith.index_cast %add3A_650 : i32 to index
            %get3A_682 = arith.constant 32 : index
            %get3A_683 = tpu.vector_load %arg8[%get3A_680, %get3A_681, %get3A_682] {strides = array<i32>} : memref<2x128x64xf32, #tpu.memory_space<vmem>>, vector<16xf32>,
            %get3A_684 = arith.constant 1 : i32
            %get3A_685 = arith.index_cast %get3A_684 : i32 to index
            %get3A_686 = arith.index_cast %add3A_650 : i32 to index
            %get3A_687 = arith.constant 48 : index
            %get3A_688 = tpu.vector_load %arg8[%get3A_685, %get3A_686, %get3A_687] {strides = array<i32>} : memref<2x128x64xf32, #tpu.memory_space<vmem>>, vector<16xf32>,
            %max3A_689 = arith.maximumf %get3A_656, %get3A_673 : vector<16xf32>
            %add3A_690 = arith.constant 0 : i32
            %add3A_691 = arith.addi %mul3A_652, %add3A_690 : i32
            %swap3A_692 = arith.index_cast %add3A_691 : i32 to index
            %swap3A_693 = tpu.vector_load %arg9[%swap3A_692] {strides = array<i32>} : memref<100864xf32, #tpu.memory_space<vmem>>, vector<16xf32>,
            tpu.vector_store %arg9[%swap3A_692], %max3A_689 {strides = array<i32>} : memref<100864xf32, #tpu.memory_space<vmem>>, vector<16xf32>,
            %max3A_694 = arith.maximumf %get3A_660, %get3A_678 : vector<16xf32>
            %add3A_695 = arith.constant 16 : i32
            %add3A_696 = arith.addi %mul3A_652, %add3A_695 : i32
            %swap3A_697 = arith.index_cast %add3A_696 : i32 to index
            %swap3A_698 = tpu.vector_load %arg9[%swap3A_697] {strides = array<i32>} : memref<100864xf32, #tpu.memory_space<vmem>>, vector<16xf32>,
            tpu.vector_store %arg9[%swap3A_697], %max3A_694 {strides = array<i32>} : memref<100864xf32, #tpu.memory_space<vmem>>, vector<16xf32>,
            %max3A_699 = arith.maximumf %get3A_664, %get3A_683 : vector<16xf32>
            %add3A_700 = arith.constant 32 : i32
            %add3A_701 = arith.addi %mul3A_652, %add3A_700 : i32
            %swap3A_702 = arith.index_cast %add3A_701 : i32 to index
            %swap3A_703 = tpu.vector_load %arg9[%swap3A_702] {strides = array<i32>} : memref<100864xf32, #tpu.memory_space<vmem>>, vector<16xf32>,
            tpu.vector_store %arg9[%swap3A_702], %max3A_699 {strides = array<i32>} : memref<100864xf32, #tpu.memory_space<vmem>>, vector<16xf32>,
            %max3A_704 = arith.maximumf %get3A_668, %get3A_688 : vector<16xf32>
            %add3A_705 = arith.constant 48 : i32
            %add3A_706 = arith.addi %mul3A_652, %add3A_705 : i32
            %swap3A_707 = arith.index_cast %add3A_706 : i32 to index
            %swap3A_708 = tpu.vector_load %arg9[%swap3A_707] {strides = array<i32>} : memref<100864xf32, #tpu.memory_space<vmem>>, vector<16xf32>,
            tpu.vector_store %arg9[%swap3A_707], %max3A_704 {strides = array<i32>} : memref<100864xf32, #tpu.memory_space<vmem>>, vector<16xf32>,
            %scan3A_709 = arith.constant 0 : i32
            scf.yield %scan3A_709 : i32
          }
          %scan3A_378 = arith.constant 32 : i32
        } else {
        }
        %jit3A_349 = arith.constant 256 : i32
        %jit3A_350 = arith.constant 128 : i32
        %select_n3A_351 = arith.select %ge3A_308, %jit3A_349, %jit3A_350 : i32
        %add3A_352 = arith.addi %while3A_305, %select_n3A_351 : i32
        scf.yield %while3A_304, %add3A_352 : i32, i32
      }
      scf.yield %while3A_303#0, %while3A_303#1 : i32, i32
    }
    %scan3A_42 = arith.constant 500 : i32
    %while3A:2 = scf.while (%while3A_215 = %scan3A_41#0, %while3A_216 = %scan3A_41#1) : (i32, i32) -> (i32, i32) {
      %sub3A = arith.subi %while3A_215, %while3A_216 : i32
      %ge3A = arith.constant 128 : i32
      %ge3A_217 = arith.cmpi sge, %sub3A, %ge3A : i32
      scf.condition(%ge3A_217) %while3A_215, %while3A_216 : i32, i32
    } do {
    ^bb0(%while3A_215: i32, %while3A_216: i32):
      %sub3A = arith.subi %while3A_215, %while3A_216 : i32
      %ge3A = arith.constant 256 : i32
      %ge3A_217 = arith.cmpi sge, %sub3A, %ge3A : i32
      %and3A_218 = arith.constant 2047 : i32
      %and3A_219 = arith.andi %while3A_216, %and3A_218 : i32
      %multiple_of3A_220 = tpu.assume_multiple %and3A_219, 128 : i32
      %dma_start3A_221 = arith.constant 0 : i32
      %dma_start3A_222 = arith.constant 0 : i32
      %dma_start3A_223 = arith.constant 0 : i32
      %dma_start3A_224 = tpu.memref_slice %arg8[%dma_start3A_221, %dma_start3A_222, %dma_start3A_223] : memref<2x128x64xf32, #tpu.memory_space<vmem>> -> memref<1x128x64xf32, #tpu.memory_space<vmem>>
      %dma_start3A_225 = tpu.memref_squeeze %dma_start3A_224 : memref<1x128x64xf32, #tpu.memory_space<vmem>> -> memref<128x64xf32, #tpu.memory_space<vmem>>
      %dma_start3A_226 = tpu.memref_slice %arg6[%multiple_of3A_220] : memref<2048xi32, #tpu.memory_space<vmem>> -> memref<128xi32, #tpu.memory_space<vmem>>
      %dma_start3A_227 = arith.constant 0 : i32
      %dma_start3A_228 = arith.constant 0 : i32
      %dma_start3A_229 = tpu.memref_slice %arg3[%dma_start3A_227, %dma_start3A_228] : memref<800000x64xf32, #tpu.memory_space<hbm>> -> memref<800000x64xf32, #tpu.memory_space<hbm>>
      tpu.enqueue_indirect_dma source(%dma_start3A_229 : memref<800000x64xf32, #tpu.memory_space<hbm>>) target(%dma_start3A_225 : memref<128x64xf32, #tpu.memory_space<vmem>>) offsets(%dma_start3A_226 : memref<128xi32, #tpu.memory_space<vmem>>) semaphore(%arg11 : memref<!tpu.dma_semaphore, #tpu.memory_space<semaphore_mem>>)
      %convert_element_type3A = arith.extui %ge3A_217 : i1 to i32
      %cond3A = arith.constant 0 : i32
      %cond3A_230 = arith.cmpi ne, %convert_element_type3A, %cond3A : i32
      scf.if %cond3A_230 {
        %add3A_258 = arith.constant 128 : i32
        %add3A_259 = arith.addi %while3A_216, %add3A_258 : i32
        %and3A_260 = arith.constant 2047 : i32
        %and3A_261 = arith.andi %add3A_259, %and3A_260 : i32
        %multiple_of3A_262 = tpu.assume_multiple %and3A_261, 128 : i32
        %dma_start3A_263 = arith.constant 1 : i32
        %dma_start3A_264 = arith.constant 0 : i32
        %dma_start3A_265 = arith.constant 0 : i32
        %dma_start3A_266 = tpu.memref_slice %arg8[%dma_start3A_263, %dma_start3A_264, %dma_start3A_265] : memref<2x128x64xf32, #tpu.memory_space<vmem>> -> memref<1x128x64xf32, #tpu.memory_space<vmem>>
        %dma_start3A_267 = tpu.memref_squeeze %dma_start3A_266 : memref<1x128x64xf32, #tpu.memory_space<vmem>> -> memref<128x64xf32, #tpu.memory_space<vmem>>
        %dma_start3A_268 = tpu.memref_slice %arg6[%multiple_of3A_262] : memref<2048xi32, #tpu.memory_space<vmem>> -> memref<128xi32, #tpu.memory_space<vmem>>
        %dma_start3A_269 = arith.constant 0 : i32
        %dma_start3A_270 = arith.constant 0 : i32
        %dma_start3A_271 = tpu.memref_slice %arg3[%dma_start3A_269, %dma_start3A_270] : memref<800000x64xf32, #tpu.memory_space<hbm>> -> memref<800000x64xf32, #tpu.memory_space<hbm>>
        tpu.enqueue_indirect_dma source(%dma_start3A_271 : memref<800000x64xf32, #tpu.memory_space<hbm>>) target(%dma_start3A_267 : memref<128x64xf32, #tpu.memory_space<vmem>>) offsets(%dma_start3A_268 : memref<128xi32, #tpu.memory_space<vmem>>) semaphore(%arg11 : memref<!tpu.dma_semaphore, #tpu.memory_space<semaphore_mem>>)
      } else {
      }
      %and3A_231 = arith.constant 2047 : i32
      %and3A_232 = arith.andi %while3A_216, %and3A_231 : i32
      %multiple_of3A_233 = tpu.assume_multiple %and3A_232, 128 : i32
      %dma_wait3A_234 = arith.constant 0 : i32
      %dma_wait3A_235 = arith.constant 0 : i32
      %dma_wait3A_236 = arith.constant 0 : i32
      %dma_wait3A_237 = tpu.memref_slice %arg8[%dma_wait3A_234, %dma_wait3A_235, %dma_wait3A_236] : memref<2x128x64xf32, #tpu.memory_space<vmem>> -> memref<1x128x64xf32, #tpu.memory_space<vmem>>
      %dma_wait3A_238 = tpu.memref_squeeze %dma_wait3A_237 : memref<1x128x64xf32, #tpu.memory_space<vmem>> -> memref<128x64xf32, #tpu.memory_space<vmem>>
      %dma_wait3A_239 = tpu.memref_slice %arg6[%multiple_of3A_233] : memref<2048xi32, #tpu.memory_space<vmem>> -> memref<128xi32, #tpu.memory_space<vmem>>
      %dma_wait3A_240 = arith.constant 0 : i32
      %dma_wait3A_241 = arith.constant 0 : i32
      %dma_wait3A_242 = tpu.memref_slice %arg3[%dma_wait3A_240, %dma_wait3A_241] : memref<800000x64xf32, #tpu.memory_space<hbm>> -> memref<800000x64xf32, #tpu.memory_space<hbm>>
      tpu.wait_indirect_dma semaphore(%arg11 : memref<!tpu.dma_semaphore, #tpu.memory_space<semaphore_mem>>) src(%dma_wait3A_242 : memref<800000x64xf32, #tpu.memory_space<hbm>>) dst(%dma_wait3A_238 : memref<128x64xf32, #tpu.memory_space<vmem>>)
      %and3A_243 = arith.constant 2047 : i32
      %and3A_244 = arith.andi %while3A_216, %and3A_243 : i32
      %multiple_of3A_245 = tpu.assume_multiple %and3A_244, 128 : i32
      %scan3A_246 = arith.constant 0 : i32
      %scan3A_247 = arith.constant 0 : i32
      %scan3A_248 = arith.constant 32 : i32
      %scan3A_249 = arith.addi %scan3A_247, %scan3A_248 : i32
      %scan3A_250 = arith.constant 1 : i32
      %scan3A_251 = scf.for %scan3A_258 = %scan3A_247 to %scan3A_249 step %scan3A_250 iter_args(%scan3A_259 = %scan3A_246) -> (i32)  : i32 {
        %mul3A_260 = arith.constant 4 : i32
        %mul3A_261 = arith.muli %mul3A_260, %scan3A_258 : i32
        %add3A_262 = arith.constant 0 : i32
        %add3A_263 = arith.addi %mul3A_261, %add3A_262 : i32
        %and3A_264 = arith.constant -16 : i32
        %and3A_265 = arith.andi %add3A_263, %and3A_264 : i32
        %add3A_266 = arith.addi %multiple_of3A_245, %and3A_265 : i32
        %multiple_of3A_267 = tpu.assume_multiple %add3A_266, 16 : i32
        %get3A = arith.index_cast %multiple_of3A_267 : i32 to index
        %get3A_268 = tpu.vector_load %arg7[%get3A] {strides = array<i32>} : memref<2048xi32, #tpu.memory_space<vmem>>, vector<16xi32>,
        %and3A_269 = arith.constant 15 : i32
        %and3A_270 = arith.andi %add3A_263, %and3A_269 : i32
        %eq3A = vector.broadcast %and3A_270 : i32 to vector<16xi32>
        %eq3A_271 = arith.cmpi eq, %iota3A, %eq3A : vector<16xi32>
        %jit3A_272 = arith.constant 0 : i32
        %broadcast_in_dim3A_273 = vector.broadcast %jit3A_272 : i32 to vector<16xi32>
        %select_n3A_274 = arith.select %eq3A_271, %get3A_268, %broadcast_in_dim3A_273 : vector<16xi1>, vector<16xi32>
        %reduce_sum3A = arith.constant true
        %reduce_sum3A_275 = vector.broadcast %reduce_sum3A : i1 to vector<16xi1>
        %reduce_sum3A_276 = tpu.scan <sum>, %select_n3A_274 masked %reduce_sum3A_275 : vector<16xi32>, vector<16xi1> -> vector<16xi32>
        %reduce_sum3A_277 = vector.extract %reduce_sum3A_276[15] : i32 from vector<16xi32>
        %mul3A_278 = arith.constant 4 : i32
        %mul3A_279 = arith.muli %mul3A_278, %scan3A_258 : i32
        %add3A_280 = arith.constant 1 : i32
        %add3A_281 = arith.addi %mul3A_279, %add3A_280 : i32
        %and3A_282 = arith.constant -16 : i32
        %and3A_283 = arith.andi %add3A_281, %and3A_282 : i32
        %add3A_284 = arith.addi %multiple_of3A_245, %and3A_283 : i32
        %multiple_of3A_285 = tpu.assume_multiple %add3A_284, 16 : i32
        %get3A_286 = arith.index_cast %multiple_of3A_285 : i32 to index
        %get3A_287 = tpu.vector_load %arg7[%get3A_286] {strides = array<i32>} : memref<2048xi32, #tpu.memory_space<vmem>>, vector<16xi32>,
        %and3A_288 = arith.constant 15 : i32
        %and3A_289 = arith.andi %add3A_281, %and3A_288 : i32
        %eq3A_290 = vector.broadcast %and3A_289 : i32 to vector<16xi32>
        %eq3A_291 = arith.cmpi eq, %iota3A, %eq3A_290 : vector<16xi32>
        %jit3A_292 = arith.constant 0 : i32
        %broadcast_in_dim3A_293 = vector.broadcast %jit3A_292 : i32 to vector<16xi32>
        %select_n3A_294 = arith.select %eq3A_291, %get3A_287, %broadcast_in_dim3A_293 : vector<16xi1>, vector<16xi32>
        %reduce_sum3A_295 = arith.constant true
        %reduce_sum3A_296 = vector.broadcast %reduce_sum3A_295 : i1 to vector<16xi1>
        %reduce_sum3A_297 = tpu.scan <sum>, %select_n3A_294 masked %reduce_sum3A_296 : vector<16xi32>, vector<16xi1> -> vector<16xi32>
        %reduce_sum3A_298 = vector.extract %reduce_sum3A_297[15] : i32 from vector<16xi32>
        %mul3A_299 = arith.constant 4 : i32
        %mul3A_300 = arith.muli %mul3A_299, %scan3A_258 : i32
        %add3A_301 = arith.constant 2 : i32
        %add3A_302 = arith.addi %mul3A_300, %add3A_301 : i32
        %and3A_303 = arith.constant -16 : i32
        %and3A_304 = arith.andi %add3A_302, %and3A_303 : i32
        %add3A_305 = arith.addi %multiple_of3A_245, %and3A_304 : i32
        %multiple_of3A_306 = tpu.assume_multiple %add3A_305, 16 : i32
        %get3A_307 = arith.index_cast %multiple_of3A_306 : i32 to index
        %get3A_308 = tpu.vector_load %arg7[%get3A_307] {strides = array<i32>} : memref<2048xi32, #tpu.memory_space<vmem>>, vector<16xi32>,
        %and3A_309 = arith.constant 15 : i32
        %and3A_310 = arith.andi %add3A_302, %and3A_309 : i32
        %eq3A_311 = vector.broadcast %and3A_310 : i32 to vector<16xi32>
        %eq3A_312 = arith.cmpi eq, %iota3A, %eq3A_311 : vector<16xi32>
        %jit3A_313 = arith.constant 0 : i32
        %broadcast_in_dim3A_314 = vector.broadcast %jit3A_313 : i32 to vector<16xi32>
        %select_n3A_315 = arith.select %eq3A_312, %get3A_308, %broadcast_in_dim3A_314 : vector<16xi1>, vector<16xi32>
        %reduce_sum3A_316 = arith.constant true
        %reduce_sum3A_317 = vector.broadcast %reduce_sum3A_316 : i1 to vector<16xi1>
        %reduce_sum3A_318 = tpu.scan <sum>, %select_n3A_315 masked %reduce_sum3A_317 : vector<16xi32>, vector<16xi1> -> vector<16xi32>
        %reduce_sum3A_319 = vector.extract %reduce_sum3A_318[15] : i32 from vector<16xi32>
        %mul3A_320 = arith.constant 4 : i32
        %mul3A_321 = arith.muli %mul3A_320, %scan3A_258 : i32
        %add3A_322 = arith.constant 3 : i32
        %add3A_323 = arith.addi %mul3A_321, %add3A_322 : i32
        %and3A_324 = arith.constant -16 : i32
        %and3A_325 = arith.andi %add3A_323, %and3A_324 : i32
        %add3A_326 = arith.addi %multiple_of3A_245, %and3A_325 : i32
        %multiple_of3A_327 = tpu.assume_multiple %add3A_326, 16 : i32
        %get3A_328 = arith.index_cast %multiple_of3A_327 : i32 to index
        %get3A_329 = tpu.vector_load %arg7[%get3A_328] {strides = array<i32>} : memref<2048xi32, #tpu.memory_space<vmem>>, vector<16xi32>,
        %and3A_330 = arith.constant 15 : i32
        %and3A_331 = arith.andi %add3A_323, %and3A_330 : i32
        %eq3A_332 = vector.broadcast %and3A_331 : i32 to vector<16xi32>
        %eq3A_333 = arith.cmpi eq, %iota3A, %eq3A_332 : vector<16xi32>
        %jit3A_334 = arith.constant 0 : i32
        %broadcast_in_dim3A_335 = vector.broadcast %jit3A_334 : i32 to vector<16xi32>
        %select_n3A_336 = arith.select %eq3A_333, %get3A_329, %broadcast_in_dim3A_335 : vector<16xi1>, vector<16xi32>
        %reduce_sum3A_337 = arith.constant true
        %reduce_sum3A_338 = vector.broadcast %reduce_sum3A_337 : i1 to vector<16xi1>
        %reduce_sum3A_339 = tpu.scan <sum>, %select_n3A_336 masked %reduce_sum3A_338 : vector<16xi32>, vector<16xi1> -> vector<16xi32>
        %reduce_sum3A_340 = vector.extract %reduce_sum3A_339[15] : i32 from vector<16xi32>
        %mul3A_341 = arith.constant 4 : i32
        %mul3A_342 = arith.muli %mul3A_341, %scan3A_258 : i32
        %add3A_343 = arith.constant 0 : i32
        %add3A_344 = arith.addi %mul3A_342, %add3A_343 : i32
        %mul3A_345 = arith.constant 64 : i32
        %mul3A_346 = arith.muli %reduce_sum3A_277, %mul3A_345 : i32
        %add3A_347 = arith.constant 0 : i32
        %add3A_348 = arith.addi %mul3A_346, %add3A_347 : i32
        %get3A_349 = arith.index_cast %add3A_348 : i32 to index
        %get3A_350 = tpu.vector_load %arg9[%get3A_349] {strides = array<i32>} : memref<100864xf32, #tpu.memory_space<vmem>>, vector<16xf32>,
        %add3A_351 = arith.constant 16 : i32
        %add3A_352 = arith.addi %mul3A_346, %add3A_351 : i32
        %get3A_353 = arith.index_cast %add3A_352 : i32 to index
        %get3A_354 = tpu.vector_load %arg9[%get3A_353] {strides = array<i32>} : memref<100864xf32, #tpu.memory_space<vmem>>, vector<16xf32>,
        %add3A_355 = arith.constant 32 : i32
        %add3A_356 = arith.addi %mul3A_346, %add3A_355 : i32
        %get3A_357 = arith.index_cast %add3A_356 : i32 to index
        %get3A_358 = tpu.vector_load %arg9[%get3A_357] {strides = array<i32>} : memref<100864xf32, #tpu.memory_space<vmem>>, vector<16xf32>,
        %add3A_359 = arith.constant 48 : i32
        %add3A_360 = arith.addi %mul3A_346, %add3A_359 : i32
        %get3A_361 = arith.index_cast %add3A_360 : i32 to index
        %get3A_362 = tpu.vector_load %arg9[%get3A_361] {strides = array<i32>} : memref<100864xf32, #tpu.memory_space<vmem>>, vector<16xf32>,
        %get3A_363 = arith.constant 0 : i32
        %get3A_364 = arith.index_cast %get3A_363 : i32 to index
        %get3A_365 = arith.index_cast %add3A_344 : i32 to index
        %get3A_366 = arith.constant 0 : index
        %get3A_367 = tpu.vector_load %arg8[%get3A_364, %get3A_365, %get3A_366] {strides = array<i32>} : memref<2x128x64xf32, #tpu.memory_space<vmem>>, vector<16xf32>,
        %get3A_368 = arith.constant 0 : i32
        %get3A_369 = arith.index_cast %get3A_368 : i32 to index
        %get3A_370 = arith.index_cast %add3A_344 : i32 to index
        %get3A_371 = arith.constant 16 : index
        %get3A_372 = tpu.vector_load %arg8[%get3A_369, %get3A_370, %get3A_371] {strides = array<i32>} : memref<2x128x64xf32, #tpu.memory_space<vmem>>, vector<16xf32>,
        %get3A_373 = arith.constant 0 : i32
        %get3A_374 = arith.index_cast %get3A_373 : i32 to index
        %get3A_375 = arith.index_cast %add3A_344 : i32 to index
        %get3A_376 = arith.constant 32 : index
        %get3A_377 = tpu.vector_load %arg8[%get3A_374, %get3A_375, %get3A_376] {strides = array<i32>} : memref<2x128x64xf32, #tpu.memory_space<vmem>>, vector<16xf32>,
        %get3A_378 = arith.constant 0 : i32
        %get3A_379 = arith.index_cast %get3A_378 : i32 to index
        %get3A_380 = arith.index_cast %add3A_344 : i32 to index
        %get3A_381 = arith.constant 48 : index
        %get3A_382 = tpu.vector_load %arg8[%get3A_379, %get3A_380, %get3A_381] {strides = array<i32>} : memref<2x128x64xf32, #tpu.memory_space<vmem>>, vector<16xf32>,
        %max3A = arith.maximumf %get3A_350, %get3A_367 : vector<16xf32>
        %add3A_383 = arith.constant 0 : i32
        %add3A_384 = arith.addi %mul3A_346, %add3A_383 : i32
        %swap3A = arith.index_cast %add3A_384 : i32 to index
        %swap3A_385 = tpu.vector_load %arg9[%swap3A] {strides = array<i32>} : memref<100864xf32, #tpu.memory_space<vmem>>, vector<16xf32>,
        tpu.vector_store %arg9[%swap3A], %max3A {strides = array<i32>} : memref<100864xf32, #tpu.memory_space<vmem>>, vector<16xf32>,
        %max3A_386 = arith.maximumf %get3A_354, %get3A_372 : vector<16xf32>
        %add3A_387 = arith.constant 16 : i32
        %add3A_388 = arith.addi %mul3A_346, %add3A_387 : i32
        %swap3A_389 = arith.index_cast %add3A_388 : i32 to index
        %swap3A_390 = tpu.vector_load %arg9[%swap3A_389] {strides = array<i32>} : memref<100864xf32, #tpu.memory_space<vmem>>, vector<16xf32>,
        tpu.vector_store %arg9[%swap3A_389], %max3A_386 {strides = array<i32>} : memref<100864xf32, #tpu.memory_space<vmem>>, vector<16xf32>,
        %max3A_391 = arith.maximumf %get3A_358, %get3A_377 : vector<16xf32>
        %add3A_392 = arith.constant 32 : i32
        %add3A_393 = arith.addi %mul3A_346, %add3A_392 : i32
        %swap3A_394 = arith.index_cast %add3A_393 : i32 to index
        %swap3A_395 = tpu.vector_load %arg9[%swap3A_394] {strides = array<i32>} : memref<100864xf32, #tpu.memory_space<vmem>>, vector<16xf32>,
        tpu.vector_store %arg9[%swap3A_394], %max3A_391 {strides = array<i32>} : memref<100864xf32, #tpu.memory_space<vmem>>, vector<16xf32>,
        %max3A_396 = arith.maximumf %get3A_362, %get3A_382 : vector<16xf32>
        %add3A_397 = arith.constant 48 : i32
        %add3A_398 = arith.addi %mul3A_346, %add3A_397 : i32
        %swap3A_399 = arith.index_cast %add3A_398 : i32 to index
        %swap3A_400 = tpu.vector_load %arg9[%swap3A_399] {strides = array<i32>} : memref<100864xf32, #tpu.memory_space<vmem>>, vector<16xf32>,
        tpu.vector_store %arg9[%swap3A_399], %max3A_396 {strides = array<i32>} : memref<100864xf32, #tpu.memory_space<vmem>>, vector<16xf32>,
        %mul3A_401 = arith.constant 4 : i32
        %mul3A_402 = arith.muli %mul3A_401, %scan3A_258 : i32
        %add3A_403 = arith.constant 1 : i32
        %add3A_404 = arith.addi %mul3A_402, %add3A_403 : i32
        %mul3A_405 = arith.constant 64 : i32
        %mul3A_406 = arith.muli %reduce_sum3A_298, %mul3A_405 : i32
        %add3A_407 = arith.constant 0 : i32
        %add3A_408 = arith.addi %mul3A_406, %add3A_407 : i32
        %get3A_409 = arith.index_cast %add3A_408 : i32 to index
        %get3A_410 = tpu.vector_load %arg9[%get3A_409] {strides = array<i32>} : memref<100864xf32, #tpu.memory_space<vmem>>, vector<16xf32>,
        %add3A_411 = arith.constant 16 : i32
        %add3A_412 = arith.addi %mul3A_406, %add3A_411 : i32
        %get3A_413 = arith.index_cast %add3A_412 : i32 to index
        %get3A_414 = tpu.vector_load %arg9[%get3A_413] {strides = array<i32>} : memref<100864xf32, #tpu.memory_space<vmem>>, vector<16xf32>,
        %add3A_415 = arith.constant 32 : i32
        %add3A_416 = arith.addi %mul3A_406, %add3A_415 : i32
        %get3A_417 = arith.index_cast %add3A_416 : i32 to index
        %get3A_418 = tpu.vector_load %arg9[%get3A_417] {strides = array<i32>} : memref<100864xf32, #tpu.memory_space<vmem>>, vector<16xf32>,
        %add3A_419 = arith.constant 48 : i32
        %add3A_420 = arith.addi %mul3A_406, %add3A_419 : i32
        %get3A_421 = arith.index_cast %add3A_420 : i32 to index
        %get3A_422 = tpu.vector_load %arg9[%get3A_421] {strides = array<i32>} : memref<100864xf32, #tpu.memory_space<vmem>>, vector<16xf32>,
        %get3A_423 = arith.constant 0 : i32
        %get3A_424 = arith.index_cast %get3A_423 : i32 to index
        %get3A_425 = arith.index_cast %add3A_404 : i32 to index
        %get3A_426 = arith.constant 0 : index
        %get3A_427 = tpu.vector_load %arg8[%get3A_424, %get3A_425, %get3A_426] {strides = array<i32>} : memref<2x128x64xf32, #tpu.memory_space<vmem>>, vector<16xf32>,
        %get3A_428 = arith.constant 0 : i32
        %get3A_429 = arith.index_cast %get3A_428 : i32 to index
        %get3A_430 = arith.index_cast %add3A_404 : i32 to index
        %get3A_431 = arith.constant 16 : index
        %get3A_432 = tpu.vector_load %arg8[%get3A_429, %get3A_430, %get3A_431] {strides = array<i32>} : memref<2x128x64xf32, #tpu.memory_space<vmem>>, vector<16xf32>,
        %get3A_433 = arith.constant 0 : i32
        %get3A_434 = arith.index_cast %get3A_433 : i32 to index
        %get3A_435 = arith.index_cast %add3A_404 : i32 to index
        %get3A_436 = arith.constant 32 : index
        %get3A_437 = tpu.vector_load %arg8[%get3A_434, %get3A_435, %get3A_436] {strides = array<i32>} : memref<2x128x64xf32, #tpu.memory_space<vmem>>, vector<16xf32>,
        %get3A_438 = arith.constant 0 : i32
        %get3A_439 = arith.index_cast %get3A_438 : i32 to index
        %get3A_440 = arith.index_cast %add3A_404 : i32 to index
        %get3A_441 = arith.constant 48 : index
        %get3A_442 = tpu.vector_load %arg8[%get3A_439, %get3A_440, %get3A_441] {strides = array<i32>} : memref<2x128x64xf32, #tpu.memory_space<vmem>>, vector<16xf32>,
        %max3A_443 = arith.maximumf %get3A_410, %get3A_427 : vector<16xf32>
        %add3A_444 = arith.constant 0 : i32
        %add3A_445 = arith.addi %mul3A_406, %add3A_444 : i32
        %swap3A_446 = arith.index_cast %add3A_445 : i32 to index
        %swap3A_447 = tpu.vector_load %arg9[%swap3A_446] {strides = array<i32>} : memref<100864xf32, #tpu.memory_space<vmem>>, vector<16xf32>,
        tpu.vector_store %arg9[%swap3A_446], %max3A_443 {strides = array<i32>} : memref<100864xf32, #tpu.memory_space<vmem>>, vector<16xf32>,
        %max3A_448 = arith.maximumf %get3A_414, %get3A_432 : vector<16xf32>
        %add3A_449 = arith.constant 16 : i32
        %add3A_450 = arith.addi %mul3A_406, %add3A_449 : i32
        %swap3A_451 = arith.index_cast %add3A_450 : i32 to index
        %swap3A_452 = tpu.vector_load %arg9[%swap3A_451] {strides = array<i32>} : memref<100864xf32, #tpu.memory_space<vmem>>, vector<16xf32>,
        tpu.vector_store %arg9[%swap3A_451], %max3A_448 {strides = array<i32>} : memref<100864xf32, #tpu.memory_space<vmem>>, vector<16xf32>,
        %max3A_453 = arith.maximumf %get3A_418, %get3A_437 : vector<16xf32>
        %add3A_454 = arith.constant 32 : i32
        %add3A_455 = arith.addi %mul3A_406, %add3A_454 : i32
        %swap3A_456 = arith.index_cast %add3A_455 : i32 to index
        %swap3A_457 = tpu.vector_load %arg9[%swap3A_456] {strides = array<i32>} : memref<100864xf32, #tpu.memory_space<vmem>>, vector<16xf32>,
        tpu.vector_store %arg9[%swap3A_456], %max3A_453 {strides = array<i32>} : memref<100864xf32, #tpu.memory_space<vmem>>, vector<16xf32>,
        %max3A_458 = arith.maximumf %get3A_422, %get3A_442 : vector<16xf32>
        %add3A_459 = arith.constant 48 : i32
        %add3A_460 = arith.addi %mul3A_406, %add3A_459 : i32
        %swap3A_461 = arith.index_cast %add3A_460 : i32 to index
        %swap3A_462 = tpu.vector_load %arg9[%swap3A_461] {strides = array<i32>} : memref<100864xf32, #tpu.memory_space<vmem>>, vector<16xf32>,
        tpu.vector_store %arg9[%swap3A_461], %max3A_458 {strides = array<i32>} : memref<100864xf32, #tpu.memory_space<vmem>>, vector<16xf32>,
        %mul3A_463 = arith.constant 4 : i32
        %mul3A_464 = arith.muli %mul3A_463, %scan3A_258 : i32
        %add3A_465 = arith.constant 2 : i32
        %add3A_466 = arith.addi %mul3A_464, %add3A_465 : i32
        %mul3A_467 = arith.constant 64 : i32
        %mul3A_468 = arith.muli %reduce_sum3A_319, %mul3A_467 : i32
        %add3A_469 = arith.constant 0 : i32
        %add3A_470 = arith.addi %mul3A_468, %add3A_469 : i32
        %get3A_471 = arith.index_cast %add3A_470 : i32 to index
        %get3A_472 = tpu.vector_load %arg9[%get3A_471] {strides = array<i32>} : memref<100864xf32, #tpu.memory_space<vmem>>, vector<16xf32>,
        %add3A_473 = arith.constant 16 : i32
        %add3A_474 = arith.addi %mul3A_468, %add3A_473 : i32
        %get3A_475 = arith.index_cast %add3A_474 : i32 to index
        %get3A_476 = tpu.vector_load %arg9[%get3A_475] {strides = array<i32>} : memref<100864xf32, #tpu.memory_space<vmem>>, vector<16xf32>,
        %add3A_477 = arith.constant 32 : i32
        %add3A_478 = arith.addi %mul3A_468, %add3A_477 : i32
        %get3A_479 = arith.index_cast %add3A_478 : i32 to index
        %get3A_480 = tpu.vector_load %arg9[%get3A_479] {strides = array<i32>} : memref<100864xf32, #tpu.memory_space<vmem>>, vector<16xf32>,
        %add3A_481 = arith.constant 48 : i32
        %add3A_482 = arith.addi %mul3A_468, %add3A_481 : i32
        %get3A_483 = arith.index_cast %add3A_482 : i32 to index
        %get3A_484 = tpu.vector_load %arg9[%get3A_483] {strides = array<i32>} : memref<100864xf32, #tpu.memory_space<vmem>>, vector<16xf32>,
        %get3A_485 = arith.constant 0 : i32
        %get3A_486 = arith.index_cast %get3A_485 : i32 to index
        %get3A_487 = arith.index_cast %add3A_466 : i32 to index
        %get3A_488 = arith.constant 0 : index
        %get3A_489 = tpu.vector_load %arg8[%get3A_486, %get3A_487, %get3A_488] {strides = array<i32>} : memref<2x128x64xf32, #tpu.memory_space<vmem>>, vector<16xf32>,
        %get3A_490 = arith.constant 0 : i32
        %get3A_491 = arith.index_cast %get3A_490 : i32 to index
        %get3A_492 = arith.index_cast %add3A_466 : i32 to index
        %get3A_493 = arith.constant 16 : index
        %get3A_494 = tpu.vector_load %arg8[%get3A_491, %get3A_492, %get3A_493] {strides = array<i32>} : memref<2x128x64xf32, #tpu.memory_space<vmem>>, vector<16xf32>,
        %get3A_495 = arith.constant 0 : i32
        %get3A_496 = arith.index_cast %get3A_495 : i32 to index
        %get3A_497 = arith.index_cast %add3A_466 : i32 to index
        %get3A_498 = arith.constant 32 : index
        %get3A_499 = tpu.vector_load %arg8[%get3A_496, %get3A_497, %get3A_498] {strides = array<i32>} : memref<2x128x64xf32, #tpu.memory_space<vmem>>, vector<16xf32>,
        %get3A_500 = arith.constant 0 : i32
        %get3A_501 = arith.index_cast %get3A_500 : i32 to index
        %get3A_502 = arith.index_cast %add3A_466 : i32 to index
        %get3A_503 = arith.constant 48 : index
        %get3A_504 = tpu.vector_load %arg8[%get3A_501, %get3A_502, %get3A_503] {strides = array<i32>} : memref<2x128x64xf32, #tpu.memory_space<vmem>>, vector<16xf32>,
        %max3A_505 = arith.maximumf %get3A_472, %get3A_489 : vector<16xf32>
        %add3A_506 = arith.constant 0 : i32
        %add3A_507 = arith.addi %mul3A_468, %add3A_506 : i32
        %swap3A_508 = arith.index_cast %add3A_507 : i32 to index
        %swap3A_509 = tpu.vector_load %arg9[%swap3A_508] {strides = array<i32>} : memref<100864xf32, #tpu.memory_space<vmem>>, vector<16xf32>,
        tpu.vector_store %arg9[%swap3A_508], %max3A_505 {strides = array<i32>} : memref<100864xf32, #tpu.memory_space<vmem>>, vector<16xf32>,
        %max3A_510 = arith.maximumf %get3A_476, %get3A_494 : vector<16xf32>
        %add3A_511 = arith.constant 16 : i32
        %add3A_512 = arith.addi %mul3A_468, %add3A_511 : i32
        %swap3A_513 = arith.index_cast %add3A_512 : i32 to index
        %swap3A_514 = tpu.vector_load %arg9[%swap3A_513] {strides = array<i32>} : memref<100864xf32, #tpu.memory_space<vmem>>, vector<16xf32>,
        tpu.vector_store %arg9[%swap3A_513], %max3A_510 {strides = array<i32>} : memref<100864xf32, #tpu.memory_space<vmem>>, vector<16xf32>,
        %max3A_515 = arith.maximumf %get3A_480, %get3A_499 : vector<16xf32>
        %add3A_516 = arith.constant 32 : i32
        %add3A_517 = arith.addi %mul3A_468, %add3A_516 : i32
        %swap3A_518 = arith.index_cast %add3A_517 : i32 to index
        %swap3A_519 = tpu.vector_load %arg9[%swap3A_518] {strides = array<i32>} : memref<100864xf32, #tpu.memory_space<vmem>>, vector<16xf32>,
        tpu.vector_store %arg9[%swap3A_518], %max3A_515 {strides = array<i32>} : memref<100864xf32, #tpu.memory_space<vmem>>, vector<16xf32>,
        %max3A_520 = arith.maximumf %get3A_484, %get3A_504 : vector<16xf32>
        %add3A_521 = arith.constant 48 : i32
        %add3A_522 = arith.addi %mul3A_468, %add3A_521 : i32
        %swap3A_523 = arith.index_cast %add3A_522 : i32 to index
        %swap3A_524 = tpu.vector_load %arg9[%swap3A_523] {strides = array<i32>} : memref<100864xf32, #tpu.memory_space<vmem>>, vector<16xf32>,
        tpu.vector_store %arg9[%swap3A_523], %max3A_520 {strides = array<i32>} : memref<100864xf32, #tpu.memory_space<vmem>>, vector<16xf32>,
        %mul3A_525 = arith.constant 4 : i32
        %mul3A_526 = arith.muli %mul3A_525, %scan3A_258 : i32
        %add3A_527 = arith.constant 3 : i32
        %add3A_528 = arith.addi %mul3A_526, %add3A_527 : i32
        %mul3A_529 = arith.constant 64 : i32
        %mul3A_530 = arith.muli %reduce_sum3A_340, %mul3A_529 : i32
        %add3A_531 = arith.constant 0 : i32
        %add3A_532 = arith.addi %mul3A_530, %add3A_531 : i32
        %get3A_533 = arith.index_cast %add3A_532 : i32 to index
        %get3A_534 = tpu.vector_load %arg9[%get3A_533] {strides = array<i32>} : memref<100864xf32, #tpu.memory_space<vmem>>, vector<16xf32>,
        %add3A_535 = arith.constant 16 : i32
        %add3A_536 = arith.addi %mul3A_530, %add3A_535 : i32
        %get3A_537 = arith.index_cast %add3A_536 : i32 to index
        %get3A_538 = tpu.vector_load %arg9[%get3A_537] {strides = array<i32>} : memref<100864xf32, #tpu.memory_space<vmem>>, vector<16xf32>,
        %add3A_539 = arith.constant 32 : i32
        %add3A_540 = arith.addi %mul3A_530, %add3A_539 : i32
        %get3A_541 = arith.index_cast %add3A_540 : i32 to index
        %get3A_542 = tpu.vector_load %arg9[%get3A_541] {strides = array<i32>} : memref<100864xf32, #tpu.memory_space<vmem>>, vector<16xf32>,
        %add3A_543 = arith.constant 48 : i32
        %add3A_544 = arith.addi %mul3A_530, %add3A_543 : i32
        %get3A_545 = arith.index_cast %add3A_544 : i32 to index
        %get3A_546 = tpu.vector_load %arg9[%get3A_545] {strides = array<i32>} : memref<100864xf32, #tpu.memory_space<vmem>>, vector<16xf32>,
        %get3A_547 = arith.constant 0 : i32
        %get3A_548 = arith.index_cast %get3A_547 : i32 to index
        %get3A_549 = arith.index_cast %add3A_528 : i32 to index
        %get3A_550 = arith.constant 0 : index
        %get3A_551 = tpu.vector_load %arg8[%get3A_548, %get3A_549, %get3A_550] {strides = array<i32>} : memref<2x128x64xf32, #tpu.memory_space<vmem>>, vector<16xf32>,
        %get3A_552 = arith.constant 0 : i32
        %get3A_553 = arith.index_cast %get3A_552 : i32 to index
        %get3A_554 = arith.index_cast %add3A_528 : i32 to index
        %get3A_555 = arith.constant 16 : index
        %get3A_556 = tpu.vector_load %arg8[%get3A_553, %get3A_554, %get3A_555] {strides = array<i32>} : memref<2x128x64xf32, #tpu.memory_space<vmem>>, vector<16xf32>,
        %get3A_557 = arith.constant 0 : i32
        %get3A_558 = arith.index_cast %get3A_557 : i32 to index
        %get3A_559 = arith.index_cast %add3A_528 : i32 to index
        %get3A_560 = arith.constant 32 : index
        %get3A_561 = tpu.vector_load %arg8[%get3A_558, %get3A_559, %get3A_560] {strides = array<i32>} : memref<2x128x64xf32, #tpu.memory_space<vmem>>, vector<16xf32>,
        %get3A_562 = arith.constant 0 : i32
        %get3A_563 = arith.index_cast %get3A_562 : i32 to index
        %get3A_564 = arith.index_cast %add3A_528 : i32 to index
        %get3A_565 = arith.constant 48 : index
        %get3A_566 = tpu.vector_load %arg8[%get3A_563, %get3A_564, %get3A_565] {strides = array<i32>} : memref<2x128x64xf32, #tpu.memory_space<vmem>>, vector<16xf32>,
        %max3A_567 = arith.maximumf %get3A_534, %get3A_551 : vector<16xf32>
        %add3A_568 = arith.constant 0 : i32
        %add3A_569 = arith.addi %mul3A_530, %add3A_568 : i32
        %swap3A_570 = arith.index_cast %add3A_569 : i32 to index
        %swap3A_571 = tpu.vector_load %arg9[%swap3A_570] {strides = array<i32>} : memref<100864xf32, #tpu.memory_space<vmem>>, vector<16xf32>,
        tpu.vector_store %arg9[%swap3A_570], %max3A_567 {strides = array<i32>} : memref<100864xf32, #tpu.memory_space<vmem>>, vector<16xf32>,
        %max3A_572 = arith.maximumf %get3A_538, %get3A_556 : vector<16xf32>
        %add3A_573 = arith.constant 16 : i32
        %add3A_574 = arith.addi %mul3A_530, %add3A_573 : i32
        %swap3A_575 = arith.index_cast %add3A_574 : i32 to index
        %swap3A_576 = tpu.vector_load %arg9[%swap3A_575] {strides = array<i32>} : memref<100864xf32, #tpu.memory_space<vmem>>, vector<16xf32>,
        tpu.vector_store %arg9[%swap3A_575], %max3A_572 {strides = array<i32>} : memref<100864xf32, #tpu.memory_space<vmem>>, vector<16xf32>,
        %max3A_577 = arith.maximumf %get3A_542, %get3A_561 : vector<16xf32>
        %add3A_578 = arith.constant 32 : i32
        %add3A_579 = arith.addi %mul3A_530, %add3A_578 : i32
        %swap3A_580 = arith.index_cast %add3A_579 : i32 to index
        %swap3A_581 = tpu.vector_load %arg9[%swap3A_580] {strides = array<i32>} : memref<100864xf32, #tpu.memory_space<vmem>>, vector<16xf32>,
        tpu.vector_store %arg9[%swap3A_580], %max3A_577 {strides = array<i32>} : memref<100864xf32, #tpu.memory_space<vmem>>, vector<16xf32>,
        %max3A_582 = arith.maximumf %get3A_546, %get3A_566 : vector<16xf32>
        %add3A_583 = arith.constant 48 : i32
        %add3A_584 = arith.addi %mul3A_530, %add3A_583 : i32
        %swap3A_585 = arith.index_cast %add3A_584 : i32 to index
        %swap3A_586 = tpu.vector_load %arg9[%swap3A_585] {strides = array<i32>} : memref<100864xf32, #tpu.memory_space<vmem>>, vector<16xf32>,
        tpu.vector_store %arg9[%swap3A_585], %max3A_582 {strides = array<i32>} : memref<100864xf32, #tpu.memory_space<vmem>>, vector<16xf32>,
        %scan3A_587 = arith.constant 0 : i32
        scf.yield %scan3A_587 : i32
      }
      %scan3A_252 = arith.constant 32 : i32
      %convert_element_type3A_253 = arith.extui %ge3A_217 : i1 to i32
      %cond3A_254 = arith.constant 0 : i32
      %cond3A_255 = arith.cmpi ne, %convert_element_type3A_253, %cond3A_254 : i32
      scf.if %cond3A_255 {
        %add3A_258 = arith.constant 128 : i32
        %add3A_259 = arith.addi %while3A_216, %add3A_258 : i32
        %and3A_260 = arith.constant 2047 : i32
        %and3A_261 = arith.andi %add3A_259, %and3A_260 : i32
        %multiple_of3A_262 = tpu.assume_multiple %and3A_261, 128 : i32
        %dma_wait3A_263 = arith.constant 1 : i32
        %dma_wait3A_264 = arith.constant 0 : i32
        %dma_wait3A_265 = arith.constant 0 : i32
        %dma_wait3A_266 = tpu.memref_slice %arg8[%dma_wait3A_263, %dma_wait3A_264, %dma_wait3A_265] : memref<2x128x64xf32, #tpu.memory_space<vmem>> -> memref<1x128x64xf32, #tpu.memory_space<vmem>>
        %dma_wait3A_267 = tpu.memref_squeeze %dma_wait3A_266 : memref<1x128x64xf32, #tpu.memory_space<vmem>> -> memref<128x64xf32, #tpu.memory_space<vmem>>
        %dma_wait3A_268 = tpu.memref_slice %arg6[%multiple_of3A_262] : memref<2048xi32, #tpu.memory_space<vmem>> -> memref<128xi32, #tpu.memory_space<vmem>>
        %dma_wait3A_269 = arith.constant 0 : i32
        %dma_wait3A_270 = arith.constant 0 : i32
        %dma_wait3A_271 = tpu.memref_slice %arg3[%dma_wait3A_269, %dma_wait3A_270] : memref<800000x64xf32, #tpu.memory_space<hbm>> -> memref<800000x64xf32, #tpu.memory_space<hbm>>
        tpu.wait_indirect_dma semaphore(%arg11 : memref<!tpu.dma_semaphore, #tpu.memory_space<semaphore_mem>>) src(%dma_wait3A_271 : memref<800000x64xf32, #tpu.memory_space<hbm>>) dst(%dma_wait3A_267 : memref<128x64xf32, #tpu.memory_space<vmem>>)
        %add3A_272 = arith.constant 128 : i32
        %add3A_273 = arith.addi %while3A_216, %add3A_272 : i32
        %and3A_274 = arith.constant 2047 : i32
        %and3A_275 = arith.andi %add3A_273, %and3A_274 : i32
        %multiple_of3A_276 = tpu.assume_multiple %and3A_275, 128 : i32
        %scan3A_277 = arith.constant 0 : i32
        %scan3A_278 = arith.constant 0 : i32
        %scan3A_279 = arith.constant 32 : i32
        %scan3A_280 = arith.addi %scan3A_278, %scan3A_279 : i32
        %scan3A_281 = arith.constant 1 : i32
        %scan3A_282 = scf.for %scan3A_284 = %scan3A_278 to %scan3A_280 step %scan3A_281 iter_args(%scan3A_285 = %scan3A_277) -> (i32)  : i32 {
          %mul3A_286 = arith.constant 4 : i32
          %mul3A_287 = arith.muli %mul3A_286, %scan3A_284 : i32
          %add3A_288 = arith.constant 0 : i32
          %add3A_289 = arith.addi %mul3A_287, %add3A_288 : i32
          %and3A_290 = arith.constant -16 : i32
          %and3A_291 = arith.andi %add3A_289, %and3A_290 : i32
          %add3A_292 = arith.addi %multiple_of3A_276, %and3A_291 : i32
          %multiple_of3A_293 = tpu.assume_multiple %add3A_292, 16 : i32
          %get3A = arith.index_cast %multiple_of3A_293 : i32 to index
          %get3A_294 = tpu.vector_load %arg7[%get3A] {strides = array<i32>} : memref<2048xi32, #tpu.memory_space<vmem>>, vector<16xi32>,
          %and3A_295 = arith.constant 15 : i32
          %and3A_296 = arith.andi %add3A_289, %and3A_295 : i32
          %eq3A = vector.broadcast %and3A_296 : i32 to vector<16xi32>
          %eq3A_297 = arith.cmpi eq, %iota3A, %eq3A : vector<16xi32>
          %jit3A_298 = arith.constant 0 : i32
          %broadcast_in_dim3A_299 = vector.broadcast %jit3A_298 : i32 to vector<16xi32>
          %select_n3A_300 = arith.select %eq3A_297, %get3A_294, %broadcast_in_dim3A_299 : vector<16xi1>, vector<16xi32>
          %reduce_sum3A = arith.constant true
          %reduce_sum3A_301 = vector.broadcast %reduce_sum3A : i1 to vector<16xi1>
          %reduce_sum3A_302 = tpu.scan <sum>, %select_n3A_300 masked %reduce_sum3A_301 : vector<16xi32>, vector<16xi1> -> vector<16xi32>
          %reduce_sum3A_303 = vector.extract %reduce_sum3A_302[15] : i32 from vector<16xi32>
          %mul3A_304 = arith.constant 4 : i32
          %mul3A_305 = arith.muli %mul3A_304, %scan3A_284 : i32
          %add3A_306 = arith.constant 1 : i32
          %add3A_307 = arith.addi %mul3A_305, %add3A_306 : i32
          %and3A_308 = arith.constant -16 : i32
          %and3A_309 = arith.andi %add3A_307, %and3A_308 : i32
          %add3A_310 = arith.addi %multiple_of3A_276, %and3A_309 : i32
          %multiple_of3A_311 = tpu.assume_multiple %add3A_310, 16 : i32
          %get3A_312 = arith.index_cast %multiple_of3A_311 : i32 to index
          %get3A_313 = tpu.vector_load %arg7[%get3A_312] {strides = array<i32>} : memref<2048xi32, #tpu.memory_space<vmem>>, vector<16xi32>,
          %and3A_314 = arith.constant 15 : i32
          %and3A_315 = arith.andi %add3A_307, %and3A_314 : i32
          %eq3A_316 = vector.broadcast %and3A_315 : i32 to vector<16xi32>
          %eq3A_317 = arith.cmpi eq, %iota3A, %eq3A_316 : vector<16xi32>
          %jit3A_318 = arith.constant 0 : i32
          %broadcast_in_dim3A_319 = vector.broadcast %jit3A_318 : i32 to vector<16xi32>
          %select_n3A_320 = arith.select %eq3A_317, %get3A_313, %broadcast_in_dim3A_319 : vector<16xi1>, vector<16xi32>
          %reduce_sum3A_321 = arith.constant true
          %reduce_sum3A_322 = vector.broadcast %reduce_sum3A_321 : i1 to vector<16xi1>
          %reduce_sum3A_323 = tpu.scan <sum>, %select_n3A_320 masked %reduce_sum3A_322 : vector<16xi32>, vector<16xi1> -> vector<16xi32>
          %reduce_sum3A_324 = vector.extract %reduce_sum3A_323[15] : i32 from vector<16xi32>
          %mul3A_325 = arith.constant 4 : i32
          %mul3A_326 = arith.muli %mul3A_325, %scan3A_284 : i32
          %add3A_327 = arith.constant 2 : i32
          %add3A_328 = arith.addi %mul3A_326, %add3A_327 : i32
          %and3A_329 = arith.constant -16 : i32
          %and3A_330 = arith.andi %add3A_328, %and3A_329 : i32
          %add3A_331 = arith.addi %multiple_of3A_276, %and3A_330 : i32
          %multiple_of3A_332 = tpu.assume_multiple %add3A_331, 16 : i32
          %get3A_333 = arith.index_cast %multiple_of3A_332 : i32 to index
          %get3A_334 = tpu.vector_load %arg7[%get3A_333] {strides = array<i32>} : memref<2048xi32, #tpu.memory_space<vmem>>, vector<16xi32>,
          %and3A_335 = arith.constant 15 : i32
          %and3A_336 = arith.andi %add3A_328, %and3A_335 : i32
          %eq3A_337 = vector.broadcast %and3A_336 : i32 to vector<16xi32>
          %eq3A_338 = arith.cmpi eq, %iota3A, %eq3A_337 : vector<16xi32>
          %jit3A_339 = arith.constant 0 : i32
          %broadcast_in_dim3A_340 = vector.broadcast %jit3A_339 : i32 to vector<16xi32>
          %select_n3A_341 = arith.select %eq3A_338, %get3A_334, %broadcast_in_dim3A_340 : vector<16xi1>, vector<16xi32>
          %reduce_sum3A_342 = arith.constant true
          %reduce_sum3A_343 = vector.broadcast %reduce_sum3A_342 : i1 to vector<16xi1>
          %reduce_sum3A_344 = tpu.scan <sum>, %select_n3A_341 masked %reduce_sum3A_343 : vector<16xi32>, vector<16xi1> -> vector<16xi32>
          %reduce_sum3A_345 = vector.extract %reduce_sum3A_344[15] : i32 from vector<16xi32>
          %mul3A_346 = arith.constant 4 : i32
          %mul3A_347 = arith.muli %mul3A_346, %scan3A_284 : i32
          %add3A_348 = arith.constant 3 : i32
          %add3A_349 = arith.addi %mul3A_347, %add3A_348 : i32
          %and3A_350 = arith.constant -16 : i32
          %and3A_351 = arith.andi %add3A_349, %and3A_350 : i32
          %add3A_352 = arith.addi %multiple_of3A_276, %and3A_351 : i32
          %multiple_of3A_353 = tpu.assume_multiple %add3A_352, 16 : i32
          %get3A_354 = arith.index_cast %multiple_of3A_353 : i32 to index
          %get3A_355 = tpu.vector_load %arg7[%get3A_354] {strides = array<i32>} : memref<2048xi32, #tpu.memory_space<vmem>>, vector<16xi32>,
          %and3A_356 = arith.constant 15 : i32
          %and3A_357 = arith.andi %add3A_349, %and3A_356 : i32
          %eq3A_358 = vector.broadcast %and3A_357 : i32 to vector<16xi32>
          %eq3A_359 = arith.cmpi eq, %iota3A, %eq3A_358 : vector<16xi32>
          %jit3A_360 = arith.constant 0 : i32
          %broadcast_in_dim3A_361 = vector.broadcast %jit3A_360 : i32 to vector<16xi32>
          %select_n3A_362 = arith.select %eq3A_359, %get3A_355, %broadcast_in_dim3A_361 : vector<16xi1>, vector<16xi32>
          %reduce_sum3A_363 = arith.constant true
          %reduce_sum3A_364 = vector.broadcast %reduce_sum3A_363 : i1 to vector<16xi1>
          %reduce_sum3A_365 = tpu.scan <sum>, %select_n3A_362 masked %reduce_sum3A_364 : vector<16xi32>, vector<16xi1> -> vector<16xi32>
          %reduce_sum3A_366 = vector.extract %reduce_sum3A_365[15] : i32 from vector<16xi32>
          %mul3A_367 = arith.constant 4 : i32
          %mul3A_368 = arith.muli %mul3A_367, %scan3A_284 : i32
          %add3A_369 = arith.constant 0 : i32
          %add3A_370 = arith.addi %mul3A_368, %add3A_369 : i32
          %mul3A_371 = arith.constant 64 : i32
          %mul3A_372 = arith.muli %reduce_sum3A_303, %mul3A_371 : i32
          %add3A_373 = arith.constant 0 : i32
          %add3A_374 = arith.addi %mul3A_372, %add3A_373 : i32
          %get3A_375 = arith.index_cast %add3A_374 : i32 to index
          %get3A_376 = tpu.vector_load %arg9[%get3A_375] {strides = array<i32>} : memref<100864xf32, #tpu.memory_space<vmem>>, vector<16xf32>,
          %add3A_377 = arith.constant 16 : i32
          %add3A_378 = arith.addi %mul3A_372, %add3A_377 : i32
          %get3A_379 = arith.index_cast %add3A_378 : i32 to index
          %get3A_380 = tpu.vector_load %arg9[%get3A_379] {strides = array<i32>} : memref<100864xf32, #tpu.memory_space<vmem>>, vector<16xf32>,
          %add3A_381 = arith.constant 32 : i32
          %add3A_382 = arith.addi %mul3A_372, %add3A_381 : i32
          %get3A_383 = arith.index_cast %add3A_382 : i32 to index
          %get3A_384 = tpu.vector_load %arg9[%get3A_383] {strides = array<i32>} : memref<100864xf32, #tpu.memory_space<vmem>>, vector<16xf32>,
          %add3A_385 = arith.constant 48 : i32
          %add3A_386 = arith.addi %mul3A_372, %add3A_385 : i32
          %get3A_387 = arith.index_cast %add3A_386 : i32 to index
          %get3A_388 = tpu.vector_load %arg9[%get3A_387] {strides = array<i32>} : memref<100864xf32, #tpu.memory_space<vmem>>, vector<16xf32>,
          %get3A_389 = arith.constant 1 : i32
          %get3A_390 = arith.index_cast %get3A_389 : i32 to index
          %get3A_391 = arith.index_cast %add3A_370 : i32 to index
          %get3A_392 = arith.constant 0 : index
          %get3A_393 = tpu.vector_load %arg8[%get3A_390, %get3A_391, %get3A_392] {strides = array<i32>} : memref<2x128x64xf32, #tpu.memory_space<vmem>>, vector<16xf32>,
          %get3A_394 = arith.constant 1 : i32
          %get3A_395 = arith.index_cast %get3A_394 : i32 to index
          %get3A_396 = arith.index_cast %add3A_370 : i32 to index
          %get3A_397 = arith.constant 16 : index
          %get3A_398 = tpu.vector_load %arg8[%get3A_395, %get3A_396, %get3A_397] {strides = array<i32>} : memref<2x128x64xf32, #tpu.memory_space<vmem>>, vector<16xf32>,
          %get3A_399 = arith.constant 1 : i32
          %get3A_400 = arith.index_cast %get3A_399 : i32 to index
          %get3A_401 = arith.index_cast %add3A_370 : i32 to index
          %get3A_402 = arith.constant 32 : index
          %get3A_403 = tpu.vector_load %arg8[%get3A_400, %get3A_401, %get3A_402] {strides = array<i32>} : memref<2x128x64xf32, #tpu.memory_space<vmem>>, vector<16xf32>,
          %get3A_404 = arith.constant 1 : i32
          %get3A_405 = arith.index_cast %get3A_404 : i32 to index
          %get3A_406 = arith.index_cast %add3A_370 : i32 to index
          %get3A_407 = arith.constant 48 : index
          %get3A_408 = tpu.vector_load %arg8[%get3A_405, %get3A_406, %get3A_407] {strides = array<i32>} : memref<2x128x64xf32, #tpu.memory_space<vmem>>, vector<16xf32>,
          %max3A = arith.maximumf %get3A_376, %get3A_393 : vector<16xf32>
          %add3A_409 = arith.constant 0 : i32
          %add3A_410 = arith.addi %mul3A_372, %add3A_409 : i32
          %swap3A = arith.index_cast %add3A_410 : i32 to index
          %swap3A_411 = tpu.vector_load %arg9[%swap3A] {strides = array<i32>} : memref<100864xf32, #tpu.memory_space<vmem>>, vector<16xf32>,
          tpu.vector_store %arg9[%swap3A], %max3A {strides = array<i32>} : memref<100864xf32, #tpu.memory_space<vmem>>, vector<16xf32>,
          %max3A_412 = arith.maximumf %get3A_380, %get3A_398 : vector<16xf32>
          %add3A_413 = arith.constant 16 : i32
          %add3A_414 = arith.addi %mul3A_372, %add3A_413 : i32
          %swap3A_415 = arith.index_cast %add3A_414 : i32 to index
          %swap3A_416 = tpu.vector_load %arg9[%swap3A_415] {strides = array<i32>} : memref<100864xf32, #tpu.memory_space<vmem>>, vector<16xf32>,
          tpu.vector_store %arg9[%swap3A_415], %max3A_412 {strides = array<i32>} : memref<100864xf32, #tpu.memory_space<vmem>>, vector<16xf32>,
          %max3A_417 = arith.maximumf %get3A_384, %get3A_403 : vector<16xf32>
          %add3A_418 = arith.constant 32 : i32
          %add3A_419 = arith.addi %mul3A_372, %add3A_418 : i32
          %swap3A_420 = arith.index_cast %add3A_419 : i32 to index
          %swap3A_421 = tpu.vector_load %arg9[%swap3A_420] {strides = array<i32>} : memref<100864xf32, #tpu.memory_space<vmem>>, vector<16xf32>,
          tpu.vector_store %arg9[%swap3A_420], %max3A_417 {strides = array<i32>} : memref<100864xf32, #tpu.memory_space<vmem>>, vector<16xf32>,
          %max3A_422 = arith.maximumf %get3A_388, %get3A_408 : vector<16xf32>
          %add3A_423 = arith.constant 48 : i32
          %add3A_424 = arith.addi %mul3A_372, %add3A_423 : i32
          %swap3A_425 = arith.index_cast %add3A_424 : i32 to index
          %swap3A_426 = tpu.vector_load %arg9[%swap3A_425] {strides = array<i32>} : memref<100864xf32, #tpu.memory_space<vmem>>, vector<16xf32>,
          tpu.vector_store %arg9[%swap3A_425], %max3A_422 {strides = array<i32>} : memref<100864xf32, #tpu.memory_space<vmem>>, vector<16xf32>,
          %mul3A_427 = arith.constant 4 : i32
          %mul3A_428 = arith.muli %mul3A_427, %scan3A_284 : i32
          %add3A_429 = arith.constant 1 : i32
          %add3A_430 = arith.addi %mul3A_428, %add3A_429 : i32
          %mul3A_431 = arith.constant 64 : i32
          %mul3A_432 = arith.muli %reduce_sum3A_324, %mul3A_431 : i32
          %add3A_433 = arith.constant 0 : i32
          %add3A_434 = arith.addi %mul3A_432, %add3A_433 : i32
          %get3A_435 = arith.index_cast %add3A_434 : i32 to index
          %get3A_436 = tpu.vector_load %arg9[%get3A_435] {strides = array<i32>} : memref<100864xf32, #tpu.memory_space<vmem>>, vector<16xf32>,
          %add3A_437 = arith.constant 16 : i32
          %add3A_438 = arith.addi %mul3A_432, %add3A_437 : i32
          %get3A_439 = arith.index_cast %add3A_438 : i32 to index
          %get3A_440 = tpu.vector_load %arg9[%get3A_439] {strides = array<i32>} : memref<100864xf32, #tpu.memory_space<vmem>>, vector<16xf32>,
          %add3A_441 = arith.constant 32 : i32
          %add3A_442 = arith.addi %mul3A_432, %add3A_441 : i32
          %get3A_443 = arith.index_cast %add3A_442 : i32 to index
          %get3A_444 = tpu.vector_load %arg9[%get3A_443] {strides = array<i32>} : memref<100864xf32, #tpu.memory_space<vmem>>, vector<16xf32>,
          %add3A_445 = arith.constant 48 : i32
          %add3A_446 = arith.addi %mul3A_432, %add3A_445 : i32
          %get3A_447 = arith.index_cast %add3A_446 : i32 to index
          %get3A_448 = tpu.vector_load %arg9[%get3A_447] {strides = array<i32>} : memref<100864xf32, #tpu.memory_space<vmem>>, vector<16xf32>,
          %get3A_449 = arith.constant 1 : i32
          %get3A_450 = arith.index_cast %get3A_449 : i32 to index
          %get3A_451 = arith.index_cast %add3A_430 : i32 to index
          %get3A_452 = arith.constant 0 : index
          %get3A_453 = tpu.vector_load %arg8[%get3A_450, %get3A_451, %get3A_452] {strides = array<i32>} : memref<2x128x64xf32, #tpu.memory_space<vmem>>, vector<16xf32>,
          %get3A_454 = arith.constant 1 : i32
          %get3A_455 = arith.index_cast %get3A_454 : i32 to index
          %get3A_456 = arith.index_cast %add3A_430 : i32 to index
          %get3A_457 = arith.constant 16 : index
          %get3A_458 = tpu.vector_load %arg8[%get3A_455, %get3A_456, %get3A_457] {strides = array<i32>} : memref<2x128x64xf32, #tpu.memory_space<vmem>>, vector<16xf32>,
          %get3A_459 = arith.constant 1 : i32
          %get3A_460 = arith.index_cast %get3A_459 : i32 to index
          %get3A_461 = arith.index_cast %add3A_430 : i32 to index
          %get3A_462 = arith.constant 32 : index
          %get3A_463 = tpu.vector_load %arg8[%get3A_460, %get3A_461, %get3A_462] {strides = array<i32>} : memref<2x128x64xf32, #tpu.memory_space<vmem>>, vector<16xf32>,
          %get3A_464 = arith.constant 1 : i32
          %get3A_465 = arith.index_cast %get3A_464 : i32 to index
          %get3A_466 = arith.index_cast %add3A_430 : i32 to index
          %get3A_467 = arith.constant 48 : index
          %get3A_468 = tpu.vector_load %arg8[%get3A_465, %get3A_466, %get3A_467] {strides = array<i32>} : memref<2x128x64xf32, #tpu.memory_space<vmem>>, vector<16xf32>,
          %max3A_469 = arith.maximumf %get3A_436, %get3A_453 : vector<16xf32>
          %add3A_470 = arith.constant 0 : i32
          %add3A_471 = arith.addi %mul3A_432, %add3A_470 : i32
          %swap3A_472 = arith.index_cast %add3A_471 : i32 to index
          %swap3A_473 = tpu.vector_load %arg9[%swap3A_472] {strides = array<i32>} : memref<100864xf32, #tpu.memory_space<vmem>>, vector<16xf32>,
          tpu.vector_store %arg9[%swap3A_472], %max3A_469 {strides = array<i32>} : memref<100864xf32, #tpu.memory_space<vmem>>, vector<16xf32>,
          %max3A_474 = arith.maximumf %get3A_440, %get3A_458 : vector<16xf32>
          %add3A_475 = arith.constant 16 : i32
          %add3A_476 = arith.addi %mul3A_432, %add3A_475 : i32
          %swap3A_477 = arith.index_cast %add3A_476 : i32 to index
          %swap3A_478 = tpu.vector_load %arg9[%swap3A_477] {strides = array<i32>} : memref<100864xf32, #tpu.memory_space<vmem>>, vector<16xf32>,
          tpu.vector_store %arg9[%swap3A_477], %max3A_474 {strides = array<i32>} : memref<100864xf32, #tpu.memory_space<vmem>>, vector<16xf32>,
          %max3A_479 = arith.maximumf %get3A_444, %get3A_463 : vector<16xf32>
          %add3A_480 = arith.constant 32 : i32
          %add3A_481 = arith.addi %mul3A_432, %add3A_480 : i32
          %swap3A_482 = arith.index_cast %add3A_481 : i32 to index
          %swap3A_483 = tpu.vector_load %arg9[%swap3A_482] {strides = array<i32>} : memref<100864xf32, #tpu.memory_space<vmem>>, vector<16xf32>,
          tpu.vector_store %arg9[%swap3A_482], %max3A_479 {strides = array<i32>} : memref<100864xf32, #tpu.memory_space<vmem>>, vector<16xf32>,
          %max3A_484 = arith.maximumf %get3A_448, %get3A_468 : vector<16xf32>
          %add3A_485 = arith.constant 48 : i32
          %add3A_486 = arith.addi %mul3A_432, %add3A_485 : i32
          %swap3A_487 = arith.index_cast %add3A_486 : i32 to index
          %swap3A_488 = tpu.vector_load %arg9[%swap3A_487] {strides = array<i32>} : memref<100864xf32, #tpu.memory_space<vmem>>, vector<16xf32>,
          tpu.vector_store %arg9[%swap3A_487], %max3A_484 {strides = array<i32>} : memref<100864xf32, #tpu.memory_space<vmem>>, vector<16xf32>,
          %mul3A_489 = arith.constant 4 : i32
          %mul3A_490 = arith.muli %mul3A_489, %scan3A_284 : i32
          %add3A_491 = arith.constant 2 : i32
          %add3A_492 = arith.addi %mul3A_490, %add3A_491 : i32
          %mul3A_493 = arith.constant 64 : i32
          %mul3A_494 = arith.muli %reduce_sum3A_345, %mul3A_493 : i32
          %add3A_495 = arith.constant 0 : i32
          %add3A_496 = arith.addi %mul3A_494, %add3A_495 : i32
          %get3A_497 = arith.index_cast %add3A_496 : i32 to index
          %get3A_498 = tpu.vector_load %arg9[%get3A_497] {strides = array<i32>} : memref<100864xf32, #tpu.memory_space<vmem>>, vector<16xf32>,
          %add3A_499 = arith.constant 16 : i32
          %add3A_500 = arith.addi %mul3A_494, %add3A_499 : i32
          %get3A_501 = arith.index_cast %add3A_500 : i32 to index
          %get3A_502 = tpu.vector_load %arg9[%get3A_501] {strides = array<i32>} : memref<100864xf32, #tpu.memory_space<vmem>>, vector<16xf32>,
          %add3A_503 = arith.constant 32 : i32
          %add3A_504 = arith.addi %mul3A_494, %add3A_503 : i32
          %get3A_505 = arith.index_cast %add3A_504 : i32 to index
          %get3A_506 = tpu.vector_load %arg9[%get3A_505] {strides = array<i32>} : memref<100864xf32, #tpu.memory_space<vmem>>, vector<16xf32>,
          %add3A_507 = arith.constant 48 : i32
          %add3A_508 = arith.addi %mul3A_494, %add3A_507 : i32
          %get3A_509 = arith.index_cast %add3A_508 : i32 to index
          %get3A_510 = tpu.vector_load %arg9[%get3A_509] {strides = array<i32>} : memref<100864xf32, #tpu.memory_space<vmem>>, vector<16xf32>,
          %get3A_511 = arith.constant 1 : i32
          %get3A_512 = arith.index_cast %get3A_511 : i32 to index
          %get3A_513 = arith.index_cast %add3A_492 : i32 to index
          %get3A_514 = arith.constant 0 : index
          %get3A_515 = tpu.vector_load %arg8[%get3A_512, %get3A_513, %get3A_514] {strides = array<i32>} : memref<2x128x64xf32, #tpu.memory_space<vmem>>, vector<16xf32>,
          %get3A_516 = arith.constant 1 : i32
          %get3A_517 = arith.index_cast %get3A_516 : i32 to index
          %get3A_518 = arith.index_cast %add3A_492 : i32 to index
          %get3A_519 = arith.constant 16 : index
          %get3A_520 = tpu.vector_load %arg8[%get3A_517, %get3A_518, %get3A_519] {strides = array<i32>} : memref<2x128x64xf32, #tpu.memory_space<vmem>>, vector<16xf32>,
          %get3A_521 = arith.constant 1 : i32
          %get3A_522 = arith.index_cast %get3A_521 : i32 to index
          %get3A_523 = arith.index_cast %add3A_492 : i32 to index
          %get3A_524 = arith.constant 32 : index
          %get3A_525 = tpu.vector_load %arg8[%get3A_522, %get3A_523, %get3A_524] {strides = array<i32>} : memref<2x128x64xf32, #tpu.memory_space<vmem>>, vector<16xf32>,
          %get3A_526 = arith.constant 1 : i32
          %get3A_527 = arith.index_cast %get3A_526 : i32 to index
          %get3A_528 = arith.index_cast %add3A_492 : i32 to index
          %get3A_529 = arith.constant 48 : index
          %get3A_530 = tpu.vector_load %arg8[%get3A_527, %get3A_528, %get3A_529] {strides = array<i32>} : memref<2x128x64xf32, #tpu.memory_space<vmem>>, vector<16xf32>,
          %max3A_531 = arith.maximumf %get3A_498, %get3A_515 : vector<16xf32>
          %add3A_532 = arith.constant 0 : i32
          %add3A_533 = arith.addi %mul3A_494, %add3A_532 : i32
          %swap3A_534 = arith.index_cast %add3A_533 : i32 to index
          %swap3A_535 = tpu.vector_load %arg9[%swap3A_534] {strides = array<i32>} : memref<100864xf32, #tpu.memory_space<vmem>>, vector<16xf32>,
          tpu.vector_store %arg9[%swap3A_534], %max3A_531 {strides = array<i32>} : memref<100864xf32, #tpu.memory_space<vmem>>, vector<16xf32>,
          %max3A_536 = arith.maximumf %get3A_502, %get3A_520 : vector<16xf32>
          %add3A_537 = arith.constant 16 : i32
          %add3A_538 = arith.addi %mul3A_494, %add3A_537 : i32
          %swap3A_539 = arith.index_cast %add3A_538 : i32 to index
          %swap3A_540 = tpu.vector_load %arg9[%swap3A_539] {strides = array<i32>} : memref<100864xf32, #tpu.memory_space<vmem>>, vector<16xf32>,
          tpu.vector_store %arg9[%swap3A_539], %max3A_536 {strides = array<i32>} : memref<100864xf32, #tpu.memory_space<vmem>>, vector<16xf32>,
          %max3A_541 = arith.maximumf %get3A_506, %get3A_525 : vector<16xf32>
          %add3A_542 = arith.constant 32 : i32
          %add3A_543 = arith.addi %mul3A_494, %add3A_542 : i32
          %swap3A_544 = arith.index_cast %add3A_543 : i32 to index
          %swap3A_545 = tpu.vector_load %arg9[%swap3A_544] {strides = array<i32>} : memref<100864xf32, #tpu.memory_space<vmem>>, vector<16xf32>,
          tpu.vector_store %arg9[%swap3A_544], %max3A_541 {strides = array<i32>} : memref<100864xf32, #tpu.memory_space<vmem>>, vector<16xf32>,
          %max3A_546 = arith.maximumf %get3A_510, %get3A_530 : vector<16xf32>
          %add3A_547 = arith.constant 48 : i32
          %add3A_548 = arith.addi %mul3A_494, %add3A_547 : i32
          %swap3A_549 = arith.index_cast %add3A_548 : i32 to index
          %swap3A_550 = tpu.vector_load %arg9[%swap3A_549] {strides = array<i32>} : memref<100864xf32, #tpu.memory_space<vmem>>, vector<16xf32>,
          tpu.vector_store %arg9[%swap3A_549], %max3A_546 {strides = array<i32>} : memref<100864xf32, #tpu.memory_space<vmem>>, vector<16xf32>,
          %mul3A_551 = arith.constant 4 : i32
          %mul3A_552 = arith.muli %mul3A_551, %scan3A_284 : i32
          %add3A_553 = arith.constant 3 : i32
          %add3A_554 = arith.addi %mul3A_552, %add3A_553 : i32
          %mul3A_555 = arith.constant 64 : i32
          %mul3A_556 = arith.muli %reduce_sum3A_366, %mul3A_555 : i32
          %add3A_557 = arith.constant 0 : i32
          %add3A_558 = arith.addi %mul3A_556, %add3A_557 : i32
          %get3A_559 = arith.index_cast %add3A_558 : i32 to index
          %get3A_560 = tpu.vector_load %arg9[%get3A_559] {strides = array<i32>} : memref<100864xf32, #tpu.memory_space<vmem>>, vector<16xf32>,
          %add3A_561 = arith.constant 16 : i32
          %add3A_562 = arith.addi %mul3A_556, %add3A_561 : i32
          %get3A_563 = arith.index_cast %add3A_562 : i32 to index
          %get3A_564 = tpu.vector_load %arg9[%get3A_563] {strides = array<i32>} : memref<100864xf32, #tpu.memory_space<vmem>>, vector<16xf32>,
          %add3A_565 = arith.constant 32 : i32
          %add3A_566 = arith.addi %mul3A_556, %add3A_565 : i32
          %get3A_567 = arith.index_cast %add3A_566 : i32 to index
          %get3A_568 = tpu.vector_load %arg9[%get3A_567] {strides = array<i32>} : memref<100864xf32, #tpu.memory_space<vmem>>, vector<16xf32>,
          %add3A_569 = arith.constant 48 : i32
          %add3A_570 = arith.addi %mul3A_556, %add3A_569 : i32
          %get3A_571 = arith.index_cast %add3A_570 : i32 to index
          %get3A_572 = tpu.vector_load %arg9[%get3A_571] {strides = array<i32>} : memref<100864xf32, #tpu.memory_space<vmem>>, vector<16xf32>,
          %get3A_573 = arith.constant 1 : i32
          %get3A_574 = arith.index_cast %get3A_573 : i32 to index
          %get3A_575 = arith.index_cast %add3A_554 : i32 to index
          %get3A_576 = arith.constant 0 : index
          %get3A_577 = tpu.vector_load %arg8[%get3A_574, %get3A_575, %get3A_576] {strides = array<i32>} : memref<2x128x64xf32, #tpu.memory_space<vmem>>, vector<16xf32>,
          %get3A_578 = arith.constant 1 : i32
          %get3A_579 = arith.index_cast %get3A_578 : i32 to index
          %get3A_580 = arith.index_cast %add3A_554 : i32 to index
          %get3A_581 = arith.constant 16 : index
          %get3A_582 = tpu.vector_load %arg8[%get3A_579, %get3A_580, %get3A_581] {strides = array<i32>} : memref<2x128x64xf32, #tpu.memory_space<vmem>>, vector<16xf32>,
          %get3A_583 = arith.constant 1 : i32
          %get3A_584 = arith.index_cast %get3A_583 : i32 to index
          %get3A_585 = arith.index_cast %add3A_554 : i32 to index
          %get3A_586 = arith.constant 32 : index
          %get3A_587 = tpu.vector_load %arg8[%get3A_584, %get3A_585, %get3A_586] {strides = array<i32>} : memref<2x128x64xf32, #tpu.memory_space<vmem>>, vector<16xf32>,
          %get3A_588 = arith.constant 1 : i32
          %get3A_589 = arith.index_cast %get3A_588 : i32 to index
          %get3A_590 = arith.index_cast %add3A_554 : i32 to index
          %get3A_591 = arith.constant 48 : index
          %get3A_592 = tpu.vector_load %arg8[%get3A_589, %get3A_590, %get3A_591] {strides = array<i32>} : memref<2x128x64xf32, #tpu.memory_space<vmem>>, vector<16xf32>,
          %max3A_593 = arith.maximumf %get3A_560, %get3A_577 : vector<16xf32>
          %add3A_594 = arith.constant 0 : i32
          %add3A_595 = arith.addi %mul3A_556, %add3A_594 : i32
          %swap3A_596 = arith.index_cast %add3A_595 : i32 to index
          %swap3A_597 = tpu.vector_load %arg9[%swap3A_596] {strides = array<i32>} : memref<100864xf32, #tpu.memory_space<vmem>>, vector<16xf32>,
          tpu.vector_store %arg9[%swap3A_596], %max3A_593 {strides = array<i32>} : memref<100864xf32, #tpu.memory_space<vmem>>, vector<16xf32>,
          %max3A_598 = arith.maximumf %get3A_564, %get3A_582 : vector<16xf32>
          %add3A_599 = arith.constant 16 : i32
          %add3A_600 = arith.addi %mul3A_556, %add3A_599 : i32
          %swap3A_601 = arith.index_cast %add3A_600 : i32 to index
          %swap3A_602 = tpu.vector_load %arg9[%swap3A_601] {strides = array<i32>} : memref<100864xf32, #tpu.memory_space<vmem>>, vector<16xf32>,
          tpu.vector_store %arg9[%swap3A_601], %max3A_598 {strides = array<i32>} : memref<100864xf32, #tpu.memory_space<vmem>>, vector<16xf32>,
          %max3A_603 = arith.maximumf %get3A_568, %get3A_587 : vector<16xf32>
          %add3A_604 = arith.constant 32 : i32
          %add3A_605 = arith.addi %mul3A_556, %add3A_604 : i32
          %swap3A_606 = arith.index_cast %add3A_605 : i32 to index
          %swap3A_607 = tpu.vector_load %arg9[%swap3A_606] {strides = array<i32>} : memref<100864xf32, #tpu.memory_space<vmem>>, vector<16xf32>,
          tpu.vector_store %arg9[%swap3A_606], %max3A_603 {strides = array<i32>} : memref<100864xf32, #tpu.memory_space<vmem>>, vector<16xf32>,
          %max3A_608 = arith.maximumf %get3A_572, %get3A_592 : vector<16xf32>
          %add3A_609 = arith.constant 48 : i32
          %add3A_610 = arith.addi %mul3A_556, %add3A_609 : i32
          %swap3A_611 = arith.index_cast %add3A_610 : i32 to index
          %swap3A_612 = tpu.vector_load %arg9[%swap3A_611] {strides = array<i32>} : memref<100864xf32, #tpu.memory_space<vmem>>, vector<16xf32>,
          tpu.vector_store %arg9[%swap3A_611], %max3A_608 {strides = array<i32>} : memref<100864xf32, #tpu.memory_space<vmem>>, vector<16xf32>,
          %scan3A_613 = arith.constant 0 : i32
          scf.yield %scan3A_613 : i32
        }
        %scan3A_283 = arith.constant 32 : i32
      } else {
      }
      %jit3A = arith.constant 256 : i32
      %jit3A_256 = arith.constant 128 : i32
      %select_n3A = arith.select %ge3A_217, %jit3A, %jit3A_256 : i32
      %add3A_257 = arith.addi %while3A_216, %select_n3A : i32
      scf.yield %while3A_215, %add3A_257 : i32, i32
    }
    %add3A_43 = arith.constant 0 : i32
    %add3A_44 = arith.addi %while3A#0, %add3A_43 : i32
    %add3A_45 = vector.broadcast %add3A_44 : i32 to vector<16xi32>
    %add3A_46 = arith.addi %add3A_45, %iota3A : vector<16xi32>
    %and3A_47 = arith.constant 2047 : i32
    %and3A_48 = vector.broadcast %and3A_47 : i32 to vector<16xi32>
    %and3A_49 = arith.andi %add3A_46, %and3A_48 : vector<16xi32>
    %broadcast_in_dim3A_50 = arith.constant true
    %broadcast_in_dim3A_51 = vector.broadcast %broadcast_in_dim3A_50 : i1 to vector<16xi1>
    %mul3A_52 = arith.constant 64 : i32
    %mul3A_53 = arith.muli %add3A, %mul3A_52 : i32
    %add3A_54 = arith.constant 0 : i32
    %add3A_55 = arith.addi %mul3A_53, %add3A_54 : i32
    %add3A_56 = vector.broadcast %add3A_55 : i32 to vector<16xi32>
    %add3A_57 = arith.addi %add3A_56, %iota3A : vector<16xi32>
    tpu.vector_store_idx %arg6[%and3A_49], %add3A_57 masked %broadcast_in_dim3A_51 : memref<2048xi32, #tpu.memory_space<vmem>>[vector<16xi32>], vector<16xi32>, vector<16xi1>
    %broadcast_in_dim3A_58 = arith.constant 1568 : i32
    %broadcast_in_dim3A_59 = vector.broadcast %broadcast_in_dim3A_58 : i32 to vector<16xi32>
    tpu.vector_store_idx %arg7[%and3A_49], %broadcast_in_dim3A_59 masked %broadcast_in_dim3A_51 : memref<2048xi32, #tpu.memory_space<vmem>>[vector<16xi32>], vector<16xi32>, vector<16xi1>
    %add3A_60 = arith.constant 16 : i32
    %add3A_61 = arith.addi %while3A#0, %add3A_60 : i32
    %add3A_62 = vector.broadcast %add3A_61 : i32 to vector<16xi32>
    %add3A_63 = arith.addi %add3A_62, %iota3A : vector<16xi32>
    %and3A_64 = arith.constant 2047 : i32
    %and3A_65 = vector.broadcast %and3A_64 : i32 to vector<16xi32>
    %and3A_66 = arith.andi %add3A_63, %and3A_65 : vector<16xi32>
    %broadcast_in_dim3A_67 = arith.constant true
    %broadcast_in_dim3A_68 = vector.broadcast %broadcast_in_dim3A_67 : i1 to vector<16xi1>
    %mul3A_69 = arith.constant 64 : i32
    %mul3A_70 = arith.muli %add3A, %mul3A_69 : i32
    %add3A_71 = arith.constant 16 : i32
    %add3A_72 = arith.addi %mul3A_70, %add3A_71 : i32
    %add3A_73 = vector.broadcast %add3A_72 : i32 to vector<16xi32>
    %add3A_74 = arith.addi %add3A_73, %iota3A : vector<16xi32>
    tpu.vector_store_idx %arg6[%and3A_66], %add3A_74 masked %broadcast_in_dim3A_68 : memref<2048xi32, #tpu.memory_space<vmem>>[vector<16xi32>], vector<16xi32>, vector<16xi1>
    %broadcast_in_dim3A_75 = arith.constant 1568 : i32
    %broadcast_in_dim3A_76 = vector.broadcast %broadcast_in_dim3A_75 : i32 to vector<16xi32>
    tpu.vector_store_idx %arg7[%and3A_66], %broadcast_in_dim3A_76 masked %broadcast_in_dim3A_68 : memref<2048xi32, #tpu.memory_space<vmem>>[vector<16xi32>], vector<16xi32>, vector<16xi1>
    %add3A_77 = arith.constant 32 : i32
    %add3A_78 = arith.addi %while3A#0, %add3A_77 : i32
    %add3A_79 = vector.broadcast %add3A_78 : i32 to vector<16xi32>
    %add3A_80 = arith.addi %add3A_79, %iota3A : vector<16xi32>
    %and3A_81 = arith.constant 2047 : i32
    %and3A_82 = vector.broadcast %and3A_81 : i32 to vector<16xi32>
    %and3A_83 = arith.andi %add3A_80, %and3A_82 : vector<16xi32>
    %broadcast_in_dim3A_84 = arith.constant true
    %broadcast_in_dim3A_85 = vector.broadcast %broadcast_in_dim3A_84 : i1 to vector<16xi1>
    %mul3A_86 = arith.constant 64 : i32
    %mul3A_87 = arith.muli %add3A, %mul3A_86 : i32
    %add3A_88 = arith.constant 32 : i32
    %add3A_89 = arith.addi %mul3A_87, %add3A_88 : i32
    %add3A_90 = vector.broadcast %add3A_89 : i32 to vector<16xi32>
    %add3A_91 = arith.addi %add3A_90, %iota3A : vector<16xi32>
    tpu.vector_store_idx %arg6[%and3A_83], %add3A_91 masked %broadcast_in_dim3A_85 : memref<2048xi32, #tpu.memory_space<vmem>>[vector<16xi32>], vector<16xi32>, vector<16xi1>
    %broadcast_in_dim3A_92 = arith.constant 1568 : i32
    %broadcast_in_dim3A_93 = vector.broadcast %broadcast_in_dim3A_92 : i32 to vector<16xi32>
    tpu.vector_store_idx %arg7[%and3A_83], %broadcast_in_dim3A_93 masked %broadcast_in_dim3A_85 : memref<2048xi32, #tpu.memory_space<vmem>>[vector<16xi32>], vector<16xi32>, vector<16xi1>
    %add3A_94 = arith.constant 48 : i32
    %add3A_95 = arith.addi %while3A#0, %add3A_94 : i32
    %add3A_96 = vector.broadcast %add3A_95 : i32 to vector<16xi32>
    %add3A_97 = arith.addi %add3A_96, %iota3A : vector<16xi32>
    %and3A_98 = arith.constant 2047 : i32
    %and3A_99 = vector.broadcast %and3A_98 : i32 to vector<16xi32>
    %and3A_100 = arith.andi %add3A_97, %and3A_99 : vector<16xi32>
    %broadcast_in_dim3A_101 = arith.constant true
    %broadcast_in_dim3A_102 = vector.broadcast %broadcast_in_dim3A_101 : i1 to vector<16xi1>
    %mul3A_103 = arith.constant 64 : i32
    %mul3A_104 = arith.muli %add3A, %mul3A_103 : i32
    %add3A_105 = arith.constant 48 : i32
    %add3A_106 = arith.addi %mul3A_104, %add3A_105 : i32
    %add3A_107 = vector.broadcast %add3A_106 : i32 to vector<16xi32>
    %add3A_108 = arith.addi %add3A_107, %iota3A : vector<16xi32>
    tpu.vector_store_idx %arg6[%and3A_100], %add3A_108 masked %broadcast_in_dim3A_102 : memref<2048xi32, #tpu.memory_space<vmem>>[vector<16xi32>], vector<16xi32>, vector<16xi1>
    %broadcast_in_dim3A_109 = arith.constant 1568 : i32
    %broadcast_in_dim3A_110 = vector.broadcast %broadcast_in_dim3A_109 : i32 to vector<16xi32>
    tpu.vector_store_idx %arg7[%and3A_100], %broadcast_in_dim3A_110 masked %broadcast_in_dim3A_102 : memref<2048xi32, #tpu.memory_space<vmem>>[vector<16xi32>], vector<16xi32>, vector<16xi1>
    %add3A_111 = arith.constant 64 : i32
    %add3A_112 = arith.addi %while3A#0, %add3A_111 : i32
    %add3A_113 = vector.broadcast %add3A_112 : i32 to vector<16xi32>
    %add3A_114 = arith.addi %add3A_113, %iota3A : vector<16xi32>
    %and3A_115 = arith.constant 2047 : i32
    %and3A_116 = vector.broadcast %and3A_115 : i32 to vector<16xi32>
    %and3A_117 = arith.andi %add3A_114, %and3A_116 : vector<16xi32>
    %broadcast_in_dim3A_118 = arith.constant true
    %broadcast_in_dim3A_119 = vector.broadcast %broadcast_in_dim3A_118 : i1 to vector<16xi1>
    %mul3A_120 = arith.constant 64 : i32
    %mul3A_121 = arith.muli %add3A, %mul3A_120 : i32
    %add3A_122 = arith.constant 64 : i32
    %add3A_123 = arith.addi %mul3A_121, %add3A_122 : i32
    %add3A_124 = vector.broadcast %add3A_123 : i32 to vector<16xi32>
    %add3A_125 = arith.addi %add3A_124, %iota3A : vector<16xi32>
    tpu.vector_store_idx %arg6[%and3A_117], %add3A_125 masked %broadcast_in_dim3A_119 : memref<2048xi32, #tpu.memory_space<vmem>>[vector<16xi32>], vector<16xi32>, vector<16xi1>
    %broadcast_in_dim3A_126 = arith.constant 1568 : i32
    %broadcast_in_dim3A_127 = vector.broadcast %broadcast_in_dim3A_126 : i32 to vector<16xi32>
    tpu.vector_store_idx %arg7[%and3A_117], %broadcast_in_dim3A_127 masked %broadcast_in_dim3A_119 : memref<2048xi32, #tpu.memory_space<vmem>>[vector<16xi32>], vector<16xi32>, vector<16xi1>
    %add3A_128 = arith.constant 80 : i32
    %add3A_129 = arith.addi %while3A#0, %add3A_128 : i32
    %add3A_130 = vector.broadcast %add3A_129 : i32 to vector<16xi32>
    %add3A_131 = arith.addi %add3A_130, %iota3A : vector<16xi32>
    %and3A_132 = arith.constant 2047 : i32
    %and3A_133 = vector.broadcast %and3A_132 : i32 to vector<16xi32>
    %and3A_134 = arith.andi %add3A_131, %and3A_133 : vector<16xi32>
    %broadcast_in_dim3A_135 = arith.constant true
    %broadcast_in_dim3A_136 = vector.broadcast %broadcast_in_dim3A_135 : i1 to vector<16xi1>
    %mul3A_137 = arith.constant 64 : i32
    %mul3A_138 = arith.muli %add3A, %mul3A_137 : i32
    %add3A_139 = arith.constant 80 : i32
    %add3A_140 = arith.addi %mul3A_138, %add3A_139 : i32
    %add3A_141 = vector.broadcast %add3A_140 : i32 to vector<16xi32>
    %add3A_142 = arith.addi %add3A_141, %iota3A : vector<16xi32>
    tpu.vector_store_idx %arg6[%and3A_134], %add3A_142 masked %broadcast_in_dim3A_136 : memref<2048xi32, #tpu.memory_space<vmem>>[vector<16xi32>], vector<16xi32>, vector<16xi1>
    %broadcast_in_dim3A_143 = arith.constant 1568 : i32
    %broadcast_in_dim3A_144 = vector.broadcast %broadcast_in_dim3A_143 : i32 to vector<16xi32>
    tpu.vector_store_idx %arg7[%and3A_134], %broadcast_in_dim3A_144 masked %broadcast_in_dim3A_136 : memref<2048xi32, #tpu.memory_space<vmem>>[vector<16xi32>], vector<16xi32>, vector<16xi1>
    %add3A_145 = arith.constant 96 : i32
    %add3A_146 = arith.addi %while3A#0, %add3A_145 : i32
    %add3A_147 = vector.broadcast %add3A_146 : i32 to vector<16xi32>
    %add3A_148 = arith.addi %add3A_147, %iota3A : vector<16xi32>
    %and3A_149 = arith.constant 2047 : i32
    %and3A_150 = vector.broadcast %and3A_149 : i32 to vector<16xi32>
    %and3A_151 = arith.andi %add3A_148, %and3A_150 : vector<16xi32>
    %broadcast_in_dim3A_152 = arith.constant true
    %broadcast_in_dim3A_153 = vector.broadcast %broadcast_in_dim3A_152 : i1 to vector<16xi1>
    %mul3A_154 = arith.constant 64 : i32
    %mul3A_155 = arith.muli %add3A, %mul3A_154 : i32
    %add3A_156 = arith.constant 96 : i32
    %add3A_157 = arith.addi %mul3A_155, %add3A_156 : i32
    %add3A_158 = vector.broadcast %add3A_157 : i32 to vector<16xi32>
    %add3A_159 = arith.addi %add3A_158, %iota3A : vector<16xi32>
    tpu.vector_store_idx %arg6[%and3A_151], %add3A_159 masked %broadcast_in_dim3A_153 : memref<2048xi32, #tpu.memory_space<vmem>>[vector<16xi32>], vector<16xi32>, vector<16xi1>
    %broadcast_in_dim3A_160 = arith.constant 1568 : i32
    %broadcast_in_dim3A_161 = vector.broadcast %broadcast_in_dim3A_160 : i32 to vector<16xi32>
    tpu.vector_store_idx %arg7[%and3A_151], %broadcast_in_dim3A_161 masked %broadcast_in_dim3A_153 : memref<2048xi32, #tpu.memory_space<vmem>>[vector<16xi32>], vector<16xi32>, vector<16xi1>
    %add3A_162 = arith.constant 112 : i32
    %add3A_163 = arith.addi %while3A#0, %add3A_162 : i32
    %add3A_164 = vector.broadcast %add3A_163 : i32 to vector<16xi32>
    %add3A_165 = arith.addi %add3A_164, %iota3A : vector<16xi32>
    %and3A_166 = arith.constant 2047 : i32
    %and3A_167 = vector.broadcast %and3A_166 : i32 to vector<16xi32>
    %and3A_168 = arith.andi %add3A_165, %and3A_167 : vector<16xi32>
    %broadcast_in_dim3A_169 = arith.constant true
    %broadcast_in_dim3A_170 = vector.broadcast %broadcast_in_dim3A_169 : i1 to vector<16xi1>
    %mul3A_171 = arith.constant 64 : i32
    %mul3A_172 = arith.muli %add3A, %mul3A_171 : i32
    %add3A_173 = arith.constant 112 : i32
    %add3A_174 = arith.addi %mul3A_172, %add3A_173 : i32
    %add3A_175 = vector.broadcast %add3A_174 : i32 to vector<16xi32>
    %add3A_176 = arith.addi %add3A_175, %iota3A : vector<16xi32>
    tpu.vector_store_idx %arg6[%and3A_168], %add3A_176 masked %broadcast_in_dim3A_170 : memref<2048xi32, #tpu.memory_space<vmem>>[vector<16xi32>], vector<16xi32>, vector<16xi1>
    %broadcast_in_dim3A_177 = arith.constant 1568 : i32
    %broadcast_in_dim3A_178 = vector.broadcast %broadcast_in_dim3A_177 : i32 to vector<16xi32>
    tpu.vector_store_idx %arg7[%and3A_168], %broadcast_in_dim3A_178 masked %broadcast_in_dim3A_170 : memref<2048xi32, #tpu.memory_space<vmem>>[vector<16xi32>], vector<16xi32>, vector<16xi1>
    %and3A_179 = arith.constant 2047 : i32
    %and3A_180 = arith.andi %while3A#1, %and3A_179 : i32
    %multiple_of3A = tpu.assume_multiple %and3A_180, 128 : i32
    %dma_start3A_181 = arith.constant 0 : i32
    %dma_start3A_182 = arith.constant 0 : i32
    %dma_start3A_183 = arith.constant 0 : i32
    %dma_start3A_184 = tpu.memref_slice %arg8[%dma_start3A_181, %dma_start3A_182, %dma_start3A_183] : memref<2x128x64xf32, #tpu.memory_space<vmem>> -> memref<1x128x64xf32, #tpu.memory_space<vmem>>
    %dma_start3A_185 = tpu.memref_squeeze %dma_start3A_184 : memref<1x128x64xf32, #tpu.memory_space<vmem>> -> memref<128x64xf32, #tpu.memory_space<vmem>>
    %dma_start3A_186 = tpu.memref_slice %arg6[%multiple_of3A] : memref<2048xi32, #tpu.memory_space<vmem>> -> memref<128xi32, #tpu.memory_space<vmem>>
    %dma_start3A_187 = arith.constant 0 : i32
    %dma_start3A_188 = arith.constant 0 : i32
    %dma_start3A_189 = tpu.memref_slice %arg3[%dma_start3A_187, %dma_start3A_188] : memref<800000x64xf32, #tpu.memory_space<hbm>> -> memref<800000x64xf32, #tpu.memory_space<hbm>>
    tpu.enqueue_indirect_dma source(%dma_start3A_189 : memref<800000x64xf32, #tpu.memory_space<hbm>>) target(%dma_start3A_185 : memref<128x64xf32, #tpu.memory_space<vmem>>) offsets(%dma_start3A_186 : memref<128xi32, #tpu.memory_space<vmem>>) semaphore(%arg11 : memref<!tpu.dma_semaphore, #tpu.memory_space<semaphore_mem>>)
    %and3A_190 = arith.constant 2047 : i32
    %and3A_191 = arith.andi %while3A#1, %and3A_190 : i32
    %multiple_of3A_192 = tpu.assume_multiple %and3A_191, 128 : i32
    %dma_wait3A = arith.constant 0 : i32
    %dma_wait3A_193 = arith.constant 0 : i32
    %dma_wait3A_194 = arith.constant 0 : i32
    %dma_wait3A_195 = tpu.memref_slice %arg8[%dma_wait3A, %dma_wait3A_193, %dma_wait3A_194] : memref<2x128x64xf32, #tpu.memory_space<vmem>> -> memref<1x128x64xf32, #tpu.memory_space<vmem>>
    %dma_wait3A_196 = tpu.memref_squeeze %dma_wait3A_195 : memref<1x128x64xf32, #tpu.memory_space<vmem>> -> memref<128x64xf32, #tpu.memory_space<vmem>>
    %dma_wait3A_197 = tpu.memref_slice %arg6[%multiple_of3A_192] : memref<2048xi32, #tpu.memory_space<vmem>> -> memref<128xi32, #tpu.memory_space<vmem>>
    %dma_wait3A_198 = arith.constant 0 : i32
    %dma_wait3A_199 = arith.constant 0 : i32
    %dma_wait3A_200 = tpu.memref_slice %arg3[%dma_wait3A_198, %dma_wait3A_199] : memref<800000x64xf32, #tpu.memory_space<hbm>> -> memref<800000x64xf32, #tpu.memory_space<hbm>>
    tpu.wait_indirect_dma semaphore(%arg11 : memref<!tpu.dma_semaphore, #tpu.memory_space<semaphore_mem>>) src(%dma_wait3A_200 : memref<800000x64xf32, #tpu.memory_space<hbm>>) dst(%dma_wait3A_196 : memref<128x64xf32, #tpu.memory_space<vmem>>)
    %and3A_201 = arith.constant 2047 : i32
    %and3A_202 = arith.andi %while3A#1, %and3A_201 : i32
    %multiple_of3A_203 = tpu.assume_multiple %and3A_202, 128 : i32
    %scan3A_204 = arith.constant 0 : i32
    %scan3A_205 = arith.constant 0 : i32
    %scan3A_206 = arith.constant 32 : i32
    %scan3A_207 = arith.addi %scan3A_205, %scan3A_206 : i32
    %scan3A_208 = arith.constant 1 : i32
    %scan3A_209 = scf.for %scan3A_215 = %scan3A_205 to %scan3A_207 step %scan3A_208 iter_args(%scan3A_216 = %scan3A_204) -> (i32)  : i32 {
      %mul3A_217 = arith.constant 4 : i32
      %mul3A_218 = arith.muli %mul3A_217, %scan3A_215 : i32
      %add3A_219 = arith.constant 0 : i32
      %add3A_220 = arith.addi %mul3A_218, %add3A_219 : i32
      %and3A_221 = arith.constant -16 : i32
      %and3A_222 = arith.andi %add3A_220, %and3A_221 : i32
      %add3A_223 = arith.addi %multiple_of3A_203, %and3A_222 : i32
      %multiple_of3A_224 = tpu.assume_multiple %add3A_223, 16 : i32
      %get3A = arith.index_cast %multiple_of3A_224 : i32 to index
      %get3A_225 = tpu.vector_load %arg7[%get3A] {strides = array<i32>} : memref<2048xi32, #tpu.memory_space<vmem>>, vector<16xi32>,
      %and3A_226 = arith.constant 15 : i32
      %and3A_227 = arith.andi %add3A_220, %and3A_226 : i32
      %eq3A = vector.broadcast %and3A_227 : i32 to vector<16xi32>
      %eq3A_228 = arith.cmpi eq, %iota3A, %eq3A : vector<16xi32>
      %jit3A = arith.constant 0 : i32
      %broadcast_in_dim3A_229 = vector.broadcast %jit3A : i32 to vector<16xi32>
      %select_n3A = arith.select %eq3A_228, %get3A_225, %broadcast_in_dim3A_229 : vector<16xi1>, vector<16xi32>
      %reduce_sum3A = arith.constant true
      %reduce_sum3A_230 = vector.broadcast %reduce_sum3A : i1 to vector<16xi1>
      %reduce_sum3A_231 = tpu.scan <sum>, %select_n3A masked %reduce_sum3A_230 : vector<16xi32>, vector<16xi1> -> vector<16xi32>
      %reduce_sum3A_232 = vector.extract %reduce_sum3A_231[15] : i32 from vector<16xi32>
      %mul3A_233 = arith.constant 4 : i32
      %mul3A_234 = arith.muli %mul3A_233, %scan3A_215 : i32
      %add3A_235 = arith.constant 1 : i32
      %add3A_236 = arith.addi %mul3A_234, %add3A_235 : i32
      %and3A_237 = arith.constant -16 : i32
      %and3A_238 = arith.andi %add3A_236, %and3A_237 : i32
      %add3A_239 = arith.addi %multiple_of3A_203, %and3A_238 : i32
      %multiple_of3A_240 = tpu.assume_multiple %add3A_239, 16 : i32
      %get3A_241 = arith.index_cast %multiple_of3A_240 : i32 to index
      %get3A_242 = tpu.vector_load %arg7[%get3A_241] {strides = array<i32>} : memref<2048xi32, #tpu.memory_space<vmem>>, vector<16xi32>,
      %and3A_243 = arith.constant 15 : i32
      %and3A_244 = arith.andi %add3A_236, %and3A_243 : i32
      %eq3A_245 = vector.broadcast %and3A_244 : i32 to vector<16xi32>
      %eq3A_246 = arith.cmpi eq, %iota3A, %eq3A_245 : vector<16xi32>
      %jit3A_247 = arith.constant 0 : i32
      %broadcast_in_dim3A_248 = vector.broadcast %jit3A_247 : i32 to vector<16xi32>
      %select_n3A_249 = arith.select %eq3A_246, %get3A_242, %broadcast_in_dim3A_248 : vector<16xi1>, vector<16xi32>
      %reduce_sum3A_250 = arith.constant true
      %reduce_sum3A_251 = vector.broadcast %reduce_sum3A_250 : i1 to vector<16xi1>
      %reduce_sum3A_252 = tpu.scan <sum>, %select_n3A_249 masked %reduce_sum3A_251 : vector<16xi32>, vector<16xi1> -> vector<16xi32>
      %reduce_sum3A_253 = vector.extract %reduce_sum3A_252[15] : i32 from vector<16xi32>
      %mul3A_254 = arith.constant 4 : i32
      %mul3A_255 = arith.muli %mul3A_254, %scan3A_215 : i32
      %add3A_256 = arith.constant 2 : i32
      %add3A_257 = arith.addi %mul3A_255, %add3A_256 : i32
      %and3A_258 = arith.constant -16 : i32
      %and3A_259 = arith.andi %add3A_257, %and3A_258 : i32
      %add3A_260 = arith.addi %multiple_of3A_203, %and3A_259 : i32
      %multiple_of3A_261 = tpu.assume_multiple %add3A_260, 16 : i32
      %get3A_262 = arith.index_cast %multiple_of3A_261 : i32 to index
      %get3A_263 = tpu.vector_load %arg7[%get3A_262] {strides = array<i32>} : memref<2048xi32, #tpu.memory_space<vmem>>, vector<16xi32>,
      %and3A_264 = arith.constant 15 : i32
      %and3A_265 = arith.andi %add3A_257, %and3A_264 : i32
      %eq3A_266 = vector.broadcast %and3A_265 : i32 to vector<16xi32>
      %eq3A_267 = arith.cmpi eq, %iota3A, %eq3A_266 : vector<16xi32>
      %jit3A_268 = arith.constant 0 : i32
      %broadcast_in_dim3A_269 = vector.broadcast %jit3A_268 : i32 to vector<16xi32>
      %select_n3A_270 = arith.select %eq3A_267, %get3A_263, %broadcast_in_dim3A_269 : vector<16xi1>, vector<16xi32>
      %reduce_sum3A_271 = arith.constant true
      %reduce_sum3A_272 = vector.broadcast %reduce_sum3A_271 : i1 to vector<16xi1>
      %reduce_sum3A_273 = tpu.scan <sum>, %select_n3A_270 masked %reduce_sum3A_272 : vector<16xi32>, vector<16xi1> -> vector<16xi32>
      %reduce_sum3A_274 = vector.extract %reduce_sum3A_273[15] : i32 from vector<16xi32>
      %mul3A_275 = arith.constant 4 : i32
      %mul3A_276 = arith.muli %mul3A_275, %scan3A_215 : i32
      %add3A_277 = arith.constant 3 : i32
      %add3A_278 = arith.addi %mul3A_276, %add3A_277 : i32
      %and3A_279 = arith.constant -16 : i32
      %and3A_280 = arith.andi %add3A_278, %and3A_279 : i32
      %add3A_281 = arith.addi %multiple_of3A_203, %and3A_280 : i32
      %multiple_of3A_282 = tpu.assume_multiple %add3A_281, 16 : i32
      %get3A_283 = arith.index_cast %multiple_of3A_282 : i32 to index
      %get3A_284 = tpu.vector_load %arg7[%get3A_283] {strides = array<i32>} : memref<2048xi32, #tpu.memory_space<vmem>>, vector<16xi32>,
      %and3A_285 = arith.constant 15 : i32
      %and3A_286 = arith.andi %add3A_278, %and3A_285 : i32
      %eq3A_287 = vector.broadcast %and3A_286 : i32 to vector<16xi32>
      %eq3A_288 = arith.cmpi eq, %iota3A, %eq3A_287 : vector<16xi32>
      %jit3A_289 = arith.constant 0 : i32
      %broadcast_in_dim3A_290 = vector.broadcast %jit3A_289 : i32 to vector<16xi32>
      %select_n3A_291 = arith.select %eq3A_288, %get3A_284, %broadcast_in_dim3A_290 : vector<16xi1>, vector<16xi32>
      %reduce_sum3A_292 = arith.constant true
      %reduce_sum3A_293 = vector.broadcast %reduce_sum3A_292 : i1 to vector<16xi1>
      %reduce_sum3A_294 = tpu.scan <sum>, %select_n3A_291 masked %reduce_sum3A_293 : vector<16xi32>, vector<16xi1> -> vector<16xi32>
      %reduce_sum3A_295 = vector.extract %reduce_sum3A_294[15] : i32 from vector<16xi32>
      %mul3A_296 = arith.constant 4 : i32
      %mul3A_297 = arith.muli %mul3A_296, %scan3A_215 : i32
      %add3A_298 = arith.constant 0 : i32
      %add3A_299 = arith.addi %mul3A_297, %add3A_298 : i32
      %mul3A_300 = arith.constant 64 : i32
      %mul3A_301 = arith.muli %reduce_sum3A_232, %mul3A_300 : i32
      %add3A_302 = arith.constant 0 : i32
      %add3A_303 = arith.addi %mul3A_301, %add3A_302 : i32
      %get3A_304 = arith.index_cast %add3A_303 : i32 to index
      %get3A_305 = tpu.vector_load %arg9[%get3A_304] {strides = array<i32>} : memref<100864xf32, #tpu.memory_space<vmem>>, vector<16xf32>,
      %add3A_306 = arith.constant 16 : i32
      %add3A_307 = arith.addi %mul3A_301, %add3A_306 : i32
      %get3A_308 = arith.index_cast %add3A_307 : i32 to index
      %get3A_309 = tpu.vector_load %arg9[%get3A_308] {strides = array<i32>} : memref<100864xf32, #tpu.memory_space<vmem>>, vector<16xf32>,
      %add3A_310 = arith.constant 32 : i32
      %add3A_311 = arith.addi %mul3A_301, %add3A_310 : i32
      %get3A_312 = arith.index_cast %add3A_311 : i32 to index
      %get3A_313 = tpu.vector_load %arg9[%get3A_312] {strides = array<i32>} : memref<100864xf32, #tpu.memory_space<vmem>>, vector<16xf32>,
      %add3A_314 = arith.constant 48 : i32
      %add3A_315 = arith.addi %mul3A_301, %add3A_314 : i32
      %get3A_316 = arith.index_cast %add3A_315 : i32 to index
      %get3A_317 = tpu.vector_load %arg9[%get3A_316] {strides = array<i32>} : memref<100864xf32, #tpu.memory_space<vmem>>, vector<16xf32>,
      %get3A_318 = arith.constant 0 : i32
      %get3A_319 = arith.index_cast %get3A_318 : i32 to index
      %get3A_320 = arith.index_cast %add3A_299 : i32 to index
      %get3A_321 = arith.constant 0 : index
      %get3A_322 = tpu.vector_load %arg8[%get3A_319, %get3A_320, %get3A_321] {strides = array<i32>} : memref<2x128x64xf32, #tpu.memory_space<vmem>>, vector<16xf32>,
      %get3A_323 = arith.constant 0 : i32
      %get3A_324 = arith.index_cast %get3A_323 : i32 to index
      %get3A_325 = arith.index_cast %add3A_299 : i32 to index
      %get3A_326 = arith.constant 16 : index
      %get3A_327 = tpu.vector_load %arg8[%get3A_324, %get3A_325, %get3A_326] {strides = array<i32>} : memref<2x128x64xf32, #tpu.memory_space<vmem>>, vector<16xf32>,
      %get3A_328 = arith.constant 0 : i32
      %get3A_329 = arith.index_cast %get3A_328 : i32 to index
      %get3A_330 = arith.index_cast %add3A_299 : i32 to index
      %get3A_331 = arith.constant 32 : index
      %get3A_332 = tpu.vector_load %arg8[%get3A_329, %get3A_330, %get3A_331] {strides = array<i32>} : memref<2x128x64xf32, #tpu.memory_space<vmem>>, vector<16xf32>,
      %get3A_333 = arith.constant 0 : i32
      %get3A_334 = arith.index_cast %get3A_333 : i32 to index
      %get3A_335 = arith.index_cast %add3A_299 : i32 to index
      %get3A_336 = arith.constant 48 : index
      %get3A_337 = tpu.vector_load %arg8[%get3A_334, %get3A_335, %get3A_336] {strides = array<i32>} : memref<2x128x64xf32, #tpu.memory_space<vmem>>, vector<16xf32>,
      %max3A = arith.maximumf %get3A_305, %get3A_322 : vector<16xf32>
      %add3A_338 = arith.constant 0 : i32
      %add3A_339 = arith.addi %mul3A_301, %add3A_338 : i32
      %swap3A = arith.index_cast %add3A_339 : i32 to index
      %swap3A_340 = tpu.vector_load %arg9[%swap3A] {strides = array<i32>} : memref<100864xf32, #tpu.memory_space<vmem>>, vector<16xf32>,
      tpu.vector_store %arg9[%swap3A], %max3A {strides = array<i32>} : memref<100864xf32, #tpu.memory_space<vmem>>, vector<16xf32>,
      %max3A_341 = arith.maximumf %get3A_309, %get3A_327 : vector<16xf32>
      %add3A_342 = arith.constant 16 : i32
      %add3A_343 = arith.addi %mul3A_301, %add3A_342 : i32
      %swap3A_344 = arith.index_cast %add3A_343 : i32 to index
      %swap3A_345 = tpu.vector_load %arg9[%swap3A_344] {strides = array<i32>} : memref<100864xf32, #tpu.memory_space<vmem>>, vector<16xf32>,
      tpu.vector_store %arg9[%swap3A_344], %max3A_341 {strides = array<i32>} : memref<100864xf32, #tpu.memory_space<vmem>>, vector<16xf32>,
      %max3A_346 = arith.maximumf %get3A_313, %get3A_332 : vector<16xf32>
      %add3A_347 = arith.constant 32 : i32
      %add3A_348 = arith.addi %mul3A_301, %add3A_347 : i32
      %swap3A_349 = arith.index_cast %add3A_348 : i32 to index
      %swap3A_350 = tpu.vector_load %arg9[%swap3A_349] {strides = array<i32>} : memref<100864xf32, #tpu.memory_space<vmem>>, vector<16xf32>,
      tpu.vector_store %arg9[%swap3A_349], %max3A_346 {strides = array<i32>} : memref<100864xf32, #tpu.memory_space<vmem>>, vector<16xf32>,
      %max3A_351 = arith.maximumf %get3A_317, %get3A_337 : vector<16xf32>
      %add3A_352 = arith.constant 48 : i32
      %add3A_353 = arith.addi %mul3A_301, %add3A_352 : i32
      %swap3A_354 = arith.index_cast %add3A_353 : i32 to index
      %swap3A_355 = tpu.vector_load %arg9[%swap3A_354] {strides = array<i32>} : memref<100864xf32, #tpu.memory_space<vmem>>, vector<16xf32>,
      tpu.vector_store %arg9[%swap3A_354], %max3A_351 {strides = array<i32>} : memref<100864xf32, #tpu.memory_space<vmem>>, vector<16xf32>,
      %mul3A_356 = arith.constant 4 : i32
      %mul3A_357 = arith.muli %mul3A_356, %scan3A_215 : i32
      %add3A_358 = arith.constant 1 : i32
      %add3A_359 = arith.addi %mul3A_357, %add3A_358 : i32
      %mul3A_360 = arith.constant 64 : i32
      %mul3A_361 = arith.muli %reduce_sum3A_253, %mul3A_360 : i32
      %add3A_362 = arith.constant 0 : i32
      %add3A_363 = arith.addi %mul3A_361, %add3A_362 : i32
      %get3A_364 = arith.index_cast %add3A_363 : i32 to index
      %get3A_365 = tpu.vector_load %arg9[%get3A_364] {strides = array<i32>} : memref<100864xf32, #tpu.memory_space<vmem>>, vector<16xf32>,
      %add3A_366 = arith.constant 16 : i32
      %add3A_367 = arith.addi %mul3A_361, %add3A_366 : i32
      %get3A_368 = arith.index_cast %add3A_367 : i32 to index
      %get3A_369 = tpu.vector_load %arg9[%get3A_368] {strides = array<i32>} : memref<100864xf32, #tpu.memory_space<vmem>>, vector<16xf32>,
      %add3A_370 = arith.constant 32 : i32
      %add3A_371 = arith.addi %mul3A_361, %add3A_370 : i32
      %get3A_372 = arith.index_cast %add3A_371 : i32 to index
      %get3A_373 = tpu.vector_load %arg9[%get3A_372] {strides = array<i32>} : memref<100864xf32, #tpu.memory_space<vmem>>, vector<16xf32>,
      %add3A_374 = arith.constant 48 : i32
      %add3A_375 = arith.addi %mul3A_361, %add3A_374 : i32
      %get3A_376 = arith.index_cast %add3A_375 : i32 to index
      %get3A_377 = tpu.vector_load %arg9[%get3A_376] {strides = array<i32>} : memref<100864xf32, #tpu.memory_space<vmem>>, vector<16xf32>,
      %get3A_378 = arith.constant 0 : i32
      %get3A_379 = arith.index_cast %get3A_378 : i32 to index
      %get3A_380 = arith.index_cast %add3A_359 : i32 to index
      %get3A_381 = arith.constant 0 : index
      %get3A_382 = tpu.vector_load %arg8[%get3A_379, %get3A_380, %get3A_381] {strides = array<i32>} : memref<2x128x64xf32, #tpu.memory_space<vmem>>, vector<16xf32>,
      %get3A_383 = arith.constant 0 : i32
      %get3A_384 = arith.index_cast %get3A_383 : i32 to index
      %get3A_385 = arith.index_cast %add3A_359 : i32 to index
      %get3A_386 = arith.constant 16 : index
      %get3A_387 = tpu.vector_load %arg8[%get3A_384, %get3A_385, %get3A_386] {strides = array<i32>} : memref<2x128x64xf32, #tpu.memory_space<vmem>>, vector<16xf32>,
      %get3A_388 = arith.constant 0 : i32
      %get3A_389 = arith.index_cast %get3A_388 : i32 to index
      %get3A_390 = arith.index_cast %add3A_359 : i32 to index
      %get3A_391 = arith.constant 32 : index
      %get3A_392 = tpu.vector_load %arg8[%get3A_389, %get3A_390, %get3A_391] {strides = array<i32>} : memref<2x128x64xf32, #tpu.memory_space<vmem>>, vector<16xf32>,
      %get3A_393 = arith.constant 0 : i32
      %get3A_394 = arith.index_cast %get3A_393 : i32 to index
      %get3A_395 = arith.index_cast %add3A_359 : i32 to index
      %get3A_396 = arith.constant 48 : index
      %get3A_397 = tpu.vector_load %arg8[%get3A_394, %get3A_395, %get3A_396] {strides = array<i32>} : memref<2x128x64xf32, #tpu.memory_space<vmem>>, vector<16xf32>,
      %max3A_398 = arith.maximumf %get3A_365, %get3A_382 : vector<16xf32>
      %add3A_399 = arith.constant 0 : i32
      %add3A_400 = arith.addi %mul3A_361, %add3A_399 : i32
      %swap3A_401 = arith.index_cast %add3A_400 : i32 to index
      %swap3A_402 = tpu.vector_load %arg9[%swap3A_401] {strides = array<i32>} : memref<100864xf32, #tpu.memory_space<vmem>>, vector<16xf32>,
      tpu.vector_store %arg9[%swap3A_401], %max3A_398 {strides = array<i32>} : memref<100864xf32, #tpu.memory_space<vmem>>, vector<16xf32>,
      %max3A_403 = arith.maximumf %get3A_369, %get3A_387 : vector<16xf32>
      %add3A_404 = arith.constant 16 : i32
      %add3A_405 = arith.addi %mul3A_361, %add3A_404 : i32
      %swap3A_406 = arith.index_cast %add3A_405 : i32 to index
      %swap3A_407 = tpu.vector_load %arg9[%swap3A_406] {strides = array<i32>} : memref<100864xf32, #tpu.memory_space<vmem>>, vector<16xf32>,
      tpu.vector_store %arg9[%swap3A_406], %max3A_403 {strides = array<i32>} : memref<100864xf32, #tpu.memory_space<vmem>>, vector<16xf32>,
      %max3A_408 = arith.maximumf %get3A_373, %get3A_392 : vector<16xf32>
      %add3A_409 = arith.constant 32 : i32
      %add3A_410 = arith.addi %mul3A_361, %add3A_409 : i32
      %swap3A_411 = arith.index_cast %add3A_410 : i32 to index
      %swap3A_412 = tpu.vector_load %arg9[%swap3A_411] {strides = array<i32>} : memref<100864xf32, #tpu.memory_space<vmem>>, vector<16xf32>,
      tpu.vector_store %arg9[%swap3A_411], %max3A_408 {strides = array<i32>} : memref<100864xf32, #tpu.memory_space<vmem>>, vector<16xf32>,
      %max3A_413 = arith.maximumf %get3A_377, %get3A_397 : vector<16xf32>
      %add3A_414 = arith.constant 48 : i32
      %add3A_415 = arith.addi %mul3A_361, %add3A_414 : i32
      %swap3A_416 = arith.index_cast %add3A_415 : i32 to index
      %swap3A_417 = tpu.vector_load %arg9[%swap3A_416] {strides = array<i32>} : memref<100864xf32, #tpu.memory_space<vmem>>, vector<16xf32>,
      tpu.vector_store %arg9[%swap3A_416], %max3A_413 {strides = array<i32>} : memref<100864xf32, #tpu.memory_space<vmem>>, vector<16xf32>,
      %mul3A_418 = arith.constant 4 : i32
      %mul3A_419 = arith.muli %mul3A_418, %scan3A_215 : i32
      %add3A_420 = arith.constant 2 : i32
      %add3A_421 = arith.addi %mul3A_419, %add3A_420 : i32
      %mul3A_422 = arith.constant 64 : i32
      %mul3A_423 = arith.muli %reduce_sum3A_274, %mul3A_422 : i32
      %add3A_424 = arith.constant 0 : i32
      %add3A_425 = arith.addi %mul3A_423, %add3A_424 : i32
      %get3A_426 = arith.index_cast %add3A_425 : i32 to index
      %get3A_427 = tpu.vector_load %arg9[%get3A_426] {strides = array<i32>} : memref<100864xf32, #tpu.memory_space<vmem>>, vector<16xf32>,
      %add3A_428 = arith.constant 16 : i32
      %add3A_429 = arith.addi %mul3A_423, %add3A_428 : i32
      %get3A_430 = arith.index_cast %add3A_429 : i32 to index
      %get3A_431 = tpu.vector_load %arg9[%get3A_430] {strides = array<i32>} : memref<100864xf32, #tpu.memory_space<vmem>>, vector<16xf32>,
      %add3A_432 = arith.constant 32 : i32
      %add3A_433 = arith.addi %mul3A_423, %add3A_432 : i32
      %get3A_434 = arith.index_cast %add3A_433 : i32 to index
      %get3A_435 = tpu.vector_load %arg9[%get3A_434] {strides = array<i32>} : memref<100864xf32, #tpu.memory_space<vmem>>, vector<16xf32>,
      %add3A_436 = arith.constant 48 : i32
      %add3A_437 = arith.addi %mul3A_423, %add3A_436 : i32
      %get3A_438 = arith.index_cast %add3A_437 : i32 to index
      %get3A_439 = tpu.vector_load %arg9[%get3A_438] {strides = array<i32>} : memref<100864xf32, #tpu.memory_space<vmem>>, vector<16xf32>,
      %get3A_440 = arith.constant 0 : i32
      %get3A_441 = arith.index_cast %get3A_440 : i32 to index
      %get3A_442 = arith.index_cast %add3A_421 : i32 to index
      %get3A_443 = arith.constant 0 : index
      %get3A_444 = tpu.vector_load %arg8[%get3A_441, %get3A_442, %get3A_443] {strides = array<i32>} : memref<2x128x64xf32, #tpu.memory_space<vmem>>, vector<16xf32>,
      %get3A_445 = arith.constant 0 : i32
      %get3A_446 = arith.index_cast %get3A_445 : i32 to index
      %get3A_447 = arith.index_cast %add3A_421 : i32 to index
      %get3A_448 = arith.constant 16 : index
      %get3A_449 = tpu.vector_load %arg8[%get3A_446, %get3A_447, %get3A_448] {strides = array<i32>} : memref<2x128x64xf32, #tpu.memory_space<vmem>>, vector<16xf32>,
      %get3A_450 = arith.constant 0 : i32
      %get3A_451 = arith.index_cast %get3A_450 : i32 to index
      %get3A_452 = arith.index_cast %add3A_421 : i32 to index
      %get3A_453 = arith.constant 32 : index
      %get3A_454 = tpu.vector_load %arg8[%get3A_451, %get3A_452, %get3A_453] {strides = array<i32>} : memref<2x128x64xf32, #tpu.memory_space<vmem>>, vector<16xf32>,
      %get3A_455 = arith.constant 0 : i32
      %get3A_456 = arith.index_cast %get3A_455 : i32 to index
      %get3A_457 = arith.index_cast %add3A_421 : i32 to index
      %get3A_458 = arith.constant 48 : index
      %get3A_459 = tpu.vector_load %arg8[%get3A_456, %get3A_457, %get3A_458] {strides = array<i32>} : memref<2x128x64xf32, #tpu.memory_space<vmem>>, vector<16xf32>,
      %max3A_460 = arith.maximumf %get3A_427, %get3A_444 : vector<16xf32>
      %add3A_461 = arith.constant 0 : i32
      %add3A_462 = arith.addi %mul3A_423, %add3A_461 : i32
      %swap3A_463 = arith.index_cast %add3A_462 : i32 to index
      %swap3A_464 = tpu.vector_load %arg9[%swap3A_463] {strides = array<i32>} : memref<100864xf32, #tpu.memory_space<vmem>>, vector<16xf32>,
      tpu.vector_store %arg9[%swap3A_463], %max3A_460 {strides = array<i32>} : memref<100864xf32, #tpu.memory_space<vmem>>, vector<16xf32>,
      %max3A_465 = arith.maximumf %get3A_431, %get3A_449 : vector<16xf32>
      %add3A_466 = arith.constant 16 : i32
      %add3A_467 = arith.addi %mul3A_423, %add3A_466 : i32
      %swap3A_468 = arith.index_cast %add3A_467 : i32 to index
      %swap3A_469 = tpu.vector_load %arg9[%swap3A_468] {strides = array<i32>} : memref<100864xf32, #tpu.memory_space<vmem>>, vector<16xf32>,
      tpu.vector_store %arg9[%swap3A_468], %max3A_465 {strides = array<i32>} : memref<100864xf32, #tpu.memory_space<vmem>>, vector<16xf32>,
      %max3A_470 = arith.maximumf %get3A_435, %get3A_454 : vector<16xf32>
      %add3A_471 = arith.constant 32 : i32
      %add3A_472 = arith.addi %mul3A_423, %add3A_471 : i32
      %swap3A_473 = arith.index_cast %add3A_472 : i32 to index
      %swap3A_474 = tpu.vector_load %arg9[%swap3A_473] {strides = array<i32>} : memref<100864xf32, #tpu.memory_space<vmem>>, vector<16xf32>,
      tpu.vector_store %arg9[%swap3A_473], %max3A_470 {strides = array<i32>} : memref<100864xf32, #tpu.memory_space<vmem>>, vector<16xf32>,
      %max3A_475 = arith.maximumf %get3A_439, %get3A_459 : vector<16xf32>
      %add3A_476 = arith.constant 48 : i32
      %add3A_477 = arith.addi %mul3A_423, %add3A_476 : i32
      %swap3A_478 = arith.index_cast %add3A_477 : i32 to index
      %swap3A_479 = tpu.vector_load %arg9[%swap3A_478] {strides = array<i32>} : memref<100864xf32, #tpu.memory_space<vmem>>, vector<16xf32>,
      tpu.vector_store %arg9[%swap3A_478], %max3A_475 {strides = array<i32>} : memref<100864xf32, #tpu.memory_space<vmem>>, vector<16xf32>,
      %mul3A_480 = arith.constant 4 : i32
      %mul3A_481 = arith.muli %mul3A_480, %scan3A_215 : i32
      %add3A_482 = arith.constant 3 : i32
      %add3A_483 = arith.addi %mul3A_481, %add3A_482 : i32
      %mul3A_484 = arith.constant 64 : i32
      %mul3A_485 = arith.muli %reduce_sum3A_295, %mul3A_484 : i32
      %add3A_486 = arith.constant 0 : i32
      %add3A_487 = arith.addi %mul3A_485, %add3A_486 : i32
      %get3A_488 = arith.index_cast %add3A_487 : i32 to index
      %get3A_489 = tpu.vector_load %arg9[%get3A_488] {strides = array<i32>} : memref<100864xf32, #tpu.memory_space<vmem>>, vector<16xf32>,
      %add3A_490 = arith.constant 16 : i32
      %add3A_491 = arith.addi %mul3A_485, %add3A_490 : i32
      %get3A_492 = arith.index_cast %add3A_491 : i32 to index
      %get3A_493 = tpu.vector_load %arg9[%get3A_492] {strides = array<i32>} : memref<100864xf32, #tpu.memory_space<vmem>>, vector<16xf32>,
      %add3A_494 = arith.constant 32 : i32
      %add3A_495 = arith.addi %mul3A_485, %add3A_494 : i32
      %get3A_496 = arith.index_cast %add3A_495 : i32 to index
      %get3A_497 = tpu.vector_load %arg9[%get3A_496] {strides = array<i32>} : memref<100864xf32, #tpu.memory_space<vmem>>, vector<16xf32>,
      %add3A_498 = arith.constant 48 : i32
      %add3A_499 = arith.addi %mul3A_485, %add3A_498 : i32
      %get3A_500 = arith.index_cast %add3A_499 : i32 to index
      %get3A_501 = tpu.vector_load %arg9[%get3A_500] {strides = array<i32>} : memref<100864xf32, #tpu.memory_space<vmem>>, vector<16xf32>,
      %get3A_502 = arith.constant 0 : i32
      %get3A_503 = arith.index_cast %get3A_502 : i32 to index
      %get3A_504 = arith.index_cast %add3A_483 : i32 to index
      %get3A_505 = arith.constant 0 : index
      %get3A_506 = tpu.vector_load %arg8[%get3A_503, %get3A_504, %get3A_505] {strides = array<i32>} : memref<2x128x64xf32, #tpu.memory_space<vmem>>, vector<16xf32>,
      %get3A_507 = arith.constant 0 : i32
      %get3A_508 = arith.index_cast %get3A_507 : i32 to index
      %get3A_509 = arith.index_cast %add3A_483 : i32 to index
      %get3A_510 = arith.constant 16 : index
      %get3A_511 = tpu.vector_load %arg8[%get3A_508, %get3A_509, %get3A_510] {strides = array<i32>} : memref<2x128x64xf32, #tpu.memory_space<vmem>>, vector<16xf32>,
      %get3A_512 = arith.constant 0 : i32
      %get3A_513 = arith.index_cast %get3A_512 : i32 to index
      %get3A_514 = arith.index_cast %add3A_483 : i32 to index
      %get3A_515 = arith.constant 32 : index
      %get3A_516 = tpu.vector_load %arg8[%get3A_513, %get3A_514, %get3A_515] {strides = array<i32>} : memref<2x128x64xf32, #tpu.memory_space<vmem>>, vector<16xf32>,
      %get3A_517 = arith.constant 0 : i32
      %get3A_518 = arith.index_cast %get3A_517 : i32 to index
      %get3A_519 = arith.index_cast %add3A_483 : i32 to index
      %get3A_520 = arith.constant 48 : index
      %get3A_521 = tpu.vector_load %arg8[%get3A_518, %get3A_519, %get3A_520] {strides = array<i32>} : memref<2x128x64xf32, #tpu.memory_space<vmem>>, vector<16xf32>,
      %max3A_522 = arith.maximumf %get3A_489, %get3A_506 : vector<16xf32>
      %add3A_523 = arith.constant 0 : i32
      %add3A_524 = arith.addi %mul3A_485, %add3A_523 : i32
      %swap3A_525 = arith.index_cast %add3A_524 : i32 to index
      %swap3A_526 = tpu.vector_load %arg9[%swap3A_525] {strides = array<i32>} : memref<100864xf32, #tpu.memory_space<vmem>>, vector<16xf32>,
      tpu.vector_store %arg9[%swap3A_525], %max3A_522 {strides = array<i32>} : memref<100864xf32, #tpu.memory_space<vmem>>, vector<16xf32>,
      %max3A_527 = arith.maximumf %get3A_493, %get3A_511 : vector<16xf32>
      %add3A_528 = arith.constant 16 : i32
      %add3A_529 = arith.addi %mul3A_485, %add3A_528 : i32
      %swap3A_530 = arith.index_cast %add3A_529 : i32 to index
      %swap3A_531 = tpu.vector_load %arg9[%swap3A_530] {strides = array<i32>} : memref<100864xf32, #tpu.memory_space<vmem>>, vector<16xf32>,
      tpu.vector_store %arg9[%swap3A_530], %max3A_527 {strides = array<i32>} : memref<100864xf32, #tpu.memory_space<vmem>>, vector<16xf32>,
      %max3A_532 = arith.maximumf %get3A_497, %get3A_516 : vector<16xf32>
      %add3A_533 = arith.constant 32 : i32
      %add3A_534 = arith.addi %mul3A_485, %add3A_533 : i32
      %swap3A_535 = arith.index_cast %add3A_534 : i32 to index
      %swap3A_536 = tpu.vector_load %arg9[%swap3A_535] {strides = array<i32>} : memref<100864xf32, #tpu.memory_space<vmem>>, vector<16xf32>,
      tpu.vector_store %arg9[%swap3A_535], %max3A_532 {strides = array<i32>} : memref<100864xf32, #tpu.memory_space<vmem>>, vector<16xf32>,
      %max3A_537 = arith.maximumf %get3A_501, %get3A_521 : vector<16xf32>
      %add3A_538 = arith.constant 48 : i32
      %add3A_539 = arith.addi %mul3A_485, %add3A_538 : i32
      %swap3A_540 = arith.index_cast %add3A_539 : i32 to index
      %swap3A_541 = tpu.vector_load %arg9[%swap3A_540] {strides = array<i32>} : memref<100864xf32, #tpu.memory_space<vmem>>, vector<16xf32>,
      tpu.vector_store %arg9[%swap3A_540], %max3A_537 {strides = array<i32>} : memref<100864xf32, #tpu.memory_space<vmem>>, vector<16xf32>,
      %scan3A_542 = arith.constant 0 : i32
      scf.yield %scan3A_542 : i32
    }
    %scan3A_210 = arith.constant 32 : i32
    %mul3A_211 = arith.constant 1568 : i32
    %mul3A_212 = arith.muli %add3A, %mul3A_211 : i32
    %mul3A_213 = arith.constant 64 : i32
    %mul3A_214 = arith.muli %mul3A_212, %mul3A_213 : i32
    "tpu.region"() ({
      %run_scoped3A = tpu.sem_alloc : memref<!tpu.dma_semaphore, #tpu.memory_space<semaphore_mem>>
      %dma_start3A_215 = arith.constant 0 : i32
      %dma_start3A_216 = tpu.memref_slice %arg9[%dma_start3A_215] : memref<100864xf32, #tpu.memory_space<vmem>> -> memref<100352xf32, #tpu.memory_space<vmem>>
      %dma_start3A_217 = tpu.memref_slice %arg4[%mul3A_214] : memref<3211264xf32, #tpu.memory_space<hbm>> -> memref<100352xf32, #tpu.memory_space<hbm>>
      %dma_start3A_218 = tpu.memref_slice %arg4[%mul3A_214] : memref<3211264xf32, #tpu.memory_space<hbm>> -> memref<100352xf32, #tpu.memory_space<hbm>>
      %dma_start3A_219 = arith.constant 0 : i32
      %dma_start3A_220 = tpu.memref_slice %arg9[%dma_start3A_219] : memref<100864xf32, #tpu.memory_space<vmem>> -> memref<100352xf32, #tpu.memory_space<vmem>>
      tpu.enqueue_dma source(%dma_start3A_220 : memref<100352xf32, #tpu.memory_space<vmem>>) target(%dma_start3A_218 : memref<100352xf32, #tpu.memory_space<hbm>>) target_semaphore(%run_scoped3A : memref<!tpu.dma_semaphore, #tpu.memory_space<semaphore_mem>>)
      %dma_wait3A_221 = arith.constant 0 : i32
      %dma_wait3A_222 = tpu.memref_slice %arg9[%dma_wait3A_221] : memref<100864xf32, #tpu.memory_space<vmem>> -> memref<100352xf32, #tpu.memory_space<vmem>>
      %dma_wait3A_223 = tpu.memref_slice %arg4[%mul3A_214] : memref<3211264xf32, #tpu.memory_space<hbm>> -> memref<100352xf32, #tpu.memory_space<hbm>>
      %dma_wait3A_224 = tpu.memref_slice %arg4[%mul3A_214] : memref<3211264xf32, #tpu.memory_space<hbm>> -> memref<100352xf32, #tpu.memory_space<hbm>>
      %dma_wait3A_225 = arith.constant 0 : i32
      %dma_wait3A_226 = tpu.memref_slice %arg9[%dma_wait3A_225] : memref<100864xf32, #tpu.memory_space<vmem>> -> memref<100352xf32, #tpu.memory_space<vmem>>
      tpu.wait_dma2 semaphore(%run_scoped3A : memref<!tpu.dma_semaphore, #tpu.memory_space<semaphore_mem>>) src(%dma_wait3A_226 : memref<100352xf32, #tpu.memory_space<vmem>>) dst(%dma_wait3A_224 : memref<100352xf32, #tpu.memory_space<hbm>>)
      tpu.yield
    }) : () -> ()
    return
  }
}

module attributes {stable_mosaic.version = 14 : i64} {
  func.func @_edge_mlp_body(%arg0: i32, %arg1: memref<400x128xf32, #tpu.memory_space<vmem>>, %arg2: memref<400x128xf32, #tpu.memory_space<vmem>>, %arg3: memref<128x512xf32, #tpu.memory_space<vmem>>, %arg4: memref<1x512xf32, #tpu.memory_space<vmem>>, %arg5: memref<64x64xf32, #tpu.memory_space<vmem>>, %arg6: memref<1x64xf32, #tpu.memory_space<vmem>>, %arg7: memref<4x400x128xf32, #tpu.memory_space<vmem>>) attributes {dimension_semantics = [#tpu.dimension_semantics<arbitrary>], iteration_bounds = array<i64: 250>, scalar_prefetch = 0 : i64, scratch_operands = 0 : i64, tpu.core_type = #tpu.core_type<tc>, window_params = [{transform_indices = @transform_0, window_bounds = array<i64: 400, 128>}, {transform_indices = @transform_1, window_bounds = array<i64: 400, 128>}, {pipeline_mode = #tpu.pipeline_mode<synchronous>, transform_indices = @transform_2, window_bounds = array<i64: 128, 512>}, {pipeline_mode = #tpu.pipeline_mode<synchronous>, transform_indices = @transform_3, window_bounds = array<i64: 1, 512>}, {pipeline_mode = #tpu.pipeline_mode<synchronous>, transform_indices = @transform_4, window_bounds = array<i64: 64, 64>}, {pipeline_mode = #tpu.pipeline_mode<synchronous>, transform_indices = @transform_5, window_bounds = array<i64: 1, 64>}, {transform_indices = @transform_6, window_bounds = array<i64: 4, 400, 128>}]} {
    %iota3A = tpu.iota {dimensions = array<i32: 1>} : vector<400x128xi32>
    %jit3A = arith.constant 16 : i32
    %eq3A = arith.constant 0 : i32
    %eq3A_0 = arith.cmpi eq, %jit3A, %eq3A : i32
    %jit3A_1 = arith.constant 1 : i32
    %select_n3A = arith.select %eq3A_0, %jit3A_1, %jit3A : i32
    %rem3A = vector.broadcast %select_n3A : i32 to vector<400x128xi32>
    %rem3A_2 = arith.remsi %iota3A, %rem3A : vector<400x128xi32>
    %ne3A = arith.constant 0 : i32
    %ne3A_3 = vector.broadcast %ne3A : i32 to vector<400x128xi32>
    %ne3A_4 = arith.cmpi ne, %rem3A_2, %ne3A_3 : vector<400x128xi32>
    %lt3A = arith.constant 0 : i32
    %lt3A_5 = vector.broadcast %lt3A : i32 to vector<400x128xi32>
    %lt3A_6 = arith.cmpi slt, %rem3A_2, %lt3A_5 : vector<400x128xi32>
    %lt3A_7 = arith.constant 0 : i32
    %lt3A_8 = arith.cmpi slt, %select_n3A, %lt3A_7 : i32
    %ne3A_9 = vector.broadcast %lt3A_8 : i1 to vector<400x128xi1>
    %ne3A_10 = vector.broadcast %ne3A_9 : vector<400x128xi1> to vector<400x128xi1>
    %ne3A_11 = arith.xori %lt3A_6, %ne3A_10 : vector<400x128xi1>
    %and3A = arith.andi %ne3A_11, %ne3A_4 : vector<400x128xi1>
    %add3A = vector.broadcast %select_n3A : i32 to vector<400x128xi32>
    %add3A_12 = arith.addi %rem3A_2, %add3A : vector<400x128xi32>
    %select_n3A_13 = arith.select %and3A, %add3A_12, %rem3A_2 : vector<400x128xi1>, vector<400x128xi32>
    %ge3A = arith.constant 3 : i32
    %ge3A_14 = vector.broadcast %ge3A : i32 to vector<400x128xi32>
    %ge3A_15 = arith.cmpi sge, %select_n3A_13, %ge3A_14 : vector<400x128xi32>
    %lt3A_16 = arith.constant 6 : i32
    %lt3A_17 = vector.broadcast %lt3A_16 : i32 to vector<400x128xi32>
    %lt3A_18 = arith.cmpi slt, %select_n3A_13, %lt3A_17 : vector<400x128xi32>
    %and3A_19 = arith.andi %ge3A_15, %lt3A_18 : vector<400x128xi1>
    %get3A = arith.constant 0 : index
    %get3A_20 = arith.constant 0 : index
    %get3A_21 = vector.load %arg1[%get3A, %get3A_20] : memref<400x128xf32, #tpu.memory_space<vmem>>, vector<400x128xf32>
    %get3A_22 = arith.constant 0 : index
    %get3A_23 = arith.constant 0 : index
    %get3A_24 = vector.load %arg2[%get3A_22, %get3A_23] : memref<400x128xf32, #tpu.memory_space<vmem>>, vector<400x128xf32>
    %jit3A_25 = arith.constant 0.000000e+00 : f32
    %broadcast_in_dim3A = vector.broadcast %jit3A_25 : f32 to vector<400x128xf32>
    %select_n3A_26 = arith.select %and3A_19, %get3A_24, %broadcast_in_dim3A : vector<400x128xi1>, vector<400x128xf32>
    %sub3A = arith.subf %get3A_21, %select_n3A_26 : vector<400x128xf32>
    %get3A_27 = arith.constant 0 : index
    %get3A_28 = arith.constant 0 : index
    %get3A_29 = vector.load %arg3[%get3A_27, %get3A_28] : memref<128x512xf32, #tpu.memory_space<vmem>>, vector<128x512xf32>
    %dot_general3A = arith.constant dense<0.000000e+00> : vector<400x512xf32>
    %dot_general3A_30 = tpu.matmul %sub3A, %get3A_29, %dot_general3A {dimension_numbers = #tpu.dot_dimension_numbers<[1], [0], [0], [1], [0, 0, 1, 1], [], []>, transpose_lhs_hint = false} : vector<400x128xf32>, vector<128x512xf32>, vector<400x512xf32> -> vector<400x512xf32>
    %get3A_31 = arith.constant 0 : index
    %get3A_32 = arith.constant 0 : index
    %get3A_33 = vector.load %arg4[%get3A_31, %get3A_32] : memref<1x512xf32, #tpu.memory_space<vmem>>, vector<1x512xf32>
    %add3A_34 = vector.broadcast %get3A_33 : vector<1x512xf32> to vector<400x512xf32>
    %add3A_35 = arith.addf %dot_general3A_30, %add3A_34 : vector<400x512xf32>
    %gt3A = arith.constant 0.000000e+00 : f32
    %gt3A_36 = vector.broadcast %gt3A : f32 to vector<400x512xf32>
    %gt3A_37 = arith.cmpf ogt, %add3A_35, %gt3A_36 : vector<400x512xf32>
    %exp3A = math.exp %add3A_35 : vector<400x512xf32>
    %sub3A_38 = arith.constant 1.000000e+00 : f32
    %sub3A_39 = vector.broadcast %sub3A_38 : f32 to vector<400x512xf32>
    %sub3A_40 = arith.subf %exp3A, %sub3A_39 : vector<400x512xf32>
    %select_n3A_41 = arith.select %gt3A_37, %add3A_35, %sub3A_40 : vector<400x512xi1>, vector<400x512xf32>
    %get3A_42 = arith.constant 0 : index
    %get3A_43 = arith.constant 0 : index
    %get3A_44 = vector.load %arg5[%get3A_42, %get3A_43] : memref<64x64xf32, #tpu.memory_space<vmem>>, vector<64x64xf32>
    %get3A_45 = arith.constant 0 : index
    %get3A_46 = arith.constant 0 : index
    %get3A_47 = vector.load %arg6[%get3A_45, %get3A_46] : memref<1x64xf32, #tpu.memory_space<vmem>>, vector<1x64xf32>
    %slice3A = vector.extract_strided_slice %select_n3A_41 {offsets = [0, 0], sizes = [400, 64], strides = [1, 1]} : vector<400x512xf32> to vector<400x64xf32>
    %dot_general3A_48 = arith.constant dense<0.000000e+00> : vector<400x64xf32>
    %dot_general3A_49 = tpu.matmul %slice3A, %get3A_44, %dot_general3A_48 {dimension_numbers = #tpu.dot_dimension_numbers<[1], [0], [0], [1], [0, 0, 1, 1], [], []>, transpose_lhs_hint = false} : vector<400x64xf32>, vector<64x64xf32>, vector<400x64xf32> -> vector<400x64xf32>
    %add3A_50 = vector.broadcast %get3A_47 : vector<1x64xf32> to vector<400x64xf32>
    %add3A_51 = arith.addf %dot_general3A_49, %add3A_50 : vector<400x64xf32>
    %max3A = arith.constant 0.000000e+00 : f32
    %max3A_52 = vector.broadcast %max3A : f32 to vector<400x64xf32>
    %max3A_53 = arith.maximumf %add3A_51, %max3A_52 : vector<400x64xf32>
    %slice3A_54 = vector.extract_strided_slice %select_n3A_41 {offsets = [0, 64], sizes = [400, 64], strides = [1, 1]} : vector<400x512xf32> to vector<400x64xf32>
    %dot_general3A_55 = arith.constant dense<0.000000e+00> : vector<400x64xf32>
    %dot_general3A_56 = tpu.matmul %slice3A_54, %get3A_44, %dot_general3A_55 {dimension_numbers = #tpu.dot_dimension_numbers<[1], [0], [0], [1], [0, 0, 1, 1], [], []>, transpose_lhs_hint = false} : vector<400x64xf32>, vector<64x64xf32>, vector<400x64xf32> -> vector<400x64xf32>
    %add3A_57 = vector.broadcast %get3A_47 : vector<1x64xf32> to vector<400x64xf32>
    %add3A_58 = arith.addf %dot_general3A_56, %add3A_57 : vector<400x64xf32>
    %max3A_59 = arith.constant 0.000000e+00 : f32
    %max3A_60 = vector.broadcast %max3A_59 : f32 to vector<400x64xf32>
    %max3A_61 = arith.maximumf %add3A_58, %max3A_60 : vector<400x64xf32>
    %slice3A_62 = vector.extract_strided_slice %select_n3A_41 {offsets = [0, 128], sizes = [400, 64], strides = [1, 1]} : vector<400x512xf32> to vector<400x64xf32>
    %dot_general3A_63 = arith.constant dense<0.000000e+00> : vector<400x64xf32>
    %dot_general3A_64 = tpu.matmul %slice3A_62, %get3A_44, %dot_general3A_63 {dimension_numbers = #tpu.dot_dimension_numbers<[1], [0], [0], [1], [0, 0, 1, 1], [], []>, transpose_lhs_hint = false} : vector<400x64xf32>, vector<64x64xf32>, vector<400x64xf32> -> vector<400x64xf32>
    %add3A_65 = vector.broadcast %get3A_47 : vector<1x64xf32> to vector<400x64xf32>
    %add3A_66 = arith.addf %dot_general3A_64, %add3A_65 : vector<400x64xf32>
    %max3A_67 = arith.constant 0.000000e+00 : f32
    %max3A_68 = vector.broadcast %max3A_67 : f32 to vector<400x64xf32>
    %max3A_69 = arith.maximumf %add3A_66, %max3A_68 : vector<400x64xf32>
    %slice3A_70 = vector.extract_strided_slice %select_n3A_41 {offsets = [0, 192], sizes = [400, 64], strides = [1, 1]} : vector<400x512xf32> to vector<400x64xf32>
    %dot_general3A_71 = arith.constant dense<0.000000e+00> : vector<400x64xf32>
    %dot_general3A_72 = tpu.matmul %slice3A_70, %get3A_44, %dot_general3A_71 {dimension_numbers = #tpu.dot_dimension_numbers<[1], [0], [0], [1], [0, 0, 1, 1], [], []>, transpose_lhs_hint = false} : vector<400x64xf32>, vector<64x64xf32>, vector<400x64xf32> -> vector<400x64xf32>
    %add3A_73 = vector.broadcast %get3A_47 : vector<1x64xf32> to vector<400x64xf32>
    %add3A_74 = arith.addf %dot_general3A_72, %add3A_73 : vector<400x64xf32>
    %max3A_75 = arith.constant 0.000000e+00 : f32
    %max3A_76 = vector.broadcast %max3A_75 : f32 to vector<400x64xf32>
    %max3A_77 = arith.maximumf %add3A_74, %max3A_76 : vector<400x64xf32>
    %slice3A_78 = vector.extract_strided_slice %select_n3A_41 {offsets = [0, 256], sizes = [400, 64], strides = [1, 1]} : vector<400x512xf32> to vector<400x64xf32>
    %dot_general3A_79 = arith.constant dense<0.000000e+00> : vector<400x64xf32>
    %dot_general3A_80 = tpu.matmul %slice3A_78, %get3A_44, %dot_general3A_79 {dimension_numbers = #tpu.dot_dimension_numbers<[1], [0], [0], [1], [0, 0, 1, 1], [], []>, transpose_lhs_hint = false} : vector<400x64xf32>, vector<64x64xf32>, vector<400x64xf32> -> vector<400x64xf32>
    %add3A_81 = vector.broadcast %get3A_47 : vector<1x64xf32> to vector<400x64xf32>
    %add3A_82 = arith.addf %dot_general3A_80, %add3A_81 : vector<400x64xf32>
    %max3A_83 = arith.constant 0.000000e+00 : f32
    %max3A_84 = vector.broadcast %max3A_83 : f32 to vector<400x64xf32>
    %max3A_85 = arith.maximumf %add3A_82, %max3A_84 : vector<400x64xf32>
    %slice3A_86 = vector.extract_strided_slice %select_n3A_41 {offsets = [0, 320], sizes = [400, 64], strides = [1, 1]} : vector<400x512xf32> to vector<400x64xf32>
    %dot_general3A_87 = arith.constant dense<0.000000e+00> : vector<400x64xf32>
    %dot_general3A_88 = tpu.matmul %slice3A_86, %get3A_44, %dot_general3A_87 {dimension_numbers = #tpu.dot_dimension_numbers<[1], [0], [0], [1], [0, 0, 1, 1], [], []>, transpose_lhs_hint = false} : vector<400x64xf32>, vector<64x64xf32>, vector<400x64xf32> -> vector<400x64xf32>
    %add3A_89 = vector.broadcast %get3A_47 : vector<1x64xf32> to vector<400x64xf32>
    %add3A_90 = arith.addf %dot_general3A_88, %add3A_89 : vector<400x64xf32>
    %max3A_91 = arith.constant 0.000000e+00 : f32
    %max3A_92 = vector.broadcast %max3A_91 : f32 to vector<400x64xf32>
    %max3A_93 = arith.maximumf %add3A_90, %max3A_92 : vector<400x64xf32>
    %slice3A_94 = vector.extract_strided_slice %select_n3A_41 {offsets = [0, 384], sizes = [400, 64], strides = [1, 1]} : vector<400x512xf32> to vector<400x64xf32>
    %dot_general3A_95 = arith.constant dense<0.000000e+00> : vector<400x64xf32>
    %dot_general3A_96 = tpu.matmul %slice3A_94, %get3A_44, %dot_general3A_95 {dimension_numbers = #tpu.dot_dimension_numbers<[1], [0], [0], [1], [0, 0, 1, 1], [], []>, transpose_lhs_hint = false} : vector<400x64xf32>, vector<64x64xf32>, vector<400x64xf32> -> vector<400x64xf32>
    %add3A_97 = vector.broadcast %get3A_47 : vector<1x64xf32> to vector<400x64xf32>
    %add3A_98 = arith.addf %dot_general3A_96, %add3A_97 : vector<400x64xf32>
    %max3A_99 = arith.constant 0.000000e+00 : f32
    %max3A_100 = vector.broadcast %max3A_99 : f32 to vector<400x64xf32>
    %max3A_101 = arith.maximumf %add3A_98, %max3A_100 : vector<400x64xf32>
    %slice3A_102 = vector.extract_strided_slice %select_n3A_41 {offsets = [0, 448], sizes = [400, 64], strides = [1, 1]} : vector<400x512xf32> to vector<400x64xf32>
    %dot_general3A_103 = arith.constant dense<0.000000e+00> : vector<400x64xf32>
    %dot_general3A_104 = tpu.matmul %slice3A_102, %get3A_44, %dot_general3A_103 {dimension_numbers = #tpu.dot_dimension_numbers<[1], [0], [0], [1], [0, 0, 1, 1], [], []>, transpose_lhs_hint = false} : vector<400x64xf32>, vector<64x64xf32>, vector<400x64xf32> -> vector<400x64xf32>
    %add3A_105 = vector.broadcast %get3A_47 : vector<1x64xf32> to vector<400x64xf32>
    %add3A_106 = arith.addf %dot_general3A_104, %add3A_105 : vector<400x64xf32>
    %max3A_107 = arith.constant 0.000000e+00 : f32
    %max3A_108 = vector.broadcast %max3A_107 : f32 to vector<400x64xf32>
    %max3A_109 = arith.maximumf %add3A_106, %max3A_108 : vector<400x64xf32>
    %concatenate3A = tpu.concatenate %max3A_53, %max3A_61 in 1 : vector<400x64xf32>, vector<400x64xf32> -> vector<400x128xf32>
    %swap3A = arith.constant 0 : index
    %swap3A_110 = arith.constant 0 : index
    %swap3A_111 = arith.constant 0 : index
    %swap3A_112 = vector.load %arg7[%swap3A, %swap3A_110, %swap3A_111] : memref<4x400x128xf32, #tpu.memory_space<vmem>>, vector<1x400x128xf32>
    %swap3A_113 = vector.shape_cast %swap3A_112 : vector<1x400x128xf32> to vector<400x128xf32>
    %swap3A_114 = vector.shape_cast %concatenate3A : vector<400x128xf32> to vector<1x400x128xf32>
    tpu.vector_store %arg7[%swap3A, %swap3A_110, %swap3A_111], %swap3A_114 {strides = array<i32>} : memref<4x400x128xf32, #tpu.memory_space<vmem>>, vector<1x400x128xf32>,
    %concatenate3A_115 = tpu.concatenate %max3A_69, %max3A_77 in 1 : vector<400x64xf32>, vector<400x64xf32> -> vector<400x128xf32>
    %swap3A_116 = arith.constant 1 : index
    %swap3A_117 = arith.constant 0 : index
    %swap3A_118 = arith.constant 0 : index
    %swap3A_119 = vector.load %arg7[%swap3A_116, %swap3A_117, %swap3A_118] : memref<4x400x128xf32, #tpu.memory_space<vmem>>, vector<1x400x128xf32>
    %swap3A_120 = vector.shape_cast %swap3A_119 : vector<1x400x128xf32> to vector<400x128xf32>
    %swap3A_121 = vector.shape_cast %concatenate3A_115 : vector<400x128xf32> to vector<1x400x128xf32>
    tpu.vector_store %arg7[%swap3A_116, %swap3A_117, %swap3A_118], %swap3A_121 {strides = array<i32>} : memref<4x400x128xf32, #tpu.memory_space<vmem>>, vector<1x400x128xf32>,
    %concatenate3A_122 = tpu.concatenate %max3A_85, %max3A_93 in 1 : vector<400x64xf32>, vector<400x64xf32> -> vector<400x128xf32>
    %swap3A_123 = arith.constant 2 : index
    %swap3A_124 = arith.constant 0 : index
    %swap3A_125 = arith.constant 0 : index
    %swap3A_126 = vector.load %arg7[%swap3A_123, %swap3A_124, %swap3A_125] : memref<4x400x128xf32, #tpu.memory_space<vmem>>, vector<1x400x128xf32>
    %swap3A_127 = vector.shape_cast %swap3A_126 : vector<1x400x128xf32> to vector<400x128xf32>
    %swap3A_128 = vector.shape_cast %concatenate3A_122 : vector<400x128xf32> to vector<1x400x128xf32>
    tpu.vector_store %arg7[%swap3A_123, %swap3A_124, %swap3A_125], %swap3A_128 {strides = array<i32>} : memref<4x400x128xf32, #tpu.memory_space<vmem>>, vector<1x400x128xf32>,
    %concatenate3A_129 = tpu.concatenate %max3A_101, %max3A_109 in 1 : vector<400x64xf32>, vector<400x64xf32> -> vector<400x128xf32>
    %swap3A_130 = arith.constant 3 : index
    %swap3A_131 = arith.constant 0 : index
    %swap3A_132 = arith.constant 0 : index
    %swap3A_133 = vector.load %arg7[%swap3A_130, %swap3A_131, %swap3A_132] : memref<4x400x128xf32, #tpu.memory_space<vmem>>, vector<1x400x128xf32>
    %swap3A_134 = vector.shape_cast %swap3A_133 : vector<1x400x128xf32> to vector<400x128xf32>
    %swap3A_135 = vector.shape_cast %concatenate3A_129 : vector<400x128xf32> to vector<1x400x128xf32>
    tpu.vector_store %arg7[%swap3A_130, %swap3A_131, %swap3A_132], %swap3A_135 {strides = array<i32>} : memref<4x400x128xf32, #tpu.memory_space<vmem>>, vector<1x400x128xf32>,
    return
  }
  func.func @transform_0(%arg0: i32) -> (i32, i32) {
    %c0_i32 = arith.constant 0 : i32
    %c0_i32_0 = arith.constant 0 : i32
    return %arg0, %c0_i32 : i32, i32
  }
  func.func @transform_1(%arg0: i32) -> (i32, i32) {
    %add3A = arith.constant 250 : i32
    %add3A_0 = arith.addi %arg0, %add3A : i32
    %c0_i32 = arith.constant 0 : i32
    %c0_i32_1 = arith.constant 0 : i32
    return %add3A_0, %c0_i32 : i32, i32
  }
  func.func @transform_2(%arg0: i32) -> (i32, i32) {
    %c0_i32 = arith.constant 0 : i32
    %c0_i32_0 = arith.constant 0 : i32
    %c0_i32_1 = arith.constant 0 : i32
    return %c0_i32, %c0_i32_0 : i32, i32
  }
  func.func @transform_3(%arg0: i32) -> (i32, i32) {
    %c0_i32 = arith.constant 0 : i32
    %c0_i32_0 = arith.constant 0 : i32
    %c0_i32_1 = arith.constant 0 : i32
    return %c0_i32, %c0_i32_0 : i32, i32
  }
  func.func @transform_4(%arg0: i32) -> (i32, i32) {
    %c0_i32 = arith.constant 0 : i32
    %c0_i32_0 = arith.constant 0 : i32
    %c0_i32_1 = arith.constant 0 : i32
    return %c0_i32, %c0_i32_0 : i32, i32
  }
  func.func @transform_5(%arg0: i32) -> (i32, i32) {
    %c0_i32 = arith.constant 0 : i32
    %c0_i32_0 = arith.constant 0 : i32
    %c0_i32_1 = arith.constant 0 : i32
    return %c0_i32, %c0_i32_0 : i32, i32
  }
  func.func @transform_6(%arg0: i32) -> (i32, i32, i32) {
    %c0_i32 = arith.constant 0 : i32
    %c0_i32_0 = arith.constant 0 : i32
    %c0_i32_1 = arith.constant 0 : i32
    return %c0_i32, %arg0, %c0_i32_0 : i32, i32, i32
  }
}

module attributes {stable_mosaic.version = 14 : i64} {
  func.func @_update_body(%arg0: i32, %arg1: memref<784x128xf32, #tpu.memory_space<vmem>>, %arg2: memref<784x6xf32, #tpu.memory_space<vmem>>, %arg3: memref<64x64xf32, #tpu.memory_space<vmem>>, %arg4: memref<3x64xf32, #tpu.memory_space<vmem>>, %arg5: memref<1x64xf32, #tpu.memory_space<vmem>>, %arg6: memref<64x64xf32, #tpu.memory_space<vmem>>, %arg7: memref<1x64xf32, #tpu.memory_space<vmem>>, %arg8: memref<784x128xf32, #tpu.memory_space<vmem>>) attributes {dimension_semantics = [#tpu.dimension_semantics<arbitrary>], iteration_bounds = array<i64: 32>, scalar_prefetch = 0 : i64, scratch_operands = 0 : i64, tpu.core_type = #tpu.core_type<tc>, window_params = [{transform_indices = @transform_0, window_bounds = array<i64: 784, 128>}, {transform_indices = @transform_1, window_bounds = array<i64: 784, 6>}, {pipeline_mode = #tpu.pipeline_mode<synchronous>, transform_indices = @transform_2, window_bounds = array<i64: 64, 64>}, {pipeline_mode = #tpu.pipeline_mode<synchronous>, transform_indices = @transform_3, window_bounds = array<i64: 3, 64>}, {pipeline_mode = #tpu.pipeline_mode<synchronous>, transform_indices = @transform_4, window_bounds = array<i64: 1, 64>}, {pipeline_mode = #tpu.pipeline_mode<synchronous>, transform_indices = @transform_5, window_bounds = array<i64: 64, 64>}, {pipeline_mode = #tpu.pipeline_mode<synchronous>, transform_indices = @transform_6, window_bounds = array<i64: 1, 64>}, {transform_indices = @transform_7, window_bounds = array<i64: 784, 128>}]} {
    %get3A = arith.constant 0 : index
    %get3A_0 = arith.constant 0 : index
    %get3A_1 = vector.load %arg1[%get3A, %get3A_0] : memref<784x128xf32, #tpu.memory_space<vmem>>, vector<784x128xf32>
    %get3A_2 = arith.constant 0 : index
    %get3A_3 = arith.constant 0 : index
    %get3A_4 = vector.load %arg2[%get3A_2, %get3A_3] : memref<784x6xf32, #tpu.memory_space<vmem>>, vector<784x6xf32>
    %get3A_5 = arith.constant 0 : index
    %get3A_6 = arith.constant 0 : index
    %get3A_7 = vector.load %arg3[%get3A_5, %get3A_6] : memref<64x64xf32, #tpu.memory_space<vmem>>, vector<64x64xf32>
    %get3A_8 = arith.constant 0 : index
    %get3A_9 = arith.constant 0 : index
    %get3A_10 = vector.load %arg4[%get3A_8, %get3A_9] : memref<3x64xf32, #tpu.memory_space<vmem>>, vector<3x64xf32>
    %get3A_11 = arith.constant 0 : index
    %get3A_12 = arith.constant 0 : index
    %get3A_13 = vector.load %arg5[%get3A_11, %get3A_12] : memref<1x64xf32, #tpu.memory_space<vmem>>, vector<1x64xf32>
    %get3A_14 = arith.constant 0 : index
    %get3A_15 = arith.constant 0 : index
    %get3A_16 = vector.load %arg6[%get3A_14, %get3A_15] : memref<64x64xf32, #tpu.memory_space<vmem>>, vector<64x64xf32>
    %get3A_17 = arith.constant 0 : index
    %get3A_18 = arith.constant 0 : index
    %get3A_19 = vector.load %arg7[%get3A_17, %get3A_18] : memref<1x64xf32, #tpu.memory_space<vmem>>, vector<1x64xf32>
    %slice3A = vector.extract_strided_slice %get3A_1 {offsets = [0, 0], sizes = [784, 64], strides = [1, 1]} : vector<784x128xf32> to vector<784x64xf32>
    %dot_general3A = arith.constant dense<0.000000e+00> : vector<784x64xf32>
    %dot_general3A_20 = tpu.matmul %slice3A, %get3A_7, %dot_general3A {dimension_numbers = #tpu.dot_dimension_numbers<[1], [0], [0], [1], [0, 0, 1, 1], [], []>, transpose_lhs_hint = false} : vector<784x64xf32>, vector<64x64xf32>, vector<784x64xf32> -> vector<784x64xf32>
    %slice3A_21 = vector.extract_strided_slice %get3A_4 {offsets = [0, 0], sizes = [784, 3], strides = [1, 1]} : vector<784x6xf32> to vector<784x3xf32>
    %dot_general3A_22 = arith.constant dense<0.000000e+00> : vector<784x64xf32>
    %dot_general3A_23 = tpu.matmul %slice3A_21, %get3A_10, %dot_general3A_22 {dimension_numbers = #tpu.dot_dimension_numbers<[1], [0], [0], [1], [0, 0, 1, 1], [], []>, transpose_lhs_hint = false} : vector<784x3xf32>, vector<3x64xf32>, vector<784x64xf32> -> vector<784x64xf32>
    %add3A = arith.addf %dot_general3A_20, %dot_general3A_23 : vector<784x64xf32>
    %add3A_24 = vector.broadcast %get3A_13 : vector<1x64xf32> to vector<784x64xf32>
    %add3A_25 = arith.addf %add3A, %add3A_24 : vector<784x64xf32>
    %gt3A = arith.constant 0.000000e+00 : f32
    %gt3A_26 = vector.broadcast %gt3A : f32 to vector<784x64xf32>
    %gt3A_27 = arith.cmpf ogt, %add3A_25, %gt3A_26 : vector<784x64xf32>
    %exp3A = math.exp %add3A_25 : vector<784x64xf32>
    %sub3A = arith.constant 1.000000e+00 : f32
    %sub3A_28 = vector.broadcast %sub3A : f32 to vector<784x64xf32>
    %sub3A_29 = arith.subf %exp3A, %sub3A_28 : vector<784x64xf32>
    %select_n3A = arith.select %gt3A_27, %add3A_25, %sub3A_29 : vector<784x64xi1>, vector<784x64xf32>
    %dot_general3A_30 = arith.constant dense<0.000000e+00> : vector<784x64xf32>
    %dot_general3A_31 = tpu.matmul %select_n3A, %get3A_16, %dot_general3A_30 {dimension_numbers = #tpu.dot_dimension_numbers<[1], [0], [0], [1], [0, 0, 1, 1], [], []>, transpose_lhs_hint = false} : vector<784x64xf32>, vector<64x64xf32>, vector<784x64xf32> -> vector<784x64xf32>
    %add3A_32 = vector.broadcast %get3A_19 : vector<1x64xf32> to vector<784x64xf32>
    %add3A_33 = arith.addf %dot_general3A_31, %add3A_32 : vector<784x64xf32>
    %gt3A_34 = arith.constant 0.000000e+00 : f32
    %gt3A_35 = vector.broadcast %gt3A_34 : f32 to vector<784x64xf32>
    %gt3A_36 = arith.cmpf ogt, %add3A_33, %gt3A_35 : vector<784x64xf32>
    %exp3A_37 = math.exp %add3A_33 : vector<784x64xf32>
    %sub3A_38 = arith.constant 1.000000e+00 : f32
    %sub3A_39 = vector.broadcast %sub3A_38 : f32 to vector<784x64xf32>
    %sub3A_40 = arith.subf %exp3A_37, %sub3A_39 : vector<784x64xf32>
    %select_n3A_41 = arith.select %gt3A_36, %add3A_33, %sub3A_40 : vector<784x64xi1>, vector<784x64xf32>
    %slice3A_42 = vector.extract_strided_slice %get3A_1 {offsets = [0, 64], sizes = [784, 64], strides = [1, 1]} : vector<784x128xf32> to vector<784x64xf32>
    %dot_general3A_43 = arith.constant dense<0.000000e+00> : vector<784x64xf32>
    %dot_general3A_44 = tpu.matmul %slice3A_42, %get3A_7, %dot_general3A_43 {dimension_numbers = #tpu.dot_dimension_numbers<[1], [0], [0], [1], [0, 0, 1, 1], [], []>, transpose_lhs_hint = false} : vector<784x64xf32>, vector<64x64xf32>, vector<784x64xf32> -> vector<784x64xf32>
    %slice3A_45 = vector.extract_strided_slice %get3A_4 {offsets = [0, 3], sizes = [784, 3], strides = [1, 1]} : vector<784x6xf32> to vector<784x3xf32>
    %dot_general3A_46 = arith.constant dense<0.000000e+00> : vector<784x64xf32>
    %dot_general3A_47 = tpu.matmul %slice3A_45, %get3A_10, %dot_general3A_46 {dimension_numbers = #tpu.dot_dimension_numbers<[1], [0], [0], [1], [0, 0, 1, 1], [], []>, transpose_lhs_hint = false} : vector<784x3xf32>, vector<3x64xf32>, vector<784x64xf32> -> vector<784x64xf32>
    %add3A_48 = arith.addf %dot_general3A_44, %dot_general3A_47 : vector<784x64xf32>
    %add3A_49 = vector.broadcast %get3A_13 : vector<1x64xf32> to vector<784x64xf32>
    %add3A_50 = arith.addf %add3A_48, %add3A_49 : vector<784x64xf32>
    %gt3A_51 = arith.constant 0.000000e+00 : f32
    %gt3A_52 = vector.broadcast %gt3A_51 : f32 to vector<784x64xf32>
    %gt3A_53 = arith.cmpf ogt, %add3A_50, %gt3A_52 : vector<784x64xf32>
    %exp3A_54 = math.exp %add3A_50 : vector<784x64xf32>
    %sub3A_55 = arith.constant 1.000000e+00 : f32
    %sub3A_56 = vector.broadcast %sub3A_55 : f32 to vector<784x64xf32>
    %sub3A_57 = arith.subf %exp3A_54, %sub3A_56 : vector<784x64xf32>
    %select_n3A_58 = arith.select %gt3A_53, %add3A_50, %sub3A_57 : vector<784x64xi1>, vector<784x64xf32>
    %dot_general3A_59 = arith.constant dense<0.000000e+00> : vector<784x64xf32>
    %dot_general3A_60 = tpu.matmul %select_n3A_58, %get3A_16, %dot_general3A_59 {dimension_numbers = #tpu.dot_dimension_numbers<[1], [0], [0], [1], [0, 0, 1, 1], [], []>, transpose_lhs_hint = false} : vector<784x64xf32>, vector<64x64xf32>, vector<784x64xf32> -> vector<784x64xf32>
    %add3A_61 = vector.broadcast %get3A_19 : vector<1x64xf32> to vector<784x64xf32>
    %add3A_62 = arith.addf %dot_general3A_60, %add3A_61 : vector<784x64xf32>
    %gt3A_63 = arith.constant 0.000000e+00 : f32
    %gt3A_64 = vector.broadcast %gt3A_63 : f32 to vector<784x64xf32>
    %gt3A_65 = arith.cmpf ogt, %add3A_62, %gt3A_64 : vector<784x64xf32>
    %exp3A_66 = math.exp %add3A_62 : vector<784x64xf32>
    %sub3A_67 = arith.constant 1.000000e+00 : f32
    %sub3A_68 = vector.broadcast %sub3A_67 : f32 to vector<784x64xf32>
    %sub3A_69 = arith.subf %exp3A_66, %sub3A_68 : vector<784x64xf32>
    %select_n3A_70 = arith.select %gt3A_65, %add3A_62, %sub3A_69 : vector<784x64xi1>, vector<784x64xf32>
    %concatenate3A = tpu.concatenate %select_n3A_41, %select_n3A_70 in 1 : vector<784x64xf32>, vector<784x64xf32> -> vector<784x128xf32>
    %swap3A = arith.constant 0 : index
    %swap3A_71 = arith.constant 0 : index
    %swap3A_72 = vector.load %arg8[%swap3A, %swap3A_71] : memref<784x128xf32, #tpu.memory_space<vmem>>, vector<784x128xf32>
    tpu.vector_store %arg8[%swap3A, %swap3A_71], %concatenate3A {strides = array<i32>} : memref<784x128xf32, #tpu.memory_space<vmem>>, vector<784x128xf32>,
    return
  }
  func.func @transform_0(%arg0: i32) -> (i32, i32) {
    %c0_i32 = arith.constant 0 : i32
    %c0_i32_0 = arith.constant 0 : i32
    return %arg0, %c0_i32 : i32, i32
  }
  func.func @transform_1(%arg0: i32) -> (i32, i32) {
    %c0_i32 = arith.constant 0 : i32
    %c0_i32_0 = arith.constant 0 : i32
    return %arg0, %c0_i32 : i32, i32
  }
  func.func @transform_2(%arg0: i32) -> (i32, i32) {
    %c0_i32 = arith.constant 0 : i32
    %c0_i32_0 = arith.constant 0 : i32
    %c0_i32_1 = arith.constant 0 : i32
    return %c0_i32, %c0_i32_0 : i32, i32
  }
  func.func @transform_3(%arg0: i32) -> (i32, i32) {
    %c0_i32 = arith.constant 0 : i32
    %c0_i32_0 = arith.constant 0 : i32
    %c0_i32_1 = arith.constant 0 : i32
    return %c0_i32, %c0_i32_0 : i32, i32
  }
  func.func @transform_4(%arg0: i32) -> (i32, i32) {
    %c0_i32 = arith.constant 0 : i32
    %c0_i32_0 = arith.constant 0 : i32
    %c0_i32_1 = arith.constant 0 : i32
    return %c0_i32, %c0_i32_0 : i32, i32
  }
  func.func @transform_5(%arg0: i32) -> (i32, i32) {
    %c0_i32 = arith.constant 0 : i32
    %c0_i32_0 = arith.constant 0 : i32
    %c0_i32_1 = arith.constant 0 : i32
    return %c0_i32, %c0_i32_0 : i32, i32
  }
  func.func @transform_6(%arg0: i32) -> (i32, i32) {
    %c0_i32 = arith.constant 0 : i32
    %c0_i32_0 = arith.constant 0 : i32
    %c0_i32_1 = arith.constant 0 : i32
    return %c0_i32, %c0_i32_0 : i32, i32
  }
  func.func @transform_7(%arg0: i32) -> (i32, i32) {
    %c0_i32 = arith.constant 0 : i32
    %c0_i32_0 = arith.constant 0 : i32
    return %arg0, %c0_i32 : i32, i32
  }
}

</mosaic_0001>

<sc_bundles>
// kernel: kernel.6.cloned.1.call-start
scs
__scs_entry_jumppad:
0x0: {  	(pc) =	sbr.rel $0x88, $3  }
0x1: {  	(tag) =	ssettag $0x0;
	lr =	simm.s32 $0x1  }
0x2: {  	[smem:$0x3F96] =	sst lr;
	_ =	strace $0xD0000000  }
0x3: {  	_ = 	snop  }
0x4: {  	_ = 	snop  }
0x5: {  	_ = 	snop  }
0x6: {  	_ = 	snop  }
0x7: {  	_ = 	snop  }
__scs_overlays_trampoline_lowered:
0x8: {  	[smem:$0x3FA5] =	sst s0  }
0x9: {  	[smem:$0x3FA6] =	sst s1  }
0xa: {  	[smem:$0x3FA7] =	sst s2  }
0xb: {  	[smem:$0x3FA8] =	sst s3  }
0xc: {  	[smem:$0x3FA9] =	sst s4  }
0xd: {  	[smem:$0x3FAA] =	sst s5  }
0xe: {  	[smem:$0x3FAB] =	sst s6  }
0xf: {  	[smem:$0x3FAC] =	sst s7  }
0x10: {  	[smem:$0x3FAD] =	sst s8  }
0x11: {  	[smem:$0x3FAE] =	sst s9;
	s0 =	simm.s32 @!p0 $0x0  }
0x12: {  	s1 =	sld [smem:$0x3F94];
	s0 =	simm.s32 @p0 $0x1  }
0x13: {  	[smem:$0x3FAF] =	sst s0;
	s0 =	simm.s32 @!p1 $0x0  }
0x14: {  	s2 =	sld [smem:$0x3F93];
	s0 =	simm.s32 @p1 $0x1  }
0x15: {  	[smem:$0x3FB0] =	sst s0;
	s0 =	simm.s32 @!p2 $0x0  }
0x16: {  	s3 =	sld [smem:$0x3FDB];
	s0 =	simm.s32 @p2 $0x1  }
0x17: {  	s4 =	simm.s32 $0x1BF5;
	[smem:$0x3FB2] =	sst s0  }
0x18: {  	s0 =	sld [smem:$0x3F95];
	_ =	swait.ge [sflag:s4], $0x0  }
0x19: {  	s7 =	sld [smem:$0x3F96]  }
0x1a: {  	s8 =	sadd.s32 $0xFFFFE003, lr  }
0x1b: {  	s9 =	sadd.s32 $0xFFFFFEF7, lr;
	s5 =	simm.s32 $0xFFFFFFFF;
	p2 =	slt.u32 s8, $0xFFFFF086  }
0x1c: {  	p1 =	slt.u32 s9, $0xF7A;
	s5 =	simm.s32 @!p2 $0x0  }
0x1d: {  	s5 =	simm.s32 @p1 $0x1;
	p0 =	seq.s32 s7, s2  }
0x1e: {  	s7 =	smul.u32 @!p0 $0xF7A, s2;
	p2 =	seq.s32 @!p0 s5, $0x0  }
0x1f: {  	s9 =	smul.u32 $0xF7A, s1;
	s8 =	simm.s32 @!p0 $0x1BF5;
	p2 =	por !p2, p0  }
0x20: {  	[sflag:s8] =	ssyncset.s32 @!p0 $0xFFFFF086;
	s6 =	sadd.s32 @!p0 s3, s7;
	s7 =	simm.s32 @!p0 $0x108  }
0x21: {  	s3 =	sadd.s32 s3, s9;
	s6 =	sadd.s32 @!p0 $0x88, s6;
	s7 =	simm.s32 @p2 $0x1082  }
0x22: {  	[simem:s7], [sflag:s8] =	dma.local @!p0 [hbm:s6], $0xF7A  }
0x23: {  	s9 =	sor.u32 $0xD0000000, s2;
	s6 =	simm.s32 $0x108;
	_ =	swait.ge @!p0 [sflag:s8], $0x0  }
0x24: {  	s3 =	sadd.s32 $0x88, s3;
	s6 =	simm.s32 @!p1 $0x1082;
	[sflag:s4] =	ssyncset.s32 $0xFFFFF086  }
0x25: {  	[simem:s6], [sflag:s4] =	dma.local [hbm:s3], $0xF7A  }
0x26: {  	[smem:$0x3F96] =	sst s1;
	(tag) =	ssettag s2;
	_ =	strace s9  }
0x27: {  	s1 =	sld [smem:$0x3FA6]  }
0x28: {  	s2 =	sld [smem:$0x3FA7]  }
0x29: {  	s4 =	sld [smem:$0x3FA9]  }
0x2a: {  	p0 =	seq.s32 s5, $0x0;
	s5 =	sld [smem:$0x3FAA]  }
0x2b: {  	s6 =	sld [smem:$0x3FAB]  }
0x2c: {  	s7 =	sld [smem:$0x3FAC]  }
0x2d: {  	s3 =	simm.s32 $0x108;
	s8 =	sld [smem:$0x3FAD]  }
0x2e: {  	s3 =	simm.s32 @!p0 $0x1082;
	s9 =	sld [smem:$0x3FAE]  }
0x2f: {  	lr =	sadd.s32 s0, s3;
	s0 =	sld [smem:$0x3FA5]  }
0x30: {  	s3 =	sld [smem:$0x3FA8]  }
0x31: {  	[smem:$0x3FB1] =	sst s10  }
0x32: {  	s10 =	sld [smem:$0x3FAF];
	_ =	sdelay $0x3  }
0x33: {  	p0 =	seq.s32 s10, $0x1;
	s10 =	sld [smem:$0x3FB1];
	_ =	sdelay $0x3  }
0x34: {  	[smem:$0x3FB1] =	sst s10  }
0x35: {  	s10 =	sld [smem:$0x3FB0];
	_ =	sdelay $0x3  }
0x36: {  	p1 =	seq.s32 s10, $0x1;
	s10 =	sld [smem:$0x3FB1];
	_ =	sdelay $0x3  }
0x37: {  	[smem:$0x3FB1] =	sst s10  }
0x38: {  	s10 =	sld [smem:$0x3FB2]  }
0x39: {  	_ = 	snop;
	(pc) =	sbr.ind lr, $3  }
0x3a: {  	_ = 	snop  }
0x3b: {  	_ = 	snop  }
0x3c: {  	p2 =	seq.s32 s10, $0x1;
	s10 =	sld [smem:$0x3FB1]  }
0x3d: {  	_ =	shalt  }
0x3e: {  	_ =	shalt  }
0x3f: {  	_ =	shalt  }
0x40: {  	_ =	shalt  }
0x41: {  	_ =	shalt  }
0x42: {  	_ =	shalt  }
0x43: {  	_ =	shalt  }
0x44: {  	_ =	shalt  }
0x45: {  	_ =	shalt  }
0x46: {  	_ =	shalt  }
0x47: {  	_ =	shalt  }
0x48: {  	_ =	shalt  }
0x49: {  	_ =	shalt  }
0x4a: {  	_ =	shalt  }
0x4b: {  	_ =	shalt  }
0x4c: {  	_ =	shalt  }
0x4d: {  	_ =	shalt  }
0x4e: {  	_ =	shalt  }
0x4f: {  	_ =	shalt  }
0x50: {  	_ =	shalt  }
0x51: {  	_ =	shalt  }
0x52: {  	_ =	shalt  }
0x53: {  	_ =	shalt  }
0x54: {  	_ =	shalt  }
0x55: {  	_ =	shalt  }
0x56: {  	_ =	shalt  }
0x57: {  	_ =	shalt  }
0x58: {  	_ =	shalt  }
0x59: {  	_ =	shalt  }
0x5a: {  	_ =	shalt  }
0x5b: {  	_ =	shalt  }
0x5c: {  	_ =	shalt  }
0x5d: {  	_ =	shalt  }
0x5e: {  	_ =	shalt  }
0x5f: {  	_ =	shalt  }
0x60: {  	_ =	shalt  }
0x61: {  	_ =	shalt  }
0x62: {  	_ =	shalt  }
0x63: {  	_ =	shalt  }
0x64: {  	_ =	shalt  }
0x65: {  	_ =	shalt  }
0x66: {  	_ =	shalt  }
0x67: {  	_ =	shalt  }
0x68: {  	_ =	shalt  }
0x69: {  	_ =	shalt  }
0x6a: {  	_ =	shalt  }
0x6b: {  	_ =	shalt  }
0x6c: {  	_ =	shalt  }
0x6d: {  	_ =	shalt  }
0x6e: {  	_ =	shalt  }
0x6f: {  	_ =	shalt  }
0x70: {  	_ =	shalt  }
0x71: {  	_ =	shalt  }
0x72: {  	_ =	shalt  }
0x73: {  	_ =	shalt  }
0x74: {  	_ =	shalt  }
0x75: {  	_ =	shalt  }
0x76: {  	_ =	shalt  }
0x77: {  	_ =	shalt  }
0x78: {  	_ =	shalt  }
0x79: {  	_ =	shalt  }
0x7a: {  	_ =	shalt  }
0x7b: {  	_ =	shalt  }
0x7c: {  	_ =	shalt  }
0x7d: {  	_ =	shalt  }
0x7e: {  	_ =	shalt  }
0x7f: {  	_ =	shalt  }
0x80: {  	_ =	shalt  }
0x81: {  	_ =	shalt  }
0x82: {  	_ =	shalt  }
0x83: {  	_ =	shalt  }
0x84: {  	_ =	shalt  }
0x85: {  	_ =	shalt  }
0x86: {  	_ =	shalt  }
0x87: {  	_ =	shalt  }
.Lfunc_end0:
.L_simem_size_0:
called_computation_lowered:
.L_overlay_start_0:
0x88: {  	s2 =	sld [smem:$0x3FD9]  }
0x89: {  	s3 =	sld [smem:$0x3FFE];
	_ =	sdelay $0x1  }
0x8a: {  	s1 =	srdreg.scid  }
0x8b: {  	s0 =	sand.u32 $0x1, s1  }
0x8c: {  	s14 =	sshll.u32 s0, $0xA;
	s2 =	sadd.s32 s3, s2  }
0x8d: {  	s2 =	sadd.s32 s2, s14  }
0x8e: {  	[smem:$0x3FBD] =	sst s2  }
0x8f: {  	_ = 	snop  }
0x90: {  	s2 =	sld [smem:$0x3FD0];
	_ =	sdelay $0x2  }
0x91: {  	s15 =	simm.s32 $0xA;
	s4 =	simm.s32 $0x10  }
0x92: {  	[smem:s4], [sflag:s15] =	dma.local [hbm:s2], $0x1  }
0x93: {  	_ =	swait.eq [sflag:s15], $0x1  }
0x94: {  	[sflag:s15] =	ssyncset.done $0x0  }
0x95: {  	[sflag:s15] =	ssyncadd.s32 $0xFFFFFFFF  }
0x96: {  	s16 =	sld [smem:$0x10];
	(tm) =	ssettm $0x1  }
0x97: {  	s17 =	sld [smem:$0x3FFB];
	_ =	sdelay $0x3  }
0x98: {  	_ =	strace s17  }
0x99: {  	s3 =	sld [smem:$0x3FFC];
	_ =	sdelay $0x3  }
0x9a: {  	_ =	strace s3  }
0x9b: {  	s3 =	sld [smem:$0x3FFD];
	_ =	sdelay $0x3  }
0x9c: {  	_ =	strace s3  }
0x9d: {  	_ =	strace $0x8FFFFFFF  }
0x9e: {  	s18 =	sld [smem:$0x3FDB];
	_ =	sdelay $0x1  }
0x9f: {  	s19 =	simm.s32 $_scs_section_size  }
0xa0: {  	s5 =	simm.s32 $_size__tile_overlayer_lowered;
	s6 =	simm.s32 $_tile_overlayer_lowered  }
0xa1: {  	s22 =	simm.s32 $0x1BFF;
	s21 =	sshll.u32 s6, $0x1;
	s3 =	sadd.s32 s19, s18  }
0xa2: {  	s7 =	simm.s32 $0x0;
	s20 =	sshll.u32 s5, $0x1;
	s5 =	sadd.s32 s21, s3  }
0xa3: {  	[timem:s7], [sflag:s22] =	dma.local [hbm:s5], s20  }
0xa4: {  	_ =	swait.ge [sflag:s22], s20  }
0xa5: {  	s4 =	ssub.s32 $0x0, s20;
	[sflag:s22] =	ssyncset.done $0x0  }
0xa6: {  	[sflag:s22] =	ssyncadd.s32 s4;
	_ =	sdelay $0x1  }
0xa7: {  	s23 =	simm.s32 $0x1B8B  }
0xa8: {  	_ =	swait.ge [sflag:s23], $0x1  }
0xa9: {  	[sflag:s23] =	ssyncset.done $0x0  }
0xaa: {  	s25 =	simm.s32 $0x1B8E;
	s24 =	sld [smem:$0x3FFE];
	[sflag:s23] =	ssyncadd.s32 $0xFFFFFFFF  }
0xab: {  	s26 =	simm.s32 $execute0_lowered;
	[smem:$0x3FD2] =	sst s25  }
0xac: {  	s5 =	sshll.u32 s26, $0x1;
	_ =	strace $0x80000046;
	[dreg:$0x1] =	wrdreg $0xFFFFFFFF  }
0xad: {  	s28 =	simm.s32 $_size_execute0_lowered;
	s3 =	sadd.s32 s3, s5;
	[dreg:$0x0] =	wrdreg $0x0  }
0xae: {  	s5 =	sshll.u32 s28, $0x1;
	[dreg:$0x2] =	wrdreg s3  }
0xaf: {  	[dreg:$0x3] =	wrdreg s5  }
0xb0: {  	[dreg:$0x4] =	wrdreg $0xC0  }
0xb1: {  	_ =	task [dreg:s7], $0x5FFFF  }
0xb2: {  	[dreg:$0x1] =	wrdreg $0xFFFFFFFF  }
0xb3: {  	[dreg:$0x0] =	wrdreg $0x60  }
0xb4: {  	[dreg:$0x2] =	wrdreg s24  }
0xb5: {  	[dreg:$0x3] =	wrdreg s16  }
0xb6: {  	[dreg:$0x4] =	wrdreg $0x9  }
0xb7: {  	_ =	task.clear_ibuf [dreg:s7], $0x5FFFF;
	_ =	strace $0x90000046  }
0xb8: {  	s29 =	simm.s32 $0x9;
	_ =	strace $0x80000048  }
0xb9: {  	_ =	swait.ge [sflag:s29], $0x1  }
0xba: {  	[sflag:s29] =	ssyncadd.s32 $0xFFFFFFFF  }
0xbb: {  	_ =	strace $0x90000048  }
0xbc: {  	_ =	sfence  }
0xbd: {  	s30 =	sld [smem:$0x0];
	_ =	sdelay $0x2  }
0xbe: {  	s31 =	sshll.u32 s1, $0xD;
	s1 =	sshrl.u32 s1, $0x2  }
0xbf: {  	s3 =	sand.u32 $0x4000, s31;
	s1 =	sadd.s32 s1, s30  }
0xc0: {  	s0 =	sor.u32 s3, s0;
	s1 =	sshll.u32 s1, $0x11  }
0xc1: {  	s0 =	sor.u32 s1, s0  }
0xc2: {  	s0 =	sadd.s32 $0x8F2B, s0  }
0xc3: {  	[sflag:s0] =	ssyncadd.remote.s32 $0x1  }
0xc4: {  	_ =	sfence.sel $0xFFFF  }
0xc5: {  	[dreg:$0x0] =	wrdreg $0xFFFFFFFF;
	(pc) =	sbr.abs _section_cstart, $3  }
0xc6: {  	[dreg:$0x1] =	wrdreg $0xFFFFFFFF  }
0xc7: {  	_ =	task.clear_ibuf [dreg:s7], $0x2FFFF;
	_ =	strace $0x9FFFFFFF  }
0xc8: {  	(tm) =	ssettm $0x7FFFFFFF  }
0xc9: {  	_ =	shalt  }
tec
execute0_lowered:
.L_overlay_start_1:
0x0: {  	(tag) =	ssettag $0x1  }
0x1: {  	s0 =	rddreg [dreg:$0x0]  }
0x2: {  	s1 =	rddreg [dreg:$0x1];
	s2 =	simm.s32 $0x0  }
0x3: {  	s3 =	srdreg.scid;
	s8 =	stileid.u32;
	s9 =	simm.s32 $0x100  }
0x4: {  	s10 =	simm.s32 $0x180;
	s11 =	simm.s32 $0x200;
	s12 =	simm.s32 $0x280  }
0x5: {  	s13 =	simm.s32 $0x1;
	s14 =	simm.s32 $0x400;
	s15 =	simm.s32 $0xC00  }
0x6: {  	s16 =	simm.s32 $0x1400;
	s17 =	simm.s32 $0x1C00;
	s18 =	simm.s32 $0x2400  }
0x7: {  	s19 =	simm.s32 $0x2C00;
	s20 =	simm.s32 $0x2;
	s21 =	simm.s32 $0x4  }
0x8: {  	[smem:$0x7FF] =	sst s2;
	s4 =	sand.u32 $0x1, s3;
	s5 =	sshll.u32 s8, $0x9  }
0x9: {  	s3 =	sadd.s32 $0x2400, s0;
	s28 =	sshll.u32 s8, $0x1;
	s29 =	sshll.u32 s8, $0x5  }
0xa: {  	s8 =	simm.s32 $0x80;
	_ =	strace $0x80000047;
	s6 =	ssub.s32 $0x2, s4  }
0xb: {  	s0 =	sadd.s32 s5, s0;
	s7 =	sshll.u32 s4, $0x8;
	s1 =	sadd.s32 s29, s1  }
0xc: {  	s30 =	sshll.u32 s4, $0x4;
	s4 =	sor.u32 s4, s28;
	s26 =	sshrl.u32 s6, $0x1  }
0xd: {  	s0 =	sadd.s32 s7, s0;
	s31 =	sor.u32 $0xE0, s4;
	s5 =	ssub.s32 s6, s26  }
0xe: {  	s4 =	simm.s32 $0x0;
	[dreg:$0x4] =	wrdreg s31;
	s5 =	smax.u32 s5, $0x1  }
0xf: {  	s6 =	sadd.s32 s30, s1;
	[dreg:$0x3] =	wrdreg s5;
	s5 =	sadd.s32 $0x1AC00, s0  }
.LBB2_1:
0x10: {  	[tilespmem:s2], [sflag:$0x1] =	stream.linear.gather [hbm4b:s6+s2], $0x80, $0x38;
	[tilespmem:$0x4400] =	vst v63  }
0x11: {  	s0 =	sadd.s32 $0x200, s6  }
0x12: {  	[tilespmem:s8], [sflag:$0x1] =	stream.linear.gather [hbm4b:s0+s2], $0x80, $0x38;
	[tilespmem:$0x4400] =	vst v63  }
0x13: {  	s26 =	sadd.s32 $0x400, s6  }
0x14: {  	[tilespmem:s9], [sflag:$0x1] =	stream.linear.gather [hbm4b:s26+s2], $0x80, $0x38;
	[tilespmem:$0x4400] =	vst v63  }
0x15: {  	s30 =	sadd.s32 $0x600, s6;
	s7 =	rddreg [dreg:$0x4]  }
0x16: {  	[tilespmem:s10], [sflag:$0x1] =	stream.linear.gather [hbm4b:s30+s2], $0x80, $0x38;
	[tilespmem:$0x4400] =	vst v63  }
0x17: {  	[dreg:$0x5] =	wrdreg s4;
	s31 =	sadd.s32 $0x800, s6;
	s1 =	sadd.s32 $0xFFFFFFE0, s7  }
0x18: {  	[tilespmem:s11], [sflag:$0x1] =	stream.linear.gather [hbm4b:s31+s2], $0x80, $0x38;
	[tilespmem:$0x4400] =	vst v63  }
0x19: {  	s4 =	sadd.s32 $0xA00, s6;
	p0 =	sgt.u32 s7, $0x30D3;
	p1 =	sgt.u32 s1, $0x30D3  }
0x1a: {  	[tilespmem:s12], [sflag:$0x1] =	stream.linear.gather [hbm4b:s4+s2], $0x80, $0x38;
	[tilespmem:$0x4400] =	vst v63  }
0x1b: {  	s1 =	sadd.s32 @!p1 $0xC00, s6;
	s0 =	simm.s32 @!p1 $0x0;
	s4 =	simm.s32 @!p1 $0x300  }
0x1c: {  	[tilespmem:s4], [sflag:$0x1] =	stream.linear.gather @!p1 [hbm4b:s1+s0], $0x80, $0x38;
	[tilespmem:$0x4400] =	vst v63  }
0x1d: {  	s23 =	simm.s32 @!p0 $0x0;
	s24 =	simm.s32 @!p0 $0x380;
	s1 =	sadd.s32 @!p0 $0xE00, s6  }
0x1e: {  	[tilespmem:s24], [sflag:$0x1] =	stream.linear.gather @!p0 [hbm4b:s1+s23], $0x80, $0x38;
	[tilespmem:$0x4400] =	vst v63  }
0x1f: {  	_ =	swait.ge [sflag:s13], $0x80  }
0x20: {  	[sflag:s13] =	ssyncset.done $0x0  }
0x21: {  	[sflag:s13] =	ssyncadd.s32 $0xFFFFFF80  }
0x22: {  	[tilespmem:s14], [sflag:$0x2] =	stream.indirect.gather [hbm4b:s3+s8], $0x10, s2, s8, $0xb8;
	[tilespmem:$0x4400] =	vst v63  }
0x23: {  	_ =	swait.ge [sflag:s13], $0x80  }
0x24: {  	[sflag:s13] =	ssyncset.done $0x0  }
0x25: {  	[sflag:s13] =	ssyncadd.s32 $0xFFFFFF80  }
0x26: {  	[tilespmem:s15], [sflag:$0x2] =	stream.indirect.gather [hbm4b:s3+s8], $0x10, s8, s8, $0xb8;
	[tilespmem:$0x4400] =	vst v63  }
0x27: {  	_ =	swait.ge [sflag:s13], $0x80  }
0x28: {  	[sflag:s13] =	ssyncset.done $0x0  }
0x29: {  	[sflag:s13] =	ssyncadd.s32 $0xFFFFFF80  }
0x2a: {  	[tilespmem:s16], [sflag:$0x2] =	stream.indirect.gather [hbm4b:s3+s8], $0x10, s9, s8, $0xb8;
	[tilespmem:$0x4400] =	vst v63  }
0x2b: {  	_ =	swait.ge [sflag:s13], $0x80  }
0x2c: {  	[sflag:s13] =	ssyncset.done $0x0  }
0x2d: {  	[sflag:s13] =	ssyncadd.s32 $0xFFFFFF80  }
0x2e: {  	[tilespmem:s17], [sflag:$0x2] =	stream.indirect.gather [hbm4b:s3+s8], $0x10, s10, s8, $0xb8;
	[tilespmem:$0x4400] =	vst v63  }
0x2f: {  	_ =	swait.ge [sflag:s13], $0x80  }
0x30: {  	[sflag:s13] =	ssyncset.done $0x0  }
0x31: {  	[sflag:s13] =	ssyncadd.s32 $0xFFFFFF80  }
0x32: {  	[tilespmem:s18], [sflag:$0x2] =	stream.indirect.gather [hbm4b:s3+s8], $0x10, s11, s8, $0xb8;
	[tilespmem:$0x4400] =	vst v63  }
0x33: {  	_ =	swait.ge [sflag:s13], $0x80  }
0x34: {  	[sflag:s13] =	ssyncset.done $0x0  }
0x35: {  	s25 =	simm.s32 @!p1 $0x1;
	[sflag:s13] =	ssyncadd.s32 $0xFFFFFF80  }
0x36: {  	[tilespmem:s19], [sflag:$0x2] =	stream.indirect.gather [hbm4b:s3+s8], $0x10, s12, s8, $0xb8;
	[tilespmem:$0x4400] =	vst v63  }
0x37: {  	_ =	swait.ge @!p1 [sflag:s25], $0x80  }
0x38: {  	s26 =	simm.s32 @!p1 $0x80;
	[sflag:s25] =	ssyncset.done @!p1 $0x0  }
0x39: {  	s1 =	simm.s32 @!p1 $0x3400;
	[sflag:s25] =	ssyncadd.s32 @!p1 $0xFFFFFF80;
	s25 =	simm.s32 @!p0 $0x1  }
0x3a: {  	[tilespmem:s1], [sflag:$0x2] =	stream.indirect.gather @!p1 [hbm4b:s3+s26], $0x10, s4, s26, $0xb8;
	[tilespmem:$0x4400] =	vst v63  }
0x3b: {  	_ =	swait.ge @!p0 [sflag:s25], $0x80  }
0x3c: {  	[sflag:s25] =	ssyncset.done @!p0 $0x0  }
0x3d: {  	s28 =	simm.s32 @!p0 $0x3C00;
	s4 =	simm.s32 @!p0 $0x80;
	[sflag:s25] =	ssyncadd.s32 @!p0 $0xFFFFFF80  }
0x3e: {  	[tilespmem:s28], [sflag:$0x2] =	stream.indirect.gather @!p0 [hbm4b:s3+s4], $0x10, s24, s4, $0xb8;
	[tilespmem:$0x4400] =	vst v63  }
0x3f: {  	_ =	swait.ge [sflag:s20], $0x800  }
0x40: {  	[sflag:s20] =	ssyncset.done $0x0  }
0x41: {  	s22 =	sadd.s32 $0x0, s5;
	[sflag:s20] =	ssyncadd.s32 $0xFFFFF800  }
0x42: {  	[hbm4b:s22+s2] =	stream.linear.scatter [tilespmem:s14], [sflag:$0x4], $0x800, $0x38;
	[tilespmem:$0x4400] =	vst v63  }
0x43: {  	_ =	swait.ge [sflag:s21], $0x800  }
0x44: {  	[sflag:s21] =	ssyncset.done $0x0  }
0x45: {  	[sflag:s21] =	ssyncadd.s32 $0xFFFFF800  }
0x46: {  	_ =	swait.ge [sflag:s20], $0x800  }
0x47: {  	[sflag:s20] =	ssyncset.done $0x0  }
0x48: {  	s25 =	sadd.s32 $0x2000, s22;
	[sflag:s20] =	ssyncadd.s32 $0xFFFFF800  }
0x49: {  	[hbm4b:s25+s2] =	stream.linear.scatter [tilespmem:s15], [sflag:$0x4], $0x800, $0x38;
	[tilespmem:$0x4400] =	vst v63  }
0x4a: {  	_ =	swait.ge [sflag:s21], $0x800  }
0x4b: {  	[sflag:s21] =	ssyncset.done $0x0  }
0x4c: {  	[sflag:s21] =	ssyncadd.s32 $0xFFFFF800  }
0x4d: {  	_ =	swait.ge [sflag:s20], $0x800  }
0x4e: {  	[sflag:s20] =	ssyncset.done $0x0  }
0x4f: {  	s26 =	sadd.s32 $0x4000, s22;
	[sflag:s20] =	ssyncadd.s32 $0xFFFFF800  }
0x50: {  	[hbm4b:s26+s2] =	stream.linear.scatter [tilespmem:s16], [sflag:$0x4], $0x800, $0x38;
	[tilespmem:$0x4400] =	vst v63  }
0x51: {  	_ =	swait.ge [sflag:s21], $0x800  }
0x52: {  	[sflag:s21] =	ssyncset.done $0x0  }
0x53: {  	[sflag:s21] =	ssyncadd.s32 $0xFFFFF800  }
0x54: {  	_ =	swait.ge [sflag:s20], $0x800  }
0x55: {  	[sflag:s20] =	ssyncset.done $0x0  }
0x56: {  	s30 =	sadd.s32 $0x6000, s22;
	[sflag:s20] =	ssyncadd.s32 $0xFFFFF800  }
0x57: {  	[hbm4b:s30+s2] =	stream.linear.scatter [tilespmem:s17], [sflag:$0x4], $0x800, $0x38;
	[tilespmem:$0x4400] =	vst v63  }
0x58: {  	_ =	swait.ge [sflag:s21], $0x800  }
0x59: {  	[sflag:s21] =	ssyncset.done $0x0  }
0x5a: {  	[sflag:s21] =	ssyncadd.s32 $0xFFFFF800  }
0x5b: {  	_ =	swait.ge [sflag:s20], $0x800  }
0x5c: {  	[sflag:s20] =	ssyncset.done $0x0  }
0x5d: {  	s31 =	sadd.s32 $0x8000, s22;
	[sflag:s20] =	ssyncadd.s32 $0xFFFFF800  }
0x5e: {  	[hbm4b:s31+s2] =	stream.linear.scatter [tilespmem:s18], [sflag:$0x4], $0x800, $0x38;
	[tilespmem:$0x4400] =	vst v63  }
0x5f: {  	_ =	swait.ge [sflag:s21], $0x800  }
0x60: {  	[sflag:s21] =	ssyncset.done $0x0  }
0x61: {  	[sflag:s21] =	ssyncadd.s32 $0xFFFFF800  }
0x62: {  	_ =	swait.ge [sflag:s20], $0x800  }
0x63: {  	[sflag:s20] =	ssyncset.done $0x0  }
0x64: {  	s4 =	sadd.s32 $0xA000, s22;
	[sflag:s20] =	ssyncadd.s32 $0xFFFFF800  }
0x65: {  	[hbm4b:s4+s2] =	stream.linear.scatter [tilespmem:s19], [sflag:$0x4], $0x800, $0x38;
	[tilespmem:$0x4400] =	vst v63  }
0x66: {  	_ =	swait.ge [sflag:s21], $0x800  }
0x67: {  	[sflag:s21] =	ssyncset.done $0x0  }
0x68: {  	s4 =	simm.s32 @!p1 $0x2;
	[sflag:s21] =	ssyncadd.s32 $0xFFFFF800  }
0x69: {  	_ =	swait.ge @!p1 [sflag:s4], $0x800  }
0x6a: {  	s24 =	sadd.s32 @!p1 $0x0, s5;
	[sflag:s4] =	ssyncset.done @!p1 $0x0  }
0x6b: {  	s24 =	sadd.s32 @!p1 $0xC000, s24;
	[sflag:s4] =	ssyncadd.s32 @!p1 $0xFFFFF800;
	s4 =	simm.s32 @!p1 $0x4  }
0x6c: {  	[hbm4b:s24+s0] =	stream.linear.scatter @!p1 [tilespmem:s1], [sflag:$0x4], $0x800, $0x38;
	[tilespmem:$0x4400] =	vst v63  }
0x6d: {  	_ =	swait.ge @!p1 [sflag:s4], $0x800  }
0x6e: {  	[sflag:s4] =	ssyncset.done @!p1 $0x0  }
0x6f: {  	s0 =	simm.s32 @!p0 $0x2;
	[sflag:s4] =	ssyncadd.s32 @!p1 $0xFFFFF800  }
0x70: {  	s25 =	sadd.s32 $0x100, s7;
	s26 =	sadd.s32 $0x1000, s6;
	_ =	swait.ge @!p0 [sflag:s0], $0x800  }
0x71: {  	s24 =	simm.s32 $0x10000;
	s1 =	sadd.s32 @!p0 $0x0, s5;
	[sflag:s0] =	ssyncset.done @!p0 $0x0  }
0x72: {  	s29 =	sadd.s32 @!p0 $0xE000, s1;
	s1 =	simm.s32 @!p0 $0x3;
	[sflag:s0] =	ssyncadd.s32 @!p0 $0xFFFFF800  }
.LBB2_2:
0x73: {  	[hbm4b:s29+s23] =	stream.linear.scatter @!p0 [tilespmem:s28], [sflag:$0x3], $0x800, $0x38;
	[tilespmem:$0x4400] =	vst v63  }
0x74: {  	s0 =	smov.u32 s24;
	s24 =	sadd.s32 $0x10000, s24;
	_ =	swait.ge @!p0 [sflag:s1], $0x800  }
0x75: {  	p1 =	sne.s32 s24, $0x310000;
	[sflag:s1] =	ssyncset.done @!p0 $0x0  }
0x76: {  	s4 =	sadd.s32 $0x200, s26;
	[sflag:s1] =	ssyncadd.s32 @!p0 $0xFFFFF800  }
0x77: {  	[tilespmem:s2], [sflag:$0x1] =	stream.linear.gather [hbm4b:s26+s2], $0x80, $0x38;
	[tilespmem:$0x4400] =	vst v63  }
0x78: {  	s1 =	sadd.s32 $0x400, s26  }
0x79: {  	[tilespmem:s8], [sflag:$0x1] =	stream.linear.gather [hbm4b:s4+s2], $0x80, $0x38;
	[tilespmem:$0x4400] =	vst v63  }
0x7a: {  	s4 =	sadd.s32 $0x600, s26  }
0x7b: {  	[tilespmem:s9], [sflag:$0x1] =	stream.linear.gather [hbm4b:s1+s2], $0x80, $0x38;
	[tilespmem:$0x4400] =	vst v63  }
0x7c: {  	s1 =	sadd.s32 $0x800, s26  }
0x7d: {  	[tilespmem:s10], [sflag:$0x1] =	stream.linear.gather [hbm4b:s4+s2], $0x80, $0x38;
	[tilespmem:$0x4400] =	vst v63  }
0x7e: {  	s23 =	sadd.s32 $0xFFFFFFE0, s25;
	s4 =	sadd.s32 $0xA00, s26  }
0x7f: {  	[tilespmem:s11], [sflag:$0x1] =	stream.linear.gather [hbm4b:s1+s2], $0x80, $0x38;
	[tilespmem:$0x4400] =	vst v63  }
0x80: {  	p2 =	sgt.u32 s23, $0x30D3;
	p0 =	sgt.u32 s25, $0x30D3  }
0x81: {  	s30 =	simm.s32 @!p2 $0x0;
	s28 =	simm.s32 @!p2 $0x300;
	s1 =	sadd.s32 @!p2 $0xC00, s26  }
0x82: {  	[tilespmem:s12], [sflag:$0x1] =	stream.linear.gather [hbm4b:s4+s2], $0x80, $0x38;
	[tilespmem:$0x4400] =	vst v63  }
0x83: {  	s29 =	sadd.s32 @!p0 $0xE00, s26;
	s23 =	simm.s32 @!p0 $0x0;
	s4 =	simm.s32 @!p0 $0x380  }
0x84: {  	[tilespmem:s28], [sflag:$0x1] =	stream.linear.gather @!p2 [hbm4b:s1+s30], $0x80, $0x38;
	[tilespmem:$0x4400] =	vst v63  }
0x85: {  	s7 =	sadd.s32 @!p0 s0, s5;
	s1 =	sadd.s32 @!p2 s0, s5  }
0x86: {  	[tilespmem:s4], [sflag:$0x1] =	stream.linear.gather @!p0 [hbm4b:s29+s23], $0x80, $0x38;
	[tilespmem:$0x4400] =	vst v63  }
0x87: {  	s31 =	sadd.s32 @!p2 $0xC000, s1;
	s29 =	sadd.s32 @!p0 $0xE000, s7;
	_ =	swait.ge [sflag:s13], $0x80  }
0x88: {  	[sflag:s13] =	ssyncset.done $0x0  }
0x89: {  	[sflag:s13] =	ssyncadd.s32 $0xFFFFFF80  }
0x8a: {  	[tilespmem:s14], [sflag:$0x2] =	stream.indirect.gather [hbm4b:s3+s8], $0x10, s2, s8, $0xb8;
	[tilespmem:$0x4400] =	vst v63  }
0x8b: {  	_ =	swait.ge [sflag:s13], $0x80  }
0x8c: {  	[sflag:s13] =	ssyncset.done $0x0  }
0x8d: {  	[sflag:s13] =	ssyncadd.s32 $0xFFFFFF80  }
0x8e: {  	[tilespmem:s15], [sflag:$0x2] =	stream.indirect.gather [hbm4b:s3+s8], $0x10, s8, s8, $0xb8;
	[tilespmem:$0x4400] =	vst v63  }
0x8f: {  	_ =	swait.ge [sflag:s13], $0x80  }
0x90: {  	[sflag:s13] =	ssyncset.done $0x0  }
0x91: {  	[sflag:s13] =	ssyncadd.s32 $0xFFFFFF80  }
0x92: {  	[tilespmem:s16], [sflag:$0x2] =	stream.indirect.gather [hbm4b:s3+s8], $0x10, s9, s8, $0xb8;
	[tilespmem:$0x4400] =	vst v63  }
0x93: {  	_ =	swait.ge [sflag:s13], $0x80  }
0x94: {  	[sflag:s13] =	ssyncset.done $0x0  }
0x95: {  	[sflag:s13] =	ssyncadd.s32 $0xFFFFFF80  }
0x96: {  	[tilespmem:s17], [sflag:$0x2] =	stream.indirect.gather [hbm4b:s3+s8], $0x10, s10, s8, $0xb8;
	[tilespmem:$0x4400] =	vst v63  }
0x97: {  	_ =	swait.ge [sflag:s13], $0x80  }
0x98: {  	[sflag:s13] =	ssyncset.done $0x0  }
0x99: {  	[sflag:s13] =	ssyncadd.s32 $0xFFFFFF80  }
0x9a: {  	[tilespmem:s18], [sflag:$0x2] =	stream.indirect.gather [hbm4b:s3+s8], $0x10, s11, s8, $0xb8;
	[tilespmem:$0x4400] =	vst v63  }
0x9b: {  	_ =	swait.ge [sflag:s13], $0x80  }
0x9c: {  	[sflag:s13] =	ssyncset.done $0x0  }
0x9d: {  	s7 =	simm.s32 @!p2 $0x1;
	[sflag:s13] =	ssyncadd.s32 $0xFFFFFF80  }
0x9e: {  	[tilespmem:s19], [sflag:$0x2] =	stream.indirect.gather [hbm4b:s3+s8], $0x10, s12, s8, $0xb8;
	[tilespmem:$0x4400] =	vst v63  }
0x9f: {  	_ =	swait.ge @!p2 [sflag:s7], $0x80  }
0xa0: {  	s22 =	simm.s32 @!p2 $0x80;
	s1 =	simm.s32 @!p2 $0x3400;
	[sflag:s7] =	ssyncset.done @!p2 $0x0  }
0xa1: {  	[sflag:s7] =	ssyncadd.s32 @!p2 $0xFFFFFF80;
	s7 =	simm.s32 @!p0 $0x1  }
0xa2: {  	[tilespmem:s1], [sflag:$0x2] =	stream.indirect.gather @!p2 [hbm4b:s3+s22], $0x10, s28, s22, $0xb8;
	[tilespmem:$0x4400] =	vst v63  }
0xa3: {  	_ =	swait.ge @!p0 [sflag:s7], $0x80  }
0xa4: {  	s22 =	simm.s32 @!p0 $0x80;
	s28 =	simm.s32 @!p0 $0x3C00;
	[sflag:s7] =	ssyncset.done @!p0 $0x0  }
0xa5: {  	[sflag:s7] =	ssyncadd.s32 @!p0 $0xFFFFFF80  }
0xa6: {  	[tilespmem:s28], [sflag:$0x2] =	stream.indirect.gather @!p0 [hbm4b:s3+s22], $0x10, s4, s22, $0xb8;
	[tilespmem:$0x4400] =	vst v63  }
0xa7: {  	_ =	swait.ge [sflag:s20], $0x800  }
0xa8: {  	s0 =	sadd.s32 s0, s5;
	[sflag:s20] =	ssyncset.done $0x0  }
0xa9: {  	[sflag:s20] =	ssyncadd.s32 $0xFFFFF800  }
0xaa: {  	[hbm4b:s0+s2] =	stream.linear.scatter [tilespmem:s14], [sflag:$0x4], $0x800, $0x38;
	[tilespmem:$0x4400] =	vst v63  }
0xab: {  	_ =	swait.ge [sflag:s21], $0x800  }
0xac: {  	[sflag:s21] =	ssyncset.done $0x0  }
0xad: {  	[sflag:s21] =	ssyncadd.s32 $0xFFFFF800  }
0xae: {  	_ =	swait.ge [sflag:s20], $0x800  }
0xaf: {  	s4 =	sadd.s32 $0x2000, s0;
	[sflag:s20] =	ssyncset.done $0x0  }
0xb0: {  	[sflag:s20] =	ssyncadd.s32 $0xFFFFF800  }
0xb1: {  	[hbm4b:s4+s2] =	stream.linear.scatter [tilespmem:s15], [sflag:$0x4], $0x800, $0x38;
	[tilespmem:$0x4400] =	vst v63  }
0xb2: {  	_ =	swait.ge [sflag:s21], $0x800  }
0xb3: {  	[sflag:s21] =	ssyncset.done $0x0  }
0xb4: {  	[sflag:s21] =	ssyncadd.s32 $0xFFFFF800  }
0xb5: {  	_ =	swait.ge [sflag:s20], $0x800  }
0xb6: {  	s4 =	sadd.s32 $0x4000, s0;
	[sflag:s20] =	ssyncset.done $0x0  }
0xb7: {  	[sflag:s20] =	ssyncadd.s32 $0xFFFFF800  }
0xb8: {  	[hbm4b:s4+s2] =	stream.linear.scatter [tilespmem:s16], [sflag:$0x4], $0x800, $0x38;
	[tilespmem:$0x4400] =	vst v63  }
0xb9: {  	_ =	swait.ge [sflag:s21], $0x800  }
0xba: {  	[sflag:s21] =	ssyncset.done $0x0  }
0xbb: {  	[sflag:s21] =	ssyncadd.s32 $0xFFFFF800  }
0xbc: {  	_ =	swait.ge [sflag:s20], $0x800  }
0xbd: {  	s4 =	sadd.s32 $0x6000, s0;
	[sflag:s20] =	ssyncset.done $0x0  }
0xbe: {  	[sflag:s20] =	ssyncadd.s32 $0xFFFFF800  }
0xbf: {  	[hbm4b:s4+s2] =	stream.linear.scatter [tilespmem:s17], [sflag:$0x4], $0x800, $0x38;
	[tilespmem:$0x4400] =	vst v63  }
0xc0: {  	_ =	swait.ge [sflag:s21], $0x800  }
0xc1: {  	[sflag:s21] =	ssyncset.done $0x0  }
0xc2: {  	[sflag:s21] =	ssyncadd.s32 $0xFFFFF800  }
0xc3: {  	_ =	swait.ge [sflag:s20], $0x800  }
0xc4: {  	s4 =	sadd.s32 $0x8000, s0;
	[sflag:s20] =	ssyncset.done $0x0  }
0xc5: {  	[sflag:s20] =	ssyncadd.s32 $0xFFFFF800  }
0xc6: {  	[hbm4b:s4+s2] =	stream.linear.scatter [tilespmem:s18], [sflag:$0x4], $0x800, $0x38;
	[tilespmem:$0x4400] =	vst v63  }
0xc7: {  	_ =	swait.ge [sflag:s21], $0x800  }
0xc8: {  	[sflag:s21] =	ssyncset.done $0x0  }
0xc9: {  	[sflag:s21] =	ssyncadd.s32 $0xFFFFF800  }
0xca: {  	_ =	swait.ge [sflag:s20], $0x800  }
0xcb: {  	s0 =	sadd.s32 $0xA000, s0;
	[sflag:s20] =	ssyncset.done $0x0  }
0xcc: {  	[sflag:s20] =	ssyncadd.s32 $0xFFFFF800  }
0xcd: {  	[hbm4b:s0+s2] =	stream.linear.scatter [tilespmem:s19], [sflag:$0x4], $0x800, $0x38;
	[tilespmem:$0x4400] =	vst v63  }
0xce: {  	_ =	swait.ge [sflag:s21], $0x800  }
0xcf: {  	s0 =	simm.s32 @!p2 $0x2;
	[sflag:s21] =	ssyncset.done $0x0  }
0xd0: {  	[sflag:s21] =	ssyncadd.s32 $0xFFFFF800  }
0xd1: {  	_ =	swait.ge @!p2 [sflag:s0], $0x800  }
0xd2: {  	[sflag:s0] =	ssyncset.done @!p2 $0x0  }
0xd3: {  	[sflag:s0] =	ssyncadd.s32 @!p2 $0xFFFFF800;
	s0 =	simm.s32 @!p2 $0x4  }
0xd4: {  	[hbm4b:s31+s30] =	stream.linear.scatter @!p2 [tilespmem:s1], [sflag:$0x4], $0x800, $0x38;
	[tilespmem:$0x4400] =	vst v63  }
0xd5: {  	_ =	swait.ge @!p2 [sflag:s0], $0x800  }
.Ltmp0:
0xd6: {  	s1 =	simm.s32 @!p0 $0x2;
	[sflag:s0] =	ssyncset.done @!p2 $0x0;
	(pc) =	sbr.rel @p1 .LBB2_2-.Ltmp0, $4  }
0xd7: {  	[sflag:s0] =	ssyncadd.s32 @!p2 $0xFFFFF800  }
0xd8: {  	_ =	swait.ge @!p0 [sflag:s1], $0x800  }
0xd9: {  	s25 =	sadd.s32 $0x100, s25;
	[sflag:s1] =	ssyncset.done @!p0 $0x0  }
0xda: {  	s26 =	sadd.s32 $0x1000, s26;
	[sflag:s1] =	ssyncadd.s32 @!p0 $0xFFFFF800;
	s1 =	simm.s32 @!p0 $0x3  }
0xdb: {  	[hbm4b:s29+s23] =	stream.linear.scatter @!p0 [tilespmem:s28], [sflag:$0x3], $0x800, $0x38;
	[tilespmem:$0x4400] =	vst v63  }
0xdc: {  	_ =	swait.ge @!p0 [sflag:s1], $0x800  }
0xdd: {  	s4 =	rddreg [dreg:$0x5]  }
0xde: {  	s0 =	rddreg [dreg:$0x3];
	s4 =	sadd.s32 $0x1, s4  }
0xdf: {  	p1 =	sne.s32 s4, s0  }
.Ltmp1:
0xe0: {  	_ = 	snop;
	(pc) =	sbr.rel @p1 .LBB2_1-.Ltmp1, $3  }
0xe1: {  	_ =	sdelay $0x1  }
0xe2: {  	[sflag:s1] =	ssyncset.done @!p0 $0x0  }
0xe3: {  	[sflag:s1] =	ssyncadd.s32 @!p0 $0xFFFFF800  }
0xe4: {  	_ =	sfence.sel $0x180000  }
0xe5: {  	[bflag:$0x0] =	sbarrier.arrive $0xFFFF  }
0xe6: {  	_ =	strace $0x90000047  }
0xe7: {  	s0 =	stileid.u32;
	[bflag:$0x2] =	sbarrier.arrive $0xFFFF  }
0xe8: {  	p0 =	sne.s32 s0, $0x0;
	s0 =	rddreg [dreg:$0x2]  }
0xe9: {  	s0 =	sadd.s32 @!p0 $0x100000, s0  }
0xea: {  	[sflag:s0] =	ssyncadd.tile.s32 @!p0 $0x1;
	_ =	shalt  }
.Lfunc_end2:
_tile_overlayer_lowered:
.L_overlay_start_2:
0xeb: {  	(tag) =	ssettag $0x2  }
0xec: {  	s0 =	rddreg [dreg:$0x0];
	s2 =	stileid.u32  }
0xed: {  	s1 =	rddreg [dreg:$0x1];
	p0 =	sne.s32 s2, $0x0  }
0xee: {  	s3 =	rddreg [dreg:$0x2];
	[bflag:$0x3] =	sbarrier.arrive $0xFFFF;
	s2 =	simm.s32 @!p0 $0x1C03  }
0xef: {  	[timem:s3], [sflag:s2] =	dma.local @!p0 [hbm:s0], s1  }
0xf0: {  	s0 =	simm.s32 @!p0 $0x3  }
0xf1: {  	_ =	swait.ge @!p0 [sflag:s0], s1  }
0xf2: {  	s1 =	ssub.s32 @!p0 $0x0, s1;
	[sflag:s0] =	ssyncset.done @!p0 $0x0  }
0xf3: {  	[sflag:s0] =	ssyncadd.s32 @!p0 s1  }
0xf4: {  	[bflag:$0x3] =	sbarrier.arrive $0xFFFF  }
0xf5: {  	_ =	shalt  }

// kernel: kernel.9.cloned.1.call-start
scs
__scs_entry_jumppad:
0x0: {  	(pc) =	sbr.rel $0x88, $3  }
0x1: {  	(tag) =	ssettag $0x0;
	lr =	simm.s32 $0x1  }
0x2: {  	[smem:$0x3F96] =	sst lr;
	_ =	strace $0xD0000000  }
0x3: {  	_ = 	snop  }
0x4: {  	_ = 	snop  }
0x5: {  	_ = 	snop  }
0x6: {  	_ = 	snop  }
0x7: {  	_ = 	snop  }
__scs_overlays_trampoline_lowered:
0x8: {  	[smem:$0x3FA5] =	sst s0  }
0x9: {  	[smem:$0x3FA6] =	sst s1  }
0xa: {  	[smem:$0x3FA7] =	sst s2  }
0xb: {  	[smem:$0x3FA8] =	sst s3  }
0xc: {  	[smem:$0x3FA9] =	sst s4  }
0xd: {  	[smem:$0x3FAA] =	sst s5  }
0xe: {  	[smem:$0x3FAB] =	sst s6  }
0xf: {  	[smem:$0x3FAC] =	sst s7  }
0x10: {  	[smem:$0x3FAD] =	sst s8  }
0x11: {  	[smem:$0x3FAE] =	sst s9;
	s0 =	simm.s32 @!p0 $0x0  }
0x12: {  	s1 =	sld [smem:$0x3F94];
	s0 =	simm.s32 @p0 $0x1  }
0x13: {  	[smem:$0x3FAF] =	sst s0;
	s0 =	simm.s32 @!p1 $0x0  }
0x14: {  	s2 =	sld [smem:$0x3F93];
	s0 =	simm.s32 @p1 $0x1  }
0x15: {  	[smem:$0x3FB0] =	sst s0;
	s0 =	simm.s32 @!p2 $0x0  }
0x16: {  	s3 =	sld [smem:$0x3FDB];
	s0 =	simm.s32 @p2 $0x1  }
0x17: {  	s4 =	simm.s32 $0x1BF5;
	[smem:$0x3FB2] =	sst s0  }
0x18: {  	s0 =	sld [smem:$0x3F95];
	_ =	swait.ge [sflag:s4], $0x0  }
0x19: {  	s7 =	sld [smem:$0x3F96]  }
0x1a: {  	s8 =	sadd.s32 $0xFFFFE003, lr  }
0x1b: {  	s9 =	sadd.s32 $0xFFFFFEF7, lr;
	s5 =	simm.s32 $0xFFFFFFFF;
	p2 =	slt.u32 s8, $0xFFFFF086  }
0x1c: {  	p1 =	slt.u32 s9, $0xF7A;
	s5 =	simm.s32 @!p2 $0x0  }
0x1d: {  	s5 =	simm.s32 @p1 $0x1;
	p0 =	seq.s32 s7, s2  }
0x1e: {  	s7 =	smul.u32 @!p0 $0xF7A, s2;
	p2 =	seq.s32 @!p0 s5, $0x0  }
0x1f: {  	s9 =	smul.u32 $0xF7A, s1;
	s8 =	simm.s32 @!p0 $0x1BF5;
	p2 =	por !p2, p0  }
0x20: {  	[sflag:s8] =	ssyncset.s32 @!p0 $0xFFFFF086;
	s6 =	sadd.s32 @!p0 s3, s7;
	s7 =	simm.s32 @!p0 $0x108  }
0x21: {  	s3 =	sadd.s32 s3, s9;
	s6 =	sadd.s32 @!p0 $0x88, s6;
	s7 =	simm.s32 @p2 $0x1082  }
0x22: {  	[simem:s7], [sflag:s8] =	dma.local @!p0 [hbm:s6], $0xF7A  }
0x23: {  	s9 =	sor.u32 $0xD0000000, s2;
	s6 =	simm.s32 $0x108;
	_ =	swait.ge @!p0 [sflag:s8], $0x0  }
0x24: {  	s3 =	sadd.s32 $0x88, s3;
	s6 =	simm.s32 @!p1 $0x1082;
	[sflag:s4] =	ssyncset.s32 $0xFFFFF086  }
0x25: {  	[simem:s6], [sflag:s4] =	dma.local [hbm:s3], $0xF7A  }
0x26: {  	[smem:$0x3F96] =	sst s1;
	(tag) =	ssettag s2;
	_ =	strace s9  }
0x27: {  	s1 =	sld [smem:$0x3FA6]  }
0x28: {  	s2 =	sld [smem:$0x3FA7]  }
0x29: {  	s4 =	sld [smem:$0x3FA9]  }
0x2a: {  	p0 =	seq.s32 s5, $0x0;
	s5 =	sld [smem:$0x3FAA]  }
0x2b: {  	s6 =	sld [smem:$0x3FAB]  }
0x2c: {  	s7 =	sld [smem:$0x3FAC]  }
0x2d: {  	s3 =	simm.s32 $0x108;
	s8 =	sld [smem:$0x3FAD]  }
0x2e: {  	s3 =	simm.s32 @!p0 $0x1082;
	s9 =	sld [smem:$0x3FAE]  }
0x2f: {  	lr =	sadd.s32 s0, s3;
	s0 =	sld [smem:$0x3FA5]  }
0x30: {  	s3 =	sld [smem:$0x3FA8]  }
0x31: {  	[smem:$0x3FB1] =	sst s10  }
0x32: {  	s10 =	sld [smem:$0x3FAF];
	_ =	sdelay $0x3  }
0x33: {  	p0 =	seq.s32 s10, $0x1;
	s10 =	sld [smem:$0x3FB1];
	_ =	sdelay $0x3  }
0x34: {  	[smem:$0x3FB1] =	sst s10  }
0x35: {  	s10 =	sld [smem:$0x3FB0];
	_ =	sdelay $0x3  }
0x36: {  	p1 =	seq.s32 s10, $0x1;
	s10 =	sld [smem:$0x3FB1];
	_ =	sdelay $0x3  }
0x37: {  	[smem:$0x3FB1] =	sst s10  }
0x38: {  	s10 =	sld [smem:$0x3FB2]  }
0x39: {  	_ = 	snop;
	(pc) =	sbr.ind lr, $3  }
0x3a: {  	_ = 	snop  }
0x3b: {  	_ = 	snop  }
0x3c: {  	p2 =	seq.s32 s10, $0x1;
	s10 =	sld [smem:$0x3FB1]  }
0x3d: {  	_ =	shalt  }
0x3e: {  	_ =	shalt  }
0x3f: {  	_ =	shalt  }
0x40: {  	_ =	shalt  }
0x41: {  	_ =	shalt  }
0x42: {  	_ =	shalt  }
0x43: {  	_ =	shalt  }
0x44: {  	_ =	shalt  }
0x45: {  	_ =	shalt  }
0x46: {  	_ =	shalt  }
0x47: {  	_ =	shalt  }
0x48: {  	_ =	shalt  }
0x49: {  	_ =	shalt  }
0x4a: {  	_ =	shalt  }
0x4b: {  	_ =	shalt  }
0x4c: {  	_ =	shalt  }
0x4d: {  	_ =	shalt  }
0x4e: {  	_ =	shalt  }
0x4f: {  	_ =	shalt  }
0x50: {  	_ =	shalt  }
0x51: {  	_ =	shalt  }
0x52: {  	_ =	shalt  }
0x53: {  	_ =	shalt  }
0x54: {  	_ =	shalt  }
0x55: {  	_ =	shalt  }
0x56: {  	_ =	shalt  }
0x57: {  	_ =	shalt  }
0x58: {  	_ =	shalt  }
0x59: {  	_ =	shalt  }
0x5a: {  	_ =	shalt  }
0x5b: {  	_ =	shalt  }
0x5c: {  	_ =	shalt  }
0x5d: {  	_ =	shalt  }
0x5e: {  	_ =	shalt  }
0x5f: {  	_ =	shalt  }
0x60: {  	_ =	shalt  }
0x61: {  	_ =	shalt  }
0x62: {  	_ =	shalt  }
0x63: {  	_ =	shalt  }
0x64: {  	_ =	shalt  }
0x65: {  	_ =	shalt  }
0x66: {  	_ =	shalt  }
0x67: {  	_ =	shalt  }
0x68: {  	_ =	shalt  }
0x69: {  	_ =	shalt  }
0x6a: {  	_ =	shalt  }
0x6b: {  	_ =	shalt  }
0x6c: {  	_ =	shalt  }
0x6d: {  	_ =	shalt  }
0x6e: {  	_ =	shalt  }
0x6f: {  	_ =	shalt  }
0x70: {  	_ =	shalt  }
0x71: {  	_ =	shalt  }
0x72: {  	_ =	shalt  }
0x73: {  	_ =	shalt  }
0x74: {  	_ =	shalt  }
0x75: {  	_ =	shalt  }
0x76: {  	_ =	shalt  }
0x77: {  	_ =	shalt  }
0x78: {  	_ =	shalt  }
0x79: {  	_ =	shalt  }
0x7a: {  	_ =	shalt  }
0x7b: {  	_ =	shalt  }
0x7c: {  	_ =	shalt  }
0x7d: {  	_ =	shalt  }
0x7e: {  	_ =	shalt  }
0x7f: {  	_ =	shalt  }
0x80: {  	_ =	shalt  }
0x81: {  	_ =	shalt  }
0x82: {  	_ =	shalt  }
0x83: {  	_ =	shalt  }
0x84: {  	_ =	shalt  }
0x85: {  	_ =	shalt  }
0x86: {  	_ =	shalt  }
0x87: {  	_ =	shalt  }
.Lfunc_end0:
.L_simem_size_0:
called_computation.1_lowered:
.L_overlay_start_0:
0x88: {  	s2 =	sld [smem:$0x3FD9]  }
0x89: {  	s3 =	sld [smem:$0x3FFE];
	_ =	sdelay $0x1  }
0x8a: {  	s1 =	srdreg.scid  }
0x8b: {  	s0 =	sand.u32 $0x1, s1  }
0x8c: {  	s14 =	sshll.u32 s0, $0xA;
	s2 =	sadd.s32 s3, s2  }
0x8d: {  	s2 =	sadd.s32 s2, s14  }
0x8e: {  	[smem:$0x3FBD] =	sst s2  }
0x8f: {  	_ = 	snop  }
0x90: {  	s2 =	sld [smem:$0x3FD0];
	_ =	sdelay $0x2  }
0x91: {  	s15 =	simm.s32 $0xA;
	s4 =	simm.s32 $0x10  }
0x92: {  	[smem:s4], [sflag:s15] =	dma.local [hbm:s2], $0x1  }
0x93: {  	_ =	swait.eq [sflag:s15], $0x1  }
0x94: {  	[sflag:s15] =	ssyncset.done $0x0  }
0x95: {  	[sflag:s15] =	ssyncadd.s32 $0xFFFFFFFF  }
0x96: {  	s16 =	sld [smem:$0x12];
	(tm) =	ssettm $0x1  }
0x97: {  	s17 =	sld [smem:$0x3FFB];
	_ =	sdelay $0x3  }
0x98: {  	_ =	strace s17  }
0x99: {  	s3 =	sld [smem:$0x3FFC];
	_ =	sdelay $0x3  }
0x9a: {  	_ =	strace s3  }
0x9b: {  	s3 =	sld [smem:$0x3FFD];
	_ =	sdelay $0x3  }
0x9c: {  	_ =	strace s3  }
0x9d: {  	_ =	strace $0x8FFFFFFF  }
0x9e: {  	s18 =	sld [smem:$0x3FDB];
	_ =	sdelay $0x1  }
0x9f: {  	s19 =	simm.s32 $_scs_section_size  }
0xa0: {  	s5 =	simm.s32 $_size__tile_overlayer_lowered;
	s6 =	simm.s32 $_tile_overlayer_lowered  }
0xa1: {  	s22 =	simm.s32 $0x1BFF;
	s21 =	sshll.u32 s6, $0x1;
	s3 =	sadd.s32 s19, s18  }
0xa2: {  	s7 =	simm.s32 $0x0;
	s20 =	sshll.u32 s5, $0x1;
	s5 =	sadd.s32 s21, s3  }
0xa3: {  	[timem:s7], [sflag:s22] =	dma.local [hbm:s5], s20  }
0xa4: {  	_ =	swait.ge [sflag:s22], s20  }
0xa5: {  	s4 =	ssub.s32 $0x0, s20;
	[sflag:s22] =	ssyncset.done $0x0  }
0xa6: {  	[sflag:s22] =	ssyncadd.s32 s4;
	_ =	sdelay $0x1  }
0xa7: {  	s23 =	simm.s32 $0x1B8B  }
0xa8: {  	_ =	swait.ge [sflag:s23], $0x1  }
0xa9: {  	[sflag:s23] =	ssyncset.done $0x0  }
0xaa: {  	s25 =	simm.s32 $0x1B8E;
	s24 =	sld [smem:$0x3FFE];
	[sflag:s23] =	ssyncadd.s32 $0xFFFFFFFF  }
0xab: {  	s26 =	simm.s32 $execute0_lowered;
	[smem:$0x3FD2] =	sst s25  }
0xac: {  	s5 =	sshll.u32 s26, $0x1;
	_ =	strace $0x80000049;
	[dreg:$0x1] =	wrdreg $0xFFFFFFFF  }
0xad: {  	s28 =	simm.s32 $_size_execute0_lowered;
	s3 =	sadd.s32 s3, s5;
	[dreg:$0x0] =	wrdreg $0x0  }
0xae: {  	s5 =	sshll.u32 s28, $0x1;
	[dreg:$0x2] =	wrdreg s3  }
0xaf: {  	[dreg:$0x3] =	wrdreg s5  }
0xb0: {  	[dreg:$0x4] =	wrdreg $0xC0  }
0xb1: {  	_ =	task [dreg:s7], $0x5FFFF  }
0xb2: {  	[dreg:$0x1] =	wrdreg $0xFFFFFFFF  }
0xb3: {  	[dreg:$0x0] =	wrdreg $0x60  }
0xb4: {  	[dreg:$0x2] =	wrdreg s16  }
0xb5: {  	[dreg:$0x3] =	wrdreg s24  }
0xb6: {  	[dreg:$0x4] =	wrdreg $0x9  }
0xb7: {  	_ =	task.clear_ibuf [dreg:s7], $0x5FFFF;
	_ =	strace $0x90000049  }
0xb8: {  	s29 =	simm.s32 $0x9;
	_ =	strace $0x8000004B  }
0xb9: {  	_ =	swait.ge [sflag:s29], $0x1  }
0xba: {  	[sflag:s29] =	ssyncadd.s32 $0xFFFFFFFF  }
0xbb: {  	_ =	strace $0x9000004B  }
0xbc: {  	_ =	sfence  }
0xbd: {  	s30 =	sld [smem:$0x0];
	_ =	sdelay $0x2  }
0xbe: {  	s31 =	sshll.u32 s1, $0xD;
	s1 =	sshrl.u32 s1, $0x2  }
0xbf: {  	s3 =	sand.u32 $0x4000, s31;
	s1 =	sadd.s32 s1, s30  }
0xc0: {  	s0 =	sor.u32 s3, s0;
	s1 =	sshll.u32 s1, $0x11  }
0xc1: {  	s0 =	sor.u32 s1, s0  }
0xc2: {  	s0 =	sadd.s32 $0x8F2B, s0  }
0xc3: {  	[sflag:s0] =	ssyncadd.remote.s32 $0x1  }
0xc4: {  	_ =	sfence.sel $0xFFFF  }
0xc5: {  	[dreg:$0x0] =	wrdreg $0xFFFFFFFF;
	(pc) =	sbr.abs _section_cstart, $3  }
0xc6: {  	[dreg:$0x1] =	wrdreg $0xFFFFFFFF  }
0xc7: {  	_ =	task.clear_ibuf [dreg:s7], $0x2FFFF;
	_ =	strace $0x9FFFFFFF  }
0xc8: {  	(tm) =	ssettm $0x7FFFFFFF  }
0xc9: {  	_ =	shalt  }
tec
execute0_lowered:
.L_overlay_start_1:
0x0: {  	(tag) =	ssettag $0x1  }
0x1: {  	v0 =	vimm.s32 $0x100  }
0x2: {  	v2 =	vunpack.c.0.s8.s32 v0  }
0x3: {  	vm0 =	vcmask $0x700;
	v1 =	vlaneseq.u32  }
0x4: {  	s1 =	srdreg.scid;
	s0 =	stileid.u32;
	vm4 =	vcmask $0xB08;
	vm5 =	vcmask $0xF0C;
	v3 =	vnsel vm0, $0x927C3, v2  }
0x5: {  	s7 =	rddreg [dreg:$0x1];
	vm6 =	vcmask $0x1310;
	s3 =	simm.s32 $0x0;
	vm7 =	vcmask $0x1714;
	s10 =	simm.s32 $0x2;
	v4 =	vsel vm4, $0x30D40, v3  }
0x6: {  	vm8 =	vcmask $0x1B18;
	v6 =	vimm.s32 $0x302;
	s11 =	simm.s32 $0x80;
	s12 =	simm.s32 $0x1C80;
	s13 =	simm.s32 $0x3C80;
	v5 =	vsel vm5, $0x30D41, v4  }
0x7: {  	vm9 =	vcmask $0x1F1C;
	vm10 =	vcmask $0x2720;
	s14 =	simm.s32 $0x5C80;
	s5 =	sand.u32 $0x1, s1;
	s24 =	sshll.u32 s0, $0x1;
	v5 =	vsel vm6, $0x61A80, v5  }
0x8: {  	vm11 =	vcmask $0x2B28;
	vm12 =	vcmask $0x2F2C;
	s15 =	simm.s32 $0x3;
	s16 =	simm.s32 $0x0;
	s4 =	sor.u32 s5, s24;
	v5 =	vsel vm7, $0x61A81, v5  }
0x9: {  	vm13 =	vcmask $0x3330;
	[smem:$0x7FF] =	sst s3;
	v8 =	vunpack.c.0.s8.s32 v6;
	s5 =	ssub.s32 $0x2, s5;
	s1 =	smul.u32 $0x620, s4;
	v7 =	vsel vm8, $0x927C0, v5  }
0xa: {  	vm14 =	vcmask $0x3734;
	vm15 =	vcmask $0x3B38;
	s6 =	sshll.u32 s4, $0x6;
	s25 =	smul.u32 $0x3100, s4;
	s4 =	sadd.s32 $0x328000, s7;
	v7 =	vsel vm9, $0x927C1, v7  }
0xb: {  	v12 =	vimm.s32 $0x0;
	v13 =	vimm.s32 $0x620;
	s28 =	sshrl.u32 s5, $0x1;
	s2 =	sor.u32 $0x10, s6;
	s8 =	sor.u32 $0x20, s6;
	v8 =	vsel vm10, v8, v7  }
0xc: {  	v2 =	vor.u32 s6, v1;
	s9 =	sor.u32 $0x30, s6;
	s26 =	sadd.s32 $0x40, s6;
	s29 =	sadd.s32 $0x50, s6;
	v0 =	vmov s1;
	v9 =	vsel vm11, $0x30D42, v8  }
0xd: {  	s30 =	sadd.s32 $0x60, s6;
	s31 =	sadd.s32 $0x70, s6;
	s1 =	rddreg [dreg:$0x0];
	v3 =	vor.u32 s2, v1;
	v4 =	vor.u32 s8, v1;
	v10 =	vsel vm12, $0x30D43, v9  }
0xe: {  	s2 =	rddreg [dreg:$0x2];
	s7 =	sadd.s32 s25, s7;
	v6 =	vor.u32 s26, v1;
	s8 =	ssub.s32 s5, s28;
	v5 =	vor.u32 s9, v1;
	v11 =	vsel vm13, $0x61A82, v10  }
0xf: {  	_ =	strace $0x8000004A;
	s5 =	sadd.s32 $0x2400, s7;
	s6 =	smax.u32 s8, $0x1;
	v7 =	vor.u32 s29, v1;
	v8 =	vor.u32 s30, v1;
	v11 =	vsel vm14, $0x61A83, v11  }
0x10: {  	s7 =	simm.s32 $0x1;
	s8 =	simm.s32 $0xC80;
	s9 =	simm.s32 $0x1480;
	v9 =	vor.u32 s31, v1;
	v10 =	vimm.f32 $0.0e+00;
	v11 =	vsel vm15, $0x927C2, v11  }
.LBB2_1:
0x11: {  	s17 =	simm.s32 $0x40;
	s18 =	simm.s32 $0x0  }
.LBB2_2:
0x12: {  	p0 =	sne.s32 s17, $0x627C0;
	[tilespmem:s18+$0x5C80] =	vst v10;
	s18 =	smov.u32 s17;
	s17 =	sadd.s32 $0x40, s17  }
.Ltmp0:
0x13: {  	(pc) =	sbr.rel @p0 .LBB2_2-.Ltmp0, $2  }
0x14: {  	_ =	sdelay $0x2  }
0x15: {  	s18 =	sshra.s32 s18, $0x2  }
.Ltmp1:
0x16: {  	(pc) =	sbr.rel .LBB2_4-.Ltmp1, $3  }
0x17: {  	_ =	sdelay $0x1  }
0x18: {  	[tilespmem:s18+$0x5C80] =	vst v10;
	s17 =	simm.s32 $0x0;
	s20 =	simm.s32 $0x0;
	s19 =	simm.s32 $0x0  }
0x19: {  	[tilespmem:s17], [sflag:$0x1] =	stream.linear.gather [hbm4b:s1+s17], $0x640, $0x38;
	[tilespmem:$0x1E680] =	vst v63  }
.LBB2_14:
0x1a: {  	p0 =	sne.s32 s19, $0x1F4  }
.Ltmp2:
0x1b: {  	_ = 	snop;
	(pc) =	sbr.rel @!p0 .LBB2_15-.Ltmp2, $1  }
0x1c: {  	_ =	sdelay $0x3  }
.LBB2_4:
0x1d: {  	s18 =	smov.u32 s19  }
0x1e: {  	s19 =	sadd.s32 $0x1, s19;
	p0 =	seq.s32 s18, $0x1F3  }
0x1f: {  	s21 =	sand.u32 @!p0 $0x1, s19  }
0x20: {  	p1 =	seq.s32 @!p0 s21, $0x1;
	s21 =	smul.u32 @!p0 $0xC8, s19  }
0x21: {  	s22 =	simm.s32 @!p0 $0x640;
	p1 =	por !p1, p0  }
0x22: {  	s23 =	simm.s32 @!p0 $0x0;
	s22 =	simm.s32 @p1 $0x0;
	s21 =	sadd.s32 @!p0 s1, s21  }
0x23: {  	[tilespmem:s22], [sflag:$0x1] =	stream.linear.gather @!p0 [hbm4b:s21+s23], $0x640, $0x38;
	[tilespmem:$0x1E680] =	vst v63  }
0x24: {  	s21 =	ssub.s32 s20, s17  }
0x25: {  	_ =	swait.ge [sflag:s7], $0x640;
	p0 =	slt.s32 s21, $0x80  }
0x26: {  	[sflag:s7] =	ssyncset.done $0x0;
	p1 =	slt.s32 @!p0 s21, $0x100  }
0x27: {  	s22 =	sand.u32 @!p0 $0x780, s17;
	s23 =	simm.s32 @!p0 $0x80;
	s24 =	simm.s32 @!p0 $0x1C80  }
0x28: {  	[sflag:s7] =	ssyncadd.s32 $0xFFFFF9C0;
	s22 =	sadd.s32 @!p0 $0xC80, s22;
	p1 =	por p1, p0  }
0x29: {  	[tilespmem:s24], [sflag:$0x2] =	stream.indirect.gather @!p0 [hbm4b:s4+s23], $0x40, s22, s23, $0xb8;
	[tilespmem:$0x1E680] =	vst v63  }
0x2a: {  	s22 =	sadd.s32 @!p1 $0x80, s17  }
0x2b: {  	s30 =	sand.u32 $0x1, s18;
	s22 =	sand.u32 @!p1 $0x780, s22  }
0x2c: {  	s24 =	simm.s32 @!p1 $0x80;
	s25 =	simm.s32 @!p1 $0x3C80;
	s22 =	sadd.s32 @!p1 $0xC80, s22  }
0x2d: {  	[tilespmem:s25], [sflag:$0x2] =	stream.indirect.gather @!p1 [hbm4b:s4+s24], $0x40, s22, s24, $0xb8;
	[tilespmem:$0x1E680] =	vst v63  }
0x2e: {  	p1 =	seq.s32 s30, $0x1;
	s22 =	simm.s32 $0x640  }
0x2f: {  	s22 =	simm.s32 @!p1 $0x0  }
0x30: {  	s22 =	sadd.s32 $0x50, s22  }
0x31: {  	v15 =	vmov s22  }
0x32: {  	s18 =	smul.u32 $0x190, s18  }
0x33: {  	s31 =	sadd.s32 $0xFFFFFFFF, s20  }
0x34: {  	v16 =	vmov s31;
	v14 =	vadd.s32 s18, v11;
	s18 =	simm.s32 $0x0  }
.LBB2_5:
0x35: {  	s20 =	sshra.s32 s18, $0x2  }
0x36: {  	v17 =	vld.idx.msk [tilespmem:v15+s20+$0xFFFFFFB0 ss:$0x1], $0xffff;
	_ =	sdelay $0x4  }
0x37: {  	v17 =	vsub.s32 v17, v0  }
0x38: {  	vm0 =	vlt.u32 v17, $0x620  }
0x39: {  	v18 =	vsel vm0, $0x1, v12  }
0x3a: {  	(xrf0) =	vadd.scan.msk.s32 $0xffff, v18;
	_ =	sdelay $0x5  }
0x3b: {  	v18, _, _ =	vpop (xrf0)  }
0x3c: {  	v18 =	vadd.s32 v16, v18  }
0x3d: {  	v18 =	vand.u32 $0x7FF, v18;
	_ =	sdelay $0x4  }
0x3e: {  	[tilespmem:v18+s8+$0x0] =	vst.idx.msk vm0, v14  }
0x3f: {  	[tilespmem:v18+s9+$0x0] =	vst.idx.msk vm0, v17  }
0x40: {  	v17 =	vld.idx.msk [tilespmem:v15+s20+$0xFFFFFFC0 ss:$0x1], $0xffff;
	_ =	sdelay $0x4  }
0x41: {  	v17 =	vsub.s32 v17, v0  }
0x42: {  	vm1 =	vlt.u32 v17, $0x620  }
0x43: {  	v18 =	vsel vm1, $0x1, v12  }
0x44: {  	(xrf0) =	vadd.scan.msk.s32 $0xffff, v18;
	_ =	sdelay $0x1  }
0x45: {  	v18 =	vmpcnt.ones.xlane vm0;
	_ =	sdelay $0x3  }
0x46: {  	v16 =	vadd.s32 v16, v18;
	v18, _, _ =	vpop (xrf0)  }
0x47: {  	v18 =	vadd.s32 v16, v18  }
0x48: {  	v18 =	vand.u32 $0x7FF, v18;
	_ =	sdelay $0x3  }
0x49: {  	v19 =	vadd.s32 $0x4, v14  }
0x4a: {  	[tilespmem:v18+s8+$0x0] =	vst.idx.msk vm1, v19  }
0x4b: {  	[tilespmem:v18+s9+$0x0] =	vst.idx.msk vm1, v17  }
0x4c: {  	v17 =	vld.idx.msk [tilespmem:v15+s20+$0xFFFFFFD0 ss:$0x1], $0xffff;
	_ =	sdelay $0x4  }
0x4d: {  	v17 =	vsub.s32 v17, v0  }
0x4e: {  	vm8 =	vlt.u32 v17, $0x620  }
0x4f: {  	v18 =	vsel vm8, $0x1, v12  }
0x50: {  	(xrf0) =	vadd.scan.msk.s32 $0xffff, v18;
	_ =	sdelay $0x1  }
0x51: {  	v18 =	vmpcnt.ones.xlane vm1;
	_ =	sdelay $0x3  }
0x52: {  	v16 =	vadd.s32 v16, v18;
	v18, _, _ =	vpop (xrf0)  }
0x53: {  	v18 =	vadd.s32 v16, v18  }
0x54: {  	v18 =	vand.u32 $0x7FF, v18;
	_ =	sdelay $0x3  }
0x55: {  	v19 =	vadd.s32 $0x8, v14  }
0x56: {  	[tilespmem:v18+s8+$0x0] =	vst.idx.msk vm8, v19  }
0x57: {  	[tilespmem:v18+s9+$0x0] =	vst.idx.msk vm8, v17  }
0x58: {  	v17 =	vld.idx.msk [tilespmem:v15+s20+$0xFFFFFFE0 ss:$0x1], $0xffff;
	_ =	sdelay $0x4  }
0x59: {  	v17 =	vsub.s32 v17, v0  }
0x5a: {  	vm9 =	vlt.u32 v17, $0x620  }
0x5b: {  	v18 =	vsel vm9, $0x1, v12  }
0x5c: {  	(xrf0) =	vadd.scan.msk.s32 $0xffff, v18;
	_ =	sdelay $0x1  }
0x5d: {  	v18 =	vmpcnt.ones.xlane vm8;
	_ =	sdelay $0x3  }
0x5e: {  	v16 =	vadd.s32 v16, v18;
	v18, _, _ =	vpop (xrf0)  }
0x5f: {  	v18 =	vadd.s32 v16, v18  }
0x60: {  	v18 =	vand.u32 $0x7FF, v18;
	_ =	sdelay $0x3  }
0x61: {  	v19 =	vadd.s32 $0xC, v14  }
0x62: {  	[tilespmem:v18+s8+$0x0] =	vst.idx.msk vm9, v19  }
0x63: {  	[tilespmem:v18+s9+$0x0] =	vst.idx.msk vm9, v17  }
0x64: {  	v17 =	vld.idx.msk [tilespmem:v15+s20+$0xFFFFFFF0 ss:$0x1], $0xffff;
	_ =	sdelay $0x4  }
0x65: {  	v17 =	vsub.s32 v17, v0  }
0x66: {  	vm10 =	vlt.u32 v17, $0x620  }
0x67: {  	v18 =	vsel vm10, $0x1, v12  }
0x68: {  	(xrf0) =	vadd.scan.msk.s32 $0xffff, v18;
	_ =	sdelay $0x1  }
0x69: {  	v18 =	vmpcnt.ones.xlane vm9;
	_ =	sdelay $0x3  }
0x6a: {  	v16 =	vadd.s32 v16, v18;
	v18, _, _ =	vpop (xrf0)  }
0x6b: {  	v18 =	vadd.s32 v16, v18  }
0x6c: {  	v18 =	vand.u32 $0x7FF, v18;
	_ =	sdelay $0x3  }
0x6d: {  	v19 =	vadd.s32 $0x10, v14  }
0x6e: {  	[tilespmem:v18+s8+$0x0] =	vst.idx.msk vm10, v19  }
0x6f: {  	[tilespmem:v18+s9+$0x0] =	vst.idx.msk vm10, v17  }
0x70: {  	v17 =	vld.idx.msk [tilespmem:v15+s20+$0x0 ss:$0x1], $0xffff;
	_ =	sdelay $0x4  }
0x71: {  	v17 =	vsub.s32 v17, v0  }
0x72: {  	vm11 =	vlt.u32 v17, $0x620  }
0x73: {  	v18 =	vsel vm11, $0x1, v12  }
0x74: {  	(xrf0) =	vadd.scan.msk.s32 $0xffff, v18;
	_ =	sdelay $0x1  }
0x75: {  	v18 =	vmpcnt.ones.xlane vm10;
	_ =	sdelay $0x3  }
0x76: {  	v16 =	vadd.s32 v16, v18;
	v18, _, _ =	vpop (xrf0)  }
0x77: {  	v18 =	vadd.s32 v16, v18  }
0x78: {  	v18 =	vand.u32 $0x7FF, v18;
	_ =	sdelay $0x3  }
0x79: {  	v19 =	vadd.s32 $0x14, v14  }
0x7a: {  	[tilespmem:v18+s8+$0x0] =	vst.idx.msk vm11, v19  }
0x7b: {  	[tilespmem:v18+s9+$0x0] =	vst.idx.msk vm11, v17  }
0x7c: {  	v17 =	vld.idx.msk [tilespmem:v15+s20+$0x10 ss:$0x1], $0xffff;
	_ =	sdelay $0x4  }
0x7d: {  	v17 =	vsub.s32 v17, v0  }
0x7e: {  	vm12 =	vlt.u32 v17, $0x620  }
0x7f: {  	v18 =	vsel vm12, $0x1, v12  }
0x80: {  	(xrf0) =	vadd.scan.msk.s32 $0xffff, v18;
	_ =	sdelay $0x1  }
0x81: {  	v18 =	vmpcnt.ones.xlane vm11;
	_ =	sdelay $0x3  }
0x82: {  	v16 =	vadd.s32 v16, v18;
	v18, _, _ =	vpop (xrf0)  }
0x83: {  	v18 =	vadd.s32 v16, v18  }
0x84: {  	v18 =	vand.u32 $0x7FF, v18;
	_ =	sdelay $0x3  }
0x85: {  	v19 =	vadd.s32 $0x18, v14  }
0x86: {  	[tilespmem:v18+s8+$0x0] =	vst.idx.msk vm12, v19  }
0x87: {  	[tilespmem:v18+s9+$0x0] =	vst.idx.msk vm12, v17  }
0x88: {  	v17 =	vld.idx.msk [tilespmem:v15+s20+$0x20 ss:$0x1], $0xffff;
	_ =	sdelay $0x4  }
0x89: {  	v17 =	vsub.s32 v17, v0  }
0x8a: {  	vm13 =	vlt.u32 v17, $0x620  }
0x8b: {  	v18 =	vsel vm13, $0x1, v12  }
0x8c: {  	(xrf0) =	vadd.scan.msk.s32 $0xffff, v18;
	_ =	sdelay $0x1  }
0x8d: {  	v18 =	vmpcnt.ones.xlane vm12;
	_ =	sdelay $0x3  }
0x8e: {  	v16 =	vadd.s32 v16, v18;
	v18, _, _ =	vpop (xrf0)  }
0x8f: {  	v18 =	vadd.s32 v16, v18  }
0x90: {  	v18 =	vand.u32 $0x7FF, v18;
	_ =	sdelay $0x3  }
0x91: {  	v19 =	vadd.s32 $0x1C, v14  }
0x92: {  	[tilespmem:v18+s8+$0x0] =	vst.idx.msk vm13, v19  }
0x93: {  	[tilespmem:v18+s9+$0x0] =	vst.idx.msk vm13, v17  }
0x94: {  	v17 =	vld.idx.msk [tilespmem:v15+s20+$0x30 ss:$0x1], $0xffff;
	_ =	sdelay $0x4  }
0x95: {  	v17 =	vsub.s32 v17, v0  }
0x96: {  	vm14 =	vlt.u32 v17, $0x620  }
0x97: {  	v18 =	vsel vm14, $0x1, v12  }
0x98: {  	(xrf0) =	vadd.scan.msk.s32 $0xffff, v18;
	_ =	sdelay $0x1  }
0x99: {  	v18 =	vmpcnt.ones.xlane vm13;
	_ =	sdelay $0x3  }
0x9a: {  	v16 =	vadd.s32 v16, v18;
	v18, _, _ =	vpop (xrf0)  }
0x9b: {  	v18 =	vadd.s32 v16, v18  }
0x9c: {  	v18 =	vand.u32 $0x7FF, v18;
	_ =	sdelay $0x3  }
0x9d: {  	v19 =	vadd.s32 $0x20, v14  }
0x9e: {  	[tilespmem:v18+s8+$0x0] =	vst.idx.msk vm14, v19  }
0x9f: {  	[tilespmem:v18+s9+$0x0] =	vst.idx.msk vm14, v17  }
0xa0: {  	v17 =	vld.idx.msk [tilespmem:v15+s20+$0x40 ss:$0x1], $0xffff;
	_ =	sdelay $0x4  }
0xa1: {  	v17 =	vsub.s32 v17, v0  }
0xa2: {  	vm15 =	vlt.u32 v17, $0x620  }
0xa3: {  	v18 =	vsel vm15, $0x1, v12  }
0xa4: {  	(xrf0) =	vadd.scan.msk.s32 $0xffff, v18;
	_ =	sdelay $0x1  }
0xa5: {  	v18 =	vmpcnt.ones.xlane vm14;
	_ =	sdelay $0x3  }
0xa6: {  	v16 =	vadd.s32 v16, v18;
	v18, _, _ =	vpop (xrf0)  }
0xa7: {  	v18 =	vadd.s32 v16, v18  }
0xa8: {  	v18 =	vand.u32 $0x7FF, v18  }
0xa9: {  	p1 =	sne.s32 s18, $0x1680  }
.Ltmp3:
0xaa: {  	_ = 	snop;
	(pc) =	sbr.rel @p1 .LBB2_5-.Ltmp3, $4  }
0xab: {  	_ = 	snop  }
0xac: {  	v19 =	vadd.s32 $0x24, v14;
	v20 =	vmpcnt.ones.xlane vm15  }
0xad: {  	[tilespmem:v18+s8+$0x0] =	vst.idx.msk vm15, v19  }
0xae: {  	s18 =	sadd.s32 $0x280, s18;
	v14 =	vadd.s32 $0x28, v14;
	v16 =	vadd.s32 v16, v20;
	[tilespmem:v18+s9+$0x0] =	vst.idx.msk vm15, v17  }
0xaf: {  	v14 =	vxor.u32 $0x80000000, v16  }
0xb0: {  	(xrf0) =	vmax.scan.msk.u32 $0xffff, v14;
	_ =	sdelay $0x5  }
0xb1: {  	v14, _, _ =	vpop (xrf0)  }
0xb2: {  	(v2sf) =	vpush v14, $0xF;
	_ =	sdelay $0xa  }
.Ltmp4:
0xb3: {  	_ = 	snop;
	(pc) =	sbr.rel @p0 .LBB2_13-.Ltmp4, $2  }
0xb4: {  	_ =	sdelay $0x2  }
0xb5: {  	s22 =	simm.s32 $0x0;
	s18 =	spop (v2sf)  }
0xb6: {  	s20 =	sand.u32 $0x780, s17  }
0xb7: {  	s20 =	sadd.s32 $0x1480, s20  }
0xb8: {  	v14 =	vmov s20;
	_ =	sdelay $0x1  }
0xb9: {  	_ =	swait.ge [sflag:s10], $0x2000  }
0xba: {  	s29 =	simm.s32 $0x0;
	[sflag:s10] =	ssyncset.done $0x0  }
0xbb: {  	s22 =	sand.u32 $0x70, s29;
	[sflag:s10] =	ssyncadd.s32 $0xFFFFE000  }
0xbc: {  	v15 =	vld.idx.msk [tilespmem:v14+s22+$0x0 ss:$0x1], $0xffff;
	_ =	sdelay $0x1  }
0xbd: {  	s20 =	sand.u32 $0xC, s29  }
0xbe: {  	v16 =	vmov s20  }
0xbf: {  	vm0 =	veq.s32 v16, v1  }
0xc0: {  	v16 =	vnsel vm0, $0x0, v15  }
0xc1: {  	(xrf0) =	vadd.scan.msk.s32 $0xffff, v16;
	_ =	sdelay $0x5  }
0xc2: {  	v16, _, _ =	vpop (xrf0)  }
0xc3: {  	(v2sf) =	vpush v16, $0xF;
	_ =	sdelay $0x1  }
0xc4: {  	s30 =	simm.s32 $0x1  }
0xc5: {  	s20 =	sand.u32 $0xD, s30  }
0xc6: {  	v16 =	vmov s20  }
0xc7: {  	vm13 =	veq.s32 v16, v1  }
0xc8: {  	v16 =	vnsel vm13, $0x0, v15  }
0xc9: {  	(xrf0) =	vadd.scan.msk.s32 $0xffff, v16;
	_ =	sdelay $0x5  }
0xca: {  	v16, _, _ =	vpop (xrf0)  }
0xcb: {  	s31 =	simm.s32 $0x2;
	s20 =	simm.s32 $0x1D00;
	(v2sf) =	vpush v16, $0xF  }
0xcc: {  	s22 =	sand.u32 $0xE, s31;
	v17 =	vld [tilespmem:s20+$0xFFFFFF80];
	s23 =	spop (v2sf)  }
0xcd: {  	v18 =	vmov s22;
	v19 =	vld [tilespmem:s20+$0xFFFFFFA0];
	s23 =	sshll.u32 s23, $0x8  }
0xce: {  	s24 =	simm.s32 $0x3;
	vm14 =	veq.s32 v18, v1;
	v18 =	vld [tilespmem:s20+$0xFFFFFFB0];
	s22 =	sshra.s32 s23, $0x2  }
0xcf: {  	s24 =	sand.u32 $0xF, s24;
	v22 =	vld [tilespmem:s22+$0x5CB0]  }
0xd0: {  	v20 =	vmov s24;
	v21 =	vnsel vm14, $0x0, v15;
	v16 =	vld [tilespmem:s20+$0xFFFFFF90]  }
0xd1: {  	vm15 =	veq.s32 v20, v1;
	(xrf0) =	vadd.scan.msk.s32 $0xffff, v21;
	v59 =	vld [tilespmem:s22+$0x5CA0]  }
0xd2: {  	v15 =	vnsel vm15, $0x0, v15;
	v60 =	vld [tilespmem:s22+$0x5C80]  }
0xd3: {  	(xrf0) =	vadd.scan.msk.s32 $0xffff, v15;
	v15 =	vld [tilespmem:s22+$0x5C90]  }
0xd4: {  	v18 =	vmax.f32 v22, v18;
	_ =	sdelay $0x1  }
0xd5: {  	v19 =	vmax.f32 v59, v19;
	[tilespmem:s22+$0x5CB0] =	vst v18  }
0xd6: {  	v17 =	vmax.f32 v60, v17;
	[tilespmem:s22+$0x5CA0] =	vst v19;
	v18, _, _ =	vpop (xrf0)  }
0xd7: {  	v15 =	vmax.f32 v15, v16;
	[tilespmem:s22+$0x5C80] =	vst v17;
	(v2sf) =	vpush v18, $0xF  }
0xd8: {  	[tilespmem:s22+$0x5C90] =	vst v15;
	v16, _, _ =	vpop (xrf0)  }
0xd9: {  	s25 =	spop (v2sf);
	v15 =	vld [tilespmem:s20+$0xFFFFFFC0];
	(v2sf) =	vpush v16, $0xF  }
0xda: {  	v62 =	vld [tilespmem:s20+$0xFFFFFFD0]  }
0xdb: {  	v63 =	vld [tilespmem:s20+$0xFFFFFFF0];
	s26 =	sshll.u32 s25, $0x8  }
0xdc: {  	s22 =	sshra.s32 s26, $0x2;
	v16 =	vld [tilespmem:s20+$0xFFFFFFE0]  }
0xdd: {  	v17 =	vld [tilespmem:s22+$0x5CA0]  }
0xde: {  	v18 =	vld [tilespmem:s22+$0x5C80]  }
0xdf: {  	v19 =	vld [tilespmem:s22+$0x5C90]  }
0xe0: {  	v61 =	vld [tilespmem:s22+$0x5CB0];
	_ =	sdelay $0x1  }
0xe1: {  	v16 =	vmax.f32 v17, v16  }
0xe2: {  	v15 =	vmax.f32 v18, v15;
	[tilespmem:s22+$0x5CA0] =	vst v16  }
0xe3: {  	[tilespmem:s22+$0x5C80] =	vst v15;
	v15 =	vmax.f32 v19, v62  }
0xe4: {  	[tilespmem:s22+$0x5C90] =	vst v15;
	v15 =	vmax.f32 v61, v63  }
0xe5: {  	[tilespmem:s22+$0x5CB0] =	vst v15;
	s29 =	spop (v2sf)  }
0xe6: {  	v15 =	vld [tilespmem:s20+$0x30];
	s30 =	sshll.u32 s29, $0x8  }
0xe7: {  	v16 =	vld [tilespmem:s20+$0x0];
	s31 =	spop (v2sf);
	s26 =	sshra.s32 s30, $0x2  }
0xe8: {  	s28 =	simm.s32 $0x4;
	s22 =	simm.s32 $0x1E00;
	s24 =	sshll.u32 s31, $0x8;
	v17 =	vld [tilespmem:s26+$0x5C80]  }
.LBB2_8:
0xe9: {  	s29 =	sadd.s32 $0x2, s28  }
0xea: {  	s30 =	sadd.s32 $0x3, s28;
	v18 =	vld [tilespmem:s26+$0x5CB0];
	s25 =	smov.u32 s28;
	s23 =	sadd.s32 $0x4, s28  }
0xeb: {  	p0 =	sne.s32 s28, $0x7C;
	s29 =	sand.u32 $0xE, s29;
	s30 =	sand.u32 $0xF, s30;
	v19 =	vld [tilespmem:s26+$0x5C90]  }
0xec: {  	v20 =	vmov s29;
	v21 =	vmov s30;
	v22 =	vld [tilespmem:s26+$0x5CA0]  }
0xed: {  	v23 =	vld [tilespmem:s20+$0x20]  }
0xee: {  	v24 =	vld [tilespmem:s20+$0x10]  }
0xef: {  	v16 =	vmax.f32 v17, v16;
	v15 =	vmax.f32 v18, v15  }
0xf0: {  	[tilespmem:s26+$0x5C80] =	vst v16  }
0xf1: {  	[tilespmem:s26+$0x5CB0] =	vst v15  }
0xf2: {  	v15 =	vmax.f32 v22, v23  }
0xf3: {  	v16 =	vmax.f32 v19, v24;
	[tilespmem:s26+$0x5CA0] =	vst v15  }
0xf4: {  	[tilespmem:s26+$0x5C90] =	vst v16  }
0xf5: {  	s24 =	sshra.s32 s24, $0x2;
	v15 =	vld [tilespmem:s20+$0x40]  }
0xf6: {  	v16 =	vld [tilespmem:s24+$0x5C90]  }
0xf7: {  	v17 =	vld [tilespmem:s20+$0x70]  }
0xf8: {  	v18 =	vld [tilespmem:s24+$0x5CB0]  }
0xf9: {  	v19 =	vld [tilespmem:s24+$0x5C80]  }
0xfa: {  	v22 =	vld [tilespmem:s20+$0x60]  }
0xfb: {  	v23 =	vld [tilespmem:s20+$0x50];
	s20 =	smov.u32 s22  }
0xfc: {  	v24 =	vld [tilespmem:s24+$0x5CA0]  }
0xfd: {  	v17 =	vmax.f32 v18, v17  }
0xfe: {  	v15 =	vmax.f32 v19, v15;
	[tilespmem:s24+$0x5CB0] =	vst v17  }
0xff: {  	[tilespmem:s24+$0x5C80] =	vst v15  }
0x100: {  	v15 =	vmax.f32 v16, v23  }
0x101: {  	[tilespmem:s24+$0x5C90] =	vst v15;
	v15 =	vmax.f32 v24, v22  }
0x102: {  	s26 =	sand.u32 $0x70, s25;
	[tilespmem:s24+$0x5CA0] =	vst v15  }
0x103: {  	v15 =	vld.idx.msk [tilespmem:v14+s26+$0x0 ss:$0x1], $0xffff;
	_ =	sdelay $0x1  }
0x104: {  	s24 =	sadd.s32 $0x1, s25  }
0x105: {  	s25 =	sand.u32 $0xC, s25;
	s24 =	sand.u32 $0xD, s24  }
0x106: {  	vm0 =	veq.s32 v21, v1;
	v16 =	vmov s25;
	v17 =	vmov s24  }
0x107: {  	vm3 =	veq.s32 v20, v1;
	vm1 =	veq.s32 v16, v1;
	vm2 =	veq.s32 v17, v1  }
0x108: {  	v16 =	vnsel vm1, $0x0, v15;
	v17 =	vnsel vm2, $0x0, v15;
	v18 =	vnsel vm3, $0x0, v15  }
0x109: {  	v15 =	vnsel vm0, $0x0, v15;
	(xrf0) =	vadd.scan.msk.s32 $0xffff, v16  }
0x10a: {  	(xrf0) =	vadd.scan.msk.s32 $0xffff, v17  }
0x10b: {  	(xrf0) =	vadd.scan.msk.s32 $0xffff, v18  }
0x10c: {  	(xrf0) =	vadd.scan.msk.s32 $0xffff, v15;
	_ =	sdelay $0x2  }
0x10d: {  	v15, _, _ =	vpop (xrf0)  }
0x10e: {  	(v2sf) =	vpush v15, $0xF;
	v15, _, _ =	vpop (xrf0)  }
0x10f: {  	(v2sf) =	vpush v15, $0xF;
	v15, _, _ =	vpop (xrf0)  }
0x110: {  	(v2sf) =	vpush v15, $0xF;
	v15, _, _ =	vpop (xrf0)  }
0x111: {  	(v2sf) =	vpush v15, $0xF;
	_ =	sdelay $0xa  }
0x112: {  	v15 =	vld [tilespmem:s22+$0xFFFFFF90]  }
0x113: {  	v16 =	vld [tilespmem:s22+$0xFFFFFF80];
	s24 =	spop (v2sf)  }
0x114: {  	s24 =	sshll.u32 s24, $0x8;
	v17 =	vld [tilespmem:s22+$0xFFFFFFA0];
	s25 =	spop (v2sf)  }
0x115: {  	s26 =	sshra.s32 s24, $0x2;
	v18 =	vld [tilespmem:s22+$0xFFFFFFB0];
	s25 =	sshll.u32 s25, $0x8;
	s24 =	spop (v2sf)  }
0x116: {  	v19 =	vld [tilespmem:s26+$0x5CB0];
	s28 =	sshll.u32 s24, $0x8;
	s24 =	spop (v2sf)  }
0x117: {  	v20 =	vld [tilespmem:s26+$0x5CA0];
	s24 =	sshll.u32 s24, $0x8  }
0x118: {  	v21 =	vld [tilespmem:s26+$0x5C80]  }
0x119: {  	v22 =	vld [tilespmem:s26+$0x5C90];
	_ =	sdelay $0x1  }
0x11a: {  	v18 =	vmax.f32 v19, v18  }
0x11b: {  	v17 =	vmax.f32 v20, v17;
	[tilespmem:s26+$0x5CB0] =	vst v18  }
0x11c: {  	v16 =	vmax.f32 v21, v16;
	[tilespmem:s26+$0x5CA0] =	vst v17  }
0x11d: {  	[tilespmem:s26+$0x5C80] =	vst v16;
	v15 =	vmax.f32 v22, v15  }
0x11e: {  	[tilespmem:s26+$0x5C90] =	vst v15  }
0x11f: {  	v15 =	vld [tilespmem:s22+$0xFFFFFFC0]  }
0x120: {  	s25 =	sshra.s32 s25, $0x2;
	v16 =	vld [tilespmem:s22+$0xFFFFFFE0]  }
0x121: {  	v17 =	vld [tilespmem:s25+$0x5CA0]  }
0x122: {  	v18 =	vld [tilespmem:s25+$0x5C80]  }
0x123: {  	v19 =	vld [tilespmem:s25+$0x5C90]  }
0x124: {  	v20 =	vld [tilespmem:s25+$0x5CB0]  }
0x125: {  	v21 =	vld [tilespmem:s22+$0xFFFFFFD0]  }
0x126: {  	v22 =	vld [tilespmem:s22+$0xFFFFFFF0];
	v16 =	vmax.f32 v17, v16  }
0x127: {  	v15 =	vmax.f32 v18, v15;
	[tilespmem:s25+$0x5CA0] =	vst v16;
	_ =	sdelay $0x2  }
0x128: {  	[tilespmem:s25+$0x5C80] =	vst v15;
	v15 =	vmax.f32 v19, v21  }
.Ltmp5:
0x129: {  	[tilespmem:s25+$0x5C90] =	vst v15;
	v15 =	vmax.f32 v20, v22;
	(pc) =	sbr.rel @p0 .LBB2_8-.Ltmp5, $4  }
0x12a: {  	[tilespmem:s25+$0x5CB0] =	vst v15  }
0x12b: {  	v15 =	vld [tilespmem:s22+$0x30]  }
0x12c: {  	s26 =	sshra.s32 s28, $0x2;
	v16 =	vld [tilespmem:s22+$0x0]  }
0x12d: {  	s28 =	smov.u32 s23;
	s22 =	sadd.s32 $0x100, s22;
	v17 =	vld [tilespmem:s26+$0x5C80]  }
0x12e: {  	v14 =	vld [tilespmem:s26+$0x5CB0]  }
0x12f: {  	v18 =	vld [tilespmem:s26+$0x5C90]  }
0x130: {  	v19 =	vld [tilespmem:s26+$0x5CA0]  }
0x131: {  	v21 =	vld [tilespmem:s20+$0x10]  }
0x132: {  	v20 =	vld [tilespmem:s20+$0x20];
	_ =	sdelay $0x1  }
0x133: {  	v16 =	vmax.f32 v17, v16  }
0x134: {  	v14 =	vmax.f32 v14, v15;
	[tilespmem:s26+$0x5C80] =	vst v16  }
0x135: {  	v15 =	vmax.f32 v18, v21;
	[tilespmem:s26+$0x5CB0] =	vst v14  }
0x136: {  	v14 =	vmax.f32 v19, v20;
	[tilespmem:s26+$0x5C90] =	vst v15  }
0x137: {  	[tilespmem:s26+$0x5CA0] =	vst v14  }
0x138: {  	s22 =	sshra.s32 s24, $0x2;
	v14 =	vld [tilespmem:s20+$0x40]  }
0x139: {  	v15 =	vld [tilespmem:s22+$0x5C90]  }
0x13a: {  	v16 =	vld [tilespmem:s20+$0x70]  }
0x13b: {  	v59 =	vld [tilespmem:s22+$0x5CB0]  }
0x13c: {  	v60 =	vld [tilespmem:s22+$0x5C80]  }
0x13d: {  	v61 =	vld [tilespmem:s20+$0x60]  }
0x13e: {  	v62 =	vld [tilespmem:s20+$0x50]  }
0x13f: {  	v63 =	vld [tilespmem:s22+$0x5CA0]  }
0x140: {  	p0 =	slt.s32 s21, $0x100  }
.Ltmp6:
0x141: {  	v16 =	vmax.f32 v59, v16;
	(pc) =	sbr.rel @p0 .LBB2_13-.Ltmp6, $4  }
0x142: {  	v14 =	vmax.f32 v60, v14;
	[tilespmem:s22+$0x5CB0] =	vst v16  }
0x143: {  	[tilespmem:s22+$0x5C80] =	vst v14;
	v14 =	vmax.f32 v15, v62  }
0x144: {  	[tilespmem:s22+$0x5C90] =	vst v14;
	v14 =	vmax.f32 v63, v61  }
0x145: {  	[tilespmem:s22+$0x5CA0] =	vst v14;
	s22 =	simm.s32 $0x80  }
0x146: {  	s20 =	sadd.s32 $0x80, s17  }
0x147: {  	s20 =	sand.u32 $0x780, s20  }
0x148: {  	s20 =	sadd.s32 $0x1480, s20  }
0x149: {  	v14 =	vmov s20;
	_ =	sdelay $0x1  }
0x14a: {  	_ =	swait.ge [sflag:s10], $0x2000  }
0x14b: {  	s31 =	simm.s32 $0x0;
	[sflag:s10] =	ssyncset.done $0x0  }
0x14c: {  	s23 =	sand.u32 $0x70, s31;
	[sflag:s10] =	ssyncadd.s32 $0xFFFFE000  }
0x14d: {  	v15 =	vld.idx.msk [tilespmem:v14+s23+$0x0 ss:$0x1], $0xffff;
	_ =	sdelay $0x1  }
0x14e: {  	s20 =	sand.u32 $0xC, s31  }
0x14f: {  	v16 =	vmov s20  }
0x150: {  	vm0 =	veq.s32 v16, v1  }
0x151: {  	v16 =	vnsel vm0, $0x0, v15  }
0x152: {  	(xrf0) =	vadd.scan.msk.s32 $0xffff, v16;
	_ =	sdelay $0x5  }
0x153: {  	v16, _, _ =	vpop (xrf0)  }
0x154: {  	(v2sf) =	vpush v16, $0xF;
	_ =	sdelay $0x1  }
0x155: {  	s24 =	simm.s32 $0x1  }
0x156: {  	s20 =	sand.u32 $0xD, s24  }
0x157: {  	v16 =	vmov s20  }
0x158: {  	vm13 =	veq.s32 v16, v1  }
0x159: {  	v16 =	vnsel vm13, $0x0, v15  }
0x15a: {  	(xrf0) =	vadd.scan.msk.s32 $0xffff, v16;
	_ =	sdelay $0x5  }
0x15b: {  	v16, _, _ =	vpop (xrf0)  }
0x15c: {  	s25 =	simm.s32 $0x2;
	s20 =	simm.s32 $0x3D70;
	(v2sf) =	vpush v16, $0xF  }
0x15d: {  	s23 =	sand.u32 $0xE, s25;
	v17 =	vld [tilespmem:s20+$0xFFFFFF10];
	s24 =	spop (v2sf)  }
0x15e: {  	v18 =	vmov s23;
	v19 =	vld [tilespmem:s20+$0xFFFFFF30];
	s26 =	sshll.u32 s24, $0x8  }
0x15f: {  	s25 =	simm.s32 $0x3;
	vm14 =	veq.s32 v18, v1;
	v18 =	vld [tilespmem:s20+$0xFFFFFF40];
	s23 =	sshra.s32 s26, $0x2  }
0x160: {  	s30 =	sand.u32 $0xF, s25;
	v22 =	vld [tilespmem:s23+$0x5CB0]  }
0x161: {  	v20 =	vmov s30;
	v21 =	vnsel vm14, $0x0, v15;
	v16 =	vld [tilespmem:s20+$0xFFFFFF20]  }
0x162: {  	vm15 =	veq.s32 v20, v1;
	(xrf0) =	vadd.scan.msk.s32 $0xffff, v21;
	v59 =	vld [tilespmem:s23+$0x5CA0]  }
0x163: {  	v15 =	vnsel vm15, $0x0, v15;
	v60 =	vld [tilespmem:s23+$0x5C80]  }
0x164: {  	(xrf0) =	vadd.scan.msk.s32 $0xffff, v15;
	v15 =	vld [tilespmem:s23+$0x5C90]  }
0x165: {  	v18 =	vmax.f32 v22, v18;
	_ =	sdelay $0x1  }
0x166: {  	v19 =	vmax.f32 v59, v19;
	[tilespmem:s23+$0x5CB0] =	vst v18  }
0x167: {  	v17 =	vmax.f32 v60, v17;
	[tilespmem:s23+$0x5CA0] =	vst v19;
	v18, _, _ =	vpop (xrf0)  }
0x168: {  	v15 =	vmax.f32 v15, v16;
	[tilespmem:s23+$0x5C80] =	vst v17;
	(v2sf) =	vpush v18, $0xF  }
0x169: {  	[tilespmem:s23+$0x5C90] =	vst v15;
	v16, _, _ =	vpop (xrf0)  }
0x16a: {  	s31 =	spop (v2sf);
	v15 =	vld [tilespmem:s20+$0xFFFFFF50];
	(v2sf) =	vpush v16, $0xF  }
0x16b: {  	v62 =	vld [tilespmem:s20+$0xFFFFFF60]  }
0x16c: {  	v63 =	vld [tilespmem:s20+$0xFFFFFF80];
	s25 =	sshll.u32 s31, $0x8  }
0x16d: {  	s23 =	sshra.s32 s25, $0x2;
	v16 =	vld [tilespmem:s20+$0xFFFFFF70]  }
0x16e: {  	v17 =	vld [tilespmem:s23+$0x5CA0]  }
0x16f: {  	v18 =	vld [tilespmem:s23+$0x5C80]  }
0x170: {  	v19 =	vld [tilespmem:s23+$0x5C90]  }
0x171: {  	v61 =	vld [tilespmem:s23+$0x5CB0];
	_ =	sdelay $0x1  }
0x172: {  	v16 =	vmax.f32 v17, v16  }
0x173: {  	v15 =	vmax.f32 v18, v15;
	[tilespmem:s23+$0x5CA0] =	vst v16  }
0x174: {  	[tilespmem:s23+$0x5C80] =	vst v15;
	v15 =	vmax.f32 v19, v62  }
0x175: {  	[tilespmem:s23+$0x5C90] =	vst v15;
	v15 =	vmax.f32 v61, v63  }
0x176: {  	[tilespmem:s23+$0x5CB0] =	vst v15;
	s26 =	spop (v2sf)  }
0x177: {  	v15 =	vld [tilespmem:s20+$0xFFFFFFC0];
	s30 =	sshll.u32 s26, $0x8  }
0x178: {  	v16 =	vld [tilespmem:s20+$0xFFFFFF90];
	s31 =	spop (v2sf);
	s28 =	sshra.s32 s30, $0x2  }
0x179: {  	s29 =	simm.s32 $0x4;
	s23 =	simm.s32 $0x3E70;
	s25 =	sshll.u32 s31, $0x8;
	v17 =	vld [tilespmem:s28+$0x5C80]  }
.LBB2_11:
0x17a: {  	s30 =	sadd.s32 $0x2, s29  }
0x17b: {  	s31 =	sadd.s32 $0x3, s29;
	v18 =	vld [tilespmem:s28+$0x5CB0];
	s26 =	smov.u32 s29;
	s24 =	sadd.s32 $0x4, s29  }
0x17c: {  	p0 =	sne.s32 s29, $0x7C;
	s30 =	sand.u32 $0xE, s30;
	s31 =	sand.u32 $0xF, s31;
	v19 =	vld [tilespmem:s28+$0x5C90]  }
0x17d: {  	v20 =	vmov s30;
	v21 =	vmov s31;
	v22 =	vld [tilespmem:s28+$0x5CA0]  }
0x17e: {  	v23 =	vld [tilespmem:s20+$0xFFFFFFB0]  }
0x17f: {  	v24 =	vld [tilespmem:s20+$0xFFFFFFA0]  }
0x180: {  	v16 =	vmax.f32 v17, v16;
	v15 =	vmax.f32 v18, v15  }
0x181: {  	[tilespmem:s28+$0x5C80] =	vst v16  }
0x182: {  	[tilespmem:s28+$0x5CB0] =	vst v15  }
0x183: {  	v15 =	vmax.f32 v22, v23  }
0x184: {  	v16 =	vmax.f32 v19, v24;
	[tilespmem:s28+$0x5CA0] =	vst v15  }
0x185: {  	[tilespmem:s28+$0x5C90] =	vst v16  }
0x186: {  	s25 =	sshra.s32 s25, $0x2;
	v15 =	vld [tilespmem:s20+$0xFFFFFFD0]  }
0x187: {  	v16 =	vld [tilespmem:s25+$0x5C90]  }
0x188: {  	v17 =	vld [tilespmem:s20+$0x0]  }
0x189: {  	v18 =	vld [tilespmem:s25+$0x5CB0]  }
0x18a: {  	v19 =	vld [tilespmem:s25+$0x5C80]  }
0x18b: {  	v22 =	vld [tilespmem:s20+$0xFFFFFFF0]  }
0x18c: {  	v23 =	vld [tilespmem:s20+$0xFFFFFFE0];
	s20 =	smov.u32 s23  }
0x18d: {  	v24 =	vld [tilespmem:s25+$0x5CA0]  }
0x18e: {  	v17 =	vmax.f32 v18, v17  }
0x18f: {  	v15 =	vmax.f32 v19, v15;
	[tilespmem:s25+$0x5CB0] =	vst v17  }
0x190: {  	[tilespmem:s25+$0x5C80] =	vst v15  }
0x191: {  	v15 =	vmax.f32 v16, v23  }
0x192: {  	[tilespmem:s25+$0x5C90] =	vst v15;
	v15 =	vmax.f32 v24, v22  }
0x193: {  	s28 =	sand.u32 $0x70, s26;
	[tilespmem:s25+$0x5CA0] =	vst v15  }
0x194: {  	v15 =	vld.idx.msk [tilespmem:v14+s28+$0x0 ss:$0x1], $0xffff;
	_ =	sdelay $0x1  }
0x195: {  	s25 =	sadd.s32 $0x1, s26  }
0x196: {  	s26 =	sand.u32 $0xC, s26;
	s25 =	sand.u32 $0xD, s25  }
0x197: {  	vm0 =	veq.s32 v21, v1;
	v16 =	vmov s26;
	v17 =	vmov s25  }
0x198: {  	vm3 =	veq.s32 v20, v1;
	vm1 =	veq.s32 v16, v1;
	vm2 =	veq.s32 v17, v1  }
0x199: {  	v16 =	vnsel vm1, $0x0, v15;
	v17 =	vnsel vm2, $0x0, v15;
	v18 =	vnsel vm3, $0x0, v15  }
0x19a: {  	v15 =	vnsel vm0, $0x0, v15;
	(xrf0) =	vadd.scan.msk.s32 $0xffff, v16  }
0x19b: {  	(xrf0) =	vadd.scan.msk.s32 $0xffff, v17  }
0x19c: {  	(xrf0) =	vadd.scan.msk.s32 $0xffff, v18  }
0x19d: {  	(xrf0) =	vadd.scan.msk.s32 $0xffff, v15;
	_ =	sdelay $0x2  }
0x19e: {  	v15, _, _ =	vpop (xrf0)  }
0x19f: {  	(v2sf) =	vpush v15, $0xF;
	v15, _, _ =	vpop (xrf0)  }
0x1a0: {  	(v2sf) =	vpush v15, $0xF;
	v15, _, _ =	vpop (xrf0)  }
0x1a1: {  	(v2sf) =	vpush v15, $0xF;
	v15, _, _ =	vpop (xrf0)  }
0x1a2: {  	(v2sf) =	vpush v15, $0xF;
	_ =	sdelay $0xa  }
0x1a3: {  	v15 =	vld [tilespmem:s23+$0xFFFFFF20]  }
0x1a4: {  	v16 =	vld [tilespmem:s23+$0xFFFFFF10];
	s25 =	spop (v2sf)  }
0x1a5: {  	s25 =	sshll.u32 s25, $0x8;
	v17 =	vld [tilespmem:s23+$0xFFFFFF30];
	s26 =	spop (v2sf)  }
0x1a6: {  	s28 =	sshra.s32 s25, $0x2;
	v18 =	vld [tilespmem:s23+$0xFFFFFF40];
	s26 =	sshll.u32 s26, $0x8;
	s25 =	spop (v2sf)  }
0x1a7: {  	v19 =	vld [tilespmem:s28+$0x5CB0];
	s29 =	sshll.u32 s25, $0x8;
	s25 =	spop (v2sf)  }
0x1a8: {  	v20 =	vld [tilespmem:s28+$0x5CA0];
	s25 =	sshll.u32 s25, $0x8  }
0x1a9: {  	v21 =	vld [tilespmem:s28+$0x5C80]  }
0x1aa: {  	v22 =	vld [tilespmem:s28+$0x5C90];
	_ =	sdelay $0x1  }
0x1ab: {  	v18 =	vmax.f32 v19, v18  }
0x1ac: {  	v17 =	vmax.f32 v20, v17;
	[tilespmem:s28+$0x5CB0] =	vst v18  }
0x1ad: {  	v16 =	vmax.f32 v21, v16;
	[tilespmem:s28+$0x5CA0] =	vst v17  }
0x1ae: {  	[tilespmem:s28+$0x5C80] =	vst v16;
	v15 =	vmax.f32 v22, v15  }
0x1af: {  	[tilespmem:s28+$0x5C90] =	vst v15  }
0x1b0: {  	v15 =	vld [tilespmem:s23+$0xFFFFFF50]  }
0x1b1: {  	s26 =	sshra.s32 s26, $0x2;
	v16 =	vld [tilespmem:s23+$0xFFFFFF70]  }
0x1b2: {  	v17 =	vld [tilespmem:s26+$0x5CA0]  }
0x1b3: {  	v18 =	vld [tilespmem:s26+$0x5C80]  }
0x1b4: {  	v19 =	vld [tilespmem:s26+$0x5C90]  }
0x1b5: {  	v20 =	vld [tilespmem:s26+$0x5CB0]  }
0x1b6: {  	v21 =	vld [tilespmem:s23+$0xFFFFFF60]  }
0x1b7: {  	v22 =	vld [tilespmem:s23+$0xFFFFFF80];
	v16 =	vmax.f32 v17, v16  }
0x1b8: {  	v15 =	vmax.f32 v18, v15;
	[tilespmem:s26+$0x5CA0] =	vst v16;
	_ =	sdelay $0x2  }
0x1b9: {  	[tilespmem:s26+$0x5C80] =	vst v15;
	v15 =	vmax.f32 v19, v21  }
.Ltmp7:
0x1ba: {  	[tilespmem:s26+$0x5C90] =	vst v15;
	v15 =	vmax.f32 v20, v22;
	(pc) =	sbr.rel @p0 .LBB2_11-.Ltmp7, $4  }
0x1bb: {  	[tilespmem:s26+$0x5CB0] =	vst v15  }
0x1bc: {  	v15 =	vld [tilespmem:s23+$0xFFFFFFC0]  }
0x1bd: {  	s28 =	sshra.s32 s29, $0x2;
	v16 =	vld [tilespmem:s23+$0xFFFFFF90]  }
0x1be: {  	s29 =	smov.u32 s24;
	s23 =	sadd.s32 $0x100, s23;
	v17 =	vld [tilespmem:s28+$0x5C80]  }
0x1bf: {  	v14 =	vld [tilespmem:s28+$0x5CB0]  }
0x1c0: {  	v18 =	vld [tilespmem:s28+$0x5C90]  }
0x1c1: {  	v19 =	vld [tilespmem:s28+$0x5CA0]  }
0x1c2: {  	v21 =	vld [tilespmem:s20+$0xFFFFFFA0]  }
0x1c3: {  	v20 =	vld [tilespmem:s20+$0xFFFFFFB0];
	_ =	sdelay $0x1  }
0x1c4: {  	v16 =	vmax.f32 v17, v16  }
0x1c5: {  	v14 =	vmax.f32 v14, v15;
	[tilespmem:s28+$0x5C80] =	vst v16  }
0x1c6: {  	v15 =	vmax.f32 v18, v21;
	[tilespmem:s28+$0x5CB0] =	vst v14  }
0x1c7: {  	v14 =	vmax.f32 v19, v20;
	[tilespmem:s28+$0x5C90] =	vst v15  }
0x1c8: {  	[tilespmem:s28+$0x5CA0] =	vst v14  }
0x1c9: {  	s23 =	sshra.s32 s25, $0x2;
	v14 =	vld [tilespmem:s20+$0xFFFFFFD0]  }
0x1ca: {  	v15 =	vld [tilespmem:s23+$0x5C90]  }
0x1cb: {  	v16 =	vld [tilespmem:s20+$0x0]  }
0x1cc: {  	v59 =	vld [tilespmem:s23+$0x5CB0]  }
0x1cd: {  	v60 =	vld [tilespmem:s23+$0x5C80]  }
0x1ce: {  	v61 =	vld [tilespmem:s20+$0xFFFFFFF0]  }
0x1cf: {  	v62 =	vld [tilespmem:s20+$0xFFFFFFE0]  }
0x1d0: {  	v63 =	vld [tilespmem:s23+$0x5CA0];
	_ =	sdelay $0x1  }
0x1d1: {  	v16 =	vmax.f32 v59, v16  }
0x1d2: {  	v14 =	vmax.f32 v60, v14;
	[tilespmem:s23+$0x5CB0] =	vst v16  }
0x1d3: {  	[tilespmem:s23+$0x5C80] =	vst v14;
	v14 =	vmax.f32 v15, v62  }
0x1d4: {  	[tilespmem:s23+$0x5C90] =	vst v14;
	v14 =	vmax.f32 v63, v61  }
0x1d5: {  	[tilespmem:s23+$0x5CA0] =	vst v14  }
.LBB2_13:
0x1d6: {  	p0 =	sgt.s32 s21, $0xFF  }
0x1d7: {  	s22 =	simm.s32 @p0 $0x100  }
0x1d8: {  	s20 =	sadd.s32 $0x80000001, s18;
	s17 =	sadd.s32 s17, s22  }
0x1d9: {  	s31 =	ssub.s32 s20, s17  }
0x1da: {  	p0 =	slt.s32 s31, $0x140  }
.Ltmp8:
0x1db: {  	_ = 	snop;
	(pc) =	sbr.rel @p0 .LBB2_14-.Ltmp8, $1  }
0x1dc: {  	_ =	sdelay $0x3  }
.LBB2_27:
0x1dd: {  	s22 =	sand.u32 $0x780, s17  }
0x1de: {  	s26 =	sadd.s32 $0x80, s17;
	s21 =	sadd.s32 $0xC80, s22  }
0x1df: {  	[tilespmem:s12], [sflag:$0x2] =	stream.indirect.gather [hbm4b:s4+s11], $0x40, s21, s11, $0xb8;
	[tilespmem:$0x1E680] =	vst v63  }
0x1e0: {  	s22 =	sadd.s32 $0x1480, s22;
	s21 =	sand.u32 $0x780, s26  }
0x1e1: {  	v14 =	vmov s22;
	s23 =	sadd.s32 $0xC80, s21  }
0x1e2: {  	[tilespmem:s13], [sflag:$0x2] =	stream.indirect.gather [hbm4b:s4+s11], $0x40, s23, s11, $0xb8;
	[tilespmem:$0x1E680] =	vst v63  }
0x1e3: {  	_ =	swait.ge [sflag:s10], $0x2000  }
0x1e4: {  	s30 =	simm.s32 $0x0;
	[sflag:s10] =	ssyncset.done $0x0  }
0x1e5: {  	s31 =	sand.u32 $0x70, s30;
	[sflag:s10] =	ssyncadd.s32 $0xFFFFE000  }
0x1e6: {  	v15 =	vld.idx.msk [tilespmem:v14+s31+$0x0 ss:$0x1], $0xffff;
	_ =	sdelay $0x1  }
0x1e7: {  	s22 =	sand.u32 $0xC, s30  }
0x1e8: {  	v16 =	vmov s22  }
0x1e9: {  	vm0 =	veq.s32 v16, v1  }
0x1ea: {  	v16 =	vnsel vm0, $0x0, v15  }
0x1eb: {  	(xrf0) =	vadd.scan.msk.s32 $0xffff, v16;
	_ =	sdelay $0x5  }
0x1ec: {  	v16, _, _ =	vpop (xrf0)  }
0x1ed: {  	(v2sf) =	vpush v16, $0xF;
	_ =	sdelay $0x1  }
0x1ee: {  	s24 =	simm.s32 $0x1  }
0x1ef: {  	s22 =	sand.u32 $0xD, s24  }
0x1f0: {  	v16 =	vmov s22  }
0x1f1: {  	vm13 =	veq.s32 v16, v1  }
0x1f2: {  	v16 =	vnsel vm13, $0x0, v15  }
0x1f3: {  	(xrf0) =	vadd.scan.msk.s32 $0xffff, v16;
	_ =	sdelay $0x5  }
0x1f4: {  	v16, _, _ =	vpop (xrf0)  }
0x1f5: {  	s25 =	simm.s32 $0x2;
	s22 =	simm.s32 $0x1D00;
	(v2sf) =	vpush v16, $0xF  }
0x1f6: {  	s23 =	sand.u32 $0xE, s25;
	v17 =	vld [tilespmem:s22+$0xFFFFFF80];
	s24 =	spop (v2sf)  }
0x1f7: {  	v18 =	vmov s23;
	v19 =	vld [tilespmem:s22+$0xFFFFFFA0];
	s26 =	sshll.u32 s24, $0x8  }
0x1f8: {  	s25 =	simm.s32 $0x3;
	vm14 =	veq.s32 v18, v1;
	v18 =	vld [tilespmem:s22+$0xFFFFFFB0];
	s23 =	sshra.s32 s26, $0x2  }
0x1f9: {  	s30 =	sand.u32 $0xF, s25;
	v22 =	vld [tilespmem:s23+$0x5CB0]  }
0x1fa: {  	v20 =	vmov s30;
	v21 =	vnsel vm14, $0x0, v15;
	v16 =	vld [tilespmem:s22+$0xFFFFFF90]  }
0x1fb: {  	vm15 =	veq.s32 v20, v1;
	(xrf0) =	vadd.scan.msk.s32 $0xffff, v21;
	v59 =	vld [tilespmem:s23+$0x5CA0]  }
0x1fc: {  	v15 =	vnsel vm15, $0x0, v15;
	v60 =	vld [tilespmem:s23+$0x5C80]  }
0x1fd: {  	(xrf0) =	vadd.scan.msk.s32 $0xffff, v15;
	v15 =	vld [tilespmem:s23+$0x5C90]  }
0x1fe: {  	v18 =	vmax.f32 v22, v18;
	_ =	sdelay $0x1  }
0x1ff: {  	v19 =	vmax.f32 v59, v19;
	[tilespmem:s23+$0x5CB0] =	vst v18  }
0x200: {  	v17 =	vmax.f32 v60, v17;
	[tilespmem:s23+$0x5CA0] =	vst v19;
	v18, _, _ =	vpop (xrf0)  }
0x201: {  	v15 =	vmax.f32 v15, v16;
	[tilespmem:s23+$0x5C80] =	vst v17;
	(v2sf) =	vpush v18, $0xF  }
0x202: {  	[tilespmem:s23+$0x5C90] =	vst v15;
	v16, _, _ =	vpop (xrf0)  }
0x203: {  	s31 =	spop (v2sf);
	v15 =	vld [tilespmem:s22+$0xFFFFFFC0];
	(v2sf) =	vpush v16, $0xF  }
0x204: {  	v62 =	vld [tilespmem:s22+$0xFFFFFFD0]  }
0x205: {  	v63 =	vld [tilespmem:s22+$0xFFFFFFF0];
	s25 =	sshll.u32 s31, $0x8  }
0x206: {  	s23 =	sshra.s32 s25, $0x2;
	v16 =	vld [tilespmem:s22+$0xFFFFFFE0]  }
0x207: {  	v17 =	vld [tilespmem:s23+$0x5CA0]  }
0x208: {  	v18 =	vld [tilespmem:s23+$0x5C80]  }
0x209: {  	v19 =	vld [tilespmem:s23+$0x5C90]  }
0x20a: {  	v61 =	vld [tilespmem:s23+$0x5CB0];
	_ =	sdelay $0x1  }
0x20b: {  	v16 =	vmax.f32 v17, v16  }
0x20c: {  	v15 =	vmax.f32 v18, v15;
	[tilespmem:s23+$0x5CA0] =	vst v16  }
0x20d: {  	[tilespmem:s23+$0x5C80] =	vst v15;
	v15 =	vmax.f32 v19, v62  }
0x20e: {  	[tilespmem:s23+$0x5C90] =	vst v15;
	v15 =	vmax.f32 v61, v63  }
0x20f: {  	[tilespmem:s23+$0x5CB0] =	vst v15;
	s26 =	spop (v2sf)  }
0x210: {  	v15 =	vld [tilespmem:s22+$0x30];
	s30 =	sshll.u32 s26, $0x8  }
0x211: {  	v16 =	vld [tilespmem:s22+$0x0];
	s31 =	spop (v2sf);
	s28 =	sshra.s32 s30, $0x2  }
0x212: {  	s29 =	simm.s32 $0x4;
	s23 =	simm.s32 $0x1E00;
	s25 =	sshll.u32 s31, $0x8;
	v17 =	vld [tilespmem:s28+$0x5C80]  }
.LBB2_28:
0x213: {  	s30 =	sadd.s32 $0x2, s29  }
0x214: {  	s31 =	sadd.s32 $0x3, s29;
	v18 =	vld [tilespmem:s28+$0x5CB0];
	s26 =	smov.u32 s29;
	s24 =	sadd.s32 $0x4, s29  }
0x215: {  	p0 =	sne.s32 s29, $0x7C;
	s30 =	sand.u32 $0xE, s30;
	s31 =	sand.u32 $0xF, s31;
	v19 =	vld [tilespmem:s28+$0x5C90]  }
0x216: {  	v20 =	vmov s30;
	v21 =	vmov s31;
	v22 =	vld [tilespmem:s28+$0x5CA0]  }
0x217: {  	v23 =	vld [tilespmem:s22+$0x20]  }
0x218: {  	v24 =	vld [tilespmem:s22+$0x10]  }
0x219: {  	v16 =	vmax.f32 v17, v16;
	v15 =	vmax.f32 v18, v15  }
0x21a: {  	[tilespmem:s28+$0x5C80] =	vst v16  }
0x21b: {  	[tilespmem:s28+$0x5CB0] =	vst v15  }
0x21c: {  	v15 =	vmax.f32 v22, v23  }
0x21d: {  	v16 =	vmax.f32 v19, v24;
	[tilespmem:s28+$0x5CA0] =	vst v15  }
0x21e: {  	[tilespmem:s28+$0x5C90] =	vst v16  }
0x21f: {  	s25 =	sshra.s32 s25, $0x2;
	v15 =	vld [tilespmem:s22+$0x40]  }
0x220: {  	v16 =	vld [tilespmem:s25+$0x5C90]  }
0x221: {  	v17 =	vld [tilespmem:s22+$0x70]  }
0x222: {  	v18 =	vld [tilespmem:s25+$0x5CB0]  }
0x223: {  	v19 =	vld [tilespmem:s25+$0x5C80]  }
0x224: {  	v22 =	vld [tilespmem:s22+$0x60]  }
0x225: {  	v23 =	vld [tilespmem:s22+$0x50];
	s22 =	smov.u32 s23  }
0x226: {  	v24 =	vld [tilespmem:s25+$0x5CA0]  }
0x227: {  	v17 =	vmax.f32 v18, v17  }
0x228: {  	v15 =	vmax.f32 v19, v15;
	[tilespmem:s25+$0x5CB0] =	vst v17  }
0x229: {  	[tilespmem:s25+$0x5C80] =	vst v15  }
0x22a: {  	v15 =	vmax.f32 v16, v23  }
0x22b: {  	[tilespmem:s25+$0x5C90] =	vst v15;
	v15 =	vmax.f32 v24, v22  }
0x22c: {  	s28 =	sand.u32 $0x70, s26;
	[tilespmem:s25+$0x5CA0] =	vst v15  }
0x22d: {  	v15 =	vld.idx.msk [tilespmem:v14+s28+$0x0 ss:$0x1], $0xffff;
	_ =	sdelay $0x1  }
0x22e: {  	s25 =	sadd.s32 $0x1, s26  }
0x22f: {  	s26 =	sand.u32 $0xC, s26;
	s25 =	sand.u32 $0xD, s25  }
0x230: {  	vm0 =	veq.s32 v21, v1;
	v16 =	vmov s26;
	v17 =	vmov s25  }
0x231: {  	vm3 =	veq.s32 v20, v1;
	vm1 =	veq.s32 v16, v1;
	vm2 =	veq.s32 v17, v1  }
0x232: {  	v16 =	vnsel vm1, $0x0, v15;
	v17 =	vnsel vm2, $0x0, v15;
	v18 =	vnsel vm3, $0x0, v15  }
0x233: {  	v15 =	vnsel vm0, $0x0, v15;
	(xrf0) =	vadd.scan.msk.s32 $0xffff, v16  }
0x234: {  	(xrf0) =	vadd.scan.msk.s32 $0xffff, v17  }
0x235: {  	(xrf0) =	vadd.scan.msk.s32 $0xffff, v18  }
0x236: {  	(xrf0) =	vadd.scan.msk.s32 $0xffff, v15;
	_ =	sdelay $0x2  }
0x237: {  	v15, _, _ =	vpop (xrf0)  }
0x238: {  	(v2sf) =	vpush v15, $0xF;
	v15, _, _ =	vpop (xrf0)  }
0x239: {  	(v2sf) =	vpush v15, $0xF;
	v15, _, _ =	vpop (xrf0)  }
0x23a: {  	(v2sf) =	vpush v15, $0xF;
	v15, _, _ =	vpop (xrf0)  }
0x23b: {  	(v2sf) =	vpush v15, $0xF;
	_ =	sdelay $0xa  }
0x23c: {  	v15 =	vld [tilespmem:s23+$0xFFFFFF90]  }
0x23d: {  	v16 =	vld [tilespmem:s23+$0xFFFFFF80];
	s25 =	spop (v2sf)  }
0x23e: {  	s25 =	sshll.u32 s25, $0x8;
	v17 =	vld [tilespmem:s23+$0xFFFFFFA0];
	s26 =	spop (v2sf)  }
0x23f: {  	s28 =	sshra.s32 s25, $0x2;
	v18 =	vld [tilespmem:s23+$0xFFFFFFB0];
	s26 =	sshll.u32 s26, $0x8;
	s25 =	spop (v2sf)  }
0x240: {  	v19 =	vld [tilespmem:s28+$0x5CB0];
	s29 =	sshll.u32 s25, $0x8;
	s25 =	spop (v2sf)  }
0x241: {  	v20 =	vld [tilespmem:s28+$0x5CA0];
	s25 =	sshll.u32 s25, $0x8  }
0x242: {  	v21 =	vld [tilespmem:s28+$0x5C80]  }
0x243: {  	v22 =	vld [tilespmem:s28+$0x5C90];
	_ =	sdelay $0x1  }
0x244: {  	v18 =	vmax.f32 v19, v18  }
0x245: {  	v17 =	vmax.f32 v20, v17;
	[tilespmem:s28+$0x5CB0] =	vst v18  }
0x246: {  	v16 =	vmax.f32 v21, v16;
	[tilespmem:s28+$0x5CA0] =	vst v17  }
0x247: {  	[tilespmem:s28+$0x5C80] =	vst v16;
	v15 =	vmax.f32 v22, v15  }
0x248: {  	[tilespmem:s28+$0x5C90] =	vst v15  }
0x249: {  	v15 =	vld [tilespmem:s23+$0xFFFFFFC0]  }
0x24a: {  	s26 =	sshra.s32 s26, $0x2;
	v16 =	vld [tilespmem:s23+$0xFFFFFFE0]  }
0x24b: {  	v17 =	vld [tilespmem:s26+$0x5CA0]  }
0x24c: {  	v18 =	vld [tilespmem:s26+$0x5C80]  }
0x24d: {  	v19 =	vld [tilespmem:s26+$0x5C90]  }
0x24e: {  	v20 =	vld [tilespmem:s26+$0x5CB0]  }
0x24f: {  	v21 =	vld [tilespmem:s23+$0xFFFFFFD0]  }
0x250: {  	v22 =	vld [tilespmem:s23+$0xFFFFFFF0];
	v16 =	vmax.f32 v17, v16  }
0x251: {  	v15 =	vmax.f32 v18, v15;
	[tilespmem:s26+$0x5CA0] =	vst v16;
	_ =	sdelay $0x2  }
0x252: {  	[tilespmem:s26+$0x5C80] =	vst v15;
	v15 =	vmax.f32 v19, v21  }
.Ltmp9:
0x253: {  	[tilespmem:s26+$0x5C90] =	vst v15;
	v15 =	vmax.f32 v20, v22;
	(pc) =	sbr.rel @p0 .LBB2_28-.Ltmp9, $4  }
0x254: {  	[tilespmem:s26+$0x5CB0] =	vst v15  }
0x255: {  	v15 =	vld [tilespmem:s23+$0x30]  }
0x256: {  	s28 =	sshra.s32 s29, $0x2;
	v16 =	vld [tilespmem:s23+$0x0]  }
0x257: {  	s29 =	smov.u32 s24;
	s23 =	sadd.s32 $0x100, s23;
	v17 =	vld [tilespmem:s28+$0x5C80]  }
0x258: {  	v14 =	vld [tilespmem:s28+$0x5CB0]  }
0x259: {  	v18 =	vld [tilespmem:s28+$0x5C90]  }
0x25a: {  	v19 =	vld [tilespmem:s28+$0x5CA0]  }
0x25b: {  	v21 =	vld [tilespmem:s22+$0x10]  }
0x25c: {  	v20 =	vld [tilespmem:s22+$0x20];
	_ =	sdelay $0x1  }
0x25d: {  	v16 =	vmax.f32 v17, v16  }
0x25e: {  	v14 =	vmax.f32 v14, v15;
	[tilespmem:s28+$0x5C80] =	vst v16  }
0x25f: {  	v15 =	vmax.f32 v18, v21;
	[tilespmem:s28+$0x5CB0] =	vst v14  }
0x260: {  	v14 =	vmax.f32 v19, v20;
	[tilespmem:s28+$0x5C90] =	vst v15  }
0x261: {  	[tilespmem:s28+$0x5CA0] =	vst v14  }
0x262: {  	s23 =	sshra.s32 s25, $0x2;
	v14 =	vld [tilespmem:s22+$0x40]  }
0x263: {  	v15 =	vld [tilespmem:s23+$0x5C90]  }
0x264: {  	v16 =	vld [tilespmem:s22+$0x70]  }
0x265: {  	v17 =	vld [tilespmem:s23+$0x5CB0]  }
0x266: {  	v18 =	vld [tilespmem:s23+$0x5C80]  }
0x267: {  	v19 =	vld [tilespmem:s22+$0x60]  }
0x268: {  	v55 =	vld [tilespmem:s22+$0x50]  }
0x269: {  	v56 =	vld [tilespmem:s23+$0x5CA0];
	_ =	sdelay $0x1  }
0x26a: {  	v16 =	vmax.f32 v17, v16  }
0x26b: {  	v14 =	vmax.f32 v18, v14;
	[tilespmem:s23+$0x5CB0] =	vst v16  }
0x26c: {  	s21 =	sadd.s32 $0x1480, s21;
	[tilespmem:s23+$0x5C80] =	vst v14;
	v14 =	vmax.f32 v15, v55  }
0x26d: {  	v15 =	vmax.f32 v56, v19;
	[tilespmem:s23+$0x5C90] =	vst v14;
	v14 =	vmov s21  }
0x26e: {  	[tilespmem:s23+$0x5CA0] =	vst v15  }
0x26f: {  	_ =	swait.ge [sflag:s10], $0x2000  }
0x270: {  	s25 =	simm.s32 $0x0;
	[sflag:s10] =	ssyncset.done $0x0  }
0x271: {  	s26 =	sand.u32 $0x70, s25;
	[sflag:s10] =	ssyncadd.s32 $0xFFFFE000  }
0x272: {  	v15 =	vld.idx.msk [tilespmem:v14+s26+$0x0 ss:$0x1], $0xffff;
	_ =	sdelay $0x1  }
0x273: {  	s21 =	sand.u32 $0xC, s25  }
0x274: {  	v16 =	vmov s21  }
0x275: {  	vm0 =	veq.s32 v16, v1  }
0x276: {  	v16 =	vnsel vm0, $0x0, v15  }
0x277: {  	(xrf0) =	vadd.scan.msk.s32 $0xffff, v16;
	_ =	sdelay $0x5  }
0x278: {  	v16, _, _ =	vpop (xrf0)  }
0x279: {  	(v2sf) =	vpush v16, $0xF;
	_ =	sdelay $0x1  }
0x27a: {  	s29 =	simm.s32 $0x1  }
0x27b: {  	s21 =	sand.u32 $0xD, s29  }
0x27c: {  	v16 =	vmov s21  }
0x27d: {  	vm13 =	veq.s32 v16, v1  }
0x27e: {  	v16 =	vnsel vm13, $0x0, v15  }
0x27f: {  	(xrf0) =	vadd.scan.msk.s32 $0xffff, v16;
	_ =	sdelay $0x5  }
0x280: {  	v16, _, _ =	vpop (xrf0)  }
0x281: {  	s30 =	simm.s32 $0x2;
	s21 =	simm.s32 $0x3D70;
	(v2sf) =	vpush v16, $0xF  }
0x282: {  	s22 =	sand.u32 $0xE, s30;
	v17 =	vld [tilespmem:s21+$0xFFFFFF10];
	s31 =	spop (v2sf)  }
0x283: {  	v18 =	vmov s22;
	v19 =	vld [tilespmem:s21+$0xFFFFFF30];
	s23 =	sshll.u32 s31, $0x8  }
0x284: {  	s24 =	simm.s32 $0x3;
	vm14 =	veq.s32 v18, v1;
	v18 =	vld [tilespmem:s21+$0xFFFFFF40];
	s22 =	sshra.s32 s23, $0x2  }
0x285: {  	s24 =	sand.u32 $0xF, s24;
	v22 =	vld [tilespmem:s22+$0x5CB0]  }
0x286: {  	v57 =	vmov s24;
	v58 =	vnsel vm14, $0x0, v15;
	v16 =	vld [tilespmem:s21+$0xFFFFFF20]  }
0x287: {  	vm15 =	veq.s32 v57, v1;
	(xrf0) =	vadd.scan.msk.s32 $0xffff, v58;
	v59 =	vld [tilespmem:s22+$0x5CA0]  }
0x288: {  	v15 =	vnsel vm15, $0x0, v15;
	v60 =	vld [tilespmem:s22+$0x5C80]  }
0x289: {  	(xrf0) =	vadd.scan.msk.s32 $0xffff, v15;
	v15 =	vld [tilespmem:s22+$0x5C90]  }
0x28a: {  	v18 =	vmax.f32 v22, v18;
	_ =	sdelay $0x1  }
0x28b: {  	v19 =	vmax.f32 v59, v19;
	[tilespmem:s22+$0x5CB0] =	vst v18  }
0x28c: {  	v17 =	vmax.f32 v60, v17;
	[tilespmem:s22+$0x5CA0] =	vst v19;
	v18, _, _ =	vpop (xrf0)  }
0x28d: {  	v15 =	vmax.f32 v15, v16;
	[tilespmem:s22+$0x5C80] =	vst v17;
	(v2sf) =	vpush v18, $0xF  }
0x28e: {  	[tilespmem:s22+$0x5C90] =	vst v15;
	v16, _, _ =	vpop (xrf0)  }
0x28f: {  	s25 =	spop (v2sf);
	v15 =	vld [tilespmem:s21+$0xFFFFFF50];
	(v2sf) =	vpush v16, $0xF  }
0x290: {  	v62 =	vld [tilespmem:s21+$0xFFFFFF60]  }
0x291: {  	v63 =	vld [tilespmem:s21+$0xFFFFFF80];
	s26 =	sshll.u32 s25, $0x8  }
0x292: {  	s22 =	sshra.s32 s26, $0x2;
	v16 =	vld [tilespmem:s21+$0xFFFFFF70]  }
0x293: {  	v17 =	vld [tilespmem:s22+$0x5CA0]  }
0x294: {  	v18 =	vld [tilespmem:s22+$0x5C80]  }
0x295: {  	v19 =	vld [tilespmem:s22+$0x5C90]  }
0x296: {  	v61 =	vld [tilespmem:s22+$0x5CB0];
	_ =	sdelay $0x1  }
0x297: {  	v16 =	vmax.f32 v17, v16  }
0x298: {  	v15 =	vmax.f32 v18, v15;
	[tilespmem:s22+$0x5CA0] =	vst v16  }
0x299: {  	[tilespmem:s22+$0x5C80] =	vst v15;
	v15 =	vmax.f32 v19, v62  }
0x29a: {  	[tilespmem:s22+$0x5C90] =	vst v15;
	v15 =	vmax.f32 v61, v63  }
0x29b: {  	[tilespmem:s22+$0x5CB0] =	vst v15;
	s29 =	spop (v2sf)  }
0x29c: {  	v15 =	vld [tilespmem:s21+$0xFFFFFFC0];
	s30 =	sshll.u32 s29, $0x8  }
0x29d: {  	v16 =	vld [tilespmem:s21+$0xFFFFFF90];
	s31 =	spop (v2sf);
	s26 =	sshra.s32 s30, $0x2  }
0x29e: {  	s28 =	simm.s32 $0x4;
	s22 =	simm.s32 $0x3E70;
	s24 =	sshll.u32 s31, $0x8;
	v17 =	vld [tilespmem:s26+$0x5C80]  }
.LBB2_30:
0x29f: {  	s29 =	sadd.s32 $0x2, s28  }
0x2a0: {  	s30 =	sadd.s32 $0x3, s28;
	v18 =	vld [tilespmem:s26+$0x5CB0];
	s25 =	smov.u32 s28;
	s23 =	sadd.s32 $0x4, s28  }
0x2a1: {  	p0 =	sne.s32 s28, $0x7C;
	s29 =	sand.u32 $0xE, s29;
	s30 =	sand.u32 $0xF, s30;
	v19 =	vld [tilespmem:s26+$0x5C90]  }
0x2a2: {  	v20 =	vmov s29;
	v21 =	vmov s30;
	v22 =	vld [tilespmem:s26+$0x5CA0]  }
0x2a3: {  	v23 =	vld [tilespmem:s21+$0xFFFFFFB0]  }
0x2a4: {  	v24 =	vld [tilespmem:s21+$0xFFFFFFA0]  }
0x2a5: {  	v16 =	vmax.f32 v17, v16;
	v15 =	vmax.f32 v18, v15  }
0x2a6: {  	[tilespmem:s26+$0x5C80] =	vst v16  }
0x2a7: {  	[tilespmem:s26+$0x5CB0] =	vst v15  }
0x2a8: {  	v15 =	vmax.f32 v22, v23  }
0x2a9: {  	v16 =	vmax.f32 v19, v24;
	[tilespmem:s26+$0x5CA0] =	vst v15  }
0x2aa: {  	[tilespmem:s26+$0x5C90] =	vst v16  }
0x2ab: {  	s24 =	sshra.s32 s24, $0x2;
	v15 =	vld [tilespmem:s21+$0xFFFFFFD0]  }
0x2ac: {  	v16 =	vld [tilespmem:s24+$0x5C90]  }
0x2ad: {  	v17 =	vld [tilespmem:s21+$0x0]  }
0x2ae: {  	v18 =	vld [tilespmem:s24+$0x5CB0]  }
0x2af: {  	v19 =	vld [tilespmem:s24+$0x5C80]  }
0x2b0: {  	v22 =	vld [tilespmem:s21+$0xFFFFFFF0]  }
0x2b1: {  	v23 =	vld [tilespmem:s21+$0xFFFFFFE0];
	s21 =	smov.u32 s22  }
0x2b2: {  	v24 =	vld [tilespmem:s24+$0x5CA0]  }
0x2b3: {  	v17 =	vmax.f32 v18, v17  }
0x2b4: {  	v15 =	vmax.f32 v19, v15;
	[tilespmem:s24+$0x5CB0] =	vst v17  }
0x2b5: {  	[tilespmem:s24+$0x5C80] =	vst v15  }
0x2b6: {  	v15 =	vmax.f32 v16, v23  }
0x2b7: {  	[tilespmem:s24+$0x5C90] =	vst v15;
	v15 =	vmax.f32 v24, v22  }
0x2b8: {  	s26 =	sand.u32 $0x70, s25;
	[tilespmem:s24+$0x5CA0] =	vst v15  }
0x2b9: {  	v15 =	vld.idx.msk [tilespmem:v14+s26+$0x0 ss:$0x1], $0xffff;
	_ =	sdelay $0x1  }
0x2ba: {  	s24 =	sadd.s32 $0x1, s25  }
0x2bb: {  	s25 =	sand.u32 $0xC, s25;
	s24 =	sand.u32 $0xD, s24  }
0x2bc: {  	vm0 =	veq.s32 v21, v1;
	v16 =	vmov s25;
	v17 =	vmov s24  }
0x2bd: {  	vm3 =	veq.s32 v20, v1;
	vm1 =	veq.s32 v16, v1;
	vm2 =	veq.s32 v17, v1  }
0x2be: {  	v16 =	vnsel vm1, $0x0, v15;
	v17 =	vnsel vm2, $0x0, v15;
	v18 =	vnsel vm3, $0x0, v15  }
0x2bf: {  	v15 =	vnsel vm0, $0x0, v15;
	(xrf0) =	vadd.scan.msk.s32 $0xffff, v16  }
0x2c0: {  	(xrf0) =	vadd.scan.msk.s32 $0xffff, v17  }
0x2c1: {  	(xrf0) =	vadd.scan.msk.s32 $0xffff, v18  }
0x2c2: {  	(xrf0) =	vadd.scan.msk.s32 $0xffff, v15;
	_ =	sdelay $0x2  }
0x2c3: {  	v15, _, _ =	vpop (xrf0)  }
0x2c4: {  	(v2sf) =	vpush v15, $0xF;
	v15, _, _ =	vpop (xrf0)  }
0x2c5: {  	(v2sf) =	vpush v15, $0xF;
	v15, _, _ =	vpop (xrf0)  }
0x2c6: {  	(v2sf) =	vpush v15, $0xF;
	v15, _, _ =	vpop (xrf0)  }
0x2c7: {  	(v2sf) =	vpush v15, $0xF;
	_ =	sdelay $0xa  }
0x2c8: {  	v15 =	vld [tilespmem:s22+$0xFFFFFF20]  }
0x2c9: {  	v16 =	vld [tilespmem:s22+$0xFFFFFF10];
	s24 =	spop (v2sf)  }
0x2ca: {  	s24 =	sshll.u32 s24, $0x8;
	v17 =	vld [tilespmem:s22+$0xFFFFFF30];
	s25 =	spop (v2sf)  }
0x2cb: {  	s26 =	sshra.s32 s24, $0x2;
	v18 =	vld [tilespmem:s22+$0xFFFFFF40];
	s25 =	sshll.u32 s25, $0x8;
	s24 =	spop (v2sf)  }
0x2cc: {  	v19 =	vld [tilespmem:s26+$0x5CB0];
	s28 =	sshll.u32 s24, $0x8;
	s24 =	spop (v2sf)  }
0x2cd: {  	v20 =	vld [tilespmem:s26+$0x5CA0];
	s24 =	sshll.u32 s24, $0x8  }
0x2ce: {  	v21 =	vld [tilespmem:s26+$0x5C80]  }
0x2cf: {  	v22 =	vld [tilespmem:s26+$0x5C90];
	_ =	sdelay $0x1  }
0x2d0: {  	v18 =	vmax.f32 v19, v18  }
0x2d1: {  	v17 =	vmax.f32 v20, v17;
	[tilespmem:s26+$0x5CB0] =	vst v18  }
0x2d2: {  	v16 =	vmax.f32 v21, v16;
	[tilespmem:s26+$0x5CA0] =	vst v17  }
0x2d3: {  	[tilespmem:s26+$0x5C80] =	vst v16;
	v15 =	vmax.f32 v22, v15  }
0x2d4: {  	[tilespmem:s26+$0x5C90] =	vst v15  }
0x2d5: {  	v15 =	vld [tilespmem:s22+$0xFFFFFF50]  }
0x2d6: {  	s25 =	sshra.s32 s25, $0x2;
	v16 =	vld [tilespmem:s22+$0xFFFFFF70]  }
0x2d7: {  	v17 =	vld [tilespmem:s25+$0x5CA0]  }
0x2d8: {  	v18 =	vld [tilespmem:s25+$0x5C80]  }
0x2d9: {  	v19 =	vld [tilespmem:s25+$0x5C90]  }
0x2da: {  	v20 =	vld [tilespmem:s25+$0x5CB0]  }
0x2db: {  	v21 =	vld [tilespmem:s22+$0xFFFFFF60]  }
0x2dc: {  	v22 =	vld [tilespmem:s22+$0xFFFFFF80];
	v16 =	vmax.f32 v17, v16  }
0x2dd: {  	v15 =	vmax.f32 v18, v15;
	[tilespmem:s25+$0x5CA0] =	vst v16;
	_ =	sdelay $0x2  }
0x2de: {  	[tilespmem:s25+$0x5C80] =	vst v15;
	v15 =	vmax.f32 v19, v21  }
.Ltmp10:
0x2df: {  	[tilespmem:s25+$0x5C90] =	vst v15;
	v15 =	vmax.f32 v20, v22;
	(pc) =	sbr.rel @p0 .LBB2_30-.Ltmp10, $4  }
0x2e0: {  	[tilespmem:s25+$0x5CB0] =	vst v15  }
0x2e1: {  	v15 =	vld [tilespmem:s22+$0xFFFFFFC0]  }
0x2e2: {  	s26 =	sshra.s32 s28, $0x2;
	v16 =	vld [tilespmem:s22+$0xFFFFFF90]  }
0x2e3: {  	s28 =	smov.u32 s23;
	s22 =	sadd.s32 $0x100, s22;
	v17 =	vld [tilespmem:s26+$0x5C80]  }
0x2e4: {  	v14 =	vld [tilespmem:s26+$0x5CB0]  }
0x2e5: {  	v18 =	vld [tilespmem:s26+$0x5C90]  }
0x2e6: {  	v19 =	vld [tilespmem:s26+$0x5CA0]  }
0x2e7: {  	v21 =	vld [tilespmem:s21+$0xFFFFFFA0]  }
0x2e8: {  	v20 =	vld [tilespmem:s21+$0xFFFFFFB0];
	_ =	sdelay $0x1  }
0x2e9: {  	v16 =	vmax.f32 v17, v16  }
0x2ea: {  	v14 =	vmax.f32 v14, v15;
	[tilespmem:s26+$0x5C80] =	vst v16  }
0x2eb: {  	v15 =	vmax.f32 v18, v21;
	[tilespmem:s26+$0x5CB0] =	vst v14  }
0x2ec: {  	v14 =	vmax.f32 v19, v20;
	[tilespmem:s26+$0x5C90] =	vst v15  }
0x2ed: {  	[tilespmem:s26+$0x5CA0] =	vst v14  }
0x2ee: {  	s22 =	sshra.s32 s24, $0x2;
	v14 =	vld [tilespmem:s21+$0xFFFFFFD0]  }
0x2ef: {  	v15 =	vld [tilespmem:s22+$0x5C90]  }
0x2f0: {  	v16 =	vld [tilespmem:s21+$0x0]  }
0x2f1: {  	v59 =	vld [tilespmem:s22+$0x5CB0]  }
0x2f2: {  	v60 =	vld [tilespmem:s22+$0x5C80]  }
0x2f3: {  	v61 =	vld [tilespmem:s21+$0xFFFFFFF0]  }
0x2f4: {  	s17 =	sadd.s32 $0x100, s17;
	v62 =	vld [tilespmem:s21+$0xFFFFFFE0]  }
0x2f5: {  	s31 =	ssub.s32 s20, s17;
	v63 =	vld [tilespmem:s22+$0x5CA0]  }
0x2f6: {  	p0 =	sgt.s32 s31, $0x13F  }
.Ltmp11:
0x2f7: {  	v16 =	vmax.f32 v59, v16;
	(pc) =	sbr.rel @p0 .LBB2_27-.Ltmp11, $4  }
.Ltmp12:
0x2f8: {  	v14 =	vmax.f32 v60, v14;
	[tilespmem:s22+$0x5CB0] =	vst v16;
	(pc) =	sbr.rel @!p0 .LBB2_14-.Ltmp12, $4  }
0x2f9: {  	[tilespmem:s22+$0x5C80] =	vst v14;
	v14 =	vmax.f32 v15, v62  }
0x2fa: {  	[tilespmem:s22+$0x5C90] =	vst v14;
	v14 =	vmax.f32 v63, v61  }
0x2fb: {  	[tilespmem:s22+$0x5CA0] =	vst v14  }
0x2fc: {  	_ = 	snop  }
.LBB2_15:
0x2fd: {  	s19 =	ssub.s32 s20, s17  }
0x2fe: {  	p0 =	sgt.s32 s19, $0x7F  }
.Ltmp13:
0x2ff: {  	_ = 	snop;
	(pc) =	sbr.rel @p0 .LBB2_16-.Ltmp13, $1  }
0x300: {  	_ =	sdelay $0x3  }
.LBB2_23:
0x301: {  	v14 =	vadd.s32 s20, v1  }
0x302: {  	s19 =	sadd.s32 $0x80000011, s18;
	v14 =	vand.u32 $0x7FF, v14  }
0x303: {  	v15 =	vadd.s32 s19, v1  }
0x304: {  	s23 =	sadd.s32 $0x80000021, s18;
	v15 =	vand.u32 $0x7FF, v15  }
0x305: {  	v16 =	vadd.s32 s23, v1  }
0x306: {  	s24 =	sadd.s32 $0x80000031, s18;
	v16 =	vand.u32 $0x7FF, v16  }
0x307: {  	v17 =	vadd.s32 s24, v1;
	[tilespmem:v14+s8+$0x0] =	vst.idx.msk $0xffff, v2  }
0x308: {  	s25 =	sadd.s32 $0x80000041, s18;
	[tilespmem:v14+s9+$0x0] =	vst.idx.msk $0xffff, v13;
	v14 =	vand.u32 $0x7FF, v17  }
0x309: {  	v17 =	vadd.s32 s25, v1;
	[tilespmem:v15+s8+$0x0] =	vst.idx.msk $0xffff, v3  }
0x30a: {  	s26 =	sadd.s32 $0x80000051, s18;
	[tilespmem:v15+s9+$0x0] =	vst.idx.msk $0xffff, v13;
	v15 =	vand.u32 $0x7FF, v17  }
0x30b: {  	v17 =	vadd.s32 s26, v1;
	[tilespmem:v16+s8+$0x0] =	vst.idx.msk $0xffff, v4  }
0x30c: {  	s28 =	sadd.s32 $0x80000061, s18;
	[tilespmem:v16+s9+$0x0] =	vst.idx.msk $0xffff, v13;
	v16 =	vand.u32 $0x7FF, v17  }
0x30d: {  	v17 =	vadd.s32 s28, v1;
	[tilespmem:v14+s8+$0x0] =	vst.idx.msk $0xffff, v5  }
0x30e: {  	s29 =	sadd.s32 $0x80000071, s18;
	[tilespmem:v14+s9+$0x0] =	vst.idx.msk $0xffff, v13;
	v14 =	vand.u32 $0x7FF, v17  }
0x30f: {  	v17 =	vadd.s32 s29, v1;
	[tilespmem:v15+s8+$0x0] =	vst.idx.msk $0xffff, v6  }
0x310: {  	[tilespmem:v15+s9+$0x0] =	vst.idx.msk $0xffff, v13;
	v15 =	vand.u32 $0x7FF, v17  }
0x311: {  	[tilespmem:v16+s8+$0x0] =	vst.idx.msk $0xffff, v7  }
0x312: {  	[tilespmem:v16+s9+$0x0] =	vst.idx.msk $0xffff, v13  }
0x313: {  	[tilespmem:v14+s8+$0x0] =	vst.idx.msk $0xffff, v8  }
0x314: {  	s17 =	sand.u32 $0x780, s17;
	[tilespmem:v14+s9+$0x0] =	vst.idx.msk $0xffff, v13  }
0x315: {  	s30 =	sadd.s32 $0x1480, s17;
	[tilespmem:v15+s8+$0x0] =	vst.idx.msk $0xffff, v9  }
0x316: {  	s17 =	sadd.s32 $0xC80, s17;
	v14 =	vmov s30;
	[tilespmem:v15+s9+$0x0] =	vst.idx.msk $0xffff, v13  }
0x317: {  	[tilespmem:s12], [sflag:$0x2] =	stream.indirect.gather [hbm4b:s4+s11], $0x40, s17, s11, $0xb8;
	[tilespmem:$0x1E680] =	vst v63  }
0x318: {  	_ =	swait.ge [sflag:s10], $0x2000  }
0x319: {  	s31 =	simm.s32 $0x0;
	[sflag:s10] =	ssyncset.done $0x0  }
0x31a: {  	s19 =	sand.u32 $0x70, s31;
	[sflag:s10] =	ssyncadd.s32 $0xFFFFE000  }
0x31b: {  	v15 =	vld.idx.msk [tilespmem:v14+s19+$0x0 ss:$0x1], $0xffff;
	_ =	sdelay $0x1  }
0x31c: {  	s17 =	sand.u32 $0xC, s31  }
0x31d: {  	v16 =	vmov s17  }
0x31e: {  	vm0 =	veq.s32 v16, v1  }
0x31f: {  	v16 =	vnsel vm0, $0x0, v15  }
0x320: {  	(xrf0) =	vadd.scan.msk.s32 $0xffff, v16;
	_ =	sdelay $0x5  }
0x321: {  	v16, _, _ =	vpop (xrf0)  }
0x322: {  	(v2sf) =	vpush v16, $0xF;
	_ =	sdelay $0x1  }
0x323: {  	s20 =	simm.s32 $0x1  }
0x324: {  	s17 =	sand.u32 $0xD, s20  }
0x325: {  	v16 =	vmov s17  }
0x326: {  	vm13 =	veq.s32 v16, v1  }
0x327: {  	v16 =	vnsel vm13, $0x0, v15  }
0x328: {  	(xrf0) =	vadd.scan.msk.s32 $0xffff, v16;
	_ =	sdelay $0x5  }
0x329: {  	v16, _, _ =	vpop (xrf0)  }
0x32a: {  	s21 =	simm.s32 $0x2;
	s17 =	simm.s32 $0x1D00;
	(v2sf) =	vpush v16, $0xF  }
0x32b: {  	s18 =	sand.u32 $0xE, s21;
	v17 =	vld [tilespmem:s17+$0xFFFFFF80];
	s22 =	spop (v2sf)  }
0x32c: {  	v18 =	vmov s18;
	v19 =	vld [tilespmem:s17+$0xFFFFFFA0];
	s24 =	sshll.u32 s22, $0x8  }
0x32d: {  	s23 =	simm.s32 $0x3;
	vm14 =	veq.s32 v18, v1;
	v18 =	vld [tilespmem:s17+$0xFFFFFFB0];
	s18 =	sshra.s32 s24, $0x2  }
0x32e: {  	s25 =	sand.u32 $0xF, s23;
	v22 =	vld [tilespmem:s18+$0x5CB0]  }
0x32f: {  	v20 =	vmov s25;
	v21 =	vnsel vm14, $0x0, v15;
	v16 =	vld [tilespmem:s17+$0xFFFFFF90]  }
0x330: {  	vm15 =	veq.s32 v20, v1;
	(xrf0) =	vadd.scan.msk.s32 $0xffff, v21;
	v59 =	vld [tilespmem:s18+$0x5CA0]  }
0x331: {  	v15 =	vnsel vm15, $0x0, v15;
	v60 =	vld [tilespmem:s18+$0x5C80]  }
0x332: {  	(xrf0) =	vadd.scan.msk.s32 $0xffff, v15;
	v15 =	vld [tilespmem:s18+$0x5C90]  }
0x333: {  	v18 =	vmax.f32 v22, v18;
	_ =	sdelay $0x1  }
0x334: {  	v19 =	vmax.f32 v59, v19;
	[tilespmem:s18+$0x5CB0] =	vst v18  }
0x335: {  	v17 =	vmax.f32 v60, v17;
	[tilespmem:s18+$0x5CA0] =	vst v19;
	v18, _, _ =	vpop (xrf0)  }
0x336: {  	v15 =	vmax.f32 v15, v16;
	[tilespmem:s18+$0x5C80] =	vst v17;
	(v2sf) =	vpush v18, $0xF  }
0x337: {  	[tilespmem:s18+$0x5C90] =	vst v15;
	v16, _, _ =	vpop (xrf0)  }
0x338: {  	s26 =	spop (v2sf);
	v15 =	vld [tilespmem:s17+$0xFFFFFFC0];
	(v2sf) =	vpush v16, $0xF  }
0x339: {  	v62 =	vld [tilespmem:s17+$0xFFFFFFD0]  }
0x33a: {  	v63 =	vld [tilespmem:s17+$0xFFFFFFF0];
	s28 =	sshll.u32 s26, $0x8  }
0x33b: {  	s18 =	sshra.s32 s28, $0x2;
	v16 =	vld [tilespmem:s17+$0xFFFFFFE0]  }
0x33c: {  	v17 =	vld [tilespmem:s18+$0x5CA0]  }
0x33d: {  	v18 =	vld [tilespmem:s18+$0x5C80]  }
0x33e: {  	v19 =	vld [tilespmem:s18+$0x5C90]  }
0x33f: {  	v61 =	vld [tilespmem:s18+$0x5CB0];
	_ =	sdelay $0x1  }
0x340: {  	v16 =	vmax.f32 v17, v16  }
0x341: {  	v15 =	vmax.f32 v18, v15;
	[tilespmem:s18+$0x5CA0] =	vst v16  }
0x342: {  	[tilespmem:s18+$0x5C80] =	vst v15;
	v15 =	vmax.f32 v19, v62  }
0x343: {  	[tilespmem:s18+$0x5C90] =	vst v15;
	v15 =	vmax.f32 v61, v63  }
0x344: {  	[tilespmem:s18+$0x5CB0] =	vst v15;
	s29 =	spop (v2sf)  }
0x345: {  	v15 =	vld [tilespmem:s17+$0x30];
	s30 =	sshll.u32 s29, $0x8  }
0x346: {  	v16 =	vld [tilespmem:s17+$0x0];
	s31 =	spop (v2sf);
	s22 =	sshra.s32 s30, $0x2  }
0x347: {  	s23 =	simm.s32 $0x4;
	s18 =	simm.s32 $0x1E00;
	s20 =	sshll.u32 s31, $0x8;
	v17 =	vld [tilespmem:s22+$0x5C80]  }
.LBB2_24:
0x348: {  	s24 =	sadd.s32 $0x2, s23  }
0x349: {  	s25 =	sadd.s32 $0x3, s23;
	v18 =	vld [tilespmem:s22+$0x5CB0];
	s21 =	smov.u32 s23;
	s19 =	sadd.s32 $0x4, s23  }
0x34a: {  	p0 =	sne.s32 s23, $0x7C;
	s24 =	sand.u32 $0xE, s24;
	s25 =	sand.u32 $0xF, s25;
	v19 =	vld [tilespmem:s22+$0x5C90]  }
0x34b: {  	v20 =	vmov s24;
	v21 =	vmov s25;
	v22 =	vld [tilespmem:s22+$0x5CA0]  }
0x34c: {  	v23 =	vld [tilespmem:s17+$0x20]  }
0x34d: {  	v24 =	vld [tilespmem:s17+$0x10]  }
0x34e: {  	v16 =	vmax.f32 v17, v16;
	v15 =	vmax.f32 v18, v15  }
0x34f: {  	[tilespmem:s22+$0x5C80] =	vst v16  }
0x350: {  	[tilespmem:s22+$0x5CB0] =	vst v15  }
0x351: {  	v15 =	vmax.f32 v22, v23  }
0x352: {  	v16 =	vmax.f32 v19, v24;
	[tilespmem:s22+$0x5CA0] =	vst v15  }
0x353: {  	[tilespmem:s22+$0x5C90] =	vst v16  }
0x354: {  	s20 =	sshra.s32 s20, $0x2;
	v15 =	vld [tilespmem:s17+$0x40]  }
0x355: {  	v16 =	vld [tilespmem:s20+$0x5C90]  }
0x356: {  	v17 =	vld [tilespmem:s17+$0x70]  }
0x357: {  	v18 =	vld [tilespmem:s20+$0x5CB0]  }
0x358: {  	v19 =	vld [tilespmem:s20+$0x5C80]  }
0x359: {  	v22 =	vld [tilespmem:s17+$0x60]  }
0x35a: {  	v23 =	vld [tilespmem:s17+$0x50];
	s17 =	smov.u32 s18  }
0x35b: {  	v24 =	vld [tilespmem:s20+$0x5CA0]  }
0x35c: {  	v17 =	vmax.f32 v18, v17  }
0x35d: {  	v15 =	vmax.f32 v19, v15;
	[tilespmem:s20+$0x5CB0] =	vst v17  }
0x35e: {  	[tilespmem:s20+$0x5C80] =	vst v15  }
0x35f: {  	v15 =	vmax.f32 v16, v23  }
0x360: {  	[tilespmem:s20+$0x5C90] =	vst v15;
	v15 =	vmax.f32 v24, v22  }
0x361: {  	s22 =	sand.u32 $0x70, s21;
	[tilespmem:s20+$0x5CA0] =	vst v15  }
0x362: {  	v15 =	vld.idx.msk [tilespmem:v14+s22+$0x0 ss:$0x1], $0xffff;
	_ =	sdelay $0x1  }
0x363: {  	s20 =	sadd.s32 $0x1, s21  }
0x364: {  	s21 =	sand.u32 $0xC, s21;
	s20 =	sand.u32 $0xD, s20  }
0x365: {  	vm0 =	veq.s32 v21, v1;
	v16 =	vmov s21;
	v17 =	vmov s20  }
0x366: {  	vm3 =	veq.s32 v20, v1;
	vm1 =	veq.s32 v16, v1;
	vm2 =	veq.s32 v17, v1  }
0x367: {  	v16 =	vnsel vm1, $0x0, v15;
	v17 =	vnsel vm2, $0x0, v15;
	v18 =	vnsel vm3, $0x0, v15  }
0x368: {  	v15 =	vnsel vm0, $0x0, v15;
	(xrf0) =	vadd.scan.msk.s32 $0xffff, v16  }
0x369: {  	(xrf0) =	vadd.scan.msk.s32 $0xffff, v17  }
0x36a: {  	(xrf0) =	vadd.scan.msk.s32 $0xffff, v18  }
0x36b: {  	(xrf0) =	vadd.scan.msk.s32 $0xffff, v15;
	_ =	sdelay $0x2  }
0x36c: {  	v15, _, _ =	vpop (xrf0)  }
0x36d: {  	(v2sf) =	vpush v15, $0xF;
	v15, _, _ =	vpop (xrf0)  }
0x36e: {  	(v2sf) =	vpush v15, $0xF;
	v15, _, _ =	vpop (xrf0)  }
0x36f: {  	(v2sf) =	vpush v15, $0xF;
	v15, _, _ =	vpop (xrf0)  }
0x370: {  	(v2sf) =	vpush v15, $0xF;
	_ =	sdelay $0xa  }
0x371: {  	v15 =	vld [tilespmem:s18+$0xFFFFFF90]  }
0x372: {  	v16 =	vld [tilespmem:s18+$0xFFFFFF80];
	s20 =	spop (v2sf)  }
0x373: {  	s20 =	sshll.u32 s20, $0x8;
	v17 =	vld [tilespmem:s18+$0xFFFFFFA0];
	s21 =	spop (v2sf)  }
0x374: {  	s22 =	sshra.s32 s20, $0x2;
	v18 =	vld [tilespmem:s18+$0xFFFFFFB0];
	s21 =	sshll.u32 s21, $0x8;
	s20 =	spop (v2sf)  }
0x375: {  	v19 =	vld [tilespmem:s22+$0x5CB0];
	s23 =	sshll.u32 s20, $0x8;
	s20 =	spop (v2sf)  }
0x376: {  	v20 =	vld [tilespmem:s22+$0x5CA0];
	s20 =	sshll.u32 s20, $0x8  }
0x377: {  	v21 =	vld [tilespmem:s22+$0x5C80]  }
0x378: {  	v22 =	vld [tilespmem:s22+$0x5C90];
	_ =	sdelay $0x1  }
0x379: {  	v18 =	vmax.f32 v19, v18  }
0x37a: {  	v17 =	vmax.f32 v20, v17;
	[tilespmem:s22+$0x5CB0] =	vst v18  }
0x37b: {  	v16 =	vmax.f32 v21, v16;
	[tilespmem:s22+$0x5CA0] =	vst v17  }
0x37c: {  	[tilespmem:s22+$0x5C80] =	vst v16;
	v15 =	vmax.f32 v22, v15  }
0x37d: {  	[tilespmem:s22+$0x5C90] =	vst v15  }
0x37e: {  	v15 =	vld [tilespmem:s18+$0xFFFFFFC0]  }
0x37f: {  	s21 =	sshra.s32 s21, $0x2;
	v16 =	vld [tilespmem:s18+$0xFFFFFFE0]  }
0x380: {  	v17 =	vld [tilespmem:s21+$0x5CA0]  }
0x381: {  	v18 =	vld [tilespmem:s21+$0x5C80]  }
0x382: {  	v19 =	vld [tilespmem:s21+$0x5C90]  }
0x383: {  	v20 =	vld [tilespmem:s21+$0x5CB0]  }
0x384: {  	v21 =	vld [tilespmem:s18+$0xFFFFFFD0]  }
0x385: {  	v22 =	vld [tilespmem:s18+$0xFFFFFFF0];
	v16 =	vmax.f32 v17, v16  }
0x386: {  	v15 =	vmax.f32 v18, v15;
	[tilespmem:s21+$0x5CA0] =	vst v16;
	_ =	sdelay $0x2  }
0x387: {  	[tilespmem:s21+$0x5C80] =	vst v15;
	v15 =	vmax.f32 v19, v21  }
.Ltmp14:
0x388: {  	[tilespmem:s21+$0x5C90] =	vst v15;
	v15 =	vmax.f32 v20, v22;
	(pc) =	sbr.rel @p0 .LBB2_24-.Ltmp14, $4  }
0x389: {  	[tilespmem:s21+$0x5CB0] =	vst v15  }
0x38a: {  	v15 =	vld [tilespmem:s18+$0x30]  }
0x38b: {  	s22 =	sshra.s32 s23, $0x2;
	v16 =	vld [tilespmem:s18+$0x0]  }
0x38c: {  	s23 =	smov.u32 s19;
	s18 =	sadd.s32 $0x100, s18;
	v17 =	vld [tilespmem:s22+$0x5C80]  }
0x38d: {  	v14 =	vld [tilespmem:s22+$0x5CB0]  }
0x38e: {  	v18 =	vld [tilespmem:s22+$0x5C90]  }
0x38f: {  	v19 =	vld [tilespmem:s22+$0x5CA0]  }
0x390: {  	v21 =	vld [tilespmem:s17+$0x10]  }
0x391: {  	v20 =	vld [tilespmem:s17+$0x20];
	_ =	sdelay $0x1  }
0x392: {  	v16 =	vmax.f32 v17, v16  }
0x393: {  	v14 =	vmax.f32 v14, v15;
	[tilespmem:s22+$0x5C80] =	vst v16  }
0x394: {  	v15 =	vmax.f32 v18, v21;
	[tilespmem:s22+$0x5CB0] =	vst v14  }
0x395: {  	v14 =	vmax.f32 v19, v20;
	[tilespmem:s22+$0x5C90] =	vst v15  }
0x396: {  	[tilespmem:s22+$0x5CA0] =	vst v14  }
0x397: {  	s18 =	sshra.s32 s20, $0x2;
	v14 =	vld [tilespmem:s17+$0x40]  }
0x398: {  	v15 =	vld [tilespmem:s18+$0x5C90]  }
0x399: {  	v16 =	vld [tilespmem:s17+$0x70]  }
0x39a: {  	v59 =	vld [tilespmem:s18+$0x5CB0]  }
0x39b: {  	v60 =	vld [tilespmem:s18+$0x5C80]  }
0x39c: {  	v61 =	vld [tilespmem:s17+$0x60]  }
0x39d: {  	v62 =	vld [tilespmem:s17+$0x50]  }
0x39e: {  	v63 =	vld [tilespmem:s18+$0x5CA0];
	_ =	sdelay $0x1  }
0x39f: {  	v16 =	vmax.f32 v59, v16  }
0x3a0: {  	v14 =	vmax.f32 v60, v14;
	[tilespmem:s18+$0x5CB0] =	vst v16  }
0x3a1: {  	[tilespmem:s18+$0x5C80] =	vst v14;
	v14 =	vmax.f32 v15, v62  }
0x3a2: {  	s16 =	sadd.s32 $0x1, s16;
	[tilespmem:s18+$0x5C90] =	vst v14;
	v14 =	vmax.f32 v63, v61  }
0x3a3: {  	p0 =	sne.s32 s16, s6;
	[tilespmem:s18+$0x5CA0] =	vst v14  }
0x3a4: {  	[hbm4b:s5+s3] =	stream.linear.scatter [tilespmem:s14], [sflag:$0x3], $0x18800, $0x38;
	[tilespmem:$0x1E680] =	vst v63  }
.Ltmp15:
0x3a5: {  	_ = 	snop;
	(pc) =	sbr.rel @p0 .LBB2_1-.Ltmp15, $4  }
.Ltmp16:
0x3a6: {  	_ = 	snop;
	(pc) =	sbr.rel @!p0 .LBB2_26-.Ltmp16, $4  }
0x3a7: {  	_ =	swait.ge [sflag:s15], $0x18800  }
0x3a8: {  	[sflag:s15] =	ssyncset.done $0x0  }
0x3a9: {  	[sflag:s15] =	ssyncadd.s32 $0xFFFE7800  }
0x3aa: {  	_ = 	snop  }
.LBB2_22:
0x3ab: {  	s17 =	sadd.s32 s17, s19  }
0x3ac: {  	s19 =	ssub.s32 s20, s17  }
0x3ad: {  	p0 =	sgt.s32 s19, $0x7F  }
.Ltmp17:
0x3ae: {  	_ = 	snop;
	(pc) =	sbr.rel @!p0 .LBB2_23-.Ltmp17, $1  }
0x3af: {  	_ =	sdelay $0x3  }
.LBB2_16:
0x3b0: {  	s21 =	sand.u32 $0x780, s17;
	p0 =	slt.u32 s19, $0x100  }
0x3b1: {  	s24 =	sadd.s32 $0xC80, s21;
	s19 =	sadd.s32 @!p0 $0x80, s17  }
0x3b2: {  	[tilespmem:s12], [sflag:$0x2] =	stream.indirect.gather [hbm4b:s4+s11], $0x40, s24, s11, $0xb8;
	[tilespmem:$0x1E680] =	vst v63  }
0x3b3: {  	s21 =	sadd.s32 $0x1480, s21;
	s19 =	sand.u32 @!p0 $0x780, s19  }
0x3b4: {  	s22 =	simm.s32 @!p0 $0x80;
	s23 =	simm.s32 @!p0 $0x3C80;
	v14 =	vmov s21;
	s19 =	sadd.s32 @!p0 $0xC80, s19  }
0x3b5: {  	[tilespmem:s23], [sflag:$0x2] =	stream.indirect.gather @!p0 [hbm4b:s4+s22], $0x40, s19, s22, $0xb8;
	[tilespmem:$0x1E680] =	vst v63  }
0x3b6: {  	_ =	swait.ge [sflag:s10], $0x2000  }
0x3b7: {  	s25 =	simm.s32 $0x0;
	[sflag:s10] =	ssyncset.done $0x0  }
0x3b8: {  	s26 =	sand.u32 $0x70, s25;
	[sflag:s10] =	ssyncadd.s32 $0xFFFFE000  }
0x3b9: {  	v15 =	vld.idx.msk [tilespmem:v14+s26+$0x0 ss:$0x1], $0xffff;
	_ =	sdelay $0x1  }
0x3ba: {  	s19 =	sand.u32 $0xC, s25  }
0x3bb: {  	v16 =	vmov s19  }
0x3bc: {  	vm0 =	veq.s32 v16, v1  }
0x3bd: {  	v16 =	vnsel vm0, $0x0, v15  }
0x3be: {  	(xrf0) =	vadd.scan.msk.s32 $0xffff, v16;
	_ =	sdelay $0x5  }
0x3bf: {  	v16, _, _ =	vpop (xrf0)  }
0x3c0: {  	(v2sf) =	vpush v16, $0xF;
	_ =	sdelay $0x1  }
0x3c1: {  	s28 =	simm.s32 $0x1  }
0x3c2: {  	s19 =	sand.u32 $0xD, s28  }
0x3c3: {  	v16 =	vmov s19  }
0x3c4: {  	vm13 =	veq.s32 v16, v1  }
0x3c5: {  	v16 =	vnsel vm13, $0x0, v15  }
0x3c6: {  	(xrf0) =	vadd.scan.msk.s32 $0xffff, v16;
	_ =	sdelay $0x5  }
0x3c7: {  	v16, _, _ =	vpop (xrf0)  }
0x3c8: {  	s29 =	simm.s32 $0x2;
	s19 =	simm.s32 $0x1D00;
	(v2sf) =	vpush v16, $0xF  }
0x3c9: {  	s21 =	sand.u32 $0xE, s29;
	v17 =	vld [tilespmem:s19+$0xFFFFFF80];
	s30 =	spop (v2sf)  }
0x3ca: {  	v18 =	vmov s21;
	v19 =	vld [tilespmem:s19+$0xFFFFFFA0];
	s24 =	sshll.u32 s30, $0x8  }
0x3cb: {  	s31 =	simm.s32 $0x3;
	vm14 =	veq.s32 v18, v1;
	v18 =	vld [tilespmem:s19+$0xFFFFFFB0];
	s21 =	sshra.s32 s24, $0x2  }
0x3cc: {  	s25 =	sand.u32 $0xF, s31;
	v22 =	vld [tilespmem:s21+$0x5CB0]  }
0x3cd: {  	v20 =	vmov s25;
	v21 =	vnsel vm14, $0x0, v15;
	v16 =	vld [tilespmem:s19+$0xFFFFFF90]  }
0x3ce: {  	vm15 =	veq.s32 v20, v1;
	(xrf0) =	vadd.scan.msk.s32 $0xffff, v21;
	v59 =	vld [tilespmem:s21+$0x5CA0]  }
0x3cf: {  	v15 =	vnsel vm15, $0x0, v15;
	v60 =	vld [tilespmem:s21+$0x5C80]  }
0x3d0: {  	(xrf0) =	vadd.scan.msk.s32 $0xffff, v15;
	v15 =	vld [tilespmem:s21+$0x5C90]  }
0x3d1: {  	v18 =	vmax.f32 v22, v18;
	_ =	sdelay $0x1  }
0x3d2: {  	v19 =	vmax.f32 v59, v19;
	[tilespmem:s21+$0x5CB0] =	vst v18  }
0x3d3: {  	v17 =	vmax.f32 v60, v17;
	[tilespmem:s21+$0x5CA0] =	vst v19;
	v18, _, _ =	vpop (xrf0)  }
0x3d4: {  	v15 =	vmax.f32 v15, v16;
	[tilespmem:s21+$0x5C80] =	vst v17;
	(v2sf) =	vpush v18, $0xF  }
0x3d5: {  	[tilespmem:s21+$0x5C90] =	vst v15;
	v16, _, _ =	vpop (xrf0)  }
0x3d6: {  	s26 =	spop (v2sf);
	v15 =	vld [tilespmem:s19+$0xFFFFFFC0];
	(v2sf) =	vpush v16, $0xF  }
0x3d7: {  	v62 =	vld [tilespmem:s19+$0xFFFFFFD0]  }
0x3d8: {  	v63 =	vld [tilespmem:s19+$0xFFFFFFF0];
	s28 =	sshll.u32 s26, $0x8  }
0x3d9: {  	s21 =	sshra.s32 s28, $0x2;
	v16 =	vld [tilespmem:s19+$0xFFFFFFE0]  }
0x3da: {  	v17 =	vld [tilespmem:s21+$0x5CA0]  }
0x3db: {  	v18 =	vld [tilespmem:s21+$0x5C80]  }
0x3dc: {  	v19 =	vld [tilespmem:s21+$0x5C90]  }
0x3dd: {  	v61 =	vld [tilespmem:s21+$0x5CB0];
	_ =	sdelay $0x1  }
0x3de: {  	v16 =	vmax.f32 v17, v16  }
0x3df: {  	v15 =	vmax.f32 v18, v15;
	[tilespmem:s21+$0x5CA0] =	vst v16  }
0x3e0: {  	[tilespmem:s21+$0x5C80] =	vst v15;
	v15 =	vmax.f32 v19, v62  }
0x3e1: {  	[tilespmem:s21+$0x5C90] =	vst v15;
	v15 =	vmax.f32 v61, v63  }
0x3e2: {  	[tilespmem:s21+$0x5CB0] =	vst v15;
	s29 =	spop (v2sf)  }
0x3e3: {  	v15 =	vld [tilespmem:s19+$0x30];
	s30 =	sshll.u32 s29, $0x8  }
0x3e4: {  	v16 =	vld [tilespmem:s19+$0x0];
	s31 =	spop (v2sf);
	s25 =	sshra.s32 s30, $0x2  }
0x3e5: {  	s26 =	simm.s32 $0x4;
	s21 =	simm.s32 $0x1E00;
	s23 =	sshll.u32 s31, $0x8;
	v17 =	vld [tilespmem:s25+$0x5C80]  }
.LBB2_17:
0x3e6: {  	s28 =	sadd.s32 $0x2, s26  }
0x3e7: {  	s29 =	sadd.s32 $0x3, s26;
	v18 =	vld [tilespmem:s25+$0x5CB0];
	s24 =	smov.u32 s26;
	s22 =	sadd.s32 $0x4, s26  }
0x3e8: {  	p1 =	sne.s32 s26, $0x7C;
	s28 =	sand.u32 $0xE, s28;
	s29 =	sand.u32 $0xF, s29;
	v19 =	vld [tilespmem:s25+$0x5C90]  }
0x3e9: {  	v20 =	vmov s28;
	v21 =	vmov s29;
	v22 =	vld [tilespmem:s25+$0x5CA0]  }
0x3ea: {  	v23 =	vld [tilespmem:s19+$0x20]  }
0x3eb: {  	v24 =	vld [tilespmem:s19+$0x10]  }
0x3ec: {  	v16 =	vmax.f32 v17, v16;
	v15 =	vmax.f32 v18, v15  }
0x3ed: {  	[tilespmem:s25+$0x5C80] =	vst v16  }
0x3ee: {  	[tilespmem:s25+$0x5CB0] =	vst v15  }
0x3ef: {  	v15 =	vmax.f32 v22, v23  }
0x3f0: {  	v16 =	vmax.f32 v19, v24;
	[tilespmem:s25+$0x5CA0] =	vst v15  }
0x3f1: {  	[tilespmem:s25+$0x5C90] =	vst v16  }
0x3f2: {  	s23 =	sshra.s32 s23, $0x2;
	v15 =	vld [tilespmem:s19+$0x40]  }
0x3f3: {  	v16 =	vld [tilespmem:s23+$0x5C90]  }
0x3f4: {  	v17 =	vld [tilespmem:s19+$0x70]  }
0x3f5: {  	v18 =	vld [tilespmem:s23+$0x5CB0]  }
0x3f6: {  	v19 =	vld [tilespmem:s23+$0x5C80]  }
0x3f7: {  	v22 =	vld [tilespmem:s19+$0x60]  }
0x3f8: {  	v23 =	vld [tilespmem:s19+$0x50];
	s19 =	smov.u32 s21  }
0x3f9: {  	v24 =	vld [tilespmem:s23+$0x5CA0]  }
0x3fa: {  	v17 =	vmax.f32 v18, v17  }
0x3fb: {  	v15 =	vmax.f32 v19, v15;
	[tilespmem:s23+$0x5CB0] =	vst v17  }
0x3fc: {  	[tilespmem:s23+$0x5C80] =	vst v15  }
0x3fd: {  	v15 =	vmax.f32 v16, v23  }
0x3fe: {  	[tilespmem:s23+$0x5C90] =	vst v15;
	v15 =	vmax.f32 v24, v22  }
0x3ff: {  	s25 =	sand.u32 $0x70, s24;
	[tilespmem:s23+$0x5CA0] =	vst v15  }
0x400: {  	v15 =	vld.idx.msk [tilespmem:v14+s25+$0x0 ss:$0x1], $0xffff;
	_ =	sdelay $0x1  }
0x401: {  	s23 =	sadd.s32 $0x1, s24  }
0x402: {  	s24 =	sand.u32 $0xC, s24;
	s23 =	sand.u32 $0xD, s23  }
0x403: {  	vm0 =	veq.s32 v21, v1;
	v16 =	vmov s24;
	v17 =	vmov s23  }
0x404: {  	vm3 =	veq.s32 v20, v1;
	vm1 =	veq.s32 v16, v1;
	vm2 =	veq.s32 v17, v1  }
0x405: {  	v16 =	vnsel vm1, $0x0, v15;
	v17 =	vnsel vm2, $0x0, v15;
	v18 =	vnsel vm3, $0x0, v15  }
0x406: {  	v15 =	vnsel vm0, $0x0, v15;
	(xrf0) =	vadd.scan.msk.s32 $0xffff, v16  }
0x407: {  	(xrf0) =	vadd.scan.msk.s32 $0xffff, v17  }
0x408: {  	(xrf0) =	vadd.scan.msk.s32 $0xffff, v18  }
0x409: {  	(xrf0) =	vadd.scan.msk.s32 $0xffff, v15;
	_ =	sdelay $0x2  }
0x40a: {  	v15, _, _ =	vpop (xrf0)  }
0x40b: {  	(v2sf) =	vpush v15, $0xF;
	v15, _, _ =	vpop (xrf0)  }
0x40c: {  	(v2sf) =	vpush v15, $0xF;
	v15, _, _ =	vpop (xrf0)  }
0x40d: {  	(v2sf) =	vpush v15, $0xF;
	v15, _, _ =	vpop (xrf0)  }
0x40e: {  	(v2sf) =	vpush v15, $0xF;
	_ =	sdelay $0xa  }
0x40f: {  	v15 =	vld [tilespmem:s21+$0xFFFFFF90]  }
0x410: {  	v16 =	vld [tilespmem:s21+$0xFFFFFF80];
	s23 =	spop (v2sf)  }
0x411: {  	s23 =	sshll.u32 s23, $0x8;
	v17 =	vld [tilespmem:s21+$0xFFFFFFA0];
	s24 =	spop (v2sf)  }
0x412: {  	s25 =	sshra.s32 s23, $0x2;
	v18 =	vld [tilespmem:s21+$0xFFFFFFB0];
	s24 =	sshll.u32 s24, $0x8;
	s23 =	spop (v2sf)  }
0x413: {  	v19 =	vld [tilespmem:s25+$0x5CB0];
	s26 =	sshll.u32 s23, $0x8;
	s23 =	spop (v2sf)  }
0x414: {  	v20 =	vld [tilespmem:s25+$0x5CA0];
	s23 =	sshll.u32 s23, $0x8  }
0x415: {  	v21 =	vld [tilespmem:s25+$0x5C80]  }
0x416: {  	v22 =	vld [tilespmem:s25+$0x5C90];
	_ =	sdelay $0x1  }
0x417: {  	v18 =	vmax.f32 v19, v18  }
0x418: {  	v17 =	vmax.f32 v20, v17;
	[tilespmem:s25+$0x5CB0] =	vst v18  }
0x419: {  	v16 =	vmax.f32 v21, v16;
	[tilespmem:s25+$0x5CA0] =	vst v17  }
0x41a: {  	[tilespmem:s25+$0x5C80] =	vst v16;
	v15 =	vmax.f32 v22, v15  }
0x41b: {  	[tilespmem:s25+$0x5C90] =	vst v15  }
0x41c: {  	v15 =	vld [tilespmem:s21+$0xFFFFFFC0]  }
0x41d: {  	s24 =	sshra.s32 s24, $0x2;
	v16 =	vld [tilespmem:s21+$0xFFFFFFE0]  }
0x41e: {  	v17 =	vld [tilespmem:s24+$0x5CA0]  }
0x41f: {  	v18 =	vld [tilespmem:s24+$0x5C80]  }
0x420: {  	v19 =	vld [tilespmem:s24+$0x5C90]  }
0x421: {  	v20 =	vld [tilespmem:s24+$0x5CB0]  }
0x422: {  	v21 =	vld [tilespmem:s21+$0xFFFFFFD0]  }
0x423: {  	v22 =	vld [tilespmem:s21+$0xFFFFFFF0];
	v16 =	vmax.f32 v17, v16  }
0x424: {  	v15 =	vmax.f32 v18, v15;
	[tilespmem:s24+$0x5CA0] =	vst v16;
	_ =	sdelay $0x2  }
0x425: {  	[tilespmem:s24+$0x5C80] =	vst v15;
	v15 =	vmax.f32 v19, v21  }
.Ltmp18:
0x426: {  	[tilespmem:s24+$0x5C90] =	vst v15;
	v15 =	vmax.f32 v20, v22;
	(pc) =	sbr.rel @p1 .LBB2_17-.Ltmp18, $4  }
0x427: {  	[tilespmem:s24+$0x5CB0] =	vst v15  }
0x428: {  	v15 =	vld [tilespmem:s21+$0x30]  }
0x429: {  	s25 =	sshra.s32 s26, $0x2;
	v16 =	vld [tilespmem:s21+$0x0]  }
0x42a: {  	s26 =	smov.u32 s22;
	s21 =	sadd.s32 $0x100, s21;
	v17 =	vld [tilespmem:s25+$0x5C80]  }
0x42b: {  	v14 =	vld [tilespmem:s25+$0x5CB0]  }
0x42c: {  	v18 =	vld [tilespmem:s25+$0x5C90]  }
0x42d: {  	v19 =	vld [tilespmem:s25+$0x5CA0]  }
0x42e: {  	v21 =	vld [tilespmem:s19+$0x10]  }
0x42f: {  	v20 =	vld [tilespmem:s19+$0x20];
	_ =	sdelay $0x1  }
0x430: {  	v16 =	vmax.f32 v17, v16  }
0x431: {  	v14 =	vmax.f32 v14, v15;
	[tilespmem:s25+$0x5C80] =	vst v16  }
0x432: {  	v15 =	vmax.f32 v18, v21;
	[tilespmem:s25+$0x5CB0] =	vst v14  }
0x433: {  	v14 =	vmax.f32 v19, v20;
	[tilespmem:s25+$0x5C90] =	vst v15  }
0x434: {  	[tilespmem:s25+$0x5CA0] =	vst v14  }
0x435: {  	s21 =	sshra.s32 s23, $0x2;
	v14 =	vld [tilespmem:s19+$0x40]  }
0x436: {  	v15 =	vld [tilespmem:s21+$0x5C90]  }
0x437: {  	v16 =	vld [tilespmem:s19+$0x70]  }
0x438: {  	v59 =	vld [tilespmem:s21+$0x5CB0]  }
0x439: {  	v60 =	vld [tilespmem:s21+$0x5C80]  }
0x43a: {  	v61 =	vld [tilespmem:s19+$0x60]  }
0x43b: {  	v62 =	vld [tilespmem:s19+$0x50]  }
0x43c: {  	v63 =	vld [tilespmem:s21+$0x5CA0];
	_ =	sdelay $0x1  }
.Ltmp19:
0x43d: {  	v16 =	vmax.f32 v59, v16;
	(pc) =	sbr.rel @p0 .LBB2_22-.Ltmp19, $4  }
0x43e: {  	v14 =	vmax.f32 v60, v14;
	[tilespmem:s21+$0x5CB0] =	vst v16  }
0x43f: {  	[tilespmem:s21+$0x5C80] =	vst v14;
	v14 =	vmax.f32 v15, v62  }
0x440: {  	[tilespmem:s21+$0x5C90] =	vst v14;
	v14 =	vmax.f32 v63, v61  }
0x441: {  	s19 =	simm.s32 $0x80;
	[tilespmem:s21+$0x5CA0] =	vst v14  }
0x442: {  	s19 =	sadd.s32 $0x80, s17  }
0x443: {  	s19 =	sand.u32 $0x780, s19  }
0x444: {  	s19 =	sadd.s32 $0x1480, s19  }
0x445: {  	v14 =	vmov s19;
	_ =	sdelay $0x1  }
0x446: {  	_ =	swait.ge [sflag:s10], $0x2000  }
0x447: {  	s31 =	simm.s32 $0x0;
	[sflag:s10] =	ssyncset.done $0x0  }
0x448: {  	s21 =	sand.u32 $0x70, s31;
	[sflag:s10] =	ssyncadd.s32 $0xFFFFE000  }
0x449: {  	v15 =	vld.idx.msk [tilespmem:v14+s21+$0x0 ss:$0x1], $0xffff;
	_ =	sdelay $0x1  }
0x44a: {  	s19 =	sand.u32 $0xC, s31  }
0x44b: {  	v16 =	vmov s19  }
0x44c: {  	vm0 =	veq.s32 v16, v1  }
0x44d: {  	v16 =	vnsel vm0, $0x0, v15  }
0x44e: {  	(xrf0) =	vadd.scan.msk.s32 $0xffff, v16;
	_ =	sdelay $0x5  }
0x44f: {  	v16, _, _ =	vpop (xrf0)  }
0x450: {  	(v2sf) =	vpush v16, $0xF;
	_ =	sdelay $0x1  }
0x451: {  	s22 =	simm.s32 $0x1  }
0x452: {  	s19 =	sand.u32 $0xD, s22  }
0x453: {  	v16 =	vmov s19  }
0x454: {  	vm13 =	veq.s32 v16, v1  }
0x455: {  	v16 =	vnsel vm13, $0x0, v15  }
0x456: {  	(xrf0) =	vadd.scan.msk.s32 $0xffff, v16;
	_ =	sdelay $0x5  }
0x457: {  	v16, _, _ =	vpop (xrf0)  }
0x458: {  	s23 =	simm.s32 $0x2;
	s19 =	simm.s32 $0x3D70;
	(v2sf) =	vpush v16, $0xF  }
0x459: {  	s21 =	sand.u32 $0xE, s23;
	v17 =	vld [tilespmem:s19+$0xFFFFFF10];
	s22 =	spop (v2sf)  }
0x45a: {  	v18 =	vmov s21;
	v19 =	vld [tilespmem:s19+$0xFFFFFF30];
	s24 =	sshll.u32 s22, $0x8  }
0x45b: {  	s23 =	simm.s32 $0x3;
	vm14 =	veq.s32 v18, v1;
	v18 =	vld [tilespmem:s19+$0xFFFFFF40];
	s21 =	sshra.s32 s24, $0x2  }
0x45c: {  	s25 =	sand.u32 $0xF, s23;
	v22 =	vld [tilespmem:s21+$0x5CB0]  }
0x45d: {  	v20 =	vmov s25;
	v21 =	vnsel vm14, $0x0, v15;
	v16 =	vld [tilespmem:s19+$0xFFFFFF20]  }
0x45e: {  	vm15 =	veq.s32 v20, v1;
	(xrf0) =	vadd.scan.msk.s32 $0xffff, v21;
	v59 =	vld [tilespmem:s21+$0x5CA0]  }
0x45f: {  	v15 =	vnsel vm15, $0x0, v15;
	v60 =	vld [tilespmem:s21+$0x5C80]  }
0x460: {  	(xrf0) =	vadd.scan.msk.s32 $0xffff, v15;
	v15 =	vld [tilespmem:s21+$0x5C90]  }
0x461: {  	v18 =	vmax.f32 v22, v18;
	_ =	sdelay $0x1  }
0x462: {  	v19 =	vmax.f32 v59, v19;
	[tilespmem:s21+$0x5CB0] =	vst v18  }
0x463: {  	v17 =	vmax.f32 v60, v17;
	[tilespmem:s21+$0x5CA0] =	vst v19;
	v18, _, _ =	vpop (xrf0)  }
0x464: {  	v15 =	vmax.f32 v15, v16;
	[tilespmem:s21+$0x5C80] =	vst v17;
	(v2sf) =	vpush v18, $0xF  }
0x465: {  	[tilespmem:s21+$0x5C90] =	vst v15;
	v16, _, _ =	vpop (xrf0)  }
0x466: {  	s26 =	spop (v2sf);
	v15 =	vld [tilespmem:s19+$0xFFFFFF50];
	(v2sf) =	vpush v16, $0xF  }
0x467: {  	v62 =	vld [tilespmem:s19+$0xFFFFFF60]  }
0x468: {  	v63 =	vld [tilespmem:s19+$0xFFFFFF80];
	s28 =	sshll.u32 s26, $0x8  }
0x469: {  	s21 =	sshra.s32 s28, $0x2;
	v16 =	vld [tilespmem:s19+$0xFFFFFF70]  }
0x46a: {  	v17 =	vld [tilespmem:s21+$0x5CA0]  }
0x46b: {  	v18 =	vld [tilespmem:s21+$0x5C80]  }
0x46c: {  	v19 =	vld [tilespmem:s21+$0x5C90]  }
0x46d: {  	v61 =	vld [tilespmem:s21+$0x5CB0];
	_ =	sdelay $0x1  }
0x46e: {  	v16 =	vmax.f32 v17, v16  }
0x46f: {  	v15 =	vmax.f32 v18, v15;
	[tilespmem:s21+$0x5CA0] =	vst v16  }
0x470: {  	[tilespmem:s21+$0x5C80] =	vst v15;
	v15 =	vmax.f32 v19, v62  }
0x471: {  	[tilespmem:s21+$0x5C90] =	vst v15;
	v15 =	vmax.f32 v61, v63  }
0x472: {  	[tilespmem:s21+$0x5CB0] =	vst v15;
	s29 =	spop (v2sf)  }
0x473: {  	v15 =	vld [tilespmem:s19+$0xFFFFFFC0];
	s30 =	sshll.u32 s29, $0x8  }
0x474: {  	v16 =	vld [tilespmem:s19+$0xFFFFFF90];
	s31 =	spop (v2sf);
	s25 =	sshra.s32 s30, $0x2  }
0x475: {  	s26 =	simm.s32 $0x4;
	s21 =	simm.s32 $0x3E70;
	s23 =	sshll.u32 s31, $0x8;
	v17 =	vld [tilespmem:s25+$0x5C80]  }
.LBB2_20:
0x476: {  	s28 =	sadd.s32 $0x2, s26  }
0x477: {  	s29 =	sadd.s32 $0x3, s26;
	v18 =	vld [tilespmem:s25+$0x5CB0];
	s24 =	smov.u32 s26;
	s22 =	sadd.s32 $0x4, s26  }
0x478: {  	p0 =	sne.s32 s26, $0x7C;
	s28 =	sand.u32 $0xE, s28;
	s29 =	sand.u32 $0xF, s29;
	v19 =	vld [tilespmem:s25+$0x5C90]  }
0x479: {  	v20 =	vmov s28;
	v21 =	vmov s29;
	v22 =	vld [tilespmem:s25+$0x5CA0]  }
0x47a: {  	v23 =	vld [tilespmem:s19+$0xFFFFFFB0]  }
0x47b: {  	v24 =	vld [tilespmem:s19+$0xFFFFFFA0]  }
0x47c: {  	v16 =	vmax.f32 v17, v16;
	v15 =	vmax.f32 v18, v15  }
0x47d: {  	[tilespmem:s25+$0x5C80] =	vst v16  }
0x47e: {  	[tilespmem:s25+$0x5CB0] =	vst v15  }
0x47f: {  	v15 =	vmax.f32 v22, v23  }
0x480: {  	v16 =	vmax.f32 v19, v24;
	[tilespmem:s25+$0x5CA0] =	vst v15  }
0x481: {  	[tilespmem:s25+$0x5C90] =	vst v16  }
0x482: {  	s23 =	sshra.s32 s23, $0x2;
	v15 =	vld [tilespmem:s19+$0xFFFFFFD0]  }
0x483: {  	v16 =	vld [tilespmem:s23+$0x5C90]  }
0x484: {  	v17 =	vld [tilespmem:s19+$0x0]  }
0x485: {  	v18 =	vld [tilespmem:s23+$0x5CB0]  }
0x486: {  	v19 =	vld [tilespmem:s23+$0x5C80]  }
0x487: {  	v22 =	vld [tilespmem:s19+$0xFFFFFFF0]  }
0x488: {  	v23 =	vld [tilespmem:s19+$0xFFFFFFE0];
	s19 =	smov.u32 s21  }
0x489: {  	v24 =	vld [tilespmem:s23+$0x5CA0]  }
0x48a: {  	v17 =	vmax.f32 v18, v17  }
0x48b: {  	v15 =	vmax.f32 v19, v15;
	[tilespmem:s23+$0x5CB0] =	vst v17  }
0x48c: {  	[tilespmem:s23+$0x5C80] =	vst v15  }
0x48d: {  	v15 =	vmax.f32 v16, v23  }
0x48e: {  	[tilespmem:s23+$0x5C90] =	vst v15;
	v15 =	vmax.f32 v24, v22  }
0x48f: {  	s25 =	sand.u32 $0x70, s24;
	[tilespmem:s23+$0x5CA0] =	vst v15  }
0x490: {  	v15 =	vld.idx.msk [tilespmem:v14+s25+$0x0 ss:$0x1], $0xffff;
	_ =	sdelay $0x1  }
0x491: {  	s23 =	sadd.s32 $0x1, s24  }
0x492: {  	s24 =	sand.u32 $0xC, s24;
	s23 =	sand.u32 $0xD, s23  }
0x493: {  	vm0 =	veq.s32 v21, v1;
	v16 =	vmov s24;
	v17 =	vmov s23  }
0x494: {  	vm3 =	veq.s32 v20, v1;
	vm1 =	veq.s32 v16, v1;
	vm2 =	veq.s32 v17, v1  }
0x495: {  	v16 =	vnsel vm1, $0x0, v15;
	v17 =	vnsel vm2, $0x0, v15;
	v18 =	vnsel vm3, $0x0, v15  }
0x496: {  	v15 =	vnsel vm0, $0x0, v15;
	(xrf0) =	vadd.scan.msk.s32 $0xffff, v16  }
0x497: {  	(xrf0) =	vadd.scan.msk.s32 $0xffff, v17  }
0x498: {  	(xrf0) =	vadd.scan.msk.s32 $0xffff, v18  }
0x499: {  	(xrf0) =	vadd.scan.msk.s32 $0xffff, v15;
	_ =	sdelay $0x2  }
0x49a: {  	v15, _, _ =	vpop (xrf0)  }
0x49b: {  	(v2sf) =	vpush v15, $0xF;
	v15, _, _ =	vpop (xrf0)  }
0x49c: {  	(v2sf) =	vpush v15, $0xF;
	v15, _, _ =	vpop (xrf0)  }
0x49d: {  	(v2sf) =	vpush v15, $0xF;
	v15, _, _ =	vpop (xrf0)  }
0x49e: {  	(v2sf) =	vpush v15, $0xF;
	_ =	sdelay $0xa  }
0x49f: {  	v15 =	vld [tilespmem:s21+$0xFFFFFF20]  }
0x4a0: {  	v16 =	vld [tilespmem:s21+$0xFFFFFF10];
	s23 =	spop (v2sf)  }
0x4a1: {  	s23 =	sshll.u32 s23, $0x8;
	v17 =	vld [tilespmem:s21+$0xFFFFFF30];
	s24 =	spop (v2sf)  }
0x4a2: {  	s25 =	sshra.s32 s23, $0x2;
	v18 =	vld [tilespmem:s21+$0xFFFFFF40];
	s24 =	sshll.u32 s24, $0x8;
	s23 =	spop (v2sf)  }
0x4a3: {  	v19 =	vld [tilespmem:s25+$0x5CB0];
	s26 =	sshll.u32 s23, $0x8;
	s23 =	spop (v2sf)  }
0x4a4: {  	v20 =	vld [tilespmem:s25+$0x5CA0];
	s23 =	sshll.u32 s23, $0x8  }
0x4a5: {  	v21 =	vld [tilespmem:s25+$0x5C80]  }
0x4a6: {  	v22 =	vld [tilespmem:s25+$0x5C90];
	_ =	sdelay $0x1  }
0x4a7: {  	v18 =	vmax.f32 v19, v18  }
0x4a8: {  	v17 =	vmax.f32 v20, v17;
	[tilespmem:s25+$0x5CB0] =	vst v18  }
0x4a9: {  	v16 =	vmax.f32 v21, v16;
	[tilespmem:s25+$0x5CA0] =	vst v17  }
0x4aa: {  	[tilespmem:s25+$0x5C80] =	vst v16;
	v15 =	vmax.f32 v22, v15  }
0x4ab: {  	[tilespmem:s25+$0x5C90] =	vst v15  }
0x4ac: {  	v15 =	vld [tilespmem:s21+$0xFFFFFF50]  }
0x4ad: {  	s24 =	sshra.s32 s24, $0x2;
	v16 =	vld [tilespmem:s21+$0xFFFFFF70]  }
0x4ae: {  	v17 =	vld [tilespmem:s24+$0x5CA0]  }
0x4af: {  	v18 =	vld [tilespmem:s24+$0x5C80]  }
0x4b0: {  	v19 =	vld [tilespmem:s24+$0x5C90]  }
0x4b1: {  	v20 =	vld [tilespmem:s24+$0x5CB0]  }
0x4b2: {  	v21 =	vld [tilespmem:s21+$0xFFFFFF60]  }
0x4b3: {  	v22 =	vld [tilespmem:s21+$0xFFFFFF80];
	v16 =	vmax.f32 v17, v16  }
0x4b4: {  	v15 =	vmax.f32 v18, v15;
	[tilespmem:s24+$0x5CA0] =	vst v16;
	_ =	sdelay $0x2  }
0x4b5: {  	[tilespmem:s24+$0x5C80] =	vst v15;
	v15 =	vmax.f32 v19, v21  }
.Ltmp20:
0x4b6: {  	[tilespmem:s24+$0x5C90] =	vst v15;
	v15 =	vmax.f32 v20, v22;
	(pc) =	sbr.rel @p0 .LBB2_20-.Ltmp20, $4  }
0x4b7: {  	[tilespmem:s24+$0x5CB0] =	vst v15  }
0x4b8: {  	v15 =	vld [tilespmem:s21+$0xFFFFFFC0]  }
0x4b9: {  	s25 =	sshra.s32 s26, $0x2;
	v16 =	vld [tilespmem:s21+$0xFFFFFF90]  }
0x4ba: {  	s26 =	smov.u32 s22;
	s21 =	sadd.s32 $0x100, s21;
	v17 =	vld [tilespmem:s25+$0x5C80]  }
0x4bb: {  	v14 =	vld [tilespmem:s25+$0x5CB0]  }
0x4bc: {  	v18 =	vld [tilespmem:s25+$0x5C90]  }
0x4bd: {  	v19 =	vld [tilespmem:s25+$0x5CA0]  }
0x4be: {  	v21 =	vld [tilespmem:s19+$0xFFFFFFA0]  }
0x4bf: {  	v20 =	vld [tilespmem:s19+$0xFFFFFFB0];
	_ =	sdelay $0x1  }
0x4c0: {  	v16 =	vmax.f32 v17, v16  }
0x4c1: {  	v14 =	vmax.f32 v14, v15;
	[tilespmem:s25+$0x5C80] =	vst v16  }
0x4c2: {  	v15 =	vmax.f32 v18, v21;
	[tilespmem:s25+$0x5CB0] =	vst v14  }
0x4c3: {  	v14 =	vmax.f32 v19, v20;
	[tilespmem:s25+$0x5C90] =	vst v15  }
0x4c4: {  	[tilespmem:s25+$0x5CA0] =	vst v14  }
0x4c5: {  	s21 =	sshra.s32 s23, $0x2;
	v14 =	vld [tilespmem:s19+$0xFFFFFFD0]  }
0x4c6: {  	v15 =	vld [tilespmem:s21+$0x5C90]  }
0x4c7: {  	v16 =	vld [tilespmem:s19+$0x0]  }
0x4c8: {  	v59 =	vld [tilespmem:s21+$0x5CB0]  }
0x4c9: {  	v60 =	vld [tilespmem:s21+$0x5C80]  }
0x4ca: {  	v61 =	vld [tilespmem:s19+$0xFFFFFFF0]  }
0x4cb: {  	v62 =	vld [tilespmem:s19+$0xFFFFFFE0]  }
0x4cc: {  	v63 =	vld [tilespmem:s21+$0x5CA0];
	_ =	sdelay $0x1  }
.Ltmp21:
0x4cd: {  	v16 =	vmax.f32 v59, v16;
	(pc) =	sbr.rel .LBB2_22-.Ltmp21, $4  }
0x4ce: {  	v14 =	vmax.f32 v60, v14;
	[tilespmem:s21+$0x5CB0] =	vst v16  }
0x4cf: {  	[tilespmem:s21+$0x5C80] =	vst v14;
	v14 =	vmax.f32 v15, v62  }
0x4d0: {  	[tilespmem:s21+$0x5C90] =	vst v14;
	v14 =	vmax.f32 v63, v61  }
0x4d1: {  	s19 =	simm.s32 $0x100;
	[tilespmem:s21+$0x5CA0] =	vst v14  }
.LBB2_26:
0x4d2: {  	_ =	sfence.sel $0x180000  }
0x4d3: {  	[bflag:$0x0] =	sbarrier.arrive $0xFFFF  }
0x4d4: {  	p0 =	sne.s32 s0, $0x0;
	_ =	strace $0x9000004A  }
0x4d5: {  	s0 =	sadd.s32 @!p0 $0x100000, s2;
	[bflag:$0x2] =	sbarrier.arrive $0xFFFF  }
0x4d6: {  	[sflag:s0] =	ssyncadd.tile.s32 @!p0 $0x1;
	_ =	shalt  }
.Lfunc_end2:
_tile_overlayer_lowered:
.L_overlay_start_2:
0x4d7: {  	(tag) =	ssettag $0x2  }
0x4d8: {  	s0 =	rddreg [dreg:$0x0];
	s2 =	stileid.u32  }
0x4d9: {  	s1 =	rddreg [dreg:$0x1];
	p0 =	sne.s32 s2, $0x0  }
0x4da: {  	s3 =	rddreg [dreg:$0x2];
	[bflag:$0x3] =	sbarrier.arrive $0xFFFF;
	s2 =	simm.s32 @!p0 $0x1C03  }
0x4db: {  	[timem:s3], [sflag:s2] =	dma.local @!p0 [hbm:s0], s1  }
0x4dc: {  	s0 =	simm.s32 @!p0 $0x3  }
0x4dd: {  	_ =	swait.ge @!p0 [sflag:s0], s1  }
0x4de: {  	s1 =	ssub.s32 @!p0 $0x0, s1;
	[sflag:s0] =	ssyncset.done @!p0 $0x0  }
0x4df: {  	[sflag:s0] =	ssyncadd.s32 @!p0 s1  }
0x4e0: {  	[bflag:$0x3] =	sbarrier.arrive $0xFFFF  }
0x4e1: {  	_ =	shalt  }

</sc_bundles>
